<compile_context>
chip_gen: v7x
topology: tpu7x:2x2x1
jax: 0.10.2.dev20260603
libtpu: 0.0.44.dev20260713+nightly
codegen_flags: <defaults>
</compile_context>

<pallas_src>
import functools

import jax
import jax.numpy as jnp
from jax import lax
from jax.experimental import pallas as pl
from jax.experimental.pallas import tpu as pltpu
from jax.experimental.pallas import tpu_sc as plsc

BATCH = 16384
FIELDS = 100
NC = 2
NS = 16
NW = NC * NS
ROWS_PER_W = BATCH // NW
GROUPS = ROWS_PER_W // 16
TBL = 1000448
NCHUNK = 4
FPC = FIELDS // NCHUNK


@functools.partial(
    pl.kernel,
    out_type=jax.ShapeDtypeStruct((BATCH,), jnp.float32),
    mesh=plsc.VectorSubcoreMesh(core_axis_name="c", subcore_axis_name="s"),
    compiler_params=pltpu.CompilerParams(needs_layout_passes=False),
    scratch_types=[
        pltpu.VMEM((FIELDS * ROWS_PER_W,), jnp.int32),
        pltpu.VMEM((FIELDS * ROWS_PER_W,), jnp.float32),
        pltpu.VMEM((ROWS_PER_W,), jnp.float32),
        pltpu.SemaphoreType.DMA,
        pltpu.SemaphoreType.DMA,
    ],
)
def _wide_sum(xt_hbm, table_hbm, out_hbm, xv, vv, ov, semi, semg):
    cid = lax.axis_index("c")
    sid = lax.axis_index("s")
    wid = sid * NC + cid
    base = wid * ROWS_PER_W

    stage = [
        pltpu.async_copy(
            xt_hbm.at[f, pl.ds(base, ROWS_PER_W)],
            xv.at[pl.ds(f * ROWS_PER_W, ROWS_PER_W)],
            semi,
        )
        for f in range(FIELDS)
    ]
    for c in stage:
        c.wait()

    nc = FPC * ROWS_PER_W
    gathers = [
        pltpu.async_copy(
            table_hbm.at[xv.at[pl.ds(k * nc, nc)]],
            vv.at[pl.ds(k * nc, nc)],
            semg,
        )
        for k in range(NCHUNK)
    ]

    for k in range(NCHUNK):
        gathers[k].wait()

        def chunk_body(g, _, k=k):
            r0 = g * 16
            accs = [jnp.zeros((16,), jnp.float32) for _ in range(4)]
            for f in range(k * FPC, (k + 1) * FPC):
                accs[f % 4] = accs[f % 4] + vv[pl.ds(f * ROWS_PER_W + r0, 16)]
            tot = (accs[0] + accs[1]) + (accs[2] + accs[3])
            if k == 0:
                ov[pl.ds(r0, 16)] = tot
            else:
                ov[pl.ds(r0, 16)] = ov[pl.ds(r0, 16)] + tot
            return _

        lax.fori_loop(0, GROUPS, chunk_body, None)

    pltpu.sync_copy(ov, out_hbm.at[pl.ds(base, ROWS_PER_W)])


def kernel(X, table):
    xt = X.T
    t_flat = jnp.pad(table, ((0, TBL - 1000001), (0, 0))).reshape(-1)
    out = _wide_sum(xt, t_flat)
    return out.reshape(BATCH, 1)

# --- scband reference (transcript-rebuilt; emitter-appended) ---
"""Pipeline reference for scband-wide-75084618269132 (READ-ONLY COPY).

The authoritative reference and input builder live on the scoring server;
editing this copy changes nothing except your own understanding.
"""

import jax, jax.numpy as jnp
import numpy as np

VOCAB = 1000000
PRED_DIM = 1
BATCH = 16384
FIELDS = 100

def setup_inputs(seed: int = 0) -> dict:
    key = jax.random.key(seed)
    k1, k2 = jax.random.split(key)
    X = jax.random.randint(k1, (BATCH, FIELDS), 0, VOCAB)
    # nn.Embedding(vocab_size + 1, pred_dim, padding_idx=0): row 0 is zero padding row
    table = jax.random.normal(k2, (VOCAB + 1, PRED_DIM), dtype=jnp.float32)
    table = table.at[0].set(0.0)
    return {"X": X, "table": table}

def reference(X, table):
    # out = wide_linear(X).sum(dim=1)
    emb = jnp.take(table, X, axis=0)  # [B, F, pred_dim]
    out = emb.sum(axis=1)             # [B, pred_dim]
    return out

if __name__ == "__main__":
    import jax
    _d = setup_inputs()
    print(jax.jit(kernel)(*tuple(_d.values())))

</pallas_src>

<mosaic_0001>
#map = affine_map<(d0, d1) -> (0, 0)>
#map1 = affine_map<(d0, d1) -> (0)>
module attributes {stable_mosaic.version = 14 : i64} {
  func.func @_wide_sum(%arg0: i32, %arg1: i32, %arg2: memref<100x16384xi32, #tpu.memory_space<hbm>>, %arg3: memref<1000448xf32, #tpu.memory_space<hbm>>, %arg4: memref<16384xf32, #tpu.memory_space<hbm>>, %arg5: memref<51200xi32, #tpu.memory_space<vmem>>, %arg6: memref<51200xf32, #tpu.memory_space<vmem>>, %arg7: memref<512xf32, #tpu.memory_space<vmem>>, %arg8: memref<!tpu.dma_semaphore, #tpu.memory_space<semaphore_mem>>, %arg9: memref<!tpu.dma_semaphore, #tpu.memory_space<semaphore_mem>>) attributes {dimension_semantics = [#tpu.dimension_semantics<core_parallel>, #tpu.dimension_semantics<subcore_parallel>], iteration_bounds = array<i64: 2, 16>, scalar_prefetch = 0 : i64, scratch_operands = 5 : i64, tpu.core_type = #tpu.core_type<sc_vector_subcore>, window_params = [{transform_indices = #map}, {transform_indices = #map1}, {transform_indices = #map1}]} {
    %mul3A = arith.constant 2 : i32
    %mul3A_0 = arith.muli %arg1, %mul3A : i32
    %add3A = arith.addi %mul3A_0, %arg0 : i32
    %mul3A_1 = arith.constant 512 : i32
    %mul3A_2 = arith.muli %add3A, %mul3A_1 : i32
    %dma_start3A = arith.constant 0 : i32
    %dma_start3A_3 = arith.constant 0 : i32
    %dma_start3A_4 = tpu.memref_slice %arg5[%dma_start3A_3] : memref<51200xi32, #tpu.memory_space<vmem>> -> memref<512xi32, #tpu.memory_space<vmem>>
    %dma_start3A_5 = tpu.memref_slice %arg2[%dma_start3A, %mul3A_2] : memref<100x16384xi32, #tpu.memory_space<hbm>> -> memref<1x512xi32, #tpu.memory_space<hbm>>
    %dma_start3A_6 = tpu.memref_squeeze %dma_start3A_5 : memref<1x512xi32, #tpu.memory_space<hbm>> -> memref<512xi32, #tpu.memory_space<hbm>>
    %dma_start3A_7 = arith.constant 0 : i32
    %dma_start3A_8 = tpu.memref_slice %arg5[%dma_start3A_7] : memref<51200xi32, #tpu.memory_space<vmem>> -> memref<512xi32, #tpu.memory_space<vmem>>
    %dma_start3A_9 = tpu.memref_slice %arg2[%dma_start3A, %mul3A_2] : memref<100x16384xi32, #tpu.memory_space<hbm>> -> memref<1x512xi32, #tpu.memory_space<hbm>>
    %dma_start3A_10 = tpu.memref_squeeze %dma_start3A_9 : memref<1x512xi32, #tpu.memory_space<hbm>> -> memref<512xi32, #tpu.memory_space<hbm>>
    tpu.enqueue_dma source(%dma_start3A_10 : memref<512xi32, #tpu.memory_space<hbm>>) target(%dma_start3A_8 : memref<512xi32, #tpu.memory_space<vmem>>) target_semaphore(%arg8 : memref<!tpu.dma_semaphore, #tpu.memory_space<semaphore_mem>>)
    %dma_start3A_11 = arith.constant 1 : i32
    %dma_start3A_12 = arith.constant 512 : i32
    %dma_start3A_13 = tpu.memref_slice %arg5[%dma_start3A_12] : memref<51200xi32, #tpu.memory_space<vmem>> -> memref<512xi32, #tpu.memory_space<vmem>>
    %dma_start3A_14 = tpu.memref_slice %arg2[%dma_start3A_11, %mul3A_2] : memref<100x16384xi32, #tpu.memory_space<hbm>> -> memref<1x512xi32, #tpu.memory_space<hbm>>
    %dma_start3A_15 = tpu.memref_squeeze %dma_start3A_14 : memref<1x512xi32, #tpu.memory_space<hbm>> -> memref<512xi32, #tpu.memory_space<hbm>>
    %dma_start3A_16 = arith.constant 512 : i32
    %dma_start3A_17 = tpu.memref_slice %arg5[%dma_start3A_16] : memref<51200xi32, #tpu.memory_space<vmem>> -> memref<512xi32, #tpu.memory_space<vmem>>
    %dma_start3A_18 = tpu.memref_slice %arg2[%dma_start3A_11, %mul3A_2] : memref<100x16384xi32, #tpu.memory_space<hbm>> -> memref<1x512xi32, #tpu.memory_space<hbm>>
    %dma_start3A_19 = tpu.memref_squeeze %dma_start3A_18 : memref<1x512xi32, #tpu.memory_space<hbm>> -> memref<512xi32, #tpu.memory_space<hbm>>
    tpu.enqueue_dma source(%dma_start3A_19 : memref<512xi32, #tpu.memory_space<hbm>>) target(%dma_start3A_17 : memref<512xi32, #tpu.memory_space<vmem>>) target_semaphore(%arg8 : memref<!tpu.dma_semaphore, #tpu.memory_space<semaphore_mem>>)
    %dma_start3A_20 = arith.constant 2 : i32
    %dma_start3A_21 = arith.constant 1024 : i32
    %dma_start3A_22 = tpu.memref_slice %arg5[%dma_start3A_21] : memref<51200xi32, #tpu.memory_space<vmem>> -> memref<512xi32, #tpu.memory_space<vmem>>
    %dma_start3A_23 = tpu.memref_slice %arg2[%dma_start3A_20, %mul3A_2] : memref<100x16384xi32, #tpu.memory_space<hbm>> -> memref<1x512xi32, #tpu.memory_space<hbm>>
    %dma_start3A_24 = tpu.memref_squeeze %dma_start3A_23 : memref<1x512xi32, #tpu.memory_space<hbm>> -> memref<512xi32, #tpu.memory_space<hbm>>
    %dma_start3A_25 = arith.constant 1024 : i32
    %dma_start3A_26 = tpu.memref_slice %arg5[%dma_start3A_25] : memref<51200xi32, #tpu.memory_space<vmem>> -> memref<512xi32, #tpu.memory_space<vmem>>
    %dma_start3A_27 = tpu.memref_slice %arg2[%dma_start3A_20, %mul3A_2] : memref<100x16384xi32, #tpu.memory_space<hbm>> -> memref<1x512xi32, #tpu.memory_space<hbm>>
    %dma_start3A_28 = tpu.memref_squeeze %dma_start3A_27 : memref<1x512xi32, #tpu.memory_space<hbm>> -> memref<512xi32, #tpu.memory_space<hbm>>
    tpu.enqueue_dma source(%dma_start3A_28 : memref<512xi32, #tpu.memory_space<hbm>>) target(%dma_start3A_26 : memref<512xi32, #tpu.memory_space<vmem>>) target_semaphore(%arg8 : memref<!tpu.dma_semaphore, #tpu.memory_space<semaphore_mem>>)
    %dma_start3A_29 = arith.constant 3 : i32
    %dma_start3A_30 = arith.constant 1536 : i32
    %dma_start3A_31 = tpu.memref_slice %arg5[%dma_start3A_30] : memref<51200xi32, #tpu.memory_space<vmem>> -> memref<512xi32, #tpu.memory_space<vmem>>
    %dma_start3A_32 = tpu.memref_slice %arg2[%dma_start3A_29, %mul3A_2] : memref<100x16384xi32, #tpu.memory_space<hbm>> -> memref<1x512xi32, #tpu.memory_space<hbm>>
    %dma_start3A_33 = tpu.memref_squeeze %dma_start3A_32 : memref<1x512xi32, #tpu.memory_space<hbm>> -> memref<512xi32, #tpu.memory_space<hbm>>
    %dma_start3A_34 = arith.constant 1536 : i32
    %dma_start3A_35 = tpu.memref_slice %arg5[%dma_start3A_34] : memref<51200xi32, #tpu.memory_space<vmem>> -> memref<512xi32, #tpu.memory_space<vmem>>
    %dma_start3A_36 = tpu.memref_slice %arg2[%dma_start3A_29, %mul3A_2] : memref<100x16384xi32, #tpu.memory_space<hbm>> -> memref<1x512xi32, #tpu.memory_space<hbm>>
    %dma_start3A_37 = tpu.memref_squeeze %dma_start3A_36 : memref<1x512xi32, #tpu.memory_space<hbm>> -> memref<512xi32, #tpu.memory_space<hbm>>
    tpu.enqueue_dma source(%dma_start3A_37 : memref<512xi32, #tpu.memory_space<hbm>>) target(%dma_start3A_35 : memref<512xi32, #tpu.memory_space<vmem>>) target_semaphore(%arg8 : memref<!tpu.dma_semaphore, #tpu.memory_space<semaphore_mem>>)
    %dma_start3A_38 = arith.constant 4 : i32
    %dma_start3A_39 = arith.constant 2048 : i32
    %dma_start3A_40 = tpu.memref_slice %arg5[%dma_start3A_39] : memref<51200xi32, #tpu.memory_space<vmem>> -> memref<512xi32, #tpu.memory_space<vmem>>
    %dma_start3A_41 = tpu.memref_slice %arg2[%dma_start3A_38, %mul3A_2] : memref<100x16384xi32, #tpu.memory_space<hbm>> -> memref<1x512xi32, #tpu.memory_space<hbm>>
    %dma_start3A_42 = tpu.memref_squeeze %dma_start3A_41 : memref<1x512xi32, #tpu.memory_space<hbm>> -> memref<512xi32, #tpu.memory_space<hbm>>
    %dma_start3A_43 = arith.constant 2048 : i32
    %dma_start3A_44 = tpu.memref_slice %arg5[%dma_start3A_43] : memref<51200xi32, #tpu.memory_space<vmem>> -> memref<512xi32, #tpu.memory_space<vmem>>
    %dma_start3A_45 = tpu.memref_slice %arg2[%dma_start3A_38, %mul3A_2] : memref<100x16384xi32, #tpu.memory_space<hbm>> -> memref<1x512xi32, #tpu.memory_space<hbm>>
    %dma_start3A_46 = tpu.memref_squeeze %dma_start3A_45 : memref<1x512xi32, #tpu.memory_space<hbm>> -> memref<512xi32, #tpu.memory_space<hbm>>
    tpu.enqueue_dma source(%dma_start3A_46 : memref<512xi32, #tpu.memory_space<hbm>>) target(%dma_start3A_44 : memref<512xi32, #tpu.memory_space<vmem>>) target_semaphore(%arg8 : memref<!tpu.dma_semaphore, #tpu.memory_space<semaphore_mem>>)
    %dma_start3A_47 = arith.constant 5 : i32
    %dma_start3A_48 = arith.constant 2560 : i32
    %dma_start3A_49 = tpu.memref_slice %arg5[%dma_start3A_48] : memref<51200xi32, #tpu.memory_space<vmem>> -> memref<512xi32, #tpu.memory_space<vmem>>
    %dma_start3A_50 = tpu.memref_slice %arg2[%dma_start3A_47, %mul3A_2] : memref<100x16384xi32, #tpu.memory_space<hbm>> -> memref<1x512xi32, #tpu.memory_space<hbm>>
    %dma_start3A_51 = tpu.memref_squeeze %dma_start3A_50 : memref<1x512xi32, #tpu.memory_space<hbm>> -> memref<512xi32, #tpu.memory_space<hbm>>
    %dma_start3A_52 = arith.constant 2560 : i32
    %dma_start3A_53 = tpu.memref_slice %arg5[%dma_start3A_52] : memref<51200xi32, #tpu.memory_space<vmem>> -> memref<512xi32, #tpu.memory_space<vmem>>
    %dma_start3A_54 = tpu.memref_slice %arg2[%dma_start3A_47, %mul3A_2] : memref<100x16384xi32, #tpu.memory_space<hbm>> -> memref<1x512xi32, #tpu.memory_space<hbm>>
    %dma_start3A_55 = tpu.memref_squeeze %dma_start3A_54 : memref<1x512xi32, #tpu.memory_space<hbm>> -> memref<512xi32, #tpu.memory_space<hbm>>
    tpu.enqueue_dma source(%dma_start3A_55 : memref<512xi32, #tpu.memory_space<hbm>>) target(%dma_start3A_53 : memref<512xi32, #tpu.memory_space<vmem>>) target_semaphore(%arg8 : memref<!tpu.dma_semaphore, #tpu.memory_space<semaphore_mem>>)
    %dma_start3A_56 = arith.constant 6 : i32
    %dma_start3A_57 = arith.constant 3072 : i32
    %dma_start3A_58 = tpu.memref_slice %arg5[%dma_start3A_57] : memref<51200xi32, #tpu.memory_space<vmem>> -> memref<512xi32, #tpu.memory_space<vmem>>
    %dma_start3A_59 = tpu.memref_slice %arg2[%dma_start3A_56, %mul3A_2] : memref<100x16384xi32, #tpu.memory_space<hbm>> -> memref<1x512xi32, #tpu.memory_space<hbm>>
    %dma_start3A_60 = tpu.memref_squeeze %dma_start3A_59 : memref<1x512xi32, #tpu.memory_space<hbm>> -> memref<512xi32, #tpu.memory_space<hbm>>
    %dma_start3A_61 = arith.constant 3072 : i32
    %dma_start3A_62 = tpu.memref_slice %arg5[%dma_start3A_61] : memref<51200xi32, #tpu.memory_space<vmem>> -> memref<512xi32, #tpu.memory_space<vmem>>
    %dma_start3A_63 = tpu.memref_slice %arg2[%dma_start3A_56, %mul3A_2] : memref<100x16384xi32, #tpu.memory_space<hbm>> -> memref<1x512xi32, #tpu.memory_space<hbm>>
    %dma_start3A_64 = tpu.memref_squeeze %dma_start3A_63 : memref<1x512xi32, #tpu.memory_space<hbm>> -> memref<512xi32, #tpu.memory_space<hbm>>
    tpu.enqueue_dma source(%dma_start3A_64 : memref<512xi32, #tpu.memory_space<hbm>>) target(%dma_start3A_62 : memref<512xi32, #tpu.memory_space<vmem>>) target_semaphore(%arg8 : memref<!tpu.dma_semaphore, #tpu.memory_space<semaphore_mem>>)
    %dma_start3A_65 = arith.constant 7 : i32
    %dma_start3A_66 = arith.constant 3584 : i32
    %dma_start3A_67 = tpu.memref_slice %arg5[%dma_start3A_66] : memref<51200xi32, #tpu.memory_space<vmem>> -> memref<512xi32, #tpu.memory_space<vmem>>
    %dma_start3A_68 = tpu.memref_slice %arg2[%dma_start3A_65, %mul3A_2] : memref<100x16384xi32, #tpu.memory_space<hbm>> -> memref<1x512xi32, #tpu.memory_space<hbm>>
    %dma_start3A_69 = tpu.memref_squeeze %dma_start3A_68 : memref<1x512xi32, #tpu.memory_space<hbm>> -> memref<512xi32, #tpu.memory_space<hbm>>
    %dma_start3A_70 = arith.constant 3584 : i32
    %dma_start3A_71 = tpu.memref_slice %arg5[%dma_start3A_70] : memref<51200xi32, #tpu.memory_space<vmem>> -> memref<512xi32, #tpu.memory_space<vmem>>
    %dma_start3A_72 = tpu.memref_slice %arg2[%dma_start3A_65, %mul3A_2] : memref<100x16384xi32, #tpu.memory_space<hbm>> -> memref<1x512xi32, #tpu.memory_space<hbm>>
    %dma_start3A_73 = tpu.memref_squeeze %dma_start3A_72 : memref<1x512xi32, #tpu.memory_space<hbm>> -> memref<512xi32, #tpu.memory_space<hbm>>
    tpu.enqueue_dma source(%dma_start3A_73 : memref<512xi32, #tpu.memory_space<hbm>>) target(%dma_start3A_71 : memref<512xi32, #tpu.memory_space<vmem>>) target_semaphore(%arg8 : memref<!tpu.dma_semaphore, #tpu.memory_space<semaphore_mem>>)
    %dma_start3A_74 = arith.constant 8 : i32
    %dma_start3A_75 = arith.constant 4096 : i32
    %dma_start3A_76 = tpu.memref_slice %arg5[%dma_start3A_75] : memref<51200xi32, #tpu.memory_space<vmem>> -> memref<512xi32, #tpu.memory_space<vmem>>
    %dma_start3A_77 = tpu.memref_slice %arg2[%dma_start3A_74, %mul3A_2] : memref<100x16384xi32, #tpu.memory_space<hbm>> -> memref<1x512xi32, #tpu.memory_space<hbm>>
    %dma_start3A_78 = tpu.memref_squeeze %dma_start3A_77 : memref<1x512xi32, #tpu.memory_space<hbm>> -> memref<512xi32, #tpu.memory_space<hbm>>
    %dma_start3A_79 = arith.constant 4096 : i32
    %dma_start3A_80 = tpu.memref_slice %arg5[%dma_start3A_79] : memref<51200xi32, #tpu.memory_space<vmem>> -> memref<512xi32, #tpu.memory_space<vmem>>
    %dma_start3A_81 = tpu.memref_slice %arg2[%dma_start3A_74, %mul3A_2] : memref<100x16384xi32, #tpu.memory_space<hbm>> -> memref<1x512xi32, #tpu.memory_space<hbm>>
    %dma_start3A_82 = tpu.memref_squeeze %dma_start3A_81 : memref<1x512xi32, #tpu.memory_space<hbm>> -> memref<512xi32, #tpu.memory_space<hbm>>
    tpu.enqueue_dma source(%dma_start3A_82 : memref<512xi32, #tpu.memory_space<hbm>>) target(%dma_start3A_80 : memref<512xi32, #tpu.memory_space<vmem>>) target_semaphore(%arg8 : memref<!tpu.dma_semaphore, #tpu.memory_space<semaphore_mem>>)
    %dma_start3A_83 = arith.constant 9 : i32
    %dma_start3A_84 = arith.constant 4608 : i32
    %dma_start3A_85 = tpu.memref_slice %arg5[%dma_start3A_84] : memref<51200xi32, #tpu.memory_space<vmem>> -> memref<512xi32, #tpu.memory_space<vmem>>
    %dma_start3A_86 = tpu.memref_slice %arg2[%dma_start3A_83, %mul3A_2] : memref<100x16384xi32, #tpu.memory_space<hbm>> -> memref<1x512xi32, #tpu.memory_space<hbm>>
    %dma_start3A_87 = tpu.memref_squeeze %dma_start3A_86 : memref<1x512xi32, #tpu.memory_space<hbm>> -> memref<512xi32, #tpu.memory_space<hbm>>
    %dma_start3A_88 = arith.constant 4608 : i32
    %dma_start3A_89 = tpu.memref_slice %arg5[%dma_start3A_88] : memref<51200xi32, #tpu.memory_space<vmem>> -> memref<512xi32, #tpu.memory_space<vmem>>
    %dma_start3A_90 = tpu.memref_slice %arg2[%dma_start3A_83, %mul3A_2] : memref<100x16384xi32, #tpu.memory_space<hbm>> -> memref<1x512xi32, #tpu.memory_space<hbm>>
    %dma_start3A_91 = tpu.memref_squeeze %dma_start3A_90 : memref<1x512xi32, #tpu.memory_space<hbm>> -> memref<512xi32, #tpu.memory_space<hbm>>
    tpu.enqueue_dma source(%dma_start3A_91 : memref<512xi32, #tpu.memory_space<hbm>>) target(%dma_start3A_89 : memref<512xi32, #tpu.memory_space<vmem>>) target_semaphore(%arg8 : memref<!tpu.dma_semaphore, #tpu.memory_space<semaphore_mem>>)
    %dma_start3A_92 = arith.constant 10 : i32
    %dma_start3A_93 = arith.constant 5120 : i32
    %dma_start3A_94 = tpu.memref_slice %arg5[%dma_start3A_93] : memref<51200xi32, #tpu.memory_space<vmem>> -> memref<512xi32, #tpu.memory_space<vmem>>
    %dma_start3A_95 = tpu.memref_slice %arg2[%dma_start3A_92, %mul3A_2] : memref<100x16384xi32, #tpu.memory_space<hbm>> -> memref<1x512xi32, #tpu.memory_space<hbm>>
    %dma_start3A_96 = tpu.memref_squeeze %dma_start3A_95 : memref<1x512xi32, #tpu.memory_space<hbm>> -> memref<512xi32, #tpu.memory_space<hbm>>
    %dma_start3A_97 = arith.constant 5120 : i32
    %dma_start3A_98 = tpu.memref_slice %arg5[%dma_start3A_97] : memref<51200xi32, #tpu.memory_space<vmem>> -> memref<512xi32, #tpu.memory_space<vmem>>
    %dma_start3A_99 = tpu.memref_slice %arg2[%dma_start3A_92, %mul3A_2] : memref<100x16384xi32, #tpu.memory_space<hbm>> -> memref<1x512xi32, #tpu.memory_space<hbm>>
    %dma_start3A_100 = tpu.memref_squeeze %dma_start3A_99 : memref<1x512xi32, #tpu.memory_space<hbm>> -> memref<512xi32, #tpu.memory_space<hbm>>
    tpu.enqueue_dma source(%dma_start3A_100 : memref<512xi32, #tpu.memory_space<hbm>>) target(%dma_start3A_98 : memref<512xi32, #tpu.memory_space<vmem>>) target_semaphore(%arg8 : memref<!tpu.dma_semaphore, #tpu.memory_space<semaphore_mem>>)
    %dma_start3A_101 = arith.constant 11 : i32
    %dma_start3A_102 = arith.constant 5632 : i32
    %dma_start3A_103 = tpu.memref_slice %arg5[%dma_start3A_102] : memref<51200xi32, #tpu.memory_space<vmem>> -> memref<512xi32, #tpu.memory_space<vmem>>
    %dma_start3A_104 = tpu.memref_slice %arg2[%dma_start3A_101, %mul3A_2] : memref<100x16384xi32, #tpu.memory_space<hbm>> -> memref<1x512xi32, #tpu.memory_space<hbm>>
    %dma_start3A_105 = tpu.memref_squeeze %dma_start3A_104 : memref<1x512xi32, #tpu.memory_space<hbm>> -> memref<512xi32, #tpu.memory_space<hbm>>
    %dma_start3A_106 = arith.constant 5632 : i32
    %dma_start3A_107 = tpu.memref_slice %arg5[%dma_start3A_106] : memref<51200xi32, #tpu.memory_space<vmem>> -> memref<512xi32, #tpu.memory_space<vmem>>
    %dma_start3A_108 = tpu.memref_slice %arg2[%dma_start3A_101, %mul3A_2] : memref<100x16384xi32, #tpu.memory_space<hbm>> -> memref<1x512xi32, #tpu.memory_space<hbm>>
    %dma_start3A_109 = tpu.memref_squeeze %dma_start3A_108 : memref<1x512xi32, #tpu.memory_space<hbm>> -> memref<512xi32, #tpu.memory_space<hbm>>
    tpu.enqueue_dma source(%dma_start3A_109 : memref<512xi32, #tpu.memory_space<hbm>>) target(%dma_start3A_107 : memref<512xi32, #tpu.memory_space<vmem>>) target_semaphore(%arg8 : memref<!tpu.dma_semaphore, #tpu.memory_space<semaphore_mem>>)
    %dma_start3A_110 = arith.constant 12 : i32
    %dma_start3A_111 = arith.constant 6144 : i32
    %dma_start3A_112 = tpu.memref_slice %arg5[%dma_start3A_111] : memref<51200xi32, #tpu.memory_space<vmem>> -> memref<512xi32, #tpu.memory_space<vmem>>
    %dma_start3A_113 = tpu.memref_slice %arg2[%dma_start3A_110, %mul3A_2] : memref<100x16384xi32, #tpu.memory_space<hbm>> -> memref<1x512xi32, #tpu.memory_space<hbm>>
    %dma_start3A_114 = tpu.memref_squeeze %dma_start3A_113 : memref<1x512xi32, #tpu.memory_space<hbm>> -> memref<512xi32, #tpu.memory_space<hbm>>
    %dma_start3A_115 = arith.constant 6144 : i32
    %dma_start3A_116 = tpu.memref_slice %arg5[%dma_start3A_115] : memref<51200xi32, #tpu.memory_space<vmem>> -> memref<512xi32, #tpu.memory_space<vmem>>
    %dma_start3A_117 = tpu.memref_slice %arg2[%dma_start3A_110, %mul3A_2] : memref<100x16384xi32, #tpu.memory_space<hbm>> -> memref<1x512xi32, #tpu.memory_space<hbm>>
    %dma_start3A_118 = tpu.memref_squeeze %dma_start3A_117 : memref<1x512xi32, #tpu.memory_space<hbm>> -> memref<512xi32, #tpu.memory_space<hbm>>
    tpu.enqueue_dma source(%dma_start3A_118 : memref<512xi32, #tpu.memory_space<hbm>>) target(%dma_start3A_116 : memref<512xi32, #tpu.memory_space<vmem>>) target_semaphore(%arg8 : memref<!tpu.dma_semaphore, #tpu.memory_space<semaphore_mem>>)
    %dma_start3A_119 = arith.constant 13 : i32
    %dma_start3A_120 = arith.constant 6656 : i32
    %dma_start3A_121 = tpu.memref_slice %arg5[%dma_start3A_120] : memref<51200xi32, #tpu.memory_space<vmem>> -> memref<512xi32, #tpu.memory_space<vmem>>
    %dma_start3A_122 = tpu.memref_slice %arg2[%dma_start3A_119, %mul3A_2] : memref<100x16384xi32, #tpu.memory_space<hbm>> -> memref<1x512xi32, #tpu.memory_space<hbm>>
    %dma_start3A_123 = tpu.memref_squeeze %dma_start3A_122 : memref<1x512xi32, #tpu.memory_space<hbm>> -> memref<512xi32, #tpu.memory_space<hbm>>
    %dma_start3A_124 = arith.constant 6656 : i32
    %dma_start3A_125 = tpu.memref_slice %arg5[%dma_start3A_124] : memref<51200xi32, #tpu.memory_space<vmem>> -> memref<512xi32, #tpu.memory_space<vmem>>
    %dma_start3A_126 = tpu.memref_slice %arg2[%dma_start3A_119, %mul3A_2] : memref<100x16384xi32, #tpu.memory_space<hbm>> -> memref<1x512xi32, #tpu.memory_space<hbm>>
    %dma_start3A_127 = tpu.memref_squeeze %dma_start3A_126 : memref<1x512xi32, #tpu.memory_space<hbm>> -> memref<512xi32, #tpu.memory_space<hbm>>
    tpu.enqueue_dma source(%dma_start3A_127 : memref<512xi32, #tpu.memory_space<hbm>>) target(%dma_start3A_125 : memref<512xi32, #tpu.memory_space<vmem>>) target_semaphore(%arg8 : memref<!tpu.dma_semaphore, #tpu.memory_space<semaphore_mem>>)
    %dma_start3A_128 = arith.constant 14 : i32
    %dma_start3A_129 = arith.constant 7168 : i32
    %dma_start3A_130 = tpu.memref_slice %arg5[%dma_start3A_129] : memref<51200xi32, #tpu.memory_space<vmem>> -> memref<512xi32, #tpu.memory_space<vmem>>
    %dma_start3A_131 = tpu.memref_slice %arg2[%dma_start3A_128, %mul3A_2] : memref<100x16384xi32, #tpu.memory_space<hbm>> -> memref<1x512xi32, #tpu.memory_space<hbm>>
    %dma_start3A_132 = tpu.memref_squeeze %dma_start3A_131 : memref<1x512xi32, #tpu.memory_space<hbm>> -> memref<512xi32, #tpu.memory_space<hbm>>
    %dma_start3A_133 = arith.constant 7168 : i32
    %dma_start3A_134 = tpu.memref_slice %arg5[%dma_start3A_133] : memref<51200xi32, #tpu.memory_space<vmem>> -> memref<512xi32, #tpu.memory_space<vmem>>
    %dma_start3A_135 = tpu.memref_slice %arg2[%dma_start3A_128, %mul3A_2] : memref<100x16384xi32, #tpu.memory_space<hbm>> -> memref<1x512xi32, #tpu.memory_space<hbm>>
    %dma_start3A_136 = tpu.memref_squeeze %dma_start3A_135 : memref<1x512xi32, #tpu.memory_space<hbm>> -> memref<512xi32, #tpu.memory_space<hbm>>
    tpu.enqueue_dma source(%dma_start3A_136 : memref<512xi32, #tpu.memory_space<hbm>>) target(%dma_start3A_134 : memref<512xi32, #tpu.memory_space<vmem>>) target_semaphore(%arg8 : memref<!tpu.dma_semaphore, #tpu.memory_space<semaphore_mem>>)
    %dma_start3A_137 = arith.constant 15 : i32
    %dma_start3A_138 = arith.constant 7680 : i32
    %dma_start3A_139 = tpu.memref_slice %arg5[%dma_start3A_138] : memref<51200xi32, #tpu.memory_space<vmem>> -> memref<512xi32, #tpu.memory_space<vmem>>
    %dma_start3A_140 = tpu.memref_slice %arg2[%dma_start3A_137, %mul3A_2] : memref<100x16384xi32, #tpu.memory_space<hbm>> -> memref<1x512xi32, #tpu.memory_space<hbm>>
    %dma_start3A_141 = tpu.memref_squeeze %dma_start3A_140 : memref<1x512xi32, #tpu.memory_space<hbm>> -> memref<512xi32, #tpu.memory_space<hbm>>
    %dma_start3A_142 = arith.constant 7680 : i32
    %dma_start3A_143 = tpu.memref_slice %arg5[%dma_start3A_142] : memref<51200xi32, #tpu.memory_space<vmem>> -> memref<512xi32, #tpu.memory_space<vmem>>
    %dma_start3A_144 = tpu.memref_slice %arg2[%dma_start3A_137, %mul3A_2] : memref<100x16384xi32, #tpu.memory_space<hbm>> -> memref<1x512xi32, #tpu.memory_space<hbm>>
    %dma_start3A_145 = tpu.memref_squeeze %dma_start3A_144 : memref<1x512xi32, #tpu.memory_space<hbm>> -> memref<512xi32, #tpu.memory_space<hbm>>
    tpu.enqueue_dma source(%dma_start3A_145 : memref<512xi32, #tpu.memory_space<hbm>>) target(%dma_start3A_143 : memref<512xi32, #tpu.memory_space<vmem>>) target_semaphore(%arg8 : memref<!tpu.dma_semaphore, #tpu.memory_space<semaphore_mem>>)
    %dma_start3A_146 = arith.constant 16 : i32
    %dma_start3A_147 = arith.constant 8192 : i32
    %dma_start3A_148 = tpu.memref_slice %arg5[%dma_start3A_147] : memref<51200xi32, #tpu.memory_space<vmem>> -> memref<512xi32, #tpu.memory_space<vmem>>
    %dma_start3A_149 = tpu.memref_slice %arg2[%dma_start3A_146, %mul3A_2] : memref<100x16384xi32, #tpu.memory_space<hbm>> -> memref<1x512xi32, #tpu.memory_space<hbm>>
    %dma_start3A_150 = tpu.memref_squeeze %dma_start3A_149 : memref<1x512xi32, #tpu.memory_space<hbm>> -> memref<512xi32, #tpu.memory_space<hbm>>
    %dma_start3A_151 = arith.constant 8192 : i32
    %dma_start3A_152 = tpu.memref_slice %arg5[%dma_start3A_151] : memref<51200xi32, #tpu.memory_space<vmem>> -> memref<512xi32, #tpu.memory_space<vmem>>
    %dma_start3A_153 = tpu.memref_slice %arg2[%dma_start3A_146, %mul3A_2] : memref<100x16384xi32, #tpu.memory_space<hbm>> -> memref<1x512xi32, #tpu.memory_space<hbm>>
    %dma_start3A_154 = tpu.memref_squeeze %dma_start3A_153 : memref<1x512xi32, #tpu.memory_space<hbm>> -> memref<512xi32, #tpu.memory_space<hbm>>
    tpu.enqueue_dma source(%dma_start3A_154 : memref<512xi32, #tpu.memory_space<hbm>>) target(%dma_start3A_152 : memref<512xi32, #tpu.memory_space<vmem>>) target_semaphore(%arg8 : memref<!tpu.dma_semaphore, #tpu.memory_space<semaphore_mem>>)
    %dma_start3A_155 = arith.constant 17 : i32
    %dma_start3A_156 = arith.constant 8704 : i32
    %dma_start3A_157 = tpu.memref_slice %arg5[%dma_start3A_156] : memref<51200xi32, #tpu.memory_space<vmem>> -> memref<512xi32, #tpu.memory_space<vmem>>
    %dma_start3A_158 = tpu.memref_slice %arg2[%dma_start3A_155, %mul3A_2] : memref<100x16384xi32, #tpu.memory_space<hbm>> -> memref<1x512xi32, #tpu.memory_space<hbm>>
    %dma_start3A_159 = tpu.memref_squeeze %dma_start3A_158 : memref<1x512xi32, #tpu.memory_space<hbm>> -> memref<512xi32, #tpu.memory_space<hbm>>
    %dma_start3A_160 = arith.constant 8704 : i32
    %dma_start3A_161 = tpu.memref_slice %arg5[%dma_start3A_160] : memref<51200xi32, #tpu.memory_space<vmem>> -> memref<512xi32, #tpu.memory_space<vmem>>
    %dma_start3A_162 = tpu.memref_slice %arg2[%dma_start3A_155, %mul3A_2] : memref<100x16384xi32, #tpu.memory_space<hbm>> -> memref<1x512xi32, #tpu.memory_space<hbm>>
    %dma_start3A_163 = tpu.memref_squeeze %dma_start3A_162 : memref<1x512xi32, #tpu.memory_space<hbm>> -> memref<512xi32, #tpu.memory_space<hbm>>
    tpu.enqueue_dma source(%dma_start3A_163 : memref<512xi32, #tpu.memory_space<hbm>>) target(%dma_start3A_161 : memref<512xi32, #tpu.memory_space<vmem>>) target_semaphore(%arg8 : memref<!tpu.dma_semaphore, #tpu.memory_space<semaphore_mem>>)
    %dma_start3A_164 = arith.constant 18 : i32
    %dma_start3A_165 = arith.constant 9216 : i32
    %dma_start3A_166 = tpu.memref_slice %arg5[%dma_start3A_165] : memref<51200xi32, #tpu.memory_space<vmem>> -> memref<512xi32, #tpu.memory_space<vmem>>
    %dma_start3A_167 = tpu.memref_slice %arg2[%dma_start3A_164, %mul3A_2] : memref<100x16384xi32, #tpu.memory_space<hbm>> -> memref<1x512xi32, #tpu.memory_space<hbm>>
    %dma_start3A_168 = tpu.memref_squeeze %dma_start3A_167 : memref<1x512xi32, #tpu.memory_space<hbm>> -> memref<512xi32, #tpu.memory_space<hbm>>
    %dma_start3A_169 = arith.constant 9216 : i32
    %dma_start3A_170 = tpu.memref_slice %arg5[%dma_start3A_169] : memref<51200xi32, #tpu.memory_space<vmem>> -> memref<512xi32, #tpu.memory_space<vmem>>
    %dma_start3A_171 = tpu.memref_slice %arg2[%dma_start3A_164, %mul3A_2] : memref<100x16384xi32, #tpu.memory_space<hbm>> -> memref<1x512xi32, #tpu.memory_space<hbm>>
    %dma_start3A_172 = tpu.memref_squeeze %dma_start3A_171 : memref<1x512xi32, #tpu.memory_space<hbm>> -> memref<512xi32, #tpu.memory_space<hbm>>
    tpu.enqueue_dma source(%dma_start3A_172 : memref<512xi32, #tpu.memory_space<hbm>>) target(%dma_start3A_170 : memref<512xi32, #tpu.memory_space<vmem>>) target_semaphore(%arg8 : memref<!tpu.dma_semaphore, #tpu.memory_space<semaphore_mem>>)
    %dma_start3A_173 = arith.constant 19 : i32
    %dma_start3A_174 = arith.constant 9728 : i32
    %dma_start3A_175 = tpu.memref_slice %arg5[%dma_start3A_174] : memref<51200xi32, #tpu.memory_space<vmem>> -> memref<512xi32, #tpu.memory_space<vmem>>
    %dma_start3A_176 = tpu.memref_slice %arg2[%dma_start3A_173, %mul3A_2] : memref<100x16384xi32, #tpu.memory_space<hbm>> -> memref<1x512xi32, #tpu.memory_space<hbm>>
    %dma_start3A_177 = tpu.memref_squeeze %dma_start3A_176 : memref<1x512xi32, #tpu.memory_space<hbm>> -> memref<512xi32, #tpu.memory_space<hbm>>
    %dma_start3A_178 = arith.constant 9728 : i32
    %dma_start3A_179 = tpu.memref_slice %arg5[%dma_start3A_178] : memref<51200xi32, #tpu.memory_space<vmem>> -> memref<512xi32, #tpu.memory_space<vmem>>
    %dma_start3A_180 = tpu.memref_slice %arg2[%dma_start3A_173, %mul3A_2] : memref<100x16384xi32, #tpu.memory_space<hbm>> -> memref<1x512xi32, #tpu.memory_space<hbm>>
    %dma_start3A_181 = tpu.memref_squeeze %dma_start3A_180 : memref<1x512xi32, #tpu.memory_space<hbm>> -> memref<512xi32, #tpu.memory_space<hbm>>
    tpu.enqueue_dma source(%dma_start3A_181 : memref<512xi32, #tpu.memory_space<hbm>>) target(%dma_start3A_179 : memref<512xi32, #tpu.memory_space<vmem>>) target_semaphore(%arg8 : memref<!tpu.dma_semaphore, #tpu.memory_space<semaphore_mem>>)
    %dma_start3A_182 = arith.constant 20 : i32
    %dma_start3A_183 = arith.constant 10240 : i32
    %dma_start3A_184 = tpu.memref_slice %arg5[%dma_start3A_183] : memref<51200xi32, #tpu.memory_space<vmem>> -> memref<512xi32, #tpu.memory_space<vmem>>
    %dma_start3A_185 = tpu.memref_slice %arg2[%dma_start3A_182, %mul3A_2] : memref<100x16384xi32, #tpu.memory_space<hbm>> -> memref<1x512xi32, #tpu.memory_space<hbm>>
    %dma_start3A_186 = tpu.memref_squeeze %dma_start3A_185 : memref<1x512xi32, #tpu.memory_space<hbm>> -> memref<512xi32, #tpu.memory_space<hbm>>
    %dma_start3A_187 = arith.constant 10240 : i32
    %dma_start3A_188 = tpu.memref_slice %arg5[%dma_start3A_187] : memref<51200xi32, #tpu.memory_space<vmem>> -> memref<512xi32, #tpu.memory_space<vmem>>
    %dma_start3A_189 = tpu.memref_slice %arg2[%dma_start3A_182, %mul3A_2] : memref<100x16384xi32, #tpu.memory_space<hbm>> -> memref<1x512xi32, #tpu.memory_space<hbm>>
    %dma_start3A_190 = tpu.memref_squeeze %dma_start3A_189 : memref<1x512xi32, #tpu.memory_space<hbm>> -> memref<512xi32, #tpu.memory_space<hbm>>
    tpu.enqueue_dma source(%dma_start3A_190 : memref<512xi32, #tpu.memory_space<hbm>>) target(%dma_start3A_188 : memref<512xi32, #tpu.memory_space<vmem>>) target_semaphore(%arg8 : memref<!tpu.dma_semaphore, #tpu.memory_space<semaphore_mem>>)
    %dma_start3A_191 = arith.constant 21 : i32
    %dma_start3A_192 = arith.constant 10752 : i32
    %dma_start3A_193 = tpu.memref_slice %arg5[%dma_start3A_192] : memref<51200xi32, #tpu.memory_space<vmem>> -> memref<512xi32, #tpu.memory_space<vmem>>
    %dma_start3A_194 = tpu.memref_slice %arg2[%dma_start3A_191, %mul3A_2] : memref<100x16384xi32, #tpu.memory_space<hbm>> -> memref<1x512xi32, #tpu.memory_space<hbm>>
    %dma_start3A_195 = tpu.memref_squeeze %dma_start3A_194 : memref<1x512xi32, #tpu.memory_space<hbm>> -> memref<512xi32, #tpu.memory_space<hbm>>
    %dma_start3A_196 = arith.constant 10752 : i32
    %dma_start3A_197 = tpu.memref_slice %arg5[%dma_start3A_196] : memref<51200xi32, #tpu.memory_space<vmem>> -> memref<512xi32, #tpu.memory_space<vmem>>
    %dma_start3A_198 = tpu.memref_slice %arg2[%dma_start3A_191, %mul3A_2] : memref<100x16384xi32, #tpu.memory_space<hbm>> -> memref<1x512xi32, #tpu.memory_space<hbm>>
    %dma_start3A_199 = tpu.memref_squeeze %dma_start3A_198 : memref<1x512xi32, #tpu.memory_space<hbm>> -> memref<512xi32, #tpu.memory_space<hbm>>
    tpu.enqueue_dma source(%dma_start3A_199 : memref<512xi32, #tpu.memory_space<hbm>>) target(%dma_start3A_197 : memref<512xi32, #tpu.memory_space<vmem>>) target_semaphore(%arg8 : memref<!tpu.dma_semaphore, #tpu.memory_space<semaphore_mem>>)
    %dma_start3A_200 = arith.constant 22 : i32
    %dma_start3A_201 = arith.constant 11264 : i32
    %dma_start3A_202 = tpu.memref_slice %arg5[%dma_start3A_201] : memref<51200xi32, #tpu.memory_space<vmem>> -> memref<512xi32, #tpu.memory_space<vmem>>
    %dma_start3A_203 = tpu.memref_slice %arg2[%dma_start3A_200, %mul3A_2] : memref<100x16384xi32, #tpu.memory_space<hbm>> -> memref<1x512xi32, #tpu.memory_space<hbm>>
    %dma_start3A_204 = tpu.memref_squeeze %dma_start3A_203 : memref<1x512xi32, #tpu.memory_space<hbm>> -> memref<512xi32, #tpu.memory_space<hbm>>
    %dma_start3A_205 = arith.constant 11264 : i32
    %dma_start3A_206 = tpu.memref_slice %arg5[%dma_start3A_205] : memref<51200xi32, #tpu.memory_space<vmem>> -> memref<512xi32, #tpu.memory_space<vmem>>
    %dma_start3A_207 = tpu.memref_slice %arg2[%dma_start3A_200, %mul3A_2] : memref<100x16384xi32, #tpu.memory_space<hbm>> -> memref<1x512xi32, #tpu.memory_space<hbm>>
    %dma_start3A_208 = tpu.memref_squeeze %dma_start3A_207 : memref<1x512xi32, #tpu.memory_space<hbm>> -> memref<512xi32, #tpu.memory_space<hbm>>
    tpu.enqueue_dma source(%dma_start3A_208 : memref<512xi32, #tpu.memory_space<hbm>>) target(%dma_start3A_206 : memref<512xi32, #tpu.memory_space<vmem>>) target_semaphore(%arg8 : memref<!tpu.dma_semaphore, #tpu.memory_space<semaphore_mem>>)
    %dma_start3A_209 = arith.constant 23 : i32
    %dma_start3A_210 = arith.constant 11776 : i32
    %dma_start3A_211 = tpu.memref_slice %arg5[%dma_start3A_210] : memref<51200xi32, #tpu.memory_space<vmem>> -> memref<512xi32, #tpu.memory_space<vmem>>
    %dma_start3A_212 = tpu.memref_slice %arg2[%dma_start3A_209, %mul3A_2] : memref<100x16384xi32, #tpu.memory_space<hbm>> -> memref<1x512xi32, #tpu.memory_space<hbm>>
    %dma_start3A_213 = tpu.memref_squeeze %dma_start3A_212 : memref<1x512xi32, #tpu.memory_space<hbm>> -> memref<512xi32, #tpu.memory_space<hbm>>
    %dma_start3A_214 = arith.constant 11776 : i32
    %dma_start3A_215 = tpu.memref_slice %arg5[%dma_start3A_214] : memref<51200xi32, #tpu.memory_space<vmem>> -> memref<512xi32, #tpu.memory_space<vmem>>
    %dma_start3A_216 = tpu.memref_slice %arg2[%dma_start3A_209, %mul3A_2] : memref<100x16384xi32, #tpu.memory_space<hbm>> -> memref<1x512xi32, #tpu.memory_space<hbm>>
    %dma_start3A_217 = tpu.memref_squeeze %dma_start3A_216 : memref<1x512xi32, #tpu.memory_space<hbm>> -> memref<512xi32, #tpu.memory_space<hbm>>
    tpu.enqueue_dma source(%dma_start3A_217 : memref<512xi32, #tpu.memory_space<hbm>>) target(%dma_start3A_215 : memref<512xi32, #tpu.memory_space<vmem>>) target_semaphore(%arg8 : memref<!tpu.dma_semaphore, #tpu.memory_space<semaphore_mem>>)
    %dma_start3A_218 = arith.constant 24 : i32
    %dma_start3A_219 = arith.constant 12288 : i32
    %dma_start3A_220 = tpu.memref_slice %arg5[%dma_start3A_219] : memref<51200xi32, #tpu.memory_space<vmem>> -> memref<512xi32, #tpu.memory_space<vmem>>
    %dma_start3A_221 = tpu.memref_slice %arg2[%dma_start3A_218, %mul3A_2] : memref<100x16384xi32, #tpu.memory_space<hbm>> -> memref<1x512xi32, #tpu.memory_space<hbm>>
    %dma_start3A_222 = tpu.memref_squeeze %dma_start3A_221 : memref<1x512xi32, #tpu.memory_space<hbm>> -> memref<512xi32, #tpu.memory_space<hbm>>
    %dma_start3A_223 = arith.constant 12288 : i32
    %dma_start3A_224 = tpu.memref_slice %arg5[%dma_start3A_223] : memref<51200xi32, #tpu.memory_space<vmem>> -> memref<512xi32, #tpu.memory_space<vmem>>
    %dma_start3A_225 = tpu.memref_slice %arg2[%dma_start3A_218, %mul3A_2] : memref<100x16384xi32, #tpu.memory_space<hbm>> -> memref<1x512xi32, #tpu.memory_space<hbm>>
    %dma_start3A_226 = tpu.memref_squeeze %dma_start3A_225 : memref<1x512xi32, #tpu.memory_space<hbm>> -> memref<512xi32, #tpu.memory_space<hbm>>
    tpu.enqueue_dma source(%dma_start3A_226 : memref<512xi32, #tpu.memory_space<hbm>>) target(%dma_start3A_224 : memref<512xi32, #tpu.memory_space<vmem>>) target_semaphore(%arg8 : memref<!tpu.dma_semaphore, #tpu.memory_space<semaphore_mem>>)
    %dma_start3A_227 = arith.constant 25 : i32
    %dma_start3A_228 = arith.constant 12800 : i32
    %dma_start3A_229 = tpu.memref_slice %arg5[%dma_start3A_228] : memref<51200xi32, #tpu.memory_space<vmem>> -> memref<512xi32, #tpu.memory_space<vmem>>
    %dma_start3A_230 = tpu.memref_slice %arg2[%dma_start3A_227, %mul3A_2] : memref<100x16384xi32, #tpu.memory_space<hbm>> -> memref<1x512xi32, #tpu.memory_space<hbm>>
    %dma_start3A_231 = tpu.memref_squeeze %dma_start3A_230 : memref<1x512xi32, #tpu.memory_space<hbm>> -> memref<512xi32, #tpu.memory_space<hbm>>
    %dma_start3A_232 = arith.constant 12800 : i32
    %dma_start3A_233 = tpu.memref_slice %arg5[%dma_start3A_232] : memref<51200xi32, #tpu.memory_space<vmem>> -> memref<512xi32, #tpu.memory_space<vmem>>
    %dma_start3A_234 = tpu.memref_slice %arg2[%dma_start3A_227, %mul3A_2] : memref<100x16384xi32, #tpu.memory_space<hbm>> -> memref<1x512xi32, #tpu.memory_space<hbm>>
    %dma_start3A_235 = tpu.memref_squeeze %dma_start3A_234 : memref<1x512xi32, #tpu.memory_space<hbm>> -> memref<512xi32, #tpu.memory_space<hbm>>
    tpu.enqueue_dma source(%dma_start3A_235 : memref<512xi32, #tpu.memory_space<hbm>>) target(%dma_start3A_233 : memref<512xi32, #tpu.memory_space<vmem>>) target_semaphore(%arg8 : memref<!tpu.dma_semaphore, #tpu.memory_space<semaphore_mem>>)
    %dma_start3A_236 = arith.constant 26 : i32
    %dma_start3A_237 = arith.constant 13312 : i32
    %dma_start3A_238 = tpu.memref_slice %arg5[%dma_start3A_237] : memref<51200xi32, #tpu.memory_space<vmem>> -> memref<512xi32, #tpu.memory_space<vmem>>
    %dma_start3A_239 = tpu.memref_slice %arg2[%dma_start3A_236, %mul3A_2] : memref<100x16384xi32, #tpu.memory_space<hbm>> -> memref<1x512xi32, #tpu.memory_space<hbm>>
    %dma_start3A_240 = tpu.memref_squeeze %dma_start3A_239 : memref<1x512xi32, #tpu.memory_space<hbm>> -> memref<512xi32, #tpu.memory_space<hbm>>
    %dma_start3A_241 = arith.constant 13312 : i32
    %dma_start3A_242 = tpu.memref_slice %arg5[%dma_start3A_241] : memref<51200xi32, #tpu.memory_space<vmem>> -> memref<512xi32, #tpu.memory_space<vmem>>
    %dma_start3A_243 = tpu.memref_slice %arg2[%dma_start3A_236, %mul3A_2] : memref<100x16384xi32, #tpu.memory_space<hbm>> -> memref<1x512xi32, #tpu.memory_space<hbm>>
    %dma_start3A_244 = tpu.memref_squeeze %dma_start3A_243 : memref<1x512xi32, #tpu.memory_space<hbm>> -> memref<512xi32, #tpu.memory_space<hbm>>
    tpu.enqueue_dma source(%dma_start3A_244 : memref<512xi32, #tpu.memory_space<hbm>>) target(%dma_start3A_242 : memref<512xi32, #tpu.memory_space<vmem>>) target_semaphore(%arg8 : memref<!tpu.dma_semaphore, #tpu.memory_space<semaphore_mem>>)
    %dma_start3A_245 = arith.constant 27 : i32
    %dma_start3A_246 = arith.constant 13824 : i32
    %dma_start3A_247 = tpu.memref_slice %arg5[%dma_start3A_246] : memref<51200xi32, #tpu.memory_space<vmem>> -> memref<512xi32, #tpu.memory_space<vmem>>
    %dma_start3A_248 = tpu.memref_slice %arg2[%dma_start3A_245, %mul3A_2] : memref<100x16384xi32, #tpu.memory_space<hbm>> -> memref<1x512xi32, #tpu.memory_space<hbm>>
    %dma_start3A_249 = tpu.memref_squeeze %dma_start3A_248 : memref<1x512xi32, #tpu.memory_space<hbm>> -> memref<512xi32, #tpu.memory_space<hbm>>
    %dma_start3A_250 = arith.constant 13824 : i32
    %dma_start3A_251 = tpu.memref_slice %arg5[%dma_start3A_250] : memref<51200xi32, #tpu.memory_space<vmem>> -> memref<512xi32, #tpu.memory_space<vmem>>
    %dma_start3A_252 = tpu.memref_slice %arg2[%dma_start3A_245, %mul3A_2] : memref<100x16384xi32, #tpu.memory_space<hbm>> -> memref<1x512xi32, #tpu.memory_space<hbm>>
    %dma_start3A_253 = tpu.memref_squeeze %dma_start3A_252 : memref<1x512xi32, #tpu.memory_space<hbm>> -> memref<512xi32, #tpu.memory_space<hbm>>
    tpu.enqueue_dma source(%dma_start3A_253 : memref<512xi32, #tpu.memory_space<hbm>>) target(%dma_start3A_251 : memref<512xi32, #tpu.memory_space<vmem>>) target_semaphore(%arg8 : memref<!tpu.dma_semaphore, #tpu.memory_space<semaphore_mem>>)
    %dma_start3A_254 = arith.constant 28 : i32
    %dma_start3A_255 = arith.constant 14336 : i32
    %dma_start3A_256 = tpu.memref_slice %arg5[%dma_start3A_255] : memref<51200xi32, #tpu.memory_space<vmem>> -> memref<512xi32, #tpu.memory_space<vmem>>
    %dma_start3A_257 = tpu.memref_slice %arg2[%dma_start3A_254, %mul3A_2] : memref<100x16384xi32, #tpu.memory_space<hbm>> -> memref<1x512xi32, #tpu.memory_space<hbm>>
    %dma_start3A_258 = tpu.memref_squeeze %dma_start3A_257 : memref<1x512xi32, #tpu.memory_space<hbm>> -> memref<512xi32, #tpu.memory_space<hbm>>
    %dma_start3A_259 = arith.constant 14336 : i32
    %dma_start3A_260 = tpu.memref_slice %arg5[%dma_start3A_259] : memref<51200xi32, #tpu.memory_space<vmem>> -> memref<512xi32, #tpu.memory_space<vmem>>
    %dma_start3A_261 = tpu.memref_slice %arg2[%dma_start3A_254, %mul3A_2] : memref<100x16384xi32, #tpu.memory_space<hbm>> -> memref<1x512xi32, #tpu.memory_space<hbm>>
    %dma_start3A_262 = tpu.memref_squeeze %dma_start3A_261 : memref<1x512xi32, #tpu.memory_space<hbm>> -> memref<512xi32, #tpu.memory_space<hbm>>
    tpu.enqueue_dma source(%dma_start3A_262 : memref<512xi32, #tpu.memory_space<hbm>>) target(%dma_start3A_260 : memref<512xi32, #tpu.memory_space<vmem>>) target_semaphore(%arg8 : memref<!tpu.dma_semaphore, #tpu.memory_space<semaphore_mem>>)
    %dma_start3A_263 = arith.constant 29 : i32
    %dma_start3A_264 = arith.constant 14848 : i32
    %dma_start3A_265 = tpu.memref_slice %arg5[%dma_start3A_264] : memref<51200xi32, #tpu.memory_space<vmem>> -> memref<512xi32, #tpu.memory_space<vmem>>
    %dma_start3A_266 = tpu.memref_slice %arg2[%dma_start3A_263, %mul3A_2] : memref<100x16384xi32, #tpu.memory_space<hbm>> -> memref<1x512xi32, #tpu.memory_space<hbm>>
    %dma_start3A_267 = tpu.memref_squeeze %dma_start3A_266 : memref<1x512xi32, #tpu.memory_space<hbm>> -> memref<512xi32, #tpu.memory_space<hbm>>
    %dma_start3A_268 = arith.constant 14848 : i32
    %dma_start3A_269 = tpu.memref_slice %arg5[%dma_start3A_268] : memref<51200xi32, #tpu.memory_space<vmem>> -> memref<512xi32, #tpu.memory_space<vmem>>
    %dma_start3A_270 = tpu.memref_slice %arg2[%dma_start3A_263, %mul3A_2] : memref<100x16384xi32, #tpu.memory_space<hbm>> -> memref<1x512xi32, #tpu.memory_space<hbm>>
    %dma_start3A_271 = tpu.memref_squeeze %dma_start3A_270 : memref<1x512xi32, #tpu.memory_space<hbm>> -> memref<512xi32, #tpu.memory_space<hbm>>
    tpu.enqueue_dma source(%dma_start3A_271 : memref<512xi32, #tpu.memory_space<hbm>>) target(%dma_start3A_269 : memref<512xi32, #tpu.memory_space<vmem>>) target_semaphore(%arg8 : memref<!tpu.dma_semaphore, #tpu.memory_space<semaphore_mem>>)
    %dma_start3A_272 = arith.constant 30 : i32
    %dma_start3A_273 = arith.constant 15360 : i32
    %dma_start3A_274 = tpu.memref_slice %arg5[%dma_start3A_273] : memref<51200xi32, #tpu.memory_space<vmem>> -> memref<512xi32, #tpu.memory_space<vmem>>
    %dma_start3A_275 = tpu.memref_slice %arg2[%dma_start3A_272, %mul3A_2] : memref<100x16384xi32, #tpu.memory_space<hbm>> -> memref<1x512xi32, #tpu.memory_space<hbm>>
    %dma_start3A_276 = tpu.memref_squeeze %dma_start3A_275 : memref<1x512xi32, #tpu.memory_space<hbm>> -> memref<512xi32, #tpu.memory_space<hbm>>
    %dma_start3A_277 = arith.constant 15360 : i32
    %dma_start3A_278 = tpu.memref_slice %arg5[%dma_start3A_277] : memref<51200xi32, #tpu.memory_space<vmem>> -> memref<512xi32, #tpu.memory_space<vmem>>
    %dma_start3A_279 = tpu.memref_slice %arg2[%dma_start3A_272, %mul3A_2] : memref<100x16384xi32, #tpu.memory_space<hbm>> -> memref<1x512xi32, #tpu.memory_space<hbm>>
    %dma_start3A_280 = tpu.memref_squeeze %dma_start3A_279 : memref<1x512xi32, #tpu.memory_space<hbm>> -> memref<512xi32, #tpu.memory_space<hbm>>
    tpu.enqueue_dma source(%dma_start3A_280 : memref<512xi32, #tpu.memory_space<hbm>>) target(%dma_start3A_278 : memref<512xi32, #tpu.memory_space<vmem>>) target_semaphore(%arg8 : memref<!tpu.dma_semaphore, #tpu.memory_space<semaphore_mem>>)
    %dma_start3A_281 = arith.constant 31 : i32
    %dma_start3A_282 = arith.constant 15872 : i32
    %dma_start3A_283 = tpu.memref_slice %arg5[%dma_start3A_282] : memref<51200xi32, #tpu.memory_space<vmem>> -> memref<512xi32, #tpu.memory_space<vmem>>
    %dma_start3A_284 = tpu.memref_slice %arg2[%dma_start3A_281, %mul3A_2] : memref<100x16384xi32, #tpu.memory_space<hbm>> -> memref<1x512xi32, #tpu.memory_space<hbm>>
    %dma_start3A_285 = tpu.memref_squeeze %dma_start3A_284 : memref<1x512xi32, #tpu.memory_space<hbm>> -> memref<512xi32, #tpu.memory_space<hbm>>
    %dma_start3A_286 = arith.constant 15872 : i32
    %dma_start3A_287 = tpu.memref_slice %arg5[%dma_start3A_286] : memref<51200xi32, #tpu.memory_space<vmem>> -> memref<512xi32, #tpu.memory_space<vmem>>
    %dma_start3A_288 = tpu.memref_slice %arg2[%dma_start3A_281, %mul3A_2] : memref<100x16384xi32, #tpu.memory_space<hbm>> -> memref<1x512xi32, #tpu.memory_space<hbm>>
    %dma_start3A_289 = tpu.memref_squeeze %dma_start3A_288 : memref<1x512xi32, #tpu.memory_space<hbm>> -> memref<512xi32, #tpu.memory_space<hbm>>
    tpu.enqueue_dma source(%dma_start3A_289 : memref<512xi32, #tpu.memory_space<hbm>>) target(%dma_start3A_287 : memref<512xi32, #tpu.memory_space<vmem>>) target_semaphore(%arg8 : memref<!tpu.dma_semaphore, #tpu.memory_space<semaphore_mem>>)
    %dma_start3A_290 = arith.constant 32 : i32
    %dma_start3A_291 = arith.constant 16384 : i32
    %dma_start3A_292 = tpu.memref_slice %arg5[%dma_start3A_291] : memref<51200xi32, #tpu.memory_space<vmem>> -> memref<512xi32, #tpu.memory_space<vmem>>
    %dma_start3A_293 = tpu.memref_slice %arg2[%dma_start3A_290, %mul3A_2] : memref<100x16384xi32, #tpu.memory_space<hbm>> -> memref<1x512xi32, #tpu.memory_space<hbm>>
    %dma_start3A_294 = tpu.memref_squeeze %dma_start3A_293 : memref<1x512xi32, #tpu.memory_space<hbm>> -> memref<512xi32, #tpu.memory_space<hbm>>
    %dma_start3A_295 = arith.constant 16384 : i32
    %dma_start3A_296 = tpu.memref_slice %arg5[%dma_start3A_295] : memref<51200xi32, #tpu.memory_space<vmem>> -> memref<512xi32, #tpu.memory_space<vmem>>
    %dma_start3A_297 = tpu.memref_slice %arg2[%dma_start3A_290, %mul3A_2] : memref<100x16384xi32, #tpu.memory_space<hbm>> -> memref<1x512xi32, #tpu.memory_space<hbm>>
    %dma_start3A_298 = tpu.memref_squeeze %dma_start3A_297 : memref<1x512xi32, #tpu.memory_space<hbm>> -> memref<512xi32, #tpu.memory_space<hbm>>
    tpu.enqueue_dma source(%dma_start3A_298 : memref<512xi32, #tpu.memory_space<hbm>>) target(%dma_start3A_296 : memref<512xi32, #tpu.memory_space<vmem>>) target_semaphore(%arg8 : memref<!tpu.dma_semaphore, #tpu.memory_space<semaphore_mem>>)
    %dma_start3A_299 = arith.constant 33 : i32
    %dma_start3A_300 = arith.constant 16896 : i32
    %dma_start3A_301 = tpu.memref_slice %arg5[%dma_start3A_300] : memref<51200xi32, #tpu.memory_space<vmem>> -> memref<512xi32, #tpu.memory_space<vmem>>
    %dma_start3A_302 = tpu.memref_slice %arg2[%dma_start3A_299, %mul3A_2] : memref<100x16384xi32, #tpu.memory_space<hbm>> -> memref<1x512xi32, #tpu.memory_space<hbm>>
    %dma_start3A_303 = tpu.memref_squeeze %dma_start3A_302 : memref<1x512xi32, #tpu.memory_space<hbm>> -> memref<512xi32, #tpu.memory_space<hbm>>
    %dma_start3A_304 = arith.constant 16896 : i32
    %dma_start3A_305 = tpu.memref_slice %arg5[%dma_start3A_304] : memref<51200xi32, #tpu.memory_space<vmem>> -> memref<512xi32, #tpu.memory_space<vmem>>
    %dma_start3A_306 = tpu.memref_slice %arg2[%dma_start3A_299, %mul3A_2] : memref<100x16384xi32, #tpu.memory_space<hbm>> -> memref<1x512xi32, #tpu.memory_space<hbm>>
    %dma_start3A_307 = tpu.memref_squeeze %dma_start3A_306 : memref<1x512xi32, #tpu.memory_space<hbm>> -> memref<512xi32, #tpu.memory_space<hbm>>
    tpu.enqueue_dma source(%dma_start3A_307 : memref<512xi32, #tpu.memory_space<hbm>>) target(%dma_start3A_305 : memref<512xi32, #tpu.memory_space<vmem>>) target_semaphore(%arg8 : memref<!tpu.dma_semaphore, #tpu.memory_space<semaphore_mem>>)
    %dma_start3A_308 = arith.constant 34 : i32
    %dma_start3A_309 = arith.constant 17408 : i32
    %dma_start3A_310 = tpu.memref_slice %arg5[%dma_start3A_309] : memref<51200xi32, #tpu.memory_space<vmem>> -> memref<512xi32, #tpu.memory_space<vmem>>
    %dma_start3A_311 = tpu.memref_slice %arg2[%dma_start3A_308, %mul3A_2] : memref<100x16384xi32, #tpu.memory_space<hbm>> -> memref<1x512xi32, #tpu.memory_space<hbm>>
    %dma_start3A_312 = tpu.memref_squeeze %dma_start3A_311 : memref<1x512xi32, #tpu.memory_space<hbm>> -> memref<512xi32, #tpu.memory_space<hbm>>
    %dma_start3A_313 = arith.constant 17408 : i32
    %dma_start3A_314 = tpu.memref_slice %arg5[%dma_start3A_313] : memref<51200xi32, #tpu.memory_space<vmem>> -> memref<512xi32, #tpu.memory_space<vmem>>
    %dma_start3A_315 = tpu.memref_slice %arg2[%dma_start3A_308, %mul3A_2] : memref<100x16384xi32, #tpu.memory_space<hbm>> -> memref<1x512xi32, #tpu.memory_space<hbm>>
    %dma_start3A_316 = tpu.memref_squeeze %dma_start3A_315 : memref<1x512xi32, #tpu.memory_space<hbm>> -> memref<512xi32, #tpu.memory_space<hbm>>
    tpu.enqueue_dma source(%dma_start3A_316 : memref<512xi32, #tpu.memory_space<hbm>>) target(%dma_start3A_314 : memref<512xi32, #tpu.memory_space<vmem>>) target_semaphore(%arg8 : memref<!tpu.dma_semaphore, #tpu.memory_space<semaphore_mem>>)
    %dma_start3A_317 = arith.constant 35 : i32
    %dma_start3A_318 = arith.constant 17920 : i32
    %dma_start3A_319 = tpu.memref_slice %arg5[%dma_start3A_318] : memref<51200xi32, #tpu.memory_space<vmem>> -> memref<512xi32, #tpu.memory_space<vmem>>
    %dma_start3A_320 = tpu.memref_slice %arg2[%dma_start3A_317, %mul3A_2] : memref<100x16384xi32, #tpu.memory_space<hbm>> -> memref<1x512xi32, #tpu.memory_space<hbm>>
    %dma_start3A_321 = tpu.memref_squeeze %dma_start3A_320 : memref<1x512xi32, #tpu.memory_space<hbm>> -> memref<512xi32, #tpu.memory_space<hbm>>
    %dma_start3A_322 = arith.constant 17920 : i32
    %dma_start3A_323 = tpu.memref_slice %arg5[%dma_start3A_322] : memref<51200xi32, #tpu.memory_space<vmem>> -> memref<512xi32, #tpu.memory_space<vmem>>
    %dma_start3A_324 = tpu.memref_slice %arg2[%dma_start3A_317, %mul3A_2] : memref<100x16384xi32, #tpu.memory_space<hbm>> -> memref<1x512xi32, #tpu.memory_space<hbm>>
    %dma_start3A_325 = tpu.memref_squeeze %dma_start3A_324 : memref<1x512xi32, #tpu.memory_space<hbm>> -> memref<512xi32, #tpu.memory_space<hbm>>
    tpu.enqueue_dma source(%dma_start3A_325 : memref<512xi32, #tpu.memory_space<hbm>>) target(%dma_start3A_323 : memref<512xi32, #tpu.memory_space<vmem>>) target_semaphore(%arg8 : memref<!tpu.dma_semaphore, #tpu.memory_space<semaphore_mem>>)
    %dma_start3A_326 = arith.constant 36 : i32
    %dma_start3A_327 = arith.constant 18432 : i32
    %dma_start3A_328 = tpu.memref_slice %arg5[%dma_start3A_327] : memref<51200xi32, #tpu.memory_space<vmem>> -> memref<512xi32, #tpu.memory_space<vmem>>
    %dma_start3A_329 = tpu.memref_slice %arg2[%dma_start3A_326, %mul3A_2] : memref<100x16384xi32, #tpu.memory_space<hbm>> -> memref<1x512xi32, #tpu.memory_space<hbm>>
    %dma_start3A_330 = tpu.memref_squeeze %dma_start3A_329 : memref<1x512xi32, #tpu.memory_space<hbm>> -> memref<512xi32, #tpu.memory_space<hbm>>
    %dma_start3A_331 = arith.constant 18432 : i32
    %dma_start3A_332 = tpu.memref_slice %arg5[%dma_start3A_331] : memref<51200xi32, #tpu.memory_space<vmem>> -> memref<512xi32, #tpu.memory_space<vmem>>
    %dma_start3A_333 = tpu.memref_slice %arg2[%dma_start3A_326, %mul3A_2] : memref<100x16384xi32, #tpu.memory_space<hbm>> -> memref<1x512xi32, #tpu.memory_space<hbm>>
    %dma_start3A_334 = tpu.memref_squeeze %dma_start3A_333 : memref<1x512xi32, #tpu.memory_space<hbm>> -> memref<512xi32, #tpu.memory_space<hbm>>
    tpu.enqueue_dma source(%dma_start3A_334 : memref<512xi32, #tpu.memory_space<hbm>>) target(%dma_start3A_332 : memref<512xi32, #tpu.memory_space<vmem>>) target_semaphore(%arg8 : memref<!tpu.dma_semaphore, #tpu.memory_space<semaphore_mem>>)
    %dma_start3A_335 = arith.constant 37 : i32
    %dma_start3A_336 = arith.constant 18944 : i32
    %dma_start3A_337 = tpu.memref_slice %arg5[%dma_start3A_336] : memref<51200xi32, #tpu.memory_space<vmem>> -> memref<512xi32, #tpu.memory_space<vmem>>
    %dma_start3A_338 = tpu.memref_slice %arg2[%dma_start3A_335, %mul3A_2] : memref<100x16384xi32, #tpu.memory_space<hbm>> -> memref<1x512xi32, #tpu.memory_space<hbm>>
    %dma_start3A_339 = tpu.memref_squeeze %dma_start3A_338 : memref<1x512xi32, #tpu.memory_space<hbm>> -> memref<512xi32, #tpu.memory_space<hbm>>
    %dma_start3A_340 = arith.constant 18944 : i32
    %dma_start3A_341 = tpu.memref_slice %arg5[%dma_start3A_340] : memref<51200xi32, #tpu.memory_space<vmem>> -> memref<512xi32, #tpu.memory_space<vmem>>
    %dma_start3A_342 = tpu.memref_slice %arg2[%dma_start3A_335, %mul3A_2] : memref<100x16384xi32, #tpu.memory_space<hbm>> -> memref<1x512xi32, #tpu.memory_space<hbm>>
    %dma_start3A_343 = tpu.memref_squeeze %dma_start3A_342 : memref<1x512xi32, #tpu.memory_space<hbm>> -> memref<512xi32, #tpu.memory_space<hbm>>
    tpu.enqueue_dma source(%dma_start3A_343 : memref<512xi32, #tpu.memory_space<hbm>>) target(%dma_start3A_341 : memref<512xi32, #tpu.memory_space<vmem>>) target_semaphore(%arg8 : memref<!tpu.dma_semaphore, #tpu.memory_space<semaphore_mem>>)
    %dma_start3A_344 = arith.constant 38 : i32
    %dma_start3A_345 = arith.constant 19456 : i32
    %dma_start3A_346 = tpu.memref_slice %arg5[%dma_start3A_345] : memref<51200xi32, #tpu.memory_space<vmem>> -> memref<512xi32, #tpu.memory_space<vmem>>
    %dma_start3A_347 = tpu.memref_slice %arg2[%dma_start3A_344, %mul3A_2] : memref<100x16384xi32, #tpu.memory_space<hbm>> -> memref<1x512xi32, #tpu.memory_space<hbm>>
    %dma_start3A_348 = tpu.memref_squeeze %dma_start3A_347 : memref<1x512xi32, #tpu.memory_space<hbm>> -> memref<512xi32, #tpu.memory_space<hbm>>
    %dma_start3A_349 = arith.constant 19456 : i32
    %dma_start3A_350 = tpu.memref_slice %arg5[%dma_start3A_349] : memref<51200xi32, #tpu.memory_space<vmem>> -> memref<512xi32, #tpu.memory_space<vmem>>
    %dma_start3A_351 = tpu.memref_slice %arg2[%dma_start3A_344, %mul3A_2] : memref<100x16384xi32, #tpu.memory_space<hbm>> -> memref<1x512xi32, #tpu.memory_space<hbm>>
    %dma_start3A_352 = tpu.memref_squeeze %dma_start3A_351 : memref<1x512xi32, #tpu.memory_space<hbm>> -> memref<512xi32, #tpu.memory_space<hbm>>
    tpu.enqueue_dma source(%dma_start3A_352 : memref<512xi32, #tpu.memory_space<hbm>>) target(%dma_start3A_350 : memref<512xi32, #tpu.memory_space<vmem>>) target_semaphore(%arg8 : memref<!tpu.dma_semaphore, #tpu.memory_space<semaphore_mem>>)
    %dma_start3A_353 = arith.constant 39 : i32
    %dma_start3A_354 = arith.constant 19968 : i32
    %dma_start3A_355 = tpu.memref_slice %arg5[%dma_start3A_354] : memref<51200xi32, #tpu.memory_space<vmem>> -> memref<512xi32, #tpu.memory_space<vmem>>
    %dma_start3A_356 = tpu.memref_slice %arg2[%dma_start3A_353, %mul3A_2] : memref<100x16384xi32, #tpu.memory_space<hbm>> -> memref<1x512xi32, #tpu.memory_space<hbm>>
    %dma_start3A_357 = tpu.memref_squeeze %dma_start3A_356 : memref<1x512xi32, #tpu.memory_space<hbm>> -> memref<512xi32, #tpu.memory_space<hbm>>
    %dma_start3A_358 = arith.constant 19968 : i32
    %dma_start3A_359 = tpu.memref_slice %arg5[%dma_start3A_358] : memref<51200xi32, #tpu.memory_space<vmem>> -> memref<512xi32, #tpu.memory_space<vmem>>
    %dma_start3A_360 = tpu.memref_slice %arg2[%dma_start3A_353, %mul3A_2] : memref<100x16384xi32, #tpu.memory_space<hbm>> -> memref<1x512xi32, #tpu.memory_space<hbm>>
    %dma_start3A_361 = tpu.memref_squeeze %dma_start3A_360 : memref<1x512xi32, #tpu.memory_space<hbm>> -> memref<512xi32, #tpu.memory_space<hbm>>
    tpu.enqueue_dma source(%dma_start3A_361 : memref<512xi32, #tpu.memory_space<hbm>>) target(%dma_start3A_359 : memref<512xi32, #tpu.memory_space<vmem>>) target_semaphore(%arg8 : memref<!tpu.dma_semaphore, #tpu.memory_space<semaphore_mem>>)
    %dma_start3A_362 = arith.constant 40 : i32
    %dma_start3A_363 = arith.constant 20480 : i32
    %dma_start3A_364 = tpu.memref_slice %arg5[%dma_start3A_363] : memref<51200xi32, #tpu.memory_space<vmem>> -> memref<512xi32, #tpu.memory_space<vmem>>
    %dma_start3A_365 = tpu.memref_slice %arg2[%dma_start3A_362, %mul3A_2] : memref<100x16384xi32, #tpu.memory_space<hbm>> -> memref<1x512xi32, #tpu.memory_space<hbm>>
    %dma_start3A_366 = tpu.memref_squeeze %dma_start3A_365 : memref<1x512xi32, #tpu.memory_space<hbm>> -> memref<512xi32, #tpu.memory_space<hbm>>
    %dma_start3A_367 = arith.constant 20480 : i32
    %dma_start3A_368 = tpu.memref_slice %arg5[%dma_start3A_367] : memref<51200xi32, #tpu.memory_space<vmem>> -> memref<512xi32, #tpu.memory_space<vmem>>
    %dma_start3A_369 = tpu.memref_slice %arg2[%dma_start3A_362, %mul3A_2] : memref<100x16384xi32, #tpu.memory_space<hbm>> -> memref<1x512xi32, #tpu.memory_space<hbm>>
    %dma_start3A_370 = tpu.memref_squeeze %dma_start3A_369 : memref<1x512xi32, #tpu.memory_space<hbm>> -> memref<512xi32, #tpu.memory_space<hbm>>
    tpu.enqueue_dma source(%dma_start3A_370 : memref<512xi32, #tpu.memory_space<hbm>>) target(%dma_start3A_368 : memref<512xi32, #tpu.memory_space<vmem>>) target_semaphore(%arg8 : memref<!tpu.dma_semaphore, #tpu.memory_space<semaphore_mem>>)
    %dma_start3A_371 = arith.constant 41 : i32
    %dma_start3A_372 = arith.constant 20992 : i32
    %dma_start3A_373 = tpu.memref_slice %arg5[%dma_start3A_372] : memref<51200xi32, #tpu.memory_space<vmem>> -> memref<512xi32, #tpu.memory_space<vmem>>
    %dma_start3A_374 = tpu.memref_slice %arg2[%dma_start3A_371, %mul3A_2] : memref<100x16384xi32, #tpu.memory_space<hbm>> -> memref<1x512xi32, #tpu.memory_space<hbm>>
    %dma_start3A_375 = tpu.memref_squeeze %dma_start3A_374 : memref<1x512xi32, #tpu.memory_space<hbm>> -> memref<512xi32, #tpu.memory_space<hbm>>
    %dma_start3A_376 = arith.constant 20992 : i32
    %dma_start3A_377 = tpu.memref_slice %arg5[%dma_start3A_376] : memref<51200xi32, #tpu.memory_space<vmem>> -> memref<512xi32, #tpu.memory_space<vmem>>
    %dma_start3A_378 = tpu.memref_slice %arg2[%dma_start3A_371, %mul3A_2] : memref<100x16384xi32, #tpu.memory_space<hbm>> -> memref<1x512xi32, #tpu.memory_space<hbm>>
    %dma_start3A_379 = tpu.memref_squeeze %dma_start3A_378 : memref<1x512xi32, #tpu.memory_space<hbm>> -> memref<512xi32, #tpu.memory_space<hbm>>
    tpu.enqueue_dma source(%dma_start3A_379 : memref<512xi32, #tpu.memory_space<hbm>>) target(%dma_start3A_377 : memref<512xi32, #tpu.memory_space<vmem>>) target_semaphore(%arg8 : memref<!tpu.dma_semaphore, #tpu.memory_space<semaphore_mem>>)
    %dma_start3A_380 = arith.constant 42 : i32
    %dma_start3A_381 = arith.constant 21504 : i32
    %dma_start3A_382 = tpu.memref_slice %arg5[%dma_start3A_381] : memref<51200xi32, #tpu.memory_space<vmem>> -> memref<512xi32, #tpu.memory_space<vmem>>
    %dma_start3A_383 = tpu.memref_slice %arg2[%dma_start3A_380, %mul3A_2] : memref<100x16384xi32, #tpu.memory_space<hbm>> -> memref<1x512xi32, #tpu.memory_space<hbm>>
    %dma_start3A_384 = tpu.memref_squeeze %dma_start3A_383 : memref<1x512xi32, #tpu.memory_space<hbm>> -> memref<512xi32, #tpu.memory_space<hbm>>
    %dma_start3A_385 = arith.constant 21504 : i32
    %dma_start3A_386 = tpu.memref_slice %arg5[%dma_start3A_385] : memref<51200xi32, #tpu.memory_space<vmem>> -> memref<512xi32, #tpu.memory_space<vmem>>
    %dma_start3A_387 = tpu.memref_slice %arg2[%dma_start3A_380, %mul3A_2] : memref<100x16384xi32, #tpu.memory_space<hbm>> -> memref<1x512xi32, #tpu.memory_space<hbm>>
    %dma_start3A_388 = tpu.memref_squeeze %dma_start3A_387 : memref<1x512xi32, #tpu.memory_space<hbm>> -> memref<512xi32, #tpu.memory_space<hbm>>
    tpu.enqueue_dma source(%dma_start3A_388 : memref<512xi32, #tpu.memory_space<hbm>>) target(%dma_start3A_386 : memref<512xi32, #tpu.memory_space<vmem>>) target_semaphore(%arg8 : memref<!tpu.dma_semaphore, #tpu.memory_space<semaphore_mem>>)
    %dma_start3A_389 = arith.constant 43 : i32
    %dma_start3A_390 = arith.constant 22016 : i32
    %dma_start3A_391 = tpu.memref_slice %arg5[%dma_start3A_390] : memref<51200xi32, #tpu.memory_space<vmem>> -> memref<512xi32, #tpu.memory_space<vmem>>
    %dma_start3A_392 = tpu.memref_slice %arg2[%dma_start3A_389, %mul3A_2] : memref<100x16384xi32, #tpu.memory_space<hbm>> -> memref<1x512xi32, #tpu.memory_space<hbm>>
    %dma_start3A_393 = tpu.memref_squeeze %dma_start3A_392 : memref<1x512xi32, #tpu.memory_space<hbm>> -> memref<512xi32, #tpu.memory_space<hbm>>
    %dma_start3A_394 = arith.constant 22016 : i32
    %dma_start3A_395 = tpu.memref_slice %arg5[%dma_start3A_394] : memref<51200xi32, #tpu.memory_space<vmem>> -> memref<512xi32, #tpu.memory_space<vmem>>
    %dma_start3A_396 = tpu.memref_slice %arg2[%dma_start3A_389, %mul3A_2] : memref<100x16384xi32, #tpu.memory_space<hbm>> -> memref<1x512xi32, #tpu.memory_space<hbm>>
    %dma_start3A_397 = tpu.memref_squeeze %dma_start3A_396 : memref<1x512xi32, #tpu.memory_space<hbm>> -> memref<512xi32, #tpu.memory_space<hbm>>
    tpu.enqueue_dma source(%dma_start3A_397 : memref<512xi32, #tpu.memory_space<hbm>>) target(%dma_start3A_395 : memref<512xi32, #tpu.memory_space<vmem>>) target_semaphore(%arg8 : memref<!tpu.dma_semaphore, #tpu.memory_space<semaphore_mem>>)
    %dma_start3A_398 = arith.constant 44 : i32
    %dma_start3A_399 = arith.constant 22528 : i32
    %dma_start3A_400 = tpu.memref_slice %arg5[%dma_start3A_399] : memref<51200xi32, #tpu.memory_space<vmem>> -> memref<512xi32, #tpu.memory_space<vmem>>
    %dma_start3A_401 = tpu.memref_slice %arg2[%dma_start3A_398, %mul3A_2] : memref<100x16384xi32, #tpu.memory_space<hbm>> -> memref<1x512xi32, #tpu.memory_space<hbm>>
    %dma_start3A_402 = tpu.memref_squeeze %dma_start3A_401 : memref<1x512xi32, #tpu.memory_space<hbm>> -> memref<512xi32, #tpu.memory_space<hbm>>
    %dma_start3A_403 = arith.constant 22528 : i32
    %dma_start3A_404 = tpu.memref_slice %arg5[%dma_start3A_403] : memref<51200xi32, #tpu.memory_space<vmem>> -> memref<512xi32, #tpu.memory_space<vmem>>
    %dma_start3A_405 = tpu.memref_slice %arg2[%dma_start3A_398, %mul3A_2] : memref<100x16384xi32, #tpu.memory_space<hbm>> -> memref<1x512xi32, #tpu.memory_space<hbm>>
    %dma_start3A_406 = tpu.memref_squeeze %dma_start3A_405 : memref<1x512xi32, #tpu.memory_space<hbm>> -> memref<512xi32, #tpu.memory_space<hbm>>
    tpu.enqueue_dma source(%dma_start3A_406 : memref<512xi32, #tpu.memory_space<hbm>>) target(%dma_start3A_404 : memref<512xi32, #tpu.memory_space<vmem>>) target_semaphore(%arg8 : memref<!tpu.dma_semaphore, #tpu.memory_space<semaphore_mem>>)
    %dma_start3A_407 = arith.constant 45 : i32
    %dma_start3A_408 = arith.constant 23040 : i32
    %dma_start3A_409 = tpu.memref_slice %arg5[%dma_start3A_408] : memref<51200xi32, #tpu.memory_space<vmem>> -> memref<512xi32, #tpu.memory_space<vmem>>
    %dma_start3A_410 = tpu.memref_slice %arg2[%dma_start3A_407, %mul3A_2] : memref<100x16384xi32, #tpu.memory_space<hbm>> -> memref<1x512xi32, #tpu.memory_space<hbm>>
    %dma_start3A_411 = tpu.memref_squeeze %dma_start3A_410 : memref<1x512xi32, #tpu.memory_space<hbm>> -> memref<512xi32, #tpu.memory_space<hbm>>
    %dma_start3A_412 = arith.constant 23040 : i32
    %dma_start3A_413 = tpu.memref_slice %arg5[%dma_start3A_412] : memref<51200xi32, #tpu.memory_space<vmem>> -> memref<512xi32, #tpu.memory_space<vmem>>
    %dma_start3A_414 = tpu.memref_slice %arg2[%dma_start3A_407, %mul3A_2] : memref<100x16384xi32, #tpu.memory_space<hbm>> -> memref<1x512xi32, #tpu.memory_space<hbm>>
    %dma_start3A_415 = tpu.memref_squeeze %dma_start3A_414 : memref<1x512xi32, #tpu.memory_space<hbm>> -> memref<512xi32, #tpu.memory_space<hbm>>
    tpu.enqueue_dma source(%dma_start3A_415 : memref<512xi32, #tpu.memory_space<hbm>>) target(%dma_start3A_413 : memref<512xi32, #tpu.memory_space<vmem>>) target_semaphore(%arg8 : memref<!tpu.dma_semaphore, #tpu.memory_space<semaphore_mem>>)
    %dma_start3A_416 = arith.constant 46 : i32
    %dma_start3A_417 = arith.constant 23552 : i32
    %dma_start3A_418 = tpu.memref_slice %arg5[%dma_start3A_417] : memref<51200xi32, #tpu.memory_space<vmem>> -> memref<512xi32, #tpu.memory_space<vmem>>
    %dma_start3A_419 = tpu.memref_slice %arg2[%dma_start3A_416, %mul3A_2] : memref<100x16384xi32, #tpu.memory_space<hbm>> -> memref<1x512xi32, #tpu.memory_space<hbm>>
    %dma_start3A_420 = tpu.memref_squeeze %dma_start3A_419 : memref<1x512xi32, #tpu.memory_space<hbm>> -> memref<512xi32, #tpu.memory_space<hbm>>
    %dma_start3A_421 = arith.constant 23552 : i32
    %dma_start3A_422 = tpu.memref_slice %arg5[%dma_start3A_421] : memref<51200xi32, #tpu.memory_space<vmem>> -> memref<512xi32, #tpu.memory_space<vmem>>
    %dma_start3A_423 = tpu.memref_slice %arg2[%dma_start3A_416, %mul3A_2] : memref<100x16384xi32, #tpu.memory_space<hbm>> -> memref<1x512xi32, #tpu.memory_space<hbm>>
    %dma_start3A_424 = tpu.memref_squeeze %dma_start3A_423 : memref<1x512xi32, #tpu.memory_space<hbm>> -> memref<512xi32, #tpu.memory_space<hbm>>
    tpu.enqueue_dma source(%dma_start3A_424 : memref<512xi32, #tpu.memory_space<hbm>>) target(%dma_start3A_422 : memref<512xi32, #tpu.memory_space<vmem>>) target_semaphore(%arg8 : memref<!tpu.dma_semaphore, #tpu.memory_space<semaphore_mem>>)
    %dma_start3A_425 = arith.constant 47 : i32
    %dma_start3A_426 = arith.constant 24064 : i32
    %dma_start3A_427 = tpu.memref_slice %arg5[%dma_start3A_426] : memref<51200xi32, #tpu.memory_space<vmem>> -> memref<512xi32, #tpu.memory_space<vmem>>
    %dma_start3A_428 = tpu.memref_slice %arg2[%dma_start3A_425, %mul3A_2] : memref<100x16384xi32, #tpu.memory_space<hbm>> -> memref<1x512xi32, #tpu.memory_space<hbm>>
    %dma_start3A_429 = tpu.memref_squeeze %dma_start3A_428 : memref<1x512xi32, #tpu.memory_space<hbm>> -> memref<512xi32, #tpu.memory_space<hbm>>
    %dma_start3A_430 = arith.constant 24064 : i32
    %dma_start3A_431 = tpu.memref_slice %arg5[%dma_start3A_430] : memref<51200xi32, #tpu.memory_space<vmem>> -> memref<512xi32, #tpu.memory_space<vmem>>
    %dma_start3A_432 = tpu.memref_slice %arg2[%dma_start3A_425, %mul3A_2] : memref<100x16384xi32, #tpu.memory_space<hbm>> -> memref<1x512xi32, #tpu.memory_space<hbm>>
    %dma_start3A_433 = tpu.memref_squeeze %dma_start3A_432 : memref<1x512xi32, #tpu.memory_space<hbm>> -> memref<512xi32, #tpu.memory_space<hbm>>
    tpu.enqueue_dma source(%dma_start3A_433 : memref<512xi32, #tpu.memory_space<hbm>>) target(%dma_start3A_431 : memref<512xi32, #tpu.memory_space<vmem>>) target_semaphore(%arg8 : memref<!tpu.dma_semaphore, #tpu.memory_space<semaphore_mem>>)
    %dma_start3A_434 = arith.constant 48 : i32
    %dma_start3A_435 = arith.constant 24576 : i32
    %dma_start3A_436 = tpu.memref_slice %arg5[%dma_start3A_435] : memref<51200xi32, #tpu.memory_space<vmem>> -> memref<512xi32, #tpu.memory_space<vmem>>
    %dma_start3A_437 = tpu.memref_slice %arg2[%dma_start3A_434, %mul3A_2] : memref<100x16384xi32, #tpu.memory_space<hbm>> -> memref<1x512xi32, #tpu.memory_space<hbm>>
    %dma_start3A_438 = tpu.memref_squeeze %dma_start3A_437 : memref<1x512xi32, #tpu.memory_space<hbm>> -> memref<512xi32, #tpu.memory_space<hbm>>
    %dma_start3A_439 = arith.constant 24576 : i32
    %dma_start3A_440 = tpu.memref_slice %arg5[%dma_start3A_439] : memref<51200xi32, #tpu.memory_space<vmem>> -> memref<512xi32, #tpu.memory_space<vmem>>
    %dma_start3A_441 = tpu.memref_slice %arg2[%dma_start3A_434, %mul3A_2] : memref<100x16384xi32, #tpu.memory_space<hbm>> -> memref<1x512xi32, #tpu.memory_space<hbm>>
    %dma_start3A_442 = tpu.memref_squeeze %dma_start3A_441 : memref<1x512xi32, #tpu.memory_space<hbm>> -> memref<512xi32, #tpu.memory_space<hbm>>
    tpu.enqueue_dma source(%dma_start3A_442 : memref<512xi32, #tpu.memory_space<hbm>>) target(%dma_start3A_440 : memref<512xi32, #tpu.memory_space<vmem>>) target_semaphore(%arg8 : memref<!tpu.dma_semaphore, #tpu.memory_space<semaphore_mem>>)
    %dma_start3A_443 = arith.constant 49 : i32
    %dma_start3A_444 = arith.constant 25088 : i32
    %dma_start3A_445 = tpu.memref_slice %arg5[%dma_start3A_444] : memref<51200xi32, #tpu.memory_space<vmem>> -> memref<512xi32, #tpu.memory_space<vmem>>
    %dma_start3A_446 = tpu.memref_slice %arg2[%dma_start3A_443, %mul3A_2] : memref<100x16384xi32, #tpu.memory_space<hbm>> -> memref<1x512xi32, #tpu.memory_space<hbm>>
    %dma_start3A_447 = tpu.memref_squeeze %dma_start3A_446 : memref<1x512xi32, #tpu.memory_space<hbm>> -> memref<512xi32, #tpu.memory_space<hbm>>
    %dma_start3A_448 = arith.constant 25088 : i32
    %dma_start3A_449 = tpu.memref_slice %arg5[%dma_start3A_448] : memref<51200xi32, #tpu.memory_space<vmem>> -> memref<512xi32, #tpu.memory_space<vmem>>
    %dma_start3A_450 = tpu.memref_slice %arg2[%dma_start3A_443, %mul3A_2] : memref<100x16384xi32, #tpu.memory_space<hbm>> -> memref<1x512xi32, #tpu.memory_space<hbm>>
    %dma_start3A_451 = tpu.memref_squeeze %dma_start3A_450 : memref<1x512xi32, #tpu.memory_space<hbm>> -> memref<512xi32, #tpu.memory_space<hbm>>
    tpu.enqueue_dma source(%dma_start3A_451 : memref<512xi32, #tpu.memory_space<hbm>>) target(%dma_start3A_449 : memref<512xi32, #tpu.memory_space<vmem>>) target_semaphore(%arg8 : memref<!tpu.dma_semaphore, #tpu.memory_space<semaphore_mem>>)
    %dma_start3A_452 = arith.constant 50 : i32
    %dma_start3A_453 = arith.constant 25600 : i32
    %dma_start3A_454 = tpu.memref_slice %arg5[%dma_start3A_453] : memref<51200xi32, #tpu.memory_space<vmem>> -> memref<512xi32, #tpu.memory_space<vmem>>
    %dma_start3A_455 = tpu.memref_slice %arg2[%dma_start3A_452, %mul3A_2] : memref<100x16384xi32, #tpu.memory_space<hbm>> -> memref<1x512xi32, #tpu.memory_space<hbm>>
    %dma_start3A_456 = tpu.memref_squeeze %dma_start3A_455 : memref<1x512xi32, #tpu.memory_space<hbm>> -> memref<512xi32, #tpu.memory_space<hbm>>
    %dma_start3A_457 = arith.constant 25600 : i32
    %dma_start3A_458 = tpu.memref_slice %arg5[%dma_start3A_457] : memref<51200xi32, #tpu.memory_space<vmem>> -> memref<512xi32, #tpu.memory_space<vmem>>
    %dma_start3A_459 = tpu.memref_slice %arg2[%dma_start3A_452, %mul3A_2] : memref<100x16384xi32, #tpu.memory_space<hbm>> -> memref<1x512xi32, #tpu.memory_space<hbm>>
    %dma_start3A_460 = tpu.memref_squeeze %dma_start3A_459 : memref<1x512xi32, #tpu.memory_space<hbm>> -> memref<512xi32, #tpu.memory_space<hbm>>
    tpu.enqueue_dma source(%dma_start3A_460 : memref<512xi32, #tpu.memory_space<hbm>>) target(%dma_start3A_458 : memref<512xi32, #tpu.memory_space<vmem>>) target_semaphore(%arg8 : memref<!tpu.dma_semaphore, #tpu.memory_space<semaphore_mem>>)
    %dma_start3A_461 = arith.constant 51 : i32
    %dma_start3A_462 = arith.constant 26112 : i32
    %dma_start3A_463 = tpu.memref_slice %arg5[%dma_start3A_462] : memref<51200xi32, #tpu.memory_space<vmem>> -> memref<512xi32, #tpu.memory_space<vmem>>
    %dma_start3A_464 = tpu.memref_slice %arg2[%dma_start3A_461, %mul3A_2] : memref<100x16384xi32, #tpu.memory_space<hbm>> -> memref<1x512xi32, #tpu.memory_space<hbm>>
    %dma_start3A_465 = tpu.memref_squeeze %dma_start3A_464 : memref<1x512xi32, #tpu.memory_space<hbm>> -> memref<512xi32, #tpu.memory_space<hbm>>
    %dma_start3A_466 = arith.constant 26112 : i32
    %dma_start3A_467 = tpu.memref_slice %arg5[%dma_start3A_466] : memref<51200xi32, #tpu.memory_space<vmem>> -> memref<512xi32, #tpu.memory_space<vmem>>
    %dma_start3A_468 = tpu.memref_slice %arg2[%dma_start3A_461, %mul3A_2] : memref<100x16384xi32, #tpu.memory_space<hbm>> -> memref<1x512xi32, #tpu.memory_space<hbm>>
    %dma_start3A_469 = tpu.memref_squeeze %dma_start3A_468 : memref<1x512xi32, #tpu.memory_space<hbm>> -> memref<512xi32, #tpu.memory_space<hbm>>
    tpu.enqueue_dma source(%dma_start3A_469 : memref<512xi32, #tpu.memory_space<hbm>>) target(%dma_start3A_467 : memref<512xi32, #tpu.memory_space<vmem>>) target_semaphore(%arg8 : memref<!tpu.dma_semaphore, #tpu.memory_space<semaphore_mem>>)
    %dma_start3A_470 = arith.constant 52 : i32
    %dma_start3A_471 = arith.constant 26624 : i32
    %dma_start3A_472 = tpu.memref_slice %arg5[%dma_start3A_471] : memref<51200xi32, #tpu.memory_space<vmem>> -> memref<512xi32, #tpu.memory_space<vmem>>
    %dma_start3A_473 = tpu.memref_slice %arg2[%dma_start3A_470, %mul3A_2] : memref<100x16384xi32, #tpu.memory_space<hbm>> -> memref<1x512xi32, #tpu.memory_space<hbm>>
    %dma_start3A_474 = tpu.memref_squeeze %dma_start3A_473 : memref<1x512xi32, #tpu.memory_space<hbm>> -> memref<512xi32, #tpu.memory_space<hbm>>
    %dma_start3A_475 = arith.constant 26624 : i32
    %dma_start3A_476 = tpu.memref_slice %arg5[%dma_start3A_475] : memref<51200xi32, #tpu.memory_space<vmem>> -> memref<512xi32, #tpu.memory_space<vmem>>
    %dma_start3A_477 = tpu.memref_slice %arg2[%dma_start3A_470, %mul3A_2] : memref<100x16384xi32, #tpu.memory_space<hbm>> -> memref<1x512xi32, #tpu.memory_space<hbm>>
    %dma_start3A_478 = tpu.memref_squeeze %dma_start3A_477 : memref<1x512xi32, #tpu.memory_space<hbm>> -> memref<512xi32, #tpu.memory_space<hbm>>
    tpu.enqueue_dma source(%dma_start3A_478 : memref<512xi32, #tpu.memory_space<hbm>>) target(%dma_start3A_476 : memref<512xi32, #tpu.memory_space<vmem>>) target_semaphore(%arg8 : memref<!tpu.dma_semaphore, #tpu.memory_space<semaphore_mem>>)
    %dma_start3A_479 = arith.constant 53 : i32
    %dma_start3A_480 = arith.constant 27136 : i32
    %dma_start3A_481 = tpu.memref_slice %arg5[%dma_start3A_480] : memref<51200xi32, #tpu.memory_space<vmem>> -> memref<512xi32, #tpu.memory_space<vmem>>
    %dma_start3A_482 = tpu.memref_slice %arg2[%dma_start3A_479, %mul3A_2] : memref<100x16384xi32, #tpu.memory_space<hbm>> -> memref<1x512xi32, #tpu.memory_space<hbm>>
    %dma_start3A_483 = tpu.memref_squeeze %dma_start3A_482 : memref<1x512xi32, #tpu.memory_space<hbm>> -> memref<512xi32, #tpu.memory_space<hbm>>
    %dma_start3A_484 = arith.constant 27136 : i32
    %dma_start3A_485 = tpu.memref_slice %arg5[%dma_start3A_484] : memref<51200xi32, #tpu.memory_space<vmem>> -> memref<512xi32, #tpu.memory_space<vmem>>
    %dma_start3A_486 = tpu.memref_slice %arg2[%dma_start3A_479, %mul3A_2] : memref<100x16384xi32, #tpu.memory_space<hbm>> -> memref<1x512xi32, #tpu.memory_space<hbm>>
    %dma_start3A_487 = tpu.memref_squeeze %dma_start3A_486 : memref<1x512xi32, #tpu.memory_space<hbm>> -> memref<512xi32, #tpu.memory_space<hbm>>
    tpu.enqueue_dma source(%dma_start3A_487 : memref<512xi32, #tpu.memory_space<hbm>>) target(%dma_start3A_485 : memref<512xi32, #tpu.memory_space<vmem>>) target_semaphore(%arg8 : memref<!tpu.dma_semaphore, #tpu.memory_space<semaphore_mem>>)
    %dma_start3A_488 = arith.constant 54 : i32
    %dma_start3A_489 = arith.constant 27648 : i32
    %dma_start3A_490 = tpu.memref_slice %arg5[%dma_start3A_489] : memref<51200xi32, #tpu.memory_space<vmem>> -> memref<512xi32, #tpu.memory_space<vmem>>
    %dma_start3A_491 = tpu.memref_slice %arg2[%dma_start3A_488, %mul3A_2] : memref<100x16384xi32, #tpu.memory_space<hbm>> -> memref<1x512xi32, #tpu.memory_space<hbm>>
    %dma_start3A_492 = tpu.memref_squeeze %dma_start3A_491 : memref<1x512xi32, #tpu.memory_space<hbm>> -> memref<512xi32, #tpu.memory_space<hbm>>
    %dma_start3A_493 = arith.constant 27648 : i32
    %dma_start3A_494 = tpu.memref_slice %arg5[%dma_start3A_493] : memref<51200xi32, #tpu.memory_space<vmem>> -> memref<512xi32, #tpu.memory_space<vmem>>
    %dma_start3A_495 = tpu.memref_slice %arg2[%dma_start3A_488, %mul3A_2] : memref<100x16384xi32, #tpu.memory_space<hbm>> -> memref<1x512xi32, #tpu.memory_space<hbm>>
    %dma_start3A_496 = tpu.memref_squeeze %dma_start3A_495 : memref<1x512xi32, #tpu.memory_space<hbm>> -> memref<512xi32, #tpu.memory_space<hbm>>
    tpu.enqueue_dma source(%dma_start3A_496 : memref<512xi32, #tpu.memory_space<hbm>>) target(%dma_start3A_494 : memref<512xi32, #tpu.memory_space<vmem>>) target_semaphore(%arg8 : memref<!tpu.dma_semaphore, #tpu.memory_space<semaphore_mem>>)
    %dma_start3A_497 = arith.constant 55 : i32
    %dma_start3A_498 = arith.constant 28160 : i32
    %dma_start3A_499 = tpu.memref_slice %arg5[%dma_start3A_498] : memref<51200xi32, #tpu.memory_space<vmem>> -> memref<512xi32, #tpu.memory_space<vmem>>
    %dma_start3A_500 = tpu.memref_slice %arg2[%dma_start3A_497, %mul3A_2] : memref<100x16384xi32, #tpu.memory_space<hbm>> -> memref<1x512xi32, #tpu.memory_space<hbm>>
    %dma_start3A_501 = tpu.memref_squeeze %dma_start3A_500 : memref<1x512xi32, #tpu.memory_space<hbm>> -> memref<512xi32, #tpu.memory_space<hbm>>
    %dma_start3A_502 = arith.constant 28160 : i32
    %dma_start3A_503 = tpu.memref_slice %arg5[%dma_start3A_502] : memref<51200xi32, #tpu.memory_space<vmem>> -> memref<512xi32, #tpu.memory_space<vmem>>
    %dma_start3A_504 = tpu.memref_slice %arg2[%dma_start3A_497, %mul3A_2] : memref<100x16384xi32, #tpu.memory_space<hbm>> -> memref<1x512xi32, #tpu.memory_space<hbm>>
    %dma_start3A_505 = tpu.memref_squeeze %dma_start3A_504 : memref<1x512xi32, #tpu.memory_space<hbm>> -> memref<512xi32, #tpu.memory_space<hbm>>
    tpu.enqueue_dma source(%dma_start3A_505 : memref<512xi32, #tpu.memory_space<hbm>>) target(%dma_start3A_503 : memref<512xi32, #tpu.memory_space<vmem>>) target_semaphore(%arg8 : memref<!tpu.dma_semaphore, #tpu.memory_space<semaphore_mem>>)
    %dma_start3A_506 = arith.constant 56 : i32
    %dma_start3A_507 = arith.constant 28672 : i32
    %dma_start3A_508 = tpu.memref_slice %arg5[%dma_start3A_507] : memref<51200xi32, #tpu.memory_space<vmem>> -> memref<512xi32, #tpu.memory_space<vmem>>
    %dma_start3A_509 = tpu.memref_slice %arg2[%dma_start3A_506, %mul3A_2] : memref<100x16384xi32, #tpu.memory_space<hbm>> -> memref<1x512xi32, #tpu.memory_space<hbm>>
    %dma_start3A_510 = tpu.memref_squeeze %dma_start3A_509 : memref<1x512xi32, #tpu.memory_space<hbm>> -> memref<512xi32, #tpu.memory_space<hbm>>
    %dma_start3A_511 = arith.constant 28672 : i32
    %dma_start3A_512 = tpu.memref_slice %arg5[%dma_start3A_511] : memref<51200xi32, #tpu.memory_space<vmem>> -> memref<512xi32, #tpu.memory_space<vmem>>
    %dma_start3A_513 = tpu.memref_slice %arg2[%dma_start3A_506, %mul3A_2] : memref<100x16384xi32, #tpu.memory_space<hbm>> -> memref<1x512xi32, #tpu.memory_space<hbm>>
    %dma_start3A_514 = tpu.memref_squeeze %dma_start3A_513 : memref<1x512xi32, #tpu.memory_space<hbm>> -> memref<512xi32, #tpu.memory_space<hbm>>
    tpu.enqueue_dma source(%dma_start3A_514 : memref<512xi32, #tpu.memory_space<hbm>>) target(%dma_start3A_512 : memref<512xi32, #tpu.memory_space<vmem>>) target_semaphore(%arg8 : memref<!tpu.dma_semaphore, #tpu.memory_space<semaphore_mem>>)
    %dma_start3A_515 = arith.constant 57 : i32
    %dma_start3A_516 = arith.constant 29184 : i32
    %dma_start3A_517 = tpu.memref_slice %arg5[%dma_start3A_516] : memref<51200xi32, #tpu.memory_space<vmem>> -> memref<512xi32, #tpu.memory_space<vmem>>
    %dma_start3A_518 = tpu.memref_slice %arg2[%dma_start3A_515, %mul3A_2] : memref<100x16384xi32, #tpu.memory_space<hbm>> -> memref<1x512xi32, #tpu.memory_space<hbm>>
    %dma_start3A_519 = tpu.memref_squeeze %dma_start3A_518 : memref<1x512xi32, #tpu.memory_space<hbm>> -> memref<512xi32, #tpu.memory_space<hbm>>
    %dma_start3A_520 = arith.constant 29184 : i32
    %dma_start3A_521 = tpu.memref_slice %arg5[%dma_start3A_520] : memref<51200xi32, #tpu.memory_space<vmem>> -> memref<512xi32, #tpu.memory_space<vmem>>
    %dma_start3A_522 = tpu.memref_slice %arg2[%dma_start3A_515, %mul3A_2] : memref<100x16384xi32, #tpu.memory_space<hbm>> -> memref<1x512xi32, #tpu.memory_space<hbm>>
    %dma_start3A_523 = tpu.memref_squeeze %dma_start3A_522 : memref<1x512xi32, #tpu.memory_space<hbm>> -> memref<512xi32, #tpu.memory_space<hbm>>
    tpu.enqueue_dma source(%dma_start3A_523 : memref<512xi32, #tpu.memory_space<hbm>>) target(%dma_start3A_521 : memref<512xi32, #tpu.memory_space<vmem>>) target_semaphore(%arg8 : memref<!tpu.dma_semaphore, #tpu.memory_space<semaphore_mem>>)
    %dma_start3A_524 = arith.constant 58 : i32
    %dma_start3A_525 = arith.constant 29696 : i32
    %dma_start3A_526 = tpu.memref_slice %arg5[%dma_start3A_525] : memref<51200xi32, #tpu.memory_space<vmem>> -> memref<512xi32, #tpu.memory_space<vmem>>
    %dma_start3A_527 = tpu.memref_slice %arg2[%dma_start3A_524, %mul3A_2] : memref<100x16384xi32, #tpu.memory_space<hbm>> -> memref<1x512xi32, #tpu.memory_space<hbm>>
    %dma_start3A_528 = tpu.memref_squeeze %dma_start3A_527 : memref<1x512xi32, #tpu.memory_space<hbm>> -> memref<512xi32, #tpu.memory_space<hbm>>
    %dma_start3A_529 = arith.constant 29696 : i32
    %dma_start3A_530 = tpu.memref_slice %arg5[%dma_start3A_529] : memref<51200xi32, #tpu.memory_space<vmem>> -> memref<512xi32, #tpu.memory_space<vmem>>
    %dma_start3A_531 = tpu.memref_slice %arg2[%dma_start3A_524, %mul3A_2] : memref<100x16384xi32, #tpu.memory_space<hbm>> -> memref<1x512xi32, #tpu.memory_space<hbm>>
    %dma_start3A_532 = tpu.memref_squeeze %dma_start3A_531 : memref<1x512xi32, #tpu.memory_space<hbm>> -> memref<512xi32, #tpu.memory_space<hbm>>
    tpu.enqueue_dma source(%dma_start3A_532 : memref<512xi32, #tpu.memory_space<hbm>>) target(%dma_start3A_530 : memref<512xi32, #tpu.memory_space<vmem>>) target_semaphore(%arg8 : memref<!tpu.dma_semaphore, #tpu.memory_space<semaphore_mem>>)
    %dma_start3A_533 = arith.constant 59 : i32
    %dma_start3A_534 = arith.constant 30208 : i32
    %dma_start3A_535 = tpu.memref_slice %arg5[%dma_start3A_534] : memref<51200xi32, #tpu.memory_space<vmem>> -> memref<512xi32, #tpu.memory_space<vmem>>
    %dma_start3A_536 = tpu.memref_slice %arg2[%dma_start3A_533, %mul3A_2] : memref<100x16384xi32, #tpu.memory_space<hbm>> -> memref<1x512xi32, #tpu.memory_space<hbm>>
    %dma_start3A_537 = tpu.memref_squeeze %dma_start3A_536 : memref<1x512xi32, #tpu.memory_space<hbm>> -> memref<512xi32, #tpu.memory_space<hbm>>
    %dma_start3A_538 = arith.constant 30208 : i32
    %dma_start3A_539 = tpu.memref_slice %arg5[%dma_start3A_538] : memref<51200xi32, #tpu.memory_space<vmem>> -> memref<512xi32, #tpu.memory_space<vmem>>
    %dma_start3A_540 = tpu.memref_slice %arg2[%dma_start3A_533, %mul3A_2] : memref<100x16384xi32, #tpu.memory_space<hbm>> -> memref<1x512xi32, #tpu.memory_space<hbm>>
    %dma_start3A_541 = tpu.memref_squeeze %dma_start3A_540 : memref<1x512xi32, #tpu.memory_space<hbm>> -> memref<512xi32, #tpu.memory_space<hbm>>
    tpu.enqueue_dma source(%dma_start3A_541 : memref<512xi32, #tpu.memory_space<hbm>>) target(%dma_start3A_539 : memref<512xi32, #tpu.memory_space<vmem>>) target_semaphore(%arg8 : memref<!tpu.dma_semaphore, #tpu.memory_space<semaphore_mem>>)
    %dma_start3A_542 = arith.constant 60 : i32
    %dma_start3A_543 = arith.constant 30720 : i32
    %dma_start3A_544 = tpu.memref_slice %arg5[%dma_start3A_543] : memref<51200xi32, #tpu.memory_space<vmem>> -> memref<512xi32, #tpu.memory_space<vmem>>
    %dma_start3A_545 = tpu.memref_slice %arg2[%dma_start3A_542, %mul3A_2] : memref<100x16384xi32, #tpu.memory_space<hbm>> -> memref<1x512xi32, #tpu.memory_space<hbm>>
    %dma_start3A_546 = tpu.memref_squeeze %dma_start3A_545 : memref<1x512xi32, #tpu.memory_space<hbm>> -> memref<512xi32, #tpu.memory_space<hbm>>
    %dma_start3A_547 = arith.constant 30720 : i32
    %dma_start3A_548 = tpu.memref_slice %arg5[%dma_start3A_547] : memref<51200xi32, #tpu.memory_space<vmem>> -> memref<512xi32, #tpu.memory_space<vmem>>
    %dma_start3A_549 = tpu.memref_slice %arg2[%dma_start3A_542, %mul3A_2] : memref<100x16384xi32, #tpu.memory_space<hbm>> -> memref<1x512xi32, #tpu.memory_space<hbm>>
    %dma_start3A_550 = tpu.memref_squeeze %dma_start3A_549 : memref<1x512xi32, #tpu.memory_space<hbm>> -> memref<512xi32, #tpu.memory_space<hbm>>
    tpu.enqueue_dma source(%dma_start3A_550 : memref<512xi32, #tpu.memory_space<hbm>>) target(%dma_start3A_548 : memref<512xi32, #tpu.memory_space<vmem>>) target_semaphore(%arg8 : memref<!tpu.dma_semaphore, #tpu.memory_space<semaphore_mem>>)
    %dma_start3A_551 = arith.constant 61 : i32
    %dma_start3A_552 = arith.constant 31232 : i32
    %dma_start3A_553 = tpu.memref_slice %arg5[%dma_start3A_552] : memref<51200xi32, #tpu.memory_space<vmem>> -> memref<512xi32, #tpu.memory_space<vmem>>
    %dma_start3A_554 = tpu.memref_slice %arg2[%dma_start3A_551, %mul3A_2] : memref<100x16384xi32, #tpu.memory_space<hbm>> -> memref<1x512xi32, #tpu.memory_space<hbm>>
    %dma_start3A_555 = tpu.memref_squeeze %dma_start3A_554 : memref<1x512xi32, #tpu.memory_space<hbm>> -> memref<512xi32, #tpu.memory_space<hbm>>
    %dma_start3A_556 = arith.constant 31232 : i32
    %dma_start3A_557 = tpu.memref_slice %arg5[%dma_start3A_556] : memref<51200xi32, #tpu.memory_space<vmem>> -> memref<512xi32, #tpu.memory_space<vmem>>
    %dma_start3A_558 = tpu.memref_slice %arg2[%dma_start3A_551, %mul3A_2] : memref<100x16384xi32, #tpu.memory_space<hbm>> -> memref<1x512xi32, #tpu.memory_space<hbm>>
    %dma_start3A_559 = tpu.memref_squeeze %dma_start3A_558 : memref<1x512xi32, #tpu.memory_space<hbm>> -> memref<512xi32, #tpu.memory_space<hbm>>
    tpu.enqueue_dma source(%dma_start3A_559 : memref<512xi32, #tpu.memory_space<hbm>>) target(%dma_start3A_557 : memref<512xi32, #tpu.memory_space<vmem>>) target_semaphore(%arg8 : memref<!tpu.dma_semaphore, #tpu.memory_space<semaphore_mem>>)
    %dma_start3A_560 = arith.constant 62 : i32
    %dma_start3A_561 = arith.constant 31744 : i32
    %dma_start3A_562 = tpu.memref_slice %arg5[%dma_start3A_561] : memref<51200xi32, #tpu.memory_space<vmem>> -> memref<512xi32, #tpu.memory_space<vmem>>
    %dma_start3A_563 = tpu.memref_slice %arg2[%dma_start3A_560, %mul3A_2] : memref<100x16384xi32, #tpu.memory_space<hbm>> -> memref<1x512xi32, #tpu.memory_space<hbm>>
    %dma_start3A_564 = tpu.memref_squeeze %dma_start3A_563 : memref<1x512xi32, #tpu.memory_space<hbm>> -> memref<512xi32, #tpu.memory_space<hbm>>
    %dma_start3A_565 = arith.constant 31744 : i32
    %dma_start3A_566 = tpu.memref_slice %arg5[%dma_start3A_565] : memref<51200xi32, #tpu.memory_space<vmem>> -> memref<512xi32, #tpu.memory_space<vmem>>
    %dma_start3A_567 = tpu.memref_slice %arg2[%dma_start3A_560, %mul3A_2] : memref<100x16384xi32, #tpu.memory_space<hbm>> -> memref<1x512xi32, #tpu.memory_space<hbm>>
    %dma_start3A_568 = tpu.memref_squeeze %dma_start3A_567 : memref<1x512xi32, #tpu.memory_space<hbm>> -> memref<512xi32, #tpu.memory_space<hbm>>
    tpu.enqueue_dma source(%dma_start3A_568 : memref<512xi32, #tpu.memory_space<hbm>>) target(%dma_start3A_566 : memref<512xi32, #tpu.memory_space<vmem>>) target_semaphore(%arg8 : memref<!tpu.dma_semaphore, #tpu.memory_space<semaphore_mem>>)
    %dma_start3A_569 = arith.constant 63 : i32
    %dma_start3A_570 = arith.constant 32256 : i32
    %dma_start3A_571 = tpu.memref_slice %arg5[%dma_start3A_570] : memref<51200xi32, #tpu.memory_space<vmem>> -> memref<512xi32, #tpu.memory_space<vmem>>
    %dma_start3A_572 = tpu.memref_slice %arg2[%dma_start3A_569, %mul3A_2] : memref<100x16384xi32, #tpu.memory_space<hbm>> -> memref<1x512xi32, #tpu.memory_space<hbm>>
    %dma_start3A_573 = tpu.memref_squeeze %dma_start3A_572 : memref<1x512xi32, #tpu.memory_space<hbm>> -> memref<512xi32, #tpu.memory_space<hbm>>
    %dma_start3A_574 = arith.constant 32256 : i32
    %dma_start3A_575 = tpu.memref_slice %arg5[%dma_start3A_574] : memref<51200xi32, #tpu.memory_space<vmem>> -> memref<512xi32, #tpu.memory_space<vmem>>
    %dma_start3A_576 = tpu.memref_slice %arg2[%dma_start3A_569, %mul3A_2] : memref<100x16384xi32, #tpu.memory_space<hbm>> -> memref<1x512xi32, #tpu.memory_space<hbm>>
    %dma_start3A_577 = tpu.memref_squeeze %dma_start3A_576 : memref<1x512xi32, #tpu.memory_space<hbm>> -> memref<512xi32, #tpu.memory_space<hbm>>
    tpu.enqueue_dma source(%dma_start3A_577 : memref<512xi32, #tpu.memory_space<hbm>>) target(%dma_start3A_575 : memref<512xi32, #tpu.memory_space<vmem>>) target_semaphore(%arg8 : memref<!tpu.dma_semaphore, #tpu.memory_space<semaphore_mem>>)
    %dma_start3A_578 = arith.constant 64 : i32
    %dma_start3A_579 = arith.constant 32768 : i32
    %dma_start3A_580 = tpu.memref_slice %arg5[%dma_start3A_579] : memref<51200xi32, #tpu.memory_space<vmem>> -> memref<512xi32, #tpu.memory_space<vmem>>
    %dma_start3A_581 = tpu.memref_slice %arg2[%dma_start3A_578, %mul3A_2] : memref<100x16384xi32, #tpu.memory_space<hbm>> -> memref<1x512xi32, #tpu.memory_space<hbm>>
    %dma_start3A_582 = tpu.memref_squeeze %dma_start3A_581 : memref<1x512xi32, #tpu.memory_space<hbm>> -> memref<512xi32, #tpu.memory_space<hbm>>
    %dma_start3A_583 = arith.constant 32768 : i32
    %dma_start3A_584 = tpu.memref_slice %arg5[%dma_start3A_583] : memref<51200xi32, #tpu.memory_space<vmem>> -> memref<512xi32, #tpu.memory_space<vmem>>
    %dma_start3A_585 = tpu.memref_slice %arg2[%dma_start3A_578, %mul3A_2] : memref<100x16384xi32, #tpu.memory_space<hbm>> -> memref<1x512xi32, #tpu.memory_space<hbm>>
    %dma_start3A_586 = tpu.memref_squeeze %dma_start3A_585 : memref<1x512xi32, #tpu.memory_space<hbm>> -> memref<512xi32, #tpu.memory_space<hbm>>
    tpu.enqueue_dma source(%dma_start3A_586 : memref<512xi32, #tpu.memory_space<hbm>>) target(%dma_start3A_584 : memref<512xi32, #tpu.memory_space<vmem>>) target_semaphore(%arg8 : memref<!tpu.dma_semaphore, #tpu.memory_space<semaphore_mem>>)
    %dma_start3A_587 = arith.constant 65 : i32
    %dma_start3A_588 = arith.constant 33280 : i32
    %dma_start3A_589 = tpu.memref_slice %arg5[%dma_start3A_588] : memref<51200xi32, #tpu.memory_space<vmem>> -> memref<512xi32, #tpu.memory_space<vmem>>
    %dma_start3A_590 = tpu.memref_slice %arg2[%dma_start3A_587, %mul3A_2] : memref<100x16384xi32, #tpu.memory_space<hbm>> -> memref<1x512xi32, #tpu.memory_space<hbm>>
    %dma_start3A_591 = tpu.memref_squeeze %dma_start3A_590 : memref<1x512xi32, #tpu.memory_space<hbm>> -> memref<512xi32, #tpu.memory_space<hbm>>
    %dma_start3A_592 = arith.constant 33280 : i32
    %dma_start3A_593 = tpu.memref_slice %arg5[%dma_start3A_592] : memref<51200xi32, #tpu.memory_space<vmem>> -> memref<512xi32, #tpu.memory_space<vmem>>
    %dma_start3A_594 = tpu.memref_slice %arg2[%dma_start3A_587, %mul3A_2] : memref<100x16384xi32, #tpu.memory_space<hbm>> -> memref<1x512xi32, #tpu.memory_space<hbm>>
    %dma_start3A_595 = tpu.memref_squeeze %dma_start3A_594 : memref<1x512xi32, #tpu.memory_space<hbm>> -> memref<512xi32, #tpu.memory_space<hbm>>
    tpu.enqueue_dma source(%dma_start3A_595 : memref<512xi32, #tpu.memory_space<hbm>>) target(%dma_start3A_593 : memref<512xi32, #tpu.memory_space<vmem>>) target_semaphore(%arg8 : memref<!tpu.dma_semaphore, #tpu.memory_space<semaphore_mem>>)
    %dma_start3A_596 = arith.constant 66 : i32
    %dma_start3A_597 = arith.constant 33792 : i32
    %dma_start3A_598 = tpu.memref_slice %arg5[%dma_start3A_597] : memref<51200xi32, #tpu.memory_space<vmem>> -> memref<512xi32, #tpu.memory_space<vmem>>
    %dma_start3A_599 = tpu.memref_slice %arg2[%dma_start3A_596, %mul3A_2] : memref<100x16384xi32, #tpu.memory_space<hbm>> -> memref<1x512xi32, #tpu.memory_space<hbm>>
    %dma_start3A_600 = tpu.memref_squeeze %dma_start3A_599 : memref<1x512xi32, #tpu.memory_space<hbm>> -> memref<512xi32, #tpu.memory_space<hbm>>
    %dma_start3A_601 = arith.constant 33792 : i32
    %dma_start3A_602 = tpu.memref_slice %arg5[%dma_start3A_601] : memref<51200xi32, #tpu.memory_space<vmem>> -> memref<512xi32, #tpu.memory_space<vmem>>
    %dma_start3A_603 = tpu.memref_slice %arg2[%dma_start3A_596, %mul3A_2] : memref<100x16384xi32, #tpu.memory_space<hbm>> -> memref<1x512xi32, #tpu.memory_space<hbm>>
    %dma_start3A_604 = tpu.memref_squeeze %dma_start3A_603 : memref<1x512xi32, #tpu.memory_space<hbm>> -> memref<512xi32, #tpu.memory_space<hbm>>
    tpu.enqueue_dma source(%dma_start3A_604 : memref<512xi32, #tpu.memory_space<hbm>>) target(%dma_start3A_602 : memref<512xi32, #tpu.memory_space<vmem>>) target_semaphore(%arg8 : memref<!tpu.dma_semaphore, #tpu.memory_space<semaphore_mem>>)
    %dma_start3A_605 = arith.constant 67 : i32
    %dma_start3A_606 = arith.constant 34304 : i32
    %dma_start3A_607 = tpu.memref_slice %arg5[%dma_start3A_606] : memref<51200xi32, #tpu.memory_space<vmem>> -> memref<512xi32, #tpu.memory_space<vmem>>
    %dma_start3A_608 = tpu.memref_slice %arg2[%dma_start3A_605, %mul3A_2] : memref<100x16384xi32, #tpu.memory_space<hbm>> -> memref<1x512xi32, #tpu.memory_space<hbm>>
    %dma_start3A_609 = tpu.memref_squeeze %dma_start3A_608 : memref<1x512xi32, #tpu.memory_space<hbm>> -> memref<512xi32, #tpu.memory_space<hbm>>
    %dma_start3A_610 = arith.constant 34304 : i32
    %dma_start3A_611 = tpu.memref_slice %arg5[%dma_start3A_610] : memref<51200xi32, #tpu.memory_space<vmem>> -> memref<512xi32, #tpu.memory_space<vmem>>
    %dma_start3A_612 = tpu.memref_slice %arg2[%dma_start3A_605, %mul3A_2] : memref<100x16384xi32, #tpu.memory_space<hbm>> -> memref<1x512xi32, #tpu.memory_space<hbm>>
    %dma_start3A_613 = tpu.memref_squeeze %dma_start3A_612 : memref<1x512xi32, #tpu.memory_space<hbm>> -> memref<512xi32, #tpu.memory_space<hbm>>
    tpu.enqueue_dma source(%dma_start3A_613 : memref<512xi32, #tpu.memory_space<hbm>>) target(%dma_start3A_611 : memref<512xi32, #tpu.memory_space<vmem>>) target_semaphore(%arg8 : memref<!tpu.dma_semaphore, #tpu.memory_space<semaphore_mem>>)
    %dma_start3A_614 = arith.constant 68 : i32
    %dma_start3A_615 = arith.constant 34816 : i32
    %dma_start3A_616 = tpu.memref_slice %arg5[%dma_start3A_615] : memref<51200xi32, #tpu.memory_space<vmem>> -> memref<512xi32, #tpu.memory_space<vmem>>
    %dma_start3A_617 = tpu.memref_slice %arg2[%dma_start3A_614, %mul3A_2] : memref<100x16384xi32, #tpu.memory_space<hbm>> -> memref<1x512xi32, #tpu.memory_space<hbm>>
    %dma_start3A_618 = tpu.memref_squeeze %dma_start3A_617 : memref<1x512xi32, #tpu.memory_space<hbm>> -> memref<512xi32, #tpu.memory_space<hbm>>
    %dma_start3A_619 = arith.constant 34816 : i32
    %dma_start3A_620 = tpu.memref_slice %arg5[%dma_start3A_619] : memref<51200xi32, #tpu.memory_space<vmem>> -> memref<512xi32, #tpu.memory_space<vmem>>
    %dma_start3A_621 = tpu.memref_slice %arg2[%dma_start3A_614, %mul3A_2] : memref<100x16384xi32, #tpu.memory_space<hbm>> -> memref<1x512xi32, #tpu.memory_space<hbm>>
    %dma_start3A_622 = tpu.memref_squeeze %dma_start3A_621 : memref<1x512xi32, #tpu.memory_space<hbm>> -> memref<512xi32, #tpu.memory_space<hbm>>
    tpu.enqueue_dma source(%dma_start3A_622 : memref<512xi32, #tpu.memory_space<hbm>>) target(%dma_start3A_620 : memref<512xi32, #tpu.memory_space<vmem>>) target_semaphore(%arg8 : memref<!tpu.dma_semaphore, #tpu.memory_space<semaphore_mem>>)
    %dma_start3A_623 = arith.constant 69 : i32
    %dma_start3A_624 = arith.constant 35328 : i32
    %dma_start3A_625 = tpu.memref_slice %arg5[%dma_start3A_624] : memref<51200xi32, #tpu.memory_space<vmem>> -> memref<512xi32, #tpu.memory_space<vmem>>
    %dma_start3A_626 = tpu.memref_slice %arg2[%dma_start3A_623, %mul3A_2] : memref<100x16384xi32, #tpu.memory_space<hbm>> -> memref<1x512xi32, #tpu.memory_space<hbm>>
    %dma_start3A_627 = tpu.memref_squeeze %dma_start3A_626 : memref<1x512xi32, #tpu.memory_space<hbm>> -> memref<512xi32, #tpu.memory_space<hbm>>
    %dma_start3A_628 = arith.constant 35328 : i32
    %dma_start3A_629 = tpu.memref_slice %arg5[%dma_start3A_628] : memref<51200xi32, #tpu.memory_space<vmem>> -> memref<512xi32, #tpu.memory_space<vmem>>
    %dma_start3A_630 = tpu.memref_slice %arg2[%dma_start3A_623, %mul3A_2] : memref<100x16384xi32, #tpu.memory_space<hbm>> -> memref<1x512xi32, #tpu.memory_space<hbm>>
    %dma_start3A_631 = tpu.memref_squeeze %dma_start3A_630 : memref<1x512xi32, #tpu.memory_space<hbm>> -> memref<512xi32, #tpu.memory_space<hbm>>
    tpu.enqueue_dma source(%dma_start3A_631 : memref<512xi32, #tpu.memory_space<hbm>>) target(%dma_start3A_629 : memref<512xi32, #tpu.memory_space<vmem>>) target_semaphore(%arg8 : memref<!tpu.dma_semaphore, #tpu.memory_space<semaphore_mem>>)
    %dma_start3A_632 = arith.constant 70 : i32
    %dma_start3A_633 = arith.constant 35840 : i32
    %dma_start3A_634 = tpu.memref_slice %arg5[%dma_start3A_633] : memref<51200xi32, #tpu.memory_space<vmem>> -> memref<512xi32, #tpu.memory_space<vmem>>
    %dma_start3A_635 = tpu.memref_slice %arg2[%dma_start3A_632, %mul3A_2] : memref<100x16384xi32, #tpu.memory_space<hbm>> -> memref<1x512xi32, #tpu.memory_space<hbm>>
    %dma_start3A_636 = tpu.memref_squeeze %dma_start3A_635 : memref<1x512xi32, #tpu.memory_space<hbm>> -> memref<512xi32, #tpu.memory_space<hbm>>
    %dma_start3A_637 = arith.constant 35840 : i32
    %dma_start3A_638 = tpu.memref_slice %arg5[%dma_start3A_637] : memref<51200xi32, #tpu.memory_space<vmem>> -> memref<512xi32, #tpu.memory_space<vmem>>
    %dma_start3A_639 = tpu.memref_slice %arg2[%dma_start3A_632, %mul3A_2] : memref<100x16384xi32, #tpu.memory_space<hbm>> -> memref<1x512xi32, #tpu.memory_space<hbm>>
    %dma_start3A_640 = tpu.memref_squeeze %dma_start3A_639 : memref<1x512xi32, #tpu.memory_space<hbm>> -> memref<512xi32, #tpu.memory_space<hbm>>
    tpu.enqueue_dma source(%dma_start3A_640 : memref<512xi32, #tpu.memory_space<hbm>>) target(%dma_start3A_638 : memref<512xi32, #tpu.memory_space<vmem>>) target_semaphore(%arg8 : memref<!tpu.dma_semaphore, #tpu.memory_space<semaphore_mem>>)
    %dma_start3A_641 = arith.constant 71 : i32
    %dma_start3A_642 = arith.constant 36352 : i32
    %dma_start3A_643 = tpu.memref_slice %arg5[%dma_start3A_642] : memref<51200xi32, #tpu.memory_space<vmem>> -> memref<512xi32, #tpu.memory_space<vmem>>
    %dma_start3A_644 = tpu.memref_slice %arg2[%dma_start3A_641, %mul3A_2] : memref<100x16384xi32, #tpu.memory_space<hbm>> -> memref<1x512xi32, #tpu.memory_space<hbm>>
    %dma_start3A_645 = tpu.memref_squeeze %dma_start3A_644 : memref<1x512xi32, #tpu.memory_space<hbm>> -> memref<512xi32, #tpu.memory_space<hbm>>
    %dma_start3A_646 = arith.constant 36352 : i32
    %dma_start3A_647 = tpu.memref_slice %arg5[%dma_start3A_646] : memref<51200xi32, #tpu.memory_space<vmem>> -> memref<512xi32, #tpu.memory_space<vmem>>
    %dma_start3A_648 = tpu.memref_slice %arg2[%dma_start3A_641, %mul3A_2] : memref<100x16384xi32, #tpu.memory_space<hbm>> -> memref<1x512xi32, #tpu.memory_space<hbm>>
    %dma_start3A_649 = tpu.memref_squeeze %dma_start3A_648 : memref<1x512xi32, #tpu.memory_space<hbm>> -> memref<512xi32, #tpu.memory_space<hbm>>
    tpu.enqueue_dma source(%dma_start3A_649 : memref<512xi32, #tpu.memory_space<hbm>>) target(%dma_start3A_647 : memref<512xi32, #tpu.memory_space<vmem>>) target_semaphore(%arg8 : memref<!tpu.dma_semaphore, #tpu.memory_space<semaphore_mem>>)
    %dma_start3A_650 = arith.constant 72 : i32
    %dma_start3A_651 = arith.constant 36864 : i32
    %dma_start3A_652 = tpu.memref_slice %arg5[%dma_start3A_651] : memref<51200xi32, #tpu.memory_space<vmem>> -> memref<512xi32, #tpu.memory_space<vmem>>
    %dma_start3A_653 = tpu.memref_slice %arg2[%dma_start3A_650, %mul3A_2] : memref<100x16384xi32, #tpu.memory_space<hbm>> -> memref<1x512xi32, #tpu.memory_space<hbm>>
    %dma_start3A_654 = tpu.memref_squeeze %dma_start3A_653 : memref<1x512xi32, #tpu.memory_space<hbm>> -> memref<512xi32, #tpu.memory_space<hbm>>
    %dma_start3A_655 = arith.constant 36864 : i32
    %dma_start3A_656 = tpu.memref_slice %arg5[%dma_start3A_655] : memref<51200xi32, #tpu.memory_space<vmem>> -> memref<512xi32, #tpu.memory_space<vmem>>
    %dma_start3A_657 = tpu.memref_slice %arg2[%dma_start3A_650, %mul3A_2] : memref<100x16384xi32, #tpu.memory_space<hbm>> -> memref<1x512xi32, #tpu.memory_space<hbm>>
    %dma_start3A_658 = tpu.memref_squeeze %dma_start3A_657 : memref<1x512xi32, #tpu.memory_space<hbm>> -> memref<512xi32, #tpu.memory_space<hbm>>
    tpu.enqueue_dma source(%dma_start3A_658 : memref<512xi32, #tpu.memory_space<hbm>>) target(%dma_start3A_656 : memref<512xi32, #tpu.memory_space<vmem>>) target_semaphore(%arg8 : memref<!tpu.dma_semaphore, #tpu.memory_space<semaphore_mem>>)
    %dma_start3A_659 = arith.constant 73 : i32
    %dma_start3A_660 = arith.constant 37376 : i32
    %dma_start3A_661 = tpu.memref_slice %arg5[%dma_start3A_660] : memref<51200xi32, #tpu.memory_space<vmem>> -> memref<512xi32, #tpu.memory_space<vmem>>
    %dma_start3A_662 = tpu.memref_slice %arg2[%dma_start3A_659, %mul3A_2] : memref<100x16384xi32, #tpu.memory_space<hbm>> -> memref<1x512xi32, #tpu.memory_space<hbm>>
    %dma_start3A_663 = tpu.memref_squeeze %dma_start3A_662 : memref<1x512xi32, #tpu.memory_space<hbm>> -> memref<512xi32, #tpu.memory_space<hbm>>
    %dma_start3A_664 = arith.constant 37376 : i32
    %dma_start3A_665 = tpu.memref_slice %arg5[%dma_start3A_664] : memref<51200xi32, #tpu.memory_space<vmem>> -> memref<512xi32, #tpu.memory_space<vmem>>
    %dma_start3A_666 = tpu.memref_slice %arg2[%dma_start3A_659, %mul3A_2] : memref<100x16384xi32, #tpu.memory_space<hbm>> -> memref<1x512xi32, #tpu.memory_space<hbm>>
    %dma_start3A_667 = tpu.memref_squeeze %dma_start3A_666 : memref<1x512xi32, #tpu.memory_space<hbm>> -> memref<512xi32, #tpu.memory_space<hbm>>
    tpu.enqueue_dma source(%dma_start3A_667 : memref<512xi32, #tpu.memory_space<hbm>>) target(%dma_start3A_665 : memref<512xi32, #tpu.memory_space<vmem>>) target_semaphore(%arg8 : memref<!tpu.dma_semaphore, #tpu.memory_space<semaphore_mem>>)
    %dma_start3A_668 = arith.constant 74 : i32
    %dma_start3A_669 = arith.constant 37888 : i32
    %dma_start3A_670 = tpu.memref_slice %arg5[%dma_start3A_669] : memref<51200xi32, #tpu.memory_space<vmem>> -> memref<512xi32, #tpu.memory_space<vmem>>
    %dma_start3A_671 = tpu.memref_slice %arg2[%dma_start3A_668, %mul3A_2] : memref<100x16384xi32, #tpu.memory_space<hbm>> -> memref<1x512xi32, #tpu.memory_space<hbm>>
    %dma_start3A_672 = tpu.memref_squeeze %dma_start3A_671 : memref<1x512xi32, #tpu.memory_space<hbm>> -> memref<512xi32, #tpu.memory_space<hbm>>
    %dma_start3A_673 = arith.constant 37888 : i32
    %dma_start3A_674 = tpu.memref_slice %arg5[%dma_start3A_673] : memref<51200xi32, #tpu.memory_space<vmem>> -> memref<512xi32, #tpu.memory_space<vmem>>
    %dma_start3A_675 = tpu.memref_slice %arg2[%dma_start3A_668, %mul3A_2] : memref<100x16384xi32, #tpu.memory_space<hbm>> -> memref<1x512xi32, #tpu.memory_space<hbm>>
    %dma_start3A_676 = tpu.memref_squeeze %dma_start3A_675 : memref<1x512xi32, #tpu.memory_space<hbm>> -> memref<512xi32, #tpu.memory_space<hbm>>
    tpu.enqueue_dma source(%dma_start3A_676 : memref<512xi32, #tpu.memory_space<hbm>>) target(%dma_start3A_674 : memref<512xi32, #tpu.memory_space<vmem>>) target_semaphore(%arg8 : memref<!tpu.dma_semaphore, #tpu.memory_space<semaphore_mem>>)
    %dma_start3A_677 = arith.constant 75 : i32
    %dma_start3A_678 = arith.constant 38400 : i32
    %dma_start3A_679 = tpu.memref_slice %arg5[%dma_start3A_678] : memref<51200xi32, #tpu.memory_space<vmem>> -> memref<512xi32, #tpu.memory_space<vmem>>
    %dma_start3A_680 = tpu.memref_slice %arg2[%dma_start3A_677, %mul3A_2] : memref<100x16384xi32, #tpu.memory_space<hbm>> -> memref<1x512xi32, #tpu.memory_space<hbm>>
    %dma_start3A_681 = tpu.memref_squeeze %dma_start3A_680 : memref<1x512xi32, #tpu.memory_space<hbm>> -> memref<512xi32, #tpu.memory_space<hbm>>
    %dma_start3A_682 = arith.constant 38400 : i32
    %dma_start3A_683 = tpu.memref_slice %arg5[%dma_start3A_682] : memref<51200xi32, #tpu.memory_space<vmem>> -> memref<512xi32, #tpu.memory_space<vmem>>
    %dma_start3A_684 = tpu.memref_slice %arg2[%dma_start3A_677, %mul3A_2] : memref<100x16384xi32, #tpu.memory_space<hbm>> -> memref<1x512xi32, #tpu.memory_space<hbm>>
    %dma_start3A_685 = tpu.memref_squeeze %dma_start3A_684 : memref<1x512xi32, #tpu.memory_space<hbm>> -> memref<512xi32, #tpu.memory_space<hbm>>
    tpu.enqueue_dma source(%dma_start3A_685 : memref<512xi32, #tpu.memory_space<hbm>>) target(%dma_start3A_683 : memref<512xi32, #tpu.memory_space<vmem>>) target_semaphore(%arg8 : memref<!tpu.dma_semaphore, #tpu.memory_space<semaphore_mem>>)
    %dma_start3A_686 = arith.constant 76 : i32
    %dma_start3A_687 = arith.constant 38912 : i32
    %dma_start3A_688 = tpu.memref_slice %arg5[%dma_start3A_687] : memref<51200xi32, #tpu.memory_space<vmem>> -> memref<512xi32, #tpu.memory_space<vmem>>
    %dma_start3A_689 = tpu.memref_slice %arg2[%dma_start3A_686, %mul3A_2] : memref<100x16384xi32, #tpu.memory_space<hbm>> -> memref<1x512xi32, #tpu.memory_space<hbm>>
    %dma_start3A_690 = tpu.memref_squeeze %dma_start3A_689 : memref<1x512xi32, #tpu.memory_space<hbm>> -> memref<512xi32, #tpu.memory_space<hbm>>
    %dma_start3A_691 = arith.constant 38912 : i32
    %dma_start3A_692 = tpu.memref_slice %arg5[%dma_start3A_691] : memref<51200xi32, #tpu.memory_space<vmem>> -> memref<512xi32, #tpu.memory_space<vmem>>
    %dma_start3A_693 = tpu.memref_slice %arg2[%dma_start3A_686, %mul3A_2] : memref<100x16384xi32, #tpu.memory_space<hbm>> -> memref<1x512xi32, #tpu.memory_space<hbm>>
    %dma_start3A_694 = tpu.memref_squeeze %dma_start3A_693 : memref<1x512xi32, #tpu.memory_space<hbm>> -> memref<512xi32, #tpu.memory_space<hbm>>
    tpu.enqueue_dma source(%dma_start3A_694 : memref<512xi32, #tpu.memory_space<hbm>>) target(%dma_start3A_692 : memref<512xi32, #tpu.memory_space<vmem>>) target_semaphore(%arg8 : memref<!tpu.dma_semaphore, #tpu.memory_space<semaphore_mem>>)
    %dma_start3A_695 = arith.constant 77 : i32
    %dma_start3A_696 = arith.constant 39424 : i32
    %dma_start3A_697 = tpu.memref_slice %arg5[%dma_start3A_696] : memref<51200xi32, #tpu.memory_space<vmem>> -> memref<512xi32, #tpu.memory_space<vmem>>
    %dma_start3A_698 = tpu.memref_slice %arg2[%dma_start3A_695, %mul3A_2] : memref<100x16384xi32, #tpu.memory_space<hbm>> -> memref<1x512xi32, #tpu.memory_space<hbm>>
    %dma_start3A_699 = tpu.memref_squeeze %dma_start3A_698 : memref<1x512xi32, #tpu.memory_space<hbm>> -> memref<512xi32, #tpu.memory_space<hbm>>
    %dma_start3A_700 = arith.constant 39424 : i32
    %dma_start3A_701 = tpu.memref_slice %arg5[%dma_start3A_700] : memref<51200xi32, #tpu.memory_space<vmem>> -> memref<512xi32, #tpu.memory_space<vmem>>
    %dma_start3A_702 = tpu.memref_slice %arg2[%dma_start3A_695, %mul3A_2] : memref<100x16384xi32, #tpu.memory_space<hbm>> -> memref<1x512xi32, #tpu.memory_space<hbm>>
    %dma_start3A_703 = tpu.memref_squeeze %dma_start3A_702 : memref<1x512xi32, #tpu.memory_space<hbm>> -> memref<512xi32, #tpu.memory_space<hbm>>
    tpu.enqueue_dma source(%dma_start3A_703 : memref<512xi32, #tpu.memory_space<hbm>>) target(%dma_start3A_701 : memref<512xi32, #tpu.memory_space<vmem>>) target_semaphore(%arg8 : memref<!tpu.dma_semaphore, #tpu.memory_space<semaphore_mem>>)
    %dma_start3A_704 = arith.constant 78 : i32
    %dma_start3A_705 = arith.constant 39936 : i32
    %dma_start3A_706 = tpu.memref_slice %arg5[%dma_start3A_705] : memref<51200xi32, #tpu.memory_space<vmem>> -> memref<512xi32, #tpu.memory_space<vmem>>
    %dma_start3A_707 = tpu.memref_slice %arg2[%dma_start3A_704, %mul3A_2] : memref<100x16384xi32, #tpu.memory_space<hbm>> -> memref<1x512xi32, #tpu.memory_space<hbm>>
    %dma_start3A_708 = tpu.memref_squeeze %dma_start3A_707 : memref<1x512xi32, #tpu.memory_space<hbm>> -> memref<512xi32, #tpu.memory_space<hbm>>
    %dma_start3A_709 = arith.constant 39936 : i32
    %dma_start3A_710 = tpu.memref_slice %arg5[%dma_start3A_709] : memref<51200xi32, #tpu.memory_space<vmem>> -> memref<512xi32, #tpu.memory_space<vmem>>
    %dma_start3A_711 = tpu.memref_slice %arg2[%dma_start3A_704, %mul3A_2] : memref<100x16384xi32, #tpu.memory_space<hbm>> -> memref<1x512xi32, #tpu.memory_space<hbm>>
    %dma_start3A_712 = tpu.memref_squeeze %dma_start3A_711 : memref<1x512xi32, #tpu.memory_space<hbm>> -> memref<512xi32, #tpu.memory_space<hbm>>
    tpu.enqueue_dma source(%dma_start3A_712 : memref<512xi32, #tpu.memory_space<hbm>>) target(%dma_start3A_710 : memref<512xi32, #tpu.memory_space<vmem>>) target_semaphore(%arg8 : memref<!tpu.dma_semaphore, #tpu.memory_space<semaphore_mem>>)
    %dma_start3A_713 = arith.constant 79 : i32
    %dma_start3A_714 = arith.constant 40448 : i32
    %dma_start3A_715 = tpu.memref_slice %arg5[%dma_start3A_714] : memref<51200xi32, #tpu.memory_space<vmem>> -> memref<512xi32, #tpu.memory_space<vmem>>
    %dma_start3A_716 = tpu.memref_slice %arg2[%dma_start3A_713, %mul3A_2] : memref<100x16384xi32, #tpu.memory_space<hbm>> -> memref<1x512xi32, #tpu.memory_space<hbm>>
    %dma_start3A_717 = tpu.memref_squeeze %dma_start3A_716 : memref<1x512xi32, #tpu.memory_space<hbm>> -> memref<512xi32, #tpu.memory_space<hbm>>
    %dma_start3A_718 = arith.constant 40448 : i32
    %dma_start3A_719 = tpu.memref_slice %arg5[%dma_start3A_718] : memref<51200xi32, #tpu.memory_space<vmem>> -> memref<512xi32, #tpu.memory_space<vmem>>
    %dma_start3A_720 = tpu.memref_slice %arg2[%dma_start3A_713, %mul3A_2] : memref<100x16384xi32, #tpu.memory_space<hbm>> -> memref<1x512xi32, #tpu.memory_space<hbm>>
    %dma_start3A_721 = tpu.memref_squeeze %dma_start3A_720 : memref<1x512xi32, #tpu.memory_space<hbm>> -> memref<512xi32, #tpu.memory_space<hbm>>
    tpu.enqueue_dma source(%dma_start3A_721 : memref<512xi32, #tpu.memory_space<hbm>>) target(%dma_start3A_719 : memref<512xi32, #tpu.memory_space<vmem>>) target_semaphore(%arg8 : memref<!tpu.dma_semaphore, #tpu.memory_space<semaphore_mem>>)
    %dma_start3A_722 = arith.constant 80 : i32
    %dma_start3A_723 = arith.constant 40960 : i32
    %dma_start3A_724 = tpu.memref_slice %arg5[%dma_start3A_723] : memref<51200xi32, #tpu.memory_space<vmem>> -> memref<512xi32, #tpu.memory_space<vmem>>
    %dma_start3A_725 = tpu.memref_slice %arg2[%dma_start3A_722, %mul3A_2] : memref<100x16384xi32, #tpu.memory_space<hbm>> -> memref<1x512xi32, #tpu.memory_space<hbm>>
    %dma_start3A_726 = tpu.memref_squeeze %dma_start3A_725 : memref<1x512xi32, #tpu.memory_space<hbm>> -> memref<512xi32, #tpu.memory_space<hbm>>
    %dma_start3A_727 = arith.constant 40960 : i32
    %dma_start3A_728 = tpu.memref_slice %arg5[%dma_start3A_727] : memref<51200xi32, #tpu.memory_space<vmem>> -> memref<512xi32, #tpu.memory_space<vmem>>
    %dma_start3A_729 = tpu.memref_slice %arg2[%dma_start3A_722, %mul3A_2] : memref<100x16384xi32, #tpu.memory_space<hbm>> -> memref<1x512xi32, #tpu.memory_space<hbm>>
    %dma_start3A_730 = tpu.memref_squeeze %dma_start3A_729 : memref<1x512xi32, #tpu.memory_space<hbm>> -> memref<512xi32, #tpu.memory_space<hbm>>
    tpu.enqueue_dma source(%dma_start3A_730 : memref<512xi32, #tpu.memory_space<hbm>>) target(%dma_start3A_728 : memref<512xi32, #tpu.memory_space<vmem>>) target_semaphore(%arg8 : memref<!tpu.dma_semaphore, #tpu.memory_space<semaphore_mem>>)
    %dma_start3A_731 = arith.constant 81 : i32
    %dma_start3A_732 = arith.constant 41472 : i32
    %dma_start3A_733 = tpu.memref_slice %arg5[%dma_start3A_732] : memref<51200xi32, #tpu.memory_space<vmem>> -> memref<512xi32, #tpu.memory_space<vmem>>
    %dma_start3A_734 = tpu.memref_slice %arg2[%dma_start3A_731, %mul3A_2] : memref<100x16384xi32, #tpu.memory_space<hbm>> -> memref<1x512xi32, #tpu.memory_space<hbm>>
    %dma_start3A_735 = tpu.memref_squeeze %dma_start3A_734 : memref<1x512xi32, #tpu.memory_space<hbm>> -> memref<512xi32, #tpu.memory_space<hbm>>
    %dma_start3A_736 = arith.constant 41472 : i32
    %dma_start3A_737 = tpu.memref_slice %arg5[%dma_start3A_736] : memref<51200xi32, #tpu.memory_space<vmem>> -> memref<512xi32, #tpu.memory_space<vmem>>
    %dma_start3A_738 = tpu.memref_slice %arg2[%dma_start3A_731, %mul3A_2] : memref<100x16384xi32, #tpu.memory_space<hbm>> -> memref<1x512xi32, #tpu.memory_space<hbm>>
    %dma_start3A_739 = tpu.memref_squeeze %dma_start3A_738 : memref<1x512xi32, #tpu.memory_space<hbm>> -> memref<512xi32, #tpu.memory_space<hbm>>
    tpu.enqueue_dma source(%dma_start3A_739 : memref<512xi32, #tpu.memory_space<hbm>>) target(%dma_start3A_737 : memref<512xi32, #tpu.memory_space<vmem>>) target_semaphore(%arg8 : memref<!tpu.dma_semaphore, #tpu.memory_space<semaphore_mem>>)
    %dma_start3A_740 = arith.constant 82 : i32
    %dma_start3A_741 = arith.constant 41984 : i32
    %dma_start3A_742 = tpu.memref_slice %arg5[%dma_start3A_741] : memref<51200xi32, #tpu.memory_space<vmem>> -> memref<512xi32, #tpu.memory_space<vmem>>
    %dma_start3A_743 = tpu.memref_slice %arg2[%dma_start3A_740, %mul3A_2] : memref<100x16384xi32, #tpu.memory_space<hbm>> -> memref<1x512xi32, #tpu.memory_space<hbm>>
    %dma_start3A_744 = tpu.memref_squeeze %dma_start3A_743 : memref<1x512xi32, #tpu.memory_space<hbm>> -> memref<512xi32, #tpu.memory_space<hbm>>
    %dma_start3A_745 = arith.constant 41984 : i32
    %dma_start3A_746 = tpu.memref_slice %arg5[%dma_start3A_745] : memref<51200xi32, #tpu.memory_space<vmem>> -> memref<512xi32, #tpu.memory_space<vmem>>
    %dma_start3A_747 = tpu.memref_slice %arg2[%dma_start3A_740, %mul3A_2] : memref<100x16384xi32, #tpu.memory_space<hbm>> -> memref<1x512xi32, #tpu.memory_space<hbm>>
    %dma_start3A_748 = tpu.memref_squeeze %dma_start3A_747 : memref<1x512xi32, #tpu.memory_space<hbm>> -> memref<512xi32, #tpu.memory_space<hbm>>
    tpu.enqueue_dma source(%dma_start3A_748 : memref<512xi32, #tpu.memory_space<hbm>>) target(%dma_start3A_746 : memref<512xi32, #tpu.memory_space<vmem>>) target_semaphore(%arg8 : memref<!tpu.dma_semaphore, #tpu.memory_space<semaphore_mem>>)
    %dma_start3A_749 = arith.constant 83 : i32
    %dma_start3A_750 = arith.constant 42496 : i32
    %dma_start3A_751 = tpu.memref_slice %arg5[%dma_start3A_750] : memref<51200xi32, #tpu.memory_space<vmem>> -> memref<512xi32, #tpu.memory_space<vmem>>
    %dma_start3A_752 = tpu.memref_slice %arg2[%dma_start3A_749, %mul3A_2] : memref<100x16384xi32, #tpu.memory_space<hbm>> -> memref<1x512xi32, #tpu.memory_space<hbm>>
    %dma_start3A_753 = tpu.memref_squeeze %dma_start3A_752 : memref<1x512xi32, #tpu.memory_space<hbm>> -> memref<512xi32, #tpu.memory_space<hbm>>
    %dma_start3A_754 = arith.constant 42496 : i32
    %dma_start3A_755 = tpu.memref_slice %arg5[%dma_start3A_754] : memref<51200xi32, #tpu.memory_space<vmem>> -> memref<512xi32, #tpu.memory_space<vmem>>
    %dma_start3A_756 = tpu.memref_slice %arg2[%dma_start3A_749, %mul3A_2] : memref<100x16384xi32, #tpu.memory_space<hbm>> -> memref<1x512xi32, #tpu.memory_space<hbm>>
    %dma_start3A_757 = tpu.memref_squeeze %dma_start3A_756 : memref<1x512xi32, #tpu.memory_space<hbm>> -> memref<512xi32, #tpu.memory_space<hbm>>
    tpu.enqueue_dma source(%dma_start3A_757 : memref<512xi32, #tpu.memory_space<hbm>>) target(%dma_start3A_755 : memref<512xi32, #tpu.memory_space<vmem>>) target_semaphore(%arg8 : memref<!tpu.dma_semaphore, #tpu.memory_space<semaphore_mem>>)
    %dma_start3A_758 = arith.constant 84 : i32
    %dma_start3A_759 = arith.constant 43008 : i32
    %dma_start3A_760 = tpu.memref_slice %arg5[%dma_start3A_759] : memref<51200xi32, #tpu.memory_space<vmem>> -> memref<512xi32, #tpu.memory_space<vmem>>
    %dma_start3A_761 = tpu.memref_slice %arg2[%dma_start3A_758, %mul3A_2] : memref<100x16384xi32, #tpu.memory_space<hbm>> -> memref<1x512xi32, #tpu.memory_space<hbm>>
    %dma_start3A_762 = tpu.memref_squeeze %dma_start3A_761 : memref<1x512xi32, #tpu.memory_space<hbm>> -> memref<512xi32, #tpu.memory_space<hbm>>
    %dma_start3A_763 = arith.constant 43008 : i32
    %dma_start3A_764 = tpu.memref_slice %arg5[%dma_start3A_763] : memref<51200xi32, #tpu.memory_space<vmem>> -> memref<512xi32, #tpu.memory_space<vmem>>
    %dma_start3A_765 = tpu.memref_slice %arg2[%dma_start3A_758, %mul3A_2] : memref<100x16384xi32, #tpu.memory_space<hbm>> -> memref<1x512xi32, #tpu.memory_space<hbm>>
    %dma_start3A_766 = tpu.memref_squeeze %dma_start3A_765 : memref<1x512xi32, #tpu.memory_space<hbm>> -> memref<512xi32, #tpu.memory_space<hbm>>
    tpu.enqueue_dma source(%dma_start3A_766 : memref<512xi32, #tpu.memory_space<hbm>>) target(%dma_start3A_764 : memref<512xi32, #tpu.memory_space<vmem>>) target_semaphore(%arg8 : memref<!tpu.dma_semaphore, #tpu.memory_space<semaphore_mem>>)
    %dma_start3A_767 = arith.constant 85 : i32
    %dma_start3A_768 = arith.constant 43520 : i32
    %dma_start3A_769 = tpu.memref_slice %arg5[%dma_start3A_768] : memref<51200xi32, #tpu.memory_space<vmem>> -> memref<512xi32, #tpu.memory_space<vmem>>
    %dma_start3A_770 = tpu.memref_slice %arg2[%dma_start3A_767, %mul3A_2] : memref<100x16384xi32, #tpu.memory_space<hbm>> -> memref<1x512xi32, #tpu.memory_space<hbm>>
    %dma_start3A_771 = tpu.memref_squeeze %dma_start3A_770 : memref<1x512xi32, #tpu.memory_space<hbm>> -> memref<512xi32, #tpu.memory_space<hbm>>
    %dma_start3A_772 = arith.constant 43520 : i32
    %dma_start3A_773 = tpu.memref_slice %arg5[%dma_start3A_772] : memref<51200xi32, #tpu.memory_space<vmem>> -> memref<512xi32, #tpu.memory_space<vmem>>
    %dma_start3A_774 = tpu.memref_slice %arg2[%dma_start3A_767, %mul3A_2] : memref<100x16384xi32, #tpu.memory_space<hbm>> -> memref<1x512xi32, #tpu.memory_space<hbm>>
    %dma_start3A_775 = tpu.memref_squeeze %dma_start3A_774 : memref<1x512xi32, #tpu.memory_space<hbm>> -> memref<512xi32, #tpu.memory_space<hbm>>
    tpu.enqueue_dma source(%dma_start3A_775 : memref<512xi32, #tpu.memory_space<hbm>>) target(%dma_start3A_773 : memref<512xi32, #tpu.memory_space<vmem>>) target_semaphore(%arg8 : memref<!tpu.dma_semaphore, #tpu.memory_space<semaphore_mem>>)
    %dma_start3A_776 = arith.constant 86 : i32
    %dma_start3A_777 = arith.constant 44032 : i32
    %dma_start3A_778 = tpu.memref_slice %arg5[%dma_start3A_777] : memref<51200xi32, #tpu.memory_space<vmem>> -> memref<512xi32, #tpu.memory_space<vmem>>
    %dma_start3A_779 = tpu.memref_slice %arg2[%dma_start3A_776, %mul3A_2] : memref<100x16384xi32, #tpu.memory_space<hbm>> -> memref<1x512xi32, #tpu.memory_space<hbm>>
    %dma_start3A_780 = tpu.memref_squeeze %dma_start3A_779 : memref<1x512xi32, #tpu.memory_space<hbm>> -> memref<512xi32, #tpu.memory_space<hbm>>
    %dma_start3A_781 = arith.constant 44032 : i32
    %dma_start3A_782 = tpu.memref_slice %arg5[%dma_start3A_781] : memref<51200xi32, #tpu.memory_space<vmem>> -> memref<512xi32, #tpu.memory_space<vmem>>
    %dma_start3A_783 = tpu.memref_slice %arg2[%dma_start3A_776, %mul3A_2] : memref<100x16384xi32, #tpu.memory_space<hbm>> -> memref<1x512xi32, #tpu.memory_space<hbm>>
    %dma_start3A_784 = tpu.memref_squeeze %dma_start3A_783 : memref<1x512xi32, #tpu.memory_space<hbm>> -> memref<512xi32, #tpu.memory_space<hbm>>
    tpu.enqueue_dma source(%dma_start3A_784 : memref<512xi32, #tpu.memory_space<hbm>>) target(%dma_start3A_782 : memref<512xi32, #tpu.memory_space<vmem>>) target_semaphore(%arg8 : memref<!tpu.dma_semaphore, #tpu.memory_space<semaphore_mem>>)
    %dma_start3A_785 = arith.constant 87 : i32
    %dma_start3A_786 = arith.constant 44544 : i32
    %dma_start3A_787 = tpu.memref_slice %arg5[%dma_start3A_786] : memref<51200xi32, #tpu.memory_space<vmem>> -> memref<512xi32, #tpu.memory_space<vmem>>
    %dma_start3A_788 = tpu.memref_slice %arg2[%dma_start3A_785, %mul3A_2] : memref<100x16384xi32, #tpu.memory_space<hbm>> -> memref<1x512xi32, #tpu.memory_space<hbm>>
    %dma_start3A_789 = tpu.memref_squeeze %dma_start3A_788 : memref<1x512xi32, #tpu.memory_space<hbm>> -> memref<512xi32, #tpu.memory_space<hbm>>
    %dma_start3A_790 = arith.constant 44544 : i32
    %dma_start3A_791 = tpu.memref_slice %arg5[%dma_start3A_790] : memref<51200xi32, #tpu.memory_space<vmem>> -> memref<512xi32, #tpu.memory_space<vmem>>
    %dma_start3A_792 = tpu.memref_slice %arg2[%dma_start3A_785, %mul3A_2] : memref<100x16384xi32, #tpu.memory_space<hbm>> -> memref<1x512xi32, #tpu.memory_space<hbm>>
    %dma_start3A_793 = tpu.memref_squeeze %dma_start3A_792 : memref<1x512xi32, #tpu.memory_space<hbm>> -> memref<512xi32, #tpu.memory_space<hbm>>
    tpu.enqueue_dma source(%dma_start3A_793 : memref<512xi32, #tpu.memory_space<hbm>>) target(%dma_start3A_791 : memref<512xi32, #tpu.memory_space<vmem>>) target_semaphore(%arg8 : memref<!tpu.dma_semaphore, #tpu.memory_space<semaphore_mem>>)
    %dma_start3A_794 = arith.constant 88 : i32
    %dma_start3A_795 = arith.constant 45056 : i32
    %dma_start3A_796 = tpu.memref_slice %arg5[%dma_start3A_795] : memref<51200xi32, #tpu.memory_space<vmem>> -> memref<512xi32, #tpu.memory_space<vmem>>
    %dma_start3A_797 = tpu.memref_slice %arg2[%dma_start3A_794, %mul3A_2] : memref<100x16384xi32, #tpu.memory_space<hbm>> -> memref<1x512xi32, #tpu.memory_space<hbm>>
    %dma_start3A_798 = tpu.memref_squeeze %dma_start3A_797 : memref<1x512xi32, #tpu.memory_space<hbm>> -> memref<512xi32, #tpu.memory_space<hbm>>
    %dma_start3A_799 = arith.constant 45056 : i32
    %dma_start3A_800 = tpu.memref_slice %arg5[%dma_start3A_799] : memref<51200xi32, #tpu.memory_space<vmem>> -> memref<512xi32, #tpu.memory_space<vmem>>
    %dma_start3A_801 = tpu.memref_slice %arg2[%dma_start3A_794, %mul3A_2] : memref<100x16384xi32, #tpu.memory_space<hbm>> -> memref<1x512xi32, #tpu.memory_space<hbm>>
    %dma_start3A_802 = tpu.memref_squeeze %dma_start3A_801 : memref<1x512xi32, #tpu.memory_space<hbm>> -> memref<512xi32, #tpu.memory_space<hbm>>
    tpu.enqueue_dma source(%dma_start3A_802 : memref<512xi32, #tpu.memory_space<hbm>>) target(%dma_start3A_800 : memref<512xi32, #tpu.memory_space<vmem>>) target_semaphore(%arg8 : memref<!tpu.dma_semaphore, #tpu.memory_space<semaphore_mem>>)
    %dma_start3A_803 = arith.constant 89 : i32
    %dma_start3A_804 = arith.constant 45568 : i32
    %dma_start3A_805 = tpu.memref_slice %arg5[%dma_start3A_804] : memref<51200xi32, #tpu.memory_space<vmem>> -> memref<512xi32, #tpu.memory_space<vmem>>
    %dma_start3A_806 = tpu.memref_slice %arg2[%dma_start3A_803, %mul3A_2] : memref<100x16384xi32, #tpu.memory_space<hbm>> -> memref<1x512xi32, #tpu.memory_space<hbm>>
    %dma_start3A_807 = tpu.memref_squeeze %dma_start3A_806 : memref<1x512xi32, #tpu.memory_space<hbm>> -> memref<512xi32, #tpu.memory_space<hbm>>
    %dma_start3A_808 = arith.constant 45568 : i32
    %dma_start3A_809 = tpu.memref_slice %arg5[%dma_start3A_808] : memref<51200xi32, #tpu.memory_space<vmem>> -> memref<512xi32, #tpu.memory_space<vmem>>
    %dma_start3A_810 = tpu.memref_slice %arg2[%dma_start3A_803, %mul3A_2] : memref<100x16384xi32, #tpu.memory_space<hbm>> -> memref<1x512xi32, #tpu.memory_space<hbm>>
    %dma_start3A_811 = tpu.memref_squeeze %dma_start3A_810 : memref<1x512xi32, #tpu.memory_space<hbm>> -> memref<512xi32, #tpu.memory_space<hbm>>
    tpu.enqueue_dma source(%dma_start3A_811 : memref<512xi32, #tpu.memory_space<hbm>>) target(%dma_start3A_809 : memref<512xi32, #tpu.memory_space<vmem>>) target_semaphore(%arg8 : memref<!tpu.dma_semaphore, #tpu.memory_space<semaphore_mem>>)
    %dma_start3A_812 = arith.constant 90 : i32
    %dma_start3A_813 = arith.constant 46080 : i32
    %dma_start3A_814 = tpu.memref_slice %arg5[%dma_start3A_813] : memref<51200xi32, #tpu.memory_space<vmem>> -> memref<512xi32, #tpu.memory_space<vmem>>
    %dma_start3A_815 = tpu.memref_slice %arg2[%dma_start3A_812, %mul3A_2] : memref<100x16384xi32, #tpu.memory_space<hbm>> -> memref<1x512xi32, #tpu.memory_space<hbm>>
    %dma_start3A_816 = tpu.memref_squeeze %dma_start3A_815 : memref<1x512xi32, #tpu.memory_space<hbm>> -> memref<512xi32, #tpu.memory_space<hbm>>
    %dma_start3A_817 = arith.constant 46080 : i32
    %dma_start3A_818 = tpu.memref_slice %arg5[%dma_start3A_817] : memref<51200xi32, #tpu.memory_space<vmem>> -> memref<512xi32, #tpu.memory_space<vmem>>
    %dma_start3A_819 = tpu.memref_slice %arg2[%dma_start3A_812, %mul3A_2] : memref<100x16384xi32, #tpu.memory_space<hbm>> -> memref<1x512xi32, #tpu.memory_space<hbm>>
    %dma_start3A_820 = tpu.memref_squeeze %dma_start3A_819 : memref<1x512xi32, #tpu.memory_space<hbm>> -> memref<512xi32, #tpu.memory_space<hbm>>
    tpu.enqueue_dma source(%dma_start3A_820 : memref<512xi32, #tpu.memory_space<hbm>>) target(%dma_start3A_818 : memref<512xi32, #tpu.memory_space<vmem>>) target_semaphore(%arg8 : memref<!tpu.dma_semaphore, #tpu.memory_space<semaphore_mem>>)
    %dma_start3A_821 = arith.constant 91 : i32
    %dma_start3A_822 = arith.constant 46592 : i32
    %dma_start3A_823 = tpu.memref_slice %arg5[%dma_start3A_822] : memref<51200xi32, #tpu.memory_space<vmem>> -> memref<512xi32, #tpu.memory_space<vmem>>
    %dma_start3A_824 = tpu.memref_slice %arg2[%dma_start3A_821, %mul3A_2] : memref<100x16384xi32, #tpu.memory_space<hbm>> -> memref<1x512xi32, #tpu.memory_space<hbm>>
    %dma_start3A_825 = tpu.memref_squeeze %dma_start3A_824 : memref<1x512xi32, #tpu.memory_space<hbm>> -> memref<512xi32, #tpu.memory_space<hbm>>
    %dma_start3A_826 = arith.constant 46592 : i32
    %dma_start3A_827 = tpu.memref_slice %arg5[%dma_start3A_826] : memref<51200xi32, #tpu.memory_space<vmem>> -> memref<512xi32, #tpu.memory_space<vmem>>
    %dma_start3A_828 = tpu.memref_slice %arg2[%dma_start3A_821, %mul3A_2] : memref<100x16384xi32, #tpu.memory_space<hbm>> -> memref<1x512xi32, #tpu.memory_space<hbm>>
    %dma_start3A_829 = tpu.memref_squeeze %dma_start3A_828 : memref<1x512xi32, #tpu.memory_space<hbm>> -> memref<512xi32, #tpu.memory_space<hbm>>
    tpu.enqueue_dma source(%dma_start3A_829 : memref<512xi32, #tpu.memory_space<hbm>>) target(%dma_start3A_827 : memref<512xi32, #tpu.memory_space<vmem>>) target_semaphore(%arg8 : memref<!tpu.dma_semaphore, #tpu.memory_space<semaphore_mem>>)
    %dma_start3A_830 = arith.constant 92 : i32
    %dma_start3A_831 = arith.constant 47104 : i32
    %dma_start3A_832 = tpu.memref_slice %arg5[%dma_start3A_831] : memref<51200xi32, #tpu.memory_space<vmem>> -> memref<512xi32, #tpu.memory_space<vmem>>
    %dma_start3A_833 = tpu.memref_slice %arg2[%dma_start3A_830, %mul3A_2] : memref<100x16384xi32, #tpu.memory_space<hbm>> -> memref<1x512xi32, #tpu.memory_space<hbm>>
    %dma_start3A_834 = tpu.memref_squeeze %dma_start3A_833 : memref<1x512xi32, #tpu.memory_space<hbm>> -> memref<512xi32, #tpu.memory_space<hbm>>
    %dma_start3A_835 = arith.constant 47104 : i32
    %dma_start3A_836 = tpu.memref_slice %arg5[%dma_start3A_835] : memref<51200xi32, #tpu.memory_space<vmem>> -> memref<512xi32, #tpu.memory_space<vmem>>
    %dma_start3A_837 = tpu.memref_slice %arg2[%dma_start3A_830, %mul3A_2] : memref<100x16384xi32, #tpu.memory_space<hbm>> -> memref<1x512xi32, #tpu.memory_space<hbm>>
    %dma_start3A_838 = tpu.memref_squeeze %dma_start3A_837 : memref<1x512xi32, #tpu.memory_space<hbm>> -> memref<512xi32, #tpu.memory_space<hbm>>
    tpu.enqueue_dma source(%dma_start3A_838 : memref<512xi32, #tpu.memory_space<hbm>>) target(%dma_start3A_836 : memref<512xi32, #tpu.memory_space<vmem>>) target_semaphore(%arg8 : memref<!tpu.dma_semaphore, #tpu.memory_space<semaphore_mem>>)
    %dma_start3A_839 = arith.constant 93 : i32
    %dma_start3A_840 = arith.constant 47616 : i32
    %dma_start3A_841 = tpu.memref_slice %arg5[%dma_start3A_840] : memref<51200xi32, #tpu.memory_space<vmem>> -> memref<512xi32, #tpu.memory_space<vmem>>
    %dma_start3A_842 = tpu.memref_slice %arg2[%dma_start3A_839, %mul3A_2] : memref<100x16384xi32, #tpu.memory_space<hbm>> -> memref<1x512xi32, #tpu.memory_space<hbm>>
    %dma_start3A_843 = tpu.memref_squeeze %dma_start3A_842 : memref<1x512xi32, #tpu.memory_space<hbm>> -> memref<512xi32, #tpu.memory_space<hbm>>
    %dma_start3A_844 = arith.constant 47616 : i32
    %dma_start3A_845 = tpu.memref_slice %arg5[%dma_start3A_844] : memref<51200xi32, #tpu.memory_space<vmem>> -> memref<512xi32, #tpu.memory_space<vmem>>
    %dma_start3A_846 = tpu.memref_slice %arg2[%dma_start3A_839, %mul3A_2] : memref<100x16384xi32, #tpu.memory_space<hbm>> -> memref<1x512xi32, #tpu.memory_space<hbm>>
    %dma_start3A_847 = tpu.memref_squeeze %dma_start3A_846 : memref<1x512xi32, #tpu.memory_space<hbm>> -> memref<512xi32, #tpu.memory_space<hbm>>
    tpu.enqueue_dma source(%dma_start3A_847 : memref<512xi32, #tpu.memory_space<hbm>>) target(%dma_start3A_845 : memref<512xi32, #tpu.memory_space<vmem>>) target_semaphore(%arg8 : memref<!tpu.dma_semaphore, #tpu.memory_space<semaphore_mem>>)
    %dma_start3A_848 = arith.constant 94 : i32
    %dma_start3A_849 = arith.constant 48128 : i32
    %dma_start3A_850 = tpu.memref_slice %arg5[%dma_start3A_849] : memref<51200xi32, #tpu.memory_space<vmem>> -> memref<512xi32, #tpu.memory_space<vmem>>
    %dma_start3A_851 = tpu.memref_slice %arg2[%dma_start3A_848, %mul3A_2] : memref<100x16384xi32, #tpu.memory_space<hbm>> -> memref<1x512xi32, #tpu.memory_space<hbm>>
    %dma_start3A_852 = tpu.memref_squeeze %dma_start3A_851 : memref<1x512xi32, #tpu.memory_space<hbm>> -> memref<512xi32, #tpu.memory_space<hbm>>
    %dma_start3A_853 = arith.constant 48128 : i32
    %dma_start3A_854 = tpu.memref_slice %arg5[%dma_start3A_853] : memref<51200xi32, #tpu.memory_space<vmem>> -> memref<512xi32, #tpu.memory_space<vmem>>
    %dma_start3A_855 = tpu.memref_slice %arg2[%dma_start3A_848, %mul3A_2] : memref<100x16384xi32, #tpu.memory_space<hbm>> -> memref<1x512xi32, #tpu.memory_space<hbm>>
    %dma_start3A_856 = tpu.memref_squeeze %dma_start3A_855 : memref<1x512xi32, #tpu.memory_space<hbm>> -> memref<512xi32, #tpu.memory_space<hbm>>
    tpu.enqueue_dma source(%dma_start3A_856 : memref<512xi32, #tpu.memory_space<hbm>>) target(%dma_start3A_854 : memref<512xi32, #tpu.memory_space<vmem>>) target_semaphore(%arg8 : memref<!tpu.dma_semaphore, #tpu.memory_space<semaphore_mem>>)
    %dma_start3A_857 = arith.constant 95 : i32
    %dma_start3A_858 = arith.constant 48640 : i32
    %dma_start3A_859 = tpu.memref_slice %arg5[%dma_start3A_858] : memref<51200xi32, #tpu.memory_space<vmem>> -> memref<512xi32, #tpu.memory_space<vmem>>
    %dma_start3A_860 = tpu.memref_slice %arg2[%dma_start3A_857, %mul3A_2] : memref<100x16384xi32, #tpu.memory_space<hbm>> -> memref<1x512xi32, #tpu.memory_space<hbm>>
    %dma_start3A_861 = tpu.memref_squeeze %dma_start3A_860 : memref<1x512xi32, #tpu.memory_space<hbm>> -> memref<512xi32, #tpu.memory_space<hbm>>
    %dma_start3A_862 = arith.constant 48640 : i32
    %dma_start3A_863 = tpu.memref_slice %arg5[%dma_start3A_862] : memref<51200xi32, #tpu.memory_space<vmem>> -> memref<512xi32, #tpu.memory_space<vmem>>
    %dma_start3A_864 = tpu.memref_slice %arg2[%dma_start3A_857, %mul3A_2] : memref<100x16384xi32, #tpu.memory_space<hbm>> -> memref<1x512xi32, #tpu.memory_space<hbm>>
    %dma_start3A_865 = tpu.memref_squeeze %dma_start3A_864 : memref<1x512xi32, #tpu.memory_space<hbm>> -> memref<512xi32, #tpu.memory_space<hbm>>
    tpu.enqueue_dma source(%dma_start3A_865 : memref<512xi32, #tpu.memory_space<hbm>>) target(%dma_start3A_863 : memref<512xi32, #tpu.memory_space<vmem>>) target_semaphore(%arg8 : memref<!tpu.dma_semaphore, #tpu.memory_space<semaphore_mem>>)
    %dma_start3A_866 = arith.constant 96 : i32
    %dma_start3A_867 = arith.constant 49152 : i32
    %dma_start3A_868 = tpu.memref_slice %arg5[%dma_start3A_867] : memref<51200xi32, #tpu.memory_space<vmem>> -> memref<512xi32, #tpu.memory_space<vmem>>
    %dma_start3A_869 = tpu.memref_slice %arg2[%dma_start3A_866, %mul3A_2] : memref<100x16384xi32, #tpu.memory_space<hbm>> -> memref<1x512xi32, #tpu.memory_space<hbm>>
    %dma_start3A_870 = tpu.memref_squeeze %dma_start3A_869 : memref<1x512xi32, #tpu.memory_space<hbm>> -> memref<512xi32, #tpu.memory_space<hbm>>
    %dma_start3A_871 = arith.constant 49152 : i32
    %dma_start3A_872 = tpu.memref_slice %arg5[%dma_start3A_871] : memref<51200xi32, #tpu.memory_space<vmem>> -> memref<512xi32, #tpu.memory_space<vmem>>
    %dma_start3A_873 = tpu.memref_slice %arg2[%dma_start3A_866, %mul3A_2] : memref<100x16384xi32, #tpu.memory_space<hbm>> -> memref<1x512xi32, #tpu.memory_space<hbm>>
    %dma_start3A_874 = tpu.memref_squeeze %dma_start3A_873 : memref<1x512xi32, #tpu.memory_space<hbm>> -> memref<512xi32, #tpu.memory_space<hbm>>
    tpu.enqueue_dma source(%dma_start3A_874 : memref<512xi32, #tpu.memory_space<hbm>>) target(%dma_start3A_872 : memref<512xi32, #tpu.memory_space<vmem>>) target_semaphore(%arg8 : memref<!tpu.dma_semaphore, #tpu.memory_space<semaphore_mem>>)
    %dma_start3A_875 = arith.constant 97 : i32
    %dma_start3A_876 = arith.constant 49664 : i32
    %dma_start3A_877 = tpu.memref_slice %arg5[%dma_start3A_876] : memref<51200xi32, #tpu.memory_space<vmem>> -> memref<512xi32, #tpu.memory_space<vmem>>
    %dma_start3A_878 = tpu.memref_slice %arg2[%dma_start3A_875, %mul3A_2] : memref<100x16384xi32, #tpu.memory_space<hbm>> -> memref<1x512xi32, #tpu.memory_space<hbm>>
    %dma_start3A_879 = tpu.memref_squeeze %dma_start3A_878 : memref<1x512xi32, #tpu.memory_space<hbm>> -> memref<512xi32, #tpu.memory_space<hbm>>
    %dma_start3A_880 = arith.constant 49664 : i32
    %dma_start3A_881 = tpu.memref_slice %arg5[%dma_start3A_880] : memref<51200xi32, #tpu.memory_space<vmem>> -> memref<512xi32, #tpu.memory_space<vmem>>
    %dma_start3A_882 = tpu.memref_slice %arg2[%dma_start3A_875, %mul3A_2] : memref<100x16384xi32, #tpu.memory_space<hbm>> -> memref<1x512xi32, #tpu.memory_space<hbm>>
    %dma_start3A_883 = tpu.memref_squeeze %dma_start3A_882 : memref<1x512xi32, #tpu.memory_space<hbm>> -> memref<512xi32, #tpu.memory_space<hbm>>
    tpu.enqueue_dma source(%dma_start3A_883 : memref<512xi32, #tpu.memory_space<hbm>>) target(%dma_start3A_881 : memref<512xi32, #tpu.memory_space<vmem>>) target_semaphore(%arg8 : memref<!tpu.dma_semaphore, #tpu.memory_space<semaphore_mem>>)
    %dma_start3A_884 = arith.constant 98 : i32
    %dma_start3A_885 = arith.constant 50176 : i32
    %dma_start3A_886 = tpu.memref_slice %arg5[%dma_start3A_885] : memref<51200xi32, #tpu.memory_space<vmem>> -> memref<512xi32, #tpu.memory_space<vmem>>
    %dma_start3A_887 = tpu.memref_slice %arg2[%dma_start3A_884, %mul3A_2] : memref<100x16384xi32, #tpu.memory_space<hbm>> -> memref<1x512xi32, #tpu.memory_space<hbm>>
    %dma_start3A_888 = tpu.memref_squeeze %dma_start3A_887 : memref<1x512xi32, #tpu.memory_space<hbm>> -> memref<512xi32, #tpu.memory_space<hbm>>
    %dma_start3A_889 = arith.constant 50176 : i32
    %dma_start3A_890 = tpu.memref_slice %arg5[%dma_start3A_889] : memref<51200xi32, #tpu.memory_space<vmem>> -> memref<512xi32, #tpu.memory_space<vmem>>
    %dma_start3A_891 = tpu.memref_slice %arg2[%dma_start3A_884, %mul3A_2] : memref<100x16384xi32, #tpu.memory_space<hbm>> -> memref<1x512xi32, #tpu.memory_space<hbm>>
    %dma_start3A_892 = tpu.memref_squeeze %dma_start3A_891 : memref<1x512xi32, #tpu.memory_space<hbm>> -> memref<512xi32, #tpu.memory_space<hbm>>
    tpu.enqueue_dma source(%dma_start3A_892 : memref<512xi32, #tpu.memory_space<hbm>>) target(%dma_start3A_890 : memref<512xi32, #tpu.memory_space<vmem>>) target_semaphore(%arg8 : memref<!tpu.dma_semaphore, #tpu.memory_space<semaphore_mem>>)
    %dma_start3A_893 = arith.constant 99 : i32
    %dma_start3A_894 = arith.constant 50688 : i32
    %dma_start3A_895 = tpu.memref_slice %arg5[%dma_start3A_894] : memref<51200xi32, #tpu.memory_space<vmem>> -> memref<512xi32, #tpu.memory_space<vmem>>
    %dma_start3A_896 = tpu.memref_slice %arg2[%dma_start3A_893, %mul3A_2] : memref<100x16384xi32, #tpu.memory_space<hbm>> -> memref<1x512xi32, #tpu.memory_space<hbm>>
    %dma_start3A_897 = tpu.memref_squeeze %dma_start3A_896 : memref<1x512xi32, #tpu.memory_space<hbm>> -> memref<512xi32, #tpu.memory_space<hbm>>
    %dma_start3A_898 = arith.constant 50688 : i32
    %dma_start3A_899 = tpu.memref_slice %arg5[%dma_start3A_898] : memref<51200xi32, #tpu.memory_space<vmem>> -> memref<512xi32, #tpu.memory_space<vmem>>
    %dma_start3A_900 = tpu.memref_slice %arg2[%dma_start3A_893, %mul3A_2] : memref<100x16384xi32, #tpu.memory_space<hbm>> -> memref<1x512xi32, #tpu.memory_space<hbm>>
    %dma_start3A_901 = tpu.memref_squeeze %dma_start3A_900 : memref<1x512xi32, #tpu.memory_space<hbm>> -> memref<512xi32, #tpu.memory_space<hbm>>
    tpu.enqueue_dma source(%dma_start3A_901 : memref<512xi32, #tpu.memory_space<hbm>>) target(%dma_start3A_899 : memref<512xi32, #tpu.memory_space<vmem>>) target_semaphore(%arg8 : memref<!tpu.dma_semaphore, #tpu.memory_space<semaphore_mem>>)
    %dma_wait3A = arith.constant 0 : i32
    %dma_wait3A_902 = arith.constant 0 : i32
    %dma_wait3A_903 = tpu.memref_slice %arg5[%dma_wait3A_902] : memref<51200xi32, #tpu.memory_space<vmem>> -> memref<512xi32, #tpu.memory_space<vmem>>
    %dma_wait3A_904 = tpu.memref_slice %arg2[%dma_wait3A, %mul3A_2] : memref<100x16384xi32, #tpu.memory_space<hbm>> -> memref<1x512xi32, #tpu.memory_space<hbm>>
    %dma_wait3A_905 = tpu.memref_squeeze %dma_wait3A_904 : memref<1x512xi32, #tpu.memory_space<hbm>> -> memref<512xi32, #tpu.memory_space<hbm>>
    %dma_wait3A_906 = arith.constant 0 : i32
    %dma_wait3A_907 = tpu.memref_slice %arg5[%dma_wait3A_906] : memref<51200xi32, #tpu.memory_space<vmem>> -> memref<512xi32, #tpu.memory_space<vmem>>
    %dma_wait3A_908 = tpu.memref_slice %arg2[%dma_wait3A, %mul3A_2] : memref<100x16384xi32, #tpu.memory_space<hbm>> -> memref<1x512xi32, #tpu.memory_space<hbm>>
    %dma_wait3A_909 = tpu.memref_squeeze %dma_wait3A_908 : memref<1x512xi32, #tpu.memory_space<hbm>> -> memref<512xi32, #tpu.memory_space<hbm>>
    tpu.wait_dma2 semaphore(%arg8 : memref<!tpu.dma_semaphore, #tpu.memory_space<semaphore_mem>>) src(%dma_wait3A_909 : memref<512xi32, #tpu.memory_space<hbm>>) dst(%dma_wait3A_907 : memref<512xi32, #tpu.memory_space<vmem>>)
    %dma_wait3A_910 = arith.constant 1 : i32
    %dma_wait3A_911 = arith.constant 512 : i32
    %dma_wait3A_912 = tpu.memref_slice %arg5[%dma_wait3A_911] : memref<51200xi32, #tpu.memory_space<vmem>> -> memref<512xi32, #tpu.memory_space<vmem>>
    %dma_wait3A_913 = tpu.memref_slice %arg2[%dma_wait3A_910, %mul3A_2] : memref<100x16384xi32, #tpu.memory_space<hbm>> -> memref<1x512xi32, #tpu.memory_space<hbm>>
    %dma_wait3A_914 = tpu.memref_squeeze %dma_wait3A_913 : memref<1x512xi32, #tpu.memory_space<hbm>> -> memref<512xi32, #tpu.memory_space<hbm>>
    %dma_wait3A_915 = arith.constant 512 : i32
    %dma_wait3A_916 = tpu.memref_slice %arg5[%dma_wait3A_915] : memref<51200xi32, #tpu.memory_space<vmem>> -> memref<512xi32, #tpu.memory_space<vmem>>
    %dma_wait3A_917 = tpu.memref_slice %arg2[%dma_wait3A_910, %mul3A_2] : memref<100x16384xi32, #tpu.memory_space<hbm>> -> memref<1x512xi32, #tpu.memory_space<hbm>>
    %dma_wait3A_918 = tpu.memref_squeeze %dma_wait3A_917 : memref<1x512xi32, #tpu.memory_space<hbm>> -> memref<512xi32, #tpu.memory_space<hbm>>
    tpu.wait_dma2 semaphore(%arg8 : memref<!tpu.dma_semaphore, #tpu.memory_space<semaphore_mem>>) src(%dma_wait3A_918 : memref<512xi32, #tpu.memory_space<hbm>>) dst(%dma_wait3A_916 : memref<512xi32, #tpu.memory_space<vmem>>)
    %dma_wait3A_919 = arith.constant 2 : i32
    %dma_wait3A_920 = arith.constant 1024 : i32
    %dma_wait3A_921 = tpu.memref_slice %arg5[%dma_wait3A_920] : memref<51200xi32, #tpu.memory_space<vmem>> -> memref<512xi32, #tpu.memory_space<vmem>>
    %dma_wait3A_922 = tpu.memref_slice %arg2[%dma_wait3A_919, %mul3A_2] : memref<100x16384xi32, #tpu.memory_space<hbm>> -> memref<1x512xi32, #tpu.memory_space<hbm>>
    %dma_wait3A_923 = tpu.memref_squeeze %dma_wait3A_922 : memref<1x512xi32, #tpu.memory_space<hbm>> -> memref<512xi32, #tpu.memory_space<hbm>>
    %dma_wait3A_924 = arith.constant 1024 : i32
    %dma_wait3A_925 = tpu.memref_slice %arg5[%dma_wait3A_924] : memref<51200xi32, #tpu.memory_space<vmem>> -> memref<512xi32, #tpu.memory_space<vmem>>
    %dma_wait3A_926 = tpu.memref_slice %arg2[%dma_wait3A_919, %mul3A_2] : memref<100x16384xi32, #tpu.memory_space<hbm>> -> memref<1x512xi32, #tpu.memory_space<hbm>>
    %dma_wait3A_927 = tpu.memref_squeeze %dma_wait3A_926 : memref<1x512xi32, #tpu.memory_space<hbm>> -> memref<512xi32, #tpu.memory_space<hbm>>
    tpu.wait_dma2 semaphore(%arg8 : memref<!tpu.dma_semaphore, #tpu.memory_space<semaphore_mem>>) src(%dma_wait3A_927 : memref<512xi32, #tpu.memory_space<hbm>>) dst(%dma_wait3A_925 : memref<512xi32, #tpu.memory_space<vmem>>)
    %dma_wait3A_928 = arith.constant 3 : i32
    %dma_wait3A_929 = arith.constant 1536 : i32
    %dma_wait3A_930 = tpu.memref_slice %arg5[%dma_wait3A_929] : memref<51200xi32, #tpu.memory_space<vmem>> -> memref<512xi32, #tpu.memory_space<vmem>>
    %dma_wait3A_931 = tpu.memref_slice %arg2[%dma_wait3A_928, %mul3A_2] : memref<100x16384xi32, #tpu.memory_space<hbm>> -> memref<1x512xi32, #tpu.memory_space<hbm>>
    %dma_wait3A_932 = tpu.memref_squeeze %dma_wait3A_931 : memref<1x512xi32, #tpu.memory_space<hbm>> -> memref<512xi32, #tpu.memory_space<hbm>>
    %dma_wait3A_933 = arith.constant 1536 : i32
    %dma_wait3A_934 = tpu.memref_slice %arg5[%dma_wait3A_933] : memref<51200xi32, #tpu.memory_space<vmem>> -> memref<512xi32, #tpu.memory_space<vmem>>
    %dma_wait3A_935 = tpu.memref_slice %arg2[%dma_wait3A_928, %mul3A_2] : memref<100x16384xi32, #tpu.memory_space<hbm>> -> memref<1x512xi32, #tpu.memory_space<hbm>>
    %dma_wait3A_936 = tpu.memref_squeeze %dma_wait3A_935 : memref<1x512xi32, #tpu.memory_space<hbm>> -> memref<512xi32, #tpu.memory_space<hbm>>
    tpu.wait_dma2 semaphore(%arg8 : memref<!tpu.dma_semaphore, #tpu.memory_space<semaphore_mem>>) src(%dma_wait3A_936 : memref<512xi32, #tpu.memory_space<hbm>>) dst(%dma_wait3A_934 : memref<512xi32, #tpu.memory_space<vmem>>)
    %dma_wait3A_937 = arith.constant 4 : i32
    %dma_wait3A_938 = arith.constant 2048 : i32
    %dma_wait3A_939 = tpu.memref_slice %arg5[%dma_wait3A_938] : memref<51200xi32, #tpu.memory_space<vmem>> -> memref<512xi32, #tpu.memory_space<vmem>>
    %dma_wait3A_940 = tpu.memref_slice %arg2[%dma_wait3A_937, %mul3A_2] : memref<100x16384xi32, #tpu.memory_space<hbm>> -> memref<1x512xi32, #tpu.memory_space<hbm>>
    %dma_wait3A_941 = tpu.memref_squeeze %dma_wait3A_940 : memref<1x512xi32, #tpu.memory_space<hbm>> -> memref<512xi32, #tpu.memory_space<hbm>>
    %dma_wait3A_942 = arith.constant 2048 : i32
    %dma_wait3A_943 = tpu.memref_slice %arg5[%dma_wait3A_942] : memref<51200xi32, #tpu.memory_space<vmem>> -> memref<512xi32, #tpu.memory_space<vmem>>
    %dma_wait3A_944 = tpu.memref_slice %arg2[%dma_wait3A_937, %mul3A_2] : memref<100x16384xi32, #tpu.memory_space<hbm>> -> memref<1x512xi32, #tpu.memory_space<hbm>>
    %dma_wait3A_945 = tpu.memref_squeeze %dma_wait3A_944 : memref<1x512xi32, #tpu.memory_space<hbm>> -> memref<512xi32, #tpu.memory_space<hbm>>
    tpu.wait_dma2 semaphore(%arg8 : memref<!tpu.dma_semaphore, #tpu.memory_space<semaphore_mem>>) src(%dma_wait3A_945 : memref<512xi32, #tpu.memory_space<hbm>>) dst(%dma_wait3A_943 : memref<512xi32, #tpu.memory_space<vmem>>)
    %dma_wait3A_946 = arith.constant 5 : i32
    %dma_wait3A_947 = arith.constant 2560 : i32
    %dma_wait3A_948 = tpu.memref_slice %arg5[%dma_wait3A_947] : memref<51200xi32, #tpu.memory_space<vmem>> -> memref<512xi32, #tpu.memory_space<vmem>>
    %dma_wait3A_949 = tpu.memref_slice %arg2[%dma_wait3A_946, %mul3A_2] : memref<100x16384xi32, #tpu.memory_space<hbm>> -> memref<1x512xi32, #tpu.memory_space<hbm>>
    %dma_wait3A_950 = tpu.memref_squeeze %dma_wait3A_949 : memref<1x512xi32, #tpu.memory_space<hbm>> -> memref<512xi32, #tpu.memory_space<hbm>>
    %dma_wait3A_951 = arith.constant 2560 : i32
    %dma_wait3A_952 = tpu.memref_slice %arg5[%dma_wait3A_951] : memref<51200xi32, #tpu.memory_space<vmem>> -> memref<512xi32, #tpu.memory_space<vmem>>
    %dma_wait3A_953 = tpu.memref_slice %arg2[%dma_wait3A_946, %mul3A_2] : memref<100x16384xi32, #tpu.memory_space<hbm>> -> memref<1x512xi32, #tpu.memory_space<hbm>>
    %dma_wait3A_954 = tpu.memref_squeeze %dma_wait3A_953 : memref<1x512xi32, #tpu.memory_space<hbm>> -> memref<512xi32, #tpu.memory_space<hbm>>
    tpu.wait_dma2 semaphore(%arg8 : memref<!tpu.dma_semaphore, #tpu.memory_space<semaphore_mem>>) src(%dma_wait3A_954 : memref<512xi32, #tpu.memory_space<hbm>>) dst(%dma_wait3A_952 : memref<512xi32, #tpu.memory_space<vmem>>)
    %dma_wait3A_955 = arith.constant 6 : i32
    %dma_wait3A_956 = arith.constant 3072 : i32
    %dma_wait3A_957 = tpu.memref_slice %arg5[%dma_wait3A_956] : memref<51200xi32, #tpu.memory_space<vmem>> -> memref<512xi32, #tpu.memory_space<vmem>>
    %dma_wait3A_958 = tpu.memref_slice %arg2[%dma_wait3A_955, %mul3A_2] : memref<100x16384xi32, #tpu.memory_space<hbm>> -> memref<1x512xi32, #tpu.memory_space<hbm>>
    %dma_wait3A_959 = tpu.memref_squeeze %dma_wait3A_958 : memref<1x512xi32, #tpu.memory_space<hbm>> -> memref<512xi32, #tpu.memory_space<hbm>>
    %dma_wait3A_960 = arith.constant 3072 : i32
    %dma_wait3A_961 = tpu.memref_slice %arg5[%dma_wait3A_960] : memref<51200xi32, #tpu.memory_space<vmem>> -> memref<512xi32, #tpu.memory_space<vmem>>
    %dma_wait3A_962 = tpu.memref_slice %arg2[%dma_wait3A_955, %mul3A_2] : memref<100x16384xi32, #tpu.memory_space<hbm>> -> memref<1x512xi32, #tpu.memory_space<hbm>>
    %dma_wait3A_963 = tpu.memref_squeeze %dma_wait3A_962 : memref<1x512xi32, #tpu.memory_space<hbm>> -> memref<512xi32, #tpu.memory_space<hbm>>
    tpu.wait_dma2 semaphore(%arg8 : memref<!tpu.dma_semaphore, #tpu.memory_space<semaphore_mem>>) src(%dma_wait3A_963 : memref<512xi32, #tpu.memory_space<hbm>>) dst(%dma_wait3A_961 : memref<512xi32, #tpu.memory_space<vmem>>)
    %dma_wait3A_964 = arith.constant 7 : i32
    %dma_wait3A_965 = arith.constant 3584 : i32
    %dma_wait3A_966 = tpu.memref_slice %arg5[%dma_wait3A_965] : memref<51200xi32, #tpu.memory_space<vmem>> -> memref<512xi32, #tpu.memory_space<vmem>>
    %dma_wait3A_967 = tpu.memref_slice %arg2[%dma_wait3A_964, %mul3A_2] : memref<100x16384xi32, #tpu.memory_space<hbm>> -> memref<1x512xi32, #tpu.memory_space<hbm>>
    %dma_wait3A_968 = tpu.memref_squeeze %dma_wait3A_967 : memref<1x512xi32, #tpu.memory_space<hbm>> -> memref<512xi32, #tpu.memory_space<hbm>>
    %dma_wait3A_969 = arith.constant 3584 : i32
    %dma_wait3A_970 = tpu.memref_slice %arg5[%dma_wait3A_969] : memref<51200xi32, #tpu.memory_space<vmem>> -> memref<512xi32, #tpu.memory_space<vmem>>
    %dma_wait3A_971 = tpu.memref_slice %arg2[%dma_wait3A_964, %mul3A_2] : memref<100x16384xi32, #tpu.memory_space<hbm>> -> memref<1x512xi32, #tpu.memory_space<hbm>>
    %dma_wait3A_972 = tpu.memref_squeeze %dma_wait3A_971 : memref<1x512xi32, #tpu.memory_space<hbm>> -> memref<512xi32, #tpu.memory_space<hbm>>
    tpu.wait_dma2 semaphore(%arg8 : memref<!tpu.dma_semaphore, #tpu.memory_space<semaphore_mem>>) src(%dma_wait3A_972 : memref<512xi32, #tpu.memory_space<hbm>>) dst(%dma_wait3A_970 : memref<512xi32, #tpu.memory_space<vmem>>)
    %dma_wait3A_973 = arith.constant 8 : i32
    %dma_wait3A_974 = arith.constant 4096 : i32
    %dma_wait3A_975 = tpu.memref_slice %arg5[%dma_wait3A_974] : memref<51200xi32, #tpu.memory_space<vmem>> -> memref<512xi32, #tpu.memory_space<vmem>>
    %dma_wait3A_976 = tpu.memref_slice %arg2[%dma_wait3A_973, %mul3A_2] : memref<100x16384xi32, #tpu.memory_space<hbm>> -> memref<1x512xi32, #tpu.memory_space<hbm>>
    %dma_wait3A_977 = tpu.memref_squeeze %dma_wait3A_976 : memref<1x512xi32, #tpu.memory_space<hbm>> -> memref<512xi32, #tpu.memory_space<hbm>>
    %dma_wait3A_978 = arith.constant 4096 : i32
    %dma_wait3A_979 = tpu.memref_slice %arg5[%dma_wait3A_978] : memref<51200xi32, #tpu.memory_space<vmem>> -> memref<512xi32, #tpu.memory_space<vmem>>
    %dma_wait3A_980 = tpu.memref_slice %arg2[%dma_wait3A_973, %mul3A_2] : memref<100x16384xi32, #tpu.memory_space<hbm>> -> memref<1x512xi32, #tpu.memory_space<hbm>>
    %dma_wait3A_981 = tpu.memref_squeeze %dma_wait3A_980 : memref<1x512xi32, #tpu.memory_space<hbm>> -> memref<512xi32, #tpu.memory_space<hbm>>
    tpu.wait_dma2 semaphore(%arg8 : memref<!tpu.dma_semaphore, #tpu.memory_space<semaphore_mem>>) src(%dma_wait3A_981 : memref<512xi32, #tpu.memory_space<hbm>>) dst(%dma_wait3A_979 : memref<512xi32, #tpu.memory_space<vmem>>)
    %dma_wait3A_982 = arith.constant 9 : i32
    %dma_wait3A_983 = arith.constant 4608 : i32
    %dma_wait3A_984 = tpu.memref_slice %arg5[%dma_wait3A_983] : memref<51200xi32, #tpu.memory_space<vmem>> -> memref<512xi32, #tpu.memory_space<vmem>>
    %dma_wait3A_985 = tpu.memref_slice %arg2[%dma_wait3A_982, %mul3A_2] : memref<100x16384xi32, #tpu.memory_space<hbm>> -> memref<1x512xi32, #tpu.memory_space<hbm>>
    %dma_wait3A_986 = tpu.memref_squeeze %dma_wait3A_985 : memref<1x512xi32, #tpu.memory_space<hbm>> -> memref<512xi32, #tpu.memory_space<hbm>>
    %dma_wait3A_987 = arith.constant 4608 : i32
    %dma_wait3A_988 = tpu.memref_slice %arg5[%dma_wait3A_987] : memref<51200xi32, #tpu.memory_space<vmem>> -> memref<512xi32, #tpu.memory_space<vmem>>
    %dma_wait3A_989 = tpu.memref_slice %arg2[%dma_wait3A_982, %mul3A_2] : memref<100x16384xi32, #tpu.memory_space<hbm>> -> memref<1x512xi32, #tpu.memory_space<hbm>>
    %dma_wait3A_990 = tpu.memref_squeeze %dma_wait3A_989 : memref<1x512xi32, #tpu.memory_space<hbm>> -> memref<512xi32, #tpu.memory_space<hbm>>
    tpu.wait_dma2 semaphore(%arg8 : memref<!tpu.dma_semaphore, #tpu.memory_space<semaphore_mem>>) src(%dma_wait3A_990 : memref<512xi32, #tpu.memory_space<hbm>>) dst(%dma_wait3A_988 : memref<512xi32, #tpu.memory_space<vmem>>)
    %dma_wait3A_991 = arith.constant 10 : i32
    %dma_wait3A_992 = arith.constant 5120 : i32
    %dma_wait3A_993 = tpu.memref_slice %arg5[%dma_wait3A_992] : memref<51200xi32, #tpu.memory_space<vmem>> -> memref<512xi32, #tpu.memory_space<vmem>>
    %dma_wait3A_994 = tpu.memref_slice %arg2[%dma_wait3A_991, %mul3A_2] : memref<100x16384xi32, #tpu.memory_space<hbm>> -> memref<1x512xi32, #tpu.memory_space<hbm>>
    %dma_wait3A_995 = tpu.memref_squeeze %dma_wait3A_994 : memref<1x512xi32, #tpu.memory_space<hbm>> -> memref<512xi32, #tpu.memory_space<hbm>>
    %dma_wait3A_996 = arith.constant 5120 : i32
    %dma_wait3A_997 = tpu.memref_slice %arg5[%dma_wait3A_996] : memref<51200xi32, #tpu.memory_space<vmem>> -> memref<512xi32, #tpu.memory_space<vmem>>
    %dma_wait3A_998 = tpu.memref_slice %arg2[%dma_wait3A_991, %mul3A_2] : memref<100x16384xi32, #tpu.memory_space<hbm>> -> memref<1x512xi32, #tpu.memory_space<hbm>>
    %dma_wait3A_999 = tpu.memref_squeeze %dma_wait3A_998 : memref<1x512xi32, #tpu.memory_space<hbm>> -> memref<512xi32, #tpu.memory_space<hbm>>
    tpu.wait_dma2 semaphore(%arg8 : memref<!tpu.dma_semaphore, #tpu.memory_space<semaphore_mem>>) src(%dma_wait3A_999 : memref<512xi32, #tpu.memory_space<hbm>>) dst(%dma_wait3A_997 : memref<512xi32, #tpu.memory_space<vmem>>)
    %dma_wait3A_1000 = arith.constant 11 : i32
    %dma_wait3A_1001 = arith.constant 5632 : i32
    %dma_wait3A_1002 = tpu.memref_slice %arg5[%dma_wait3A_1001] : memref<51200xi32, #tpu.memory_space<vmem>> -> memref<512xi32, #tpu.memory_space<vmem>>
    %dma_wait3A_1003 = tpu.memref_slice %arg2[%dma_wait3A_1000, %mul3A_2] : memref<100x16384xi32, #tpu.memory_space<hbm>> -> memref<1x512xi32, #tpu.memory_space<hbm>>
    %dma_wait3A_1004 = tpu.memref_squeeze %dma_wait3A_1003 : memref<1x512xi32, #tpu.memory_space<hbm>> -> memref<512xi32, #tpu.memory_space<hbm>>
    %dma_wait3A_1005 = arith.constant 5632 : i32
    %dma_wait3A_1006 = tpu.memref_slice %arg5[%dma_wait3A_1005] : memref<51200xi32, #tpu.memory_space<vmem>> -> memref<512xi32, #tpu.memory_space<vmem>>
    %dma_wait3A_1007 = tpu.memref_slice %arg2[%dma_wait3A_1000, %mul3A_2] : memref<100x16384xi32, #tpu.memory_space<hbm>> -> memref<1x512xi32, #tpu.memory_space<hbm>>
    %dma_wait3A_1008 = tpu.memref_squeeze %dma_wait3A_1007 : memref<1x512xi32, #tpu.memory_space<hbm>> -> memref<512xi32, #tpu.memory_space<hbm>>
    tpu.wait_dma2 semaphore(%arg8 : memref<!tpu.dma_semaphore, #tpu.memory_space<semaphore_mem>>) src(%dma_wait3A_1008 : memref<512xi32, #tpu.memory_space<hbm>>) dst(%dma_wait3A_1006 : memref<512xi32, #tpu.memory_space<vmem>>)
    %dma_wait3A_1009 = arith.constant 12 : i32
    %dma_wait3A_1010 = arith.constant 6144 : i32
    %dma_wait3A_1011 = tpu.memref_slice %arg5[%dma_wait3A_1010] : memref<51200xi32, #tpu.memory_space<vmem>> -> memref<512xi32, #tpu.memory_space<vmem>>
    %dma_wait3A_1012 = tpu.memref_slice %arg2[%dma_wait3A_1009, %mul3A_2] : memref<100x16384xi32, #tpu.memory_space<hbm>> -> memref<1x512xi32, #tpu.memory_space<hbm>>
    %dma_wait3A_1013 = tpu.memref_squeeze %dma_wait3A_1012 : memref<1x512xi32, #tpu.memory_space<hbm>> -> memref<512xi32, #tpu.memory_space<hbm>>
    %dma_wait3A_1014 = arith.constant 6144 : i32
    %dma_wait3A_1015 = tpu.memref_slice %arg5[%dma_wait3A_1014] : memref<51200xi32, #tpu.memory_space<vmem>> -> memref<512xi32, #tpu.memory_space<vmem>>
    %dma_wait3A_1016 = tpu.memref_slice %arg2[%dma_wait3A_1009, %mul3A_2] : memref<100x16384xi32, #tpu.memory_space<hbm>> -> memref<1x512xi32, #tpu.memory_space<hbm>>
    %dma_wait3A_1017 = tpu.memref_squeeze %dma_wait3A_1016 : memref<1x512xi32, #tpu.memory_space<hbm>> -> memref<512xi32, #tpu.memory_space<hbm>>
    tpu.wait_dma2 semaphore(%arg8 : memref<!tpu.dma_semaphore, #tpu.memory_space<semaphore_mem>>) src(%dma_wait3A_1017 : memref<512xi32, #tpu.memory_space<hbm>>) dst(%dma_wait3A_1015 : memref<512xi32, #tpu.memory_space<vmem>>)
    %dma_wait3A_1018 = arith.constant 13 : i32
    %dma_wait3A_1019 = arith.constant 6656 : i32
    %dma_wait3A_1020 = tpu.memref_slice %arg5[%dma_wait3A_1019] : memref<51200xi32, #tpu.memory_space<vmem>> -> memref<512xi32, #tpu.memory_space<vmem>>
    %dma_wait3A_1021 = tpu.memref_slice %arg2[%dma_wait3A_1018, %mul3A_2] : memref<100x16384xi32, #tpu.memory_space<hbm>> -> memref<1x512xi32, #tpu.memory_space<hbm>>
    %dma_wait3A_1022 = tpu.memref_squeeze %dma_wait3A_1021 : memref<1x512xi32, #tpu.memory_space<hbm>> -> memref<512xi32, #tpu.memory_space<hbm>>
    %dma_wait3A_1023 = arith.constant 6656 : i32
    %dma_wait3A_1024 = tpu.memref_slice %arg5[%dma_wait3A_1023] : memref<51200xi32, #tpu.memory_space<vmem>> -> memref<512xi32, #tpu.memory_space<vmem>>
    %dma_wait3A_1025 = tpu.memref_slice %arg2[%dma_wait3A_1018, %mul3A_2] : memref<100x16384xi32, #tpu.memory_space<hbm>> -> memref<1x512xi32, #tpu.memory_space<hbm>>
    %dma_wait3A_1026 = tpu.memref_squeeze %dma_wait3A_1025 : memref<1x512xi32, #tpu.memory_space<hbm>> -> memref<512xi32, #tpu.memory_space<hbm>>
    tpu.wait_dma2 semaphore(%arg8 : memref<!tpu.dma_semaphore, #tpu.memory_space<semaphore_mem>>) src(%dma_wait3A_1026 : memref<512xi32, #tpu.memory_space<hbm>>) dst(%dma_wait3A_1024 : memref<512xi32, #tpu.memory_space<vmem>>)
    %dma_wait3A_1027 = arith.constant 14 : i32
    %dma_wait3A_1028 = arith.constant 7168 : i32
    %dma_wait3A_1029 = tpu.memref_slice %arg5[%dma_wait3A_1028] : memref<51200xi32, #tpu.memory_space<vmem>> -> memref<512xi32, #tpu.memory_space<vmem>>
    %dma_wait3A_1030 = tpu.memref_slice %arg2[%dma_wait3A_1027, %mul3A_2] : memref<100x16384xi32, #tpu.memory_space<hbm>> -> memref<1x512xi32, #tpu.memory_space<hbm>>
    %dma_wait3A_1031 = tpu.memref_squeeze %dma_wait3A_1030 : memref<1x512xi32, #tpu.memory_space<hbm>> -> memref<512xi32, #tpu.memory_space<hbm>>
    %dma_wait3A_1032 = arith.constant 7168 : i32
    %dma_wait3A_1033 = tpu.memref_slice %arg5[%dma_wait3A_1032] : memref<51200xi32, #tpu.memory_space<vmem>> -> memref<512xi32, #tpu.memory_space<vmem>>
    %dma_wait3A_1034 = tpu.memref_slice %arg2[%dma_wait3A_1027, %mul3A_2] : memref<100x16384xi32, #tpu.memory_space<hbm>> -> memref<1x512xi32, #tpu.memory_space<hbm>>
    %dma_wait3A_1035 = tpu.memref_squeeze %dma_wait3A_1034 : memref<1x512xi32, #tpu.memory_space<hbm>> -> memref<512xi32, #tpu.memory_space<hbm>>
    tpu.wait_dma2 semaphore(%arg8 : memref<!tpu.dma_semaphore, #tpu.memory_space<semaphore_mem>>) src(%dma_wait3A_1035 : memref<512xi32, #tpu.memory_space<hbm>>) dst(%dma_wait3A_1033 : memref<512xi32, #tpu.memory_space<vmem>>)
    %dma_wait3A_1036 = arith.constant 15 : i32
    %dma_wait3A_1037 = arith.constant 7680 : i32
    %dma_wait3A_1038 = tpu.memref_slice %arg5[%dma_wait3A_1037] : memref<51200xi32, #tpu.memory_space<vmem>> -> memref<512xi32, #tpu.memory_space<vmem>>
    %dma_wait3A_1039 = tpu.memref_slice %arg2[%dma_wait3A_1036, %mul3A_2] : memref<100x16384xi32, #tpu.memory_space<hbm>> -> memref<1x512xi32, #tpu.memory_space<hbm>>
    %dma_wait3A_1040 = tpu.memref_squeeze %dma_wait3A_1039 : memref<1x512xi32, #tpu.memory_space<hbm>> -> memref<512xi32, #tpu.memory_space<hbm>>
    %dma_wait3A_1041 = arith.constant 7680 : i32
    %dma_wait3A_1042 = tpu.memref_slice %arg5[%dma_wait3A_1041] : memref<51200xi32, #tpu.memory_space<vmem>> -> memref<512xi32, #tpu.memory_space<vmem>>
    %dma_wait3A_1043 = tpu.memref_slice %arg2[%dma_wait3A_1036, %mul3A_2] : memref<100x16384xi32, #tpu.memory_space<hbm>> -> memref<1x512xi32, #tpu.memory_space<hbm>>
    %dma_wait3A_1044 = tpu.memref_squeeze %dma_wait3A_1043 : memref<1x512xi32, #tpu.memory_space<hbm>> -> memref<512xi32, #tpu.memory_space<hbm>>
    tpu.wait_dma2 semaphore(%arg8 : memref<!tpu.dma_semaphore, #tpu.memory_space<semaphore_mem>>) src(%dma_wait3A_1044 : memref<512xi32, #tpu.memory_space<hbm>>) dst(%dma_wait3A_1042 : memref<512xi32, #tpu.memory_space<vmem>>)
    %dma_wait3A_1045 = arith.constant 16 : i32
    %dma_wait3A_1046 = arith.constant 8192 : i32
    %dma_wait3A_1047 = tpu.memref_slice %arg5[%dma_wait3A_1046] : memref<51200xi32, #tpu.memory_space<vmem>> -> memref<512xi32, #tpu.memory_space<vmem>>
    %dma_wait3A_1048 = tpu.memref_slice %arg2[%dma_wait3A_1045, %mul3A_2] : memref<100x16384xi32, #tpu.memory_space<hbm>> -> memref<1x512xi32, #tpu.memory_space<hbm>>
    %dma_wait3A_1049 = tpu.memref_squeeze %dma_wait3A_1048 : memref<1x512xi32, #tpu.memory_space<hbm>> -> memref<512xi32, #tpu.memory_space<hbm>>
    %dma_wait3A_1050 = arith.constant 8192 : i32
    %dma_wait3A_1051 = tpu.memref_slice %arg5[%dma_wait3A_1050] : memref<51200xi32, #tpu.memory_space<vmem>> -> memref<512xi32, #tpu.memory_space<vmem>>
    %dma_wait3A_1052 = tpu.memref_slice %arg2[%dma_wait3A_1045, %mul3A_2] : memref<100x16384xi32, #tpu.memory_space<hbm>> -> memref<1x512xi32, #tpu.memory_space<hbm>>
    %dma_wait3A_1053 = tpu.memref_squeeze %dma_wait3A_1052 : memref<1x512xi32, #tpu.memory_space<hbm>> -> memref<512xi32, #tpu.memory_space<hbm>>
    tpu.wait_dma2 semaphore(%arg8 : memref<!tpu.dma_semaphore, #tpu.memory_space<semaphore_mem>>) src(%dma_wait3A_1053 : memref<512xi32, #tpu.memory_space<hbm>>) dst(%dma_wait3A_1051 : memref<512xi32, #tpu.memory_space<vmem>>)
    %dma_wait3A_1054 = arith.constant 17 : i32
    %dma_wait3A_1055 = arith.constant 8704 : i32
    %dma_wait3A_1056 = tpu.memref_slice %arg5[%dma_wait3A_1055] : memref<51200xi32, #tpu.memory_space<vmem>> -> memref<512xi32, #tpu.memory_space<vmem>>
    %dma_wait3A_1057 = tpu.memref_slice %arg2[%dma_wait3A_1054, %mul3A_2] : memref<100x16384xi32, #tpu.memory_space<hbm>> -> memref<1x512xi32, #tpu.memory_space<hbm>>
    %dma_wait3A_1058 = tpu.memref_squeeze %dma_wait3A_1057 : memref<1x512xi32, #tpu.memory_space<hbm>> -> memref<512xi32, #tpu.memory_space<hbm>>
    %dma_wait3A_1059 = arith.constant 8704 : i32
    %dma_wait3A_1060 = tpu.memref_slice %arg5[%dma_wait3A_1059] : memref<51200xi32, #tpu.memory_space<vmem>> -> memref<512xi32, #tpu.memory_space<vmem>>
    %dma_wait3A_1061 = tpu.memref_slice %arg2[%dma_wait3A_1054, %mul3A_2] : memref<100x16384xi32, #tpu.memory_space<hbm>> -> memref<1x512xi32, #tpu.memory_space<hbm>>
    %dma_wait3A_1062 = tpu.memref_squeeze %dma_wait3A_1061 : memref<1x512xi32, #tpu.memory_space<hbm>> -> memref<512xi32, #tpu.memory_space<hbm>>
    tpu.wait_dma2 semaphore(%arg8 : memref<!tpu.dma_semaphore, #tpu.memory_space<semaphore_mem>>) src(%dma_wait3A_1062 : memref<512xi32, #tpu.memory_space<hbm>>) dst(%dma_wait3A_1060 : memref<512xi32, #tpu.memory_space<vmem>>)
    %dma_wait3A_1063 = arith.constant 18 : i32
    %dma_wait3A_1064 = arith.constant 9216 : i32
    %dma_wait3A_1065 = tpu.memref_slice %arg5[%dma_wait3A_1064] : memref<51200xi32, #tpu.memory_space<vmem>> -> memref<512xi32, #tpu.memory_space<vmem>>
    %dma_wait3A_1066 = tpu.memref_slice %arg2[%dma_wait3A_1063, %mul3A_2] : memref<100x16384xi32, #tpu.memory_space<hbm>> -> memref<1x512xi32, #tpu.memory_space<hbm>>
    %dma_wait3A_1067 = tpu.memref_squeeze %dma_wait3A_1066 : memref<1x512xi32, #tpu.memory_space<hbm>> -> memref<512xi32, #tpu.memory_space<hbm>>
    %dma_wait3A_1068 = arith.constant 9216 : i32
    %dma_wait3A_1069 = tpu.memref_slice %arg5[%dma_wait3A_1068] : memref<51200xi32, #tpu.memory_space<vmem>> -> memref<512xi32, #tpu.memory_space<vmem>>
    %dma_wait3A_1070 = tpu.memref_slice %arg2[%dma_wait3A_1063, %mul3A_2] : memref<100x16384xi32, #tpu.memory_space<hbm>> -> memref<1x512xi32, #tpu.memory_space<hbm>>
    %dma_wait3A_1071 = tpu.memref_squeeze %dma_wait3A_1070 : memref<1x512xi32, #tpu.memory_space<hbm>> -> memref<512xi32, #tpu.memory_space<hbm>>
    tpu.wait_dma2 semaphore(%arg8 : memref<!tpu.dma_semaphore, #tpu.memory_space<semaphore_mem>>) src(%dma_wait3A_1071 : memref<512xi32, #tpu.memory_space<hbm>>) dst(%dma_wait3A_1069 : memref<512xi32, #tpu.memory_space<vmem>>)
    %dma_wait3A_1072 = arith.constant 19 : i32
    %dma_wait3A_1073 = arith.constant 9728 : i32
    %dma_wait3A_1074 = tpu.memref_slice %arg5[%dma_wait3A_1073] : memref<51200xi32, #tpu.memory_space<vmem>> -> memref<512xi32, #tpu.memory_space<vmem>>
    %dma_wait3A_1075 = tpu.memref_slice %arg2[%dma_wait3A_1072, %mul3A_2] : memref<100x16384xi32, #tpu.memory_space<hbm>> -> memref<1x512xi32, #tpu.memory_space<hbm>>
    %dma_wait3A_1076 = tpu.memref_squeeze %dma_wait3A_1075 : memref<1x512xi32, #tpu.memory_space<hbm>> -> memref<512xi32, #tpu.memory_space<hbm>>
    %dma_wait3A_1077 = arith.constant 9728 : i32
    %dma_wait3A_1078 = tpu.memref_slice %arg5[%dma_wait3A_1077] : memref<51200xi32, #tpu.memory_space<vmem>> -> memref<512xi32, #tpu.memory_space<vmem>>
    %dma_wait3A_1079 = tpu.memref_slice %arg2[%dma_wait3A_1072, %mul3A_2] : memref<100x16384xi32, #tpu.memory_space<hbm>> -> memref<1x512xi32, #tpu.memory_space<hbm>>
    %dma_wait3A_1080 = tpu.memref_squeeze %dma_wait3A_1079 : memref<1x512xi32, #tpu.memory_space<hbm>> -> memref<512xi32, #tpu.memory_space<hbm>>
    tpu.wait_dma2 semaphore(%arg8 : memref<!tpu.dma_semaphore, #tpu.memory_space<semaphore_mem>>) src(%dma_wait3A_1080 : memref<512xi32, #tpu.memory_space<hbm>>) dst(%dma_wait3A_1078 : memref<512xi32, #tpu.memory_space<vmem>>)
    %dma_wait3A_1081 = arith.constant 20 : i32
    %dma_wait3A_1082 = arith.constant 10240 : i32
    %dma_wait3A_1083 = tpu.memref_slice %arg5[%dma_wait3A_1082] : memref<51200xi32, #tpu.memory_space<vmem>> -> memref<512xi32, #tpu.memory_space<vmem>>
    %dma_wait3A_1084 = tpu.memref_slice %arg2[%dma_wait3A_1081, %mul3A_2] : memref<100x16384xi32, #tpu.memory_space<hbm>> -> memref<1x512xi32, #tpu.memory_space<hbm>>
    %dma_wait3A_1085 = tpu.memref_squeeze %dma_wait3A_1084 : memref<1x512xi32, #tpu.memory_space<hbm>> -> memref<512xi32, #tpu.memory_space<hbm>>
    %dma_wait3A_1086 = arith.constant 10240 : i32
    %dma_wait3A_1087 = tpu.memref_slice %arg5[%dma_wait3A_1086] : memref<51200xi32, #tpu.memory_space<vmem>> -> memref<512xi32, #tpu.memory_space<vmem>>
    %dma_wait3A_1088 = tpu.memref_slice %arg2[%dma_wait3A_1081, %mul3A_2] : memref<100x16384xi32, #tpu.memory_space<hbm>> -> memref<1x512xi32, #tpu.memory_space<hbm>>
    %dma_wait3A_1089 = tpu.memref_squeeze %dma_wait3A_1088 : memref<1x512xi32, #tpu.memory_space<hbm>> -> memref<512xi32, #tpu.memory_space<hbm>>
    tpu.wait_dma2 semaphore(%arg8 : memref<!tpu.dma_semaphore, #tpu.memory_space<semaphore_mem>>) src(%dma_wait3A_1089 : memref<512xi32, #tpu.memory_space<hbm>>) dst(%dma_wait3A_1087 : memref<512xi32, #tpu.memory_space<vmem>>)
    %dma_wait3A_1090 = arith.constant 21 : i32
    %dma_wait3A_1091 = arith.constant 10752 : i32
    %dma_wait3A_1092 = tpu.memref_slice %arg5[%dma_wait3A_1091] : memref<51200xi32, #tpu.memory_space<vmem>> -> memref<512xi32, #tpu.memory_space<vmem>>
    %dma_wait3A_1093 = tpu.memref_slice %arg2[%dma_wait3A_1090, %mul3A_2] : memref<100x16384xi32, #tpu.memory_space<hbm>> -> memref<1x512xi32, #tpu.memory_space<hbm>>
    %dma_wait3A_1094 = tpu.memref_squeeze %dma_wait3A_1093 : memref<1x512xi32, #tpu.memory_space<hbm>> -> memref<512xi32, #tpu.memory_space<hbm>>
    %dma_wait3A_1095 = arith.constant 10752 : i32
    %dma_wait3A_1096 = tpu.memref_slice %arg5[%dma_wait3A_1095] : memref<51200xi32, #tpu.memory_space<vmem>> -> memref<512xi32, #tpu.memory_space<vmem>>
    %dma_wait3A_1097 = tpu.memref_slice %arg2[%dma_wait3A_1090, %mul3A_2] : memref<100x16384xi32, #tpu.memory_space<hbm>> -> memref<1x512xi32, #tpu.memory_space<hbm>>
    %dma_wait3A_1098 = tpu.memref_squeeze %dma_wait3A_1097 : memref<1x512xi32, #tpu.memory_space<hbm>> -> memref<512xi32, #tpu.memory_space<hbm>>
    tpu.wait_dma2 semaphore(%arg8 : memref<!tpu.dma_semaphore, #tpu.memory_space<semaphore_mem>>) src(%dma_wait3A_1098 : memref<512xi32, #tpu.memory_space<hbm>>) dst(%dma_wait3A_1096 : memref<512xi32, #tpu.memory_space<vmem>>)
    %dma_wait3A_1099 = arith.constant 22 : i32
    %dma_wait3A_1100 = arith.constant 11264 : i32
    %dma_wait3A_1101 = tpu.memref_slice %arg5[%dma_wait3A_1100] : memref<51200xi32, #tpu.memory_space<vmem>> -> memref<512xi32, #tpu.memory_space<vmem>>
    %dma_wait3A_1102 = tpu.memref_slice %arg2[%dma_wait3A_1099, %mul3A_2] : memref<100x16384xi32, #tpu.memory_space<hbm>> -> memref<1x512xi32, #tpu.memory_space<hbm>>
    %dma_wait3A_1103 = tpu.memref_squeeze %dma_wait3A_1102 : memref<1x512xi32, #tpu.memory_space<hbm>> -> memref<512xi32, #tpu.memory_space<hbm>>
    %dma_wait3A_1104 = arith.constant 11264 : i32
    %dma_wait3A_1105 = tpu.memref_slice %arg5[%dma_wait3A_1104] : memref<51200xi32, #tpu.memory_space<vmem>> -> memref<512xi32, #tpu.memory_space<vmem>>
    %dma_wait3A_1106 = tpu.memref_slice %arg2[%dma_wait3A_1099, %mul3A_2] : memref<100x16384xi32, #tpu.memory_space<hbm>> -> memref<1x512xi32, #tpu.memory_space<hbm>>
    %dma_wait3A_1107 = tpu.memref_squeeze %dma_wait3A_1106 : memref<1x512xi32, #tpu.memory_space<hbm>> -> memref<512xi32, #tpu.memory_space<hbm>>
    tpu.wait_dma2 semaphore(%arg8 : memref<!tpu.dma_semaphore, #tpu.memory_space<semaphore_mem>>) src(%dma_wait3A_1107 : memref<512xi32, #tpu.memory_space<hbm>>) dst(%dma_wait3A_1105 : memref<512xi32, #tpu.memory_space<vmem>>)
    %dma_wait3A_1108 = arith.constant 23 : i32
    %dma_wait3A_1109 = arith.constant 11776 : i32
    %dma_wait3A_1110 = tpu.memref_slice %arg5[%dma_wait3A_1109] : memref<51200xi32, #tpu.memory_space<vmem>> -> memref<512xi32, #tpu.memory_space<vmem>>
    %dma_wait3A_1111 = tpu.memref_slice %arg2[%dma_wait3A_1108, %mul3A_2] : memref<100x16384xi32, #tpu.memory_space<hbm>> -> memref<1x512xi32, #tpu.memory_space<hbm>>
    %dma_wait3A_1112 = tpu.memref_squeeze %dma_wait3A_1111 : memref<1x512xi32, #tpu.memory_space<hbm>> -> memref<512xi32, #tpu.memory_space<hbm>>
    %dma_wait3A_1113 = arith.constant 11776 : i32
    %dma_wait3A_1114 = tpu.memref_slice %arg5[%dma_wait3A_1113] : memref<51200xi32, #tpu.memory_space<vmem>> -> memref<512xi32, #tpu.memory_space<vmem>>
    %dma_wait3A_1115 = tpu.memref_slice %arg2[%dma_wait3A_1108, %mul3A_2] : memref<100x16384xi32, #tpu.memory_space<hbm>> -> memref<1x512xi32, #tpu.memory_space<hbm>>
    %dma_wait3A_1116 = tpu.memref_squeeze %dma_wait3A_1115 : memref<1x512xi32, #tpu.memory_space<hbm>> -> memref<512xi32, #tpu.memory_space<hbm>>
    tpu.wait_dma2 semaphore(%arg8 : memref<!tpu.dma_semaphore, #tpu.memory_space<semaphore_mem>>) src(%dma_wait3A_1116 : memref<512xi32, #tpu.memory_space<hbm>>) dst(%dma_wait3A_1114 : memref<512xi32, #tpu.memory_space<vmem>>)
    %dma_wait3A_1117 = arith.constant 24 : i32
    %dma_wait3A_1118 = arith.constant 12288 : i32
    %dma_wait3A_1119 = tpu.memref_slice %arg5[%dma_wait3A_1118] : memref<51200xi32, #tpu.memory_space<vmem>> -> memref<512xi32, #tpu.memory_space<vmem>>
    %dma_wait3A_1120 = tpu.memref_slice %arg2[%dma_wait3A_1117, %mul3A_2] : memref<100x16384xi32, #tpu.memory_space<hbm>> -> memref<1x512xi32, #tpu.memory_space<hbm>>
    %dma_wait3A_1121 = tpu.memref_squeeze %dma_wait3A_1120 : memref<1x512xi32, #tpu.memory_space<hbm>> -> memref<512xi32, #tpu.memory_space<hbm>>
    %dma_wait3A_1122 = arith.constant 12288 : i32
    %dma_wait3A_1123 = tpu.memref_slice %arg5[%dma_wait3A_1122] : memref<51200xi32, #tpu.memory_space<vmem>> -> memref<512xi32, #tpu.memory_space<vmem>>
    %dma_wait3A_1124 = tpu.memref_slice %arg2[%dma_wait3A_1117, %mul3A_2] : memref<100x16384xi32, #tpu.memory_space<hbm>> -> memref<1x512xi32, #tpu.memory_space<hbm>>
    %dma_wait3A_1125 = tpu.memref_squeeze %dma_wait3A_1124 : memref<1x512xi32, #tpu.memory_space<hbm>> -> memref<512xi32, #tpu.memory_space<hbm>>
    tpu.wait_dma2 semaphore(%arg8 : memref<!tpu.dma_semaphore, #tpu.memory_space<semaphore_mem>>) src(%dma_wait3A_1125 : memref<512xi32, #tpu.memory_space<hbm>>) dst(%dma_wait3A_1123 : memref<512xi32, #tpu.memory_space<vmem>>)
    %dma_wait3A_1126 = arith.constant 25 : i32
    %dma_wait3A_1127 = arith.constant 12800 : i32
    %dma_wait3A_1128 = tpu.memref_slice %arg5[%dma_wait3A_1127] : memref<51200xi32, #tpu.memory_space<vmem>> -> memref<512xi32, #tpu.memory_space<vmem>>
    %dma_wait3A_1129 = tpu.memref_slice %arg2[%dma_wait3A_1126, %mul3A_2] : memref<100x16384xi32, #tpu.memory_space<hbm>> -> memref<1x512xi32, #tpu.memory_space<hbm>>
    %dma_wait3A_1130 = tpu.memref_squeeze %dma_wait3A_1129 : memref<1x512xi32, #tpu.memory_space<hbm>> -> memref<512xi32, #tpu.memory_space<hbm>>
    %dma_wait3A_1131 = arith.constant 12800 : i32
    %dma_wait3A_1132 = tpu.memref_slice %arg5[%dma_wait3A_1131] : memref<51200xi32, #tpu.memory_space<vmem>> -> memref<512xi32, #tpu.memory_space<vmem>>
    %dma_wait3A_1133 = tpu.memref_slice %arg2[%dma_wait3A_1126, %mul3A_2] : memref<100x16384xi32, #tpu.memory_space<hbm>> -> memref<1x512xi32, #tpu.memory_space<hbm>>
    %dma_wait3A_1134 = tpu.memref_squeeze %dma_wait3A_1133 : memref<1x512xi32, #tpu.memory_space<hbm>> -> memref<512xi32, #tpu.memory_space<hbm>>
    tpu.wait_dma2 semaphore(%arg8 : memref<!tpu.dma_semaphore, #tpu.memory_space<semaphore_mem>>) src(%dma_wait3A_1134 : memref<512xi32, #tpu.memory_space<hbm>>) dst(%dma_wait3A_1132 : memref<512xi32, #tpu.memory_space<vmem>>)
    %dma_wait3A_1135 = arith.constant 26 : i32
    %dma_wait3A_1136 = arith.constant 13312 : i32
    %dma_wait3A_1137 = tpu.memref_slice %arg5[%dma_wait3A_1136] : memref<51200xi32, #tpu.memory_space<vmem>> -> memref<512xi32, #tpu.memory_space<vmem>>
    %dma_wait3A_1138 = tpu.memref_slice %arg2[%dma_wait3A_1135, %mul3A_2] : memref<100x16384xi32, #tpu.memory_space<hbm>> -> memref<1x512xi32, #tpu.memory_space<hbm>>
    %dma_wait3A_1139 = tpu.memref_squeeze %dma_wait3A_1138 : memref<1x512xi32, #tpu.memory_space<hbm>> -> memref<512xi32, #tpu.memory_space<hbm>>
    %dma_wait3A_1140 = arith.constant 13312 : i32
    %dma_wait3A_1141 = tpu.memref_slice %arg5[%dma_wait3A_1140] : memref<51200xi32, #tpu.memory_space<vmem>> -> memref<512xi32, #tpu.memory_space<vmem>>
    %dma_wait3A_1142 = tpu.memref_slice %arg2[%dma_wait3A_1135, %mul3A_2] : memref<100x16384xi32, #tpu.memory_space<hbm>> -> memref<1x512xi32, #tpu.memory_space<hbm>>
    %dma_wait3A_1143 = tpu.memref_squeeze %dma_wait3A_1142 : memref<1x512xi32, #tpu.memory_space<hbm>> -> memref<512xi32, #tpu.memory_space<hbm>>
    tpu.wait_dma2 semaphore(%arg8 : memref<!tpu.dma_semaphore, #tpu.memory_space<semaphore_mem>>) src(%dma_wait3A_1143 : memref<512xi32, #tpu.memory_space<hbm>>) dst(%dma_wait3A_1141 : memref<512xi32, #tpu.memory_space<vmem>>)
    %dma_wait3A_1144 = arith.constant 27 : i32
    %dma_wait3A_1145 = arith.constant 13824 : i32
    %dma_wait3A_1146 = tpu.memref_slice %arg5[%dma_wait3A_1145] : memref<51200xi32, #tpu.memory_space<vmem>> -> memref<512xi32, #tpu.memory_space<vmem>>
    %dma_wait3A_1147 = tpu.memref_slice %arg2[%dma_wait3A_1144, %mul3A_2] : memref<100x16384xi32, #tpu.memory_space<hbm>> -> memref<1x512xi32, #tpu.memory_space<hbm>>
    %dma_wait3A_1148 = tpu.memref_squeeze %dma_wait3A_1147 : memref<1x512xi32, #tpu.memory_space<hbm>> -> memref<512xi32, #tpu.memory_space<hbm>>
    %dma_wait3A_1149 = arith.constant 13824 : i32
    %dma_wait3A_1150 = tpu.memref_slice %arg5[%dma_wait3A_1149] : memref<51200xi32, #tpu.memory_space<vmem>> -> memref<512xi32, #tpu.memory_space<vmem>>
    %dma_wait3A_1151 = tpu.memref_slice %arg2[%dma_wait3A_1144, %mul3A_2] : memref<100x16384xi32, #tpu.memory_space<hbm>> -> memref<1x512xi32, #tpu.memory_space<hbm>>
    %dma_wait3A_1152 = tpu.memref_squeeze %dma_wait3A_1151 : memref<1x512xi32, #tpu.memory_space<hbm>> -> memref<512xi32, #tpu.memory_space<hbm>>
    tpu.wait_dma2 semaphore(%arg8 : memref<!tpu.dma_semaphore, #tpu.memory_space<semaphore_mem>>) src(%dma_wait3A_1152 : memref<512xi32, #tpu.memory_space<hbm>>) dst(%dma_wait3A_1150 : memref<512xi32, #tpu.memory_space<vmem>>)
    %dma_wait3A_1153 = arith.constant 28 : i32
    %dma_wait3A_1154 = arith.constant 14336 : i32
    %dma_wait3A_1155 = tpu.memref_slice %arg5[%dma_wait3A_1154] : memref<51200xi32, #tpu.memory_space<vmem>> -> memref<512xi32, #tpu.memory_space<vmem>>
    %dma_wait3A_1156 = tpu.memref_slice %arg2[%dma_wait3A_1153, %mul3A_2] : memref<100x16384xi32, #tpu.memory_space<hbm>> -> memref<1x512xi32, #tpu.memory_space<hbm>>
    %dma_wait3A_1157 = tpu.memref_squeeze %dma_wait3A_1156 : memref<1x512xi32, #tpu.memory_space<hbm>> -> memref<512xi32, #tpu.memory_space<hbm>>
    %dma_wait3A_1158 = arith.constant 14336 : i32
    %dma_wait3A_1159 = tpu.memref_slice %arg5[%dma_wait3A_1158] : memref<51200xi32, #tpu.memory_space<vmem>> -> memref<512xi32, #tpu.memory_space<vmem>>
    %dma_wait3A_1160 = tpu.memref_slice %arg2[%dma_wait3A_1153, %mul3A_2] : memref<100x16384xi32, #tpu.memory_space<hbm>> -> memref<1x512xi32, #tpu.memory_space<hbm>>
    %dma_wait3A_1161 = tpu.memref_squeeze %dma_wait3A_1160 : memref<1x512xi32, #tpu.memory_space<hbm>> -> memref<512xi32, #tpu.memory_space<hbm>>
    tpu.wait_dma2 semaphore(%arg8 : memref<!tpu.dma_semaphore, #tpu.memory_space<semaphore_mem>>) src(%dma_wait3A_1161 : memref<512xi32, #tpu.memory_space<hbm>>) dst(%dma_wait3A_1159 : memref<512xi32, #tpu.memory_space<vmem>>)
    %dma_wait3A_1162 = arith.constant 29 : i32
    %dma_wait3A_1163 = arith.constant 14848 : i32
    %dma_wait3A_1164 = tpu.memref_slice %arg5[%dma_wait3A_1163] : memref<51200xi32, #tpu.memory_space<vmem>> -> memref<512xi32, #tpu.memory_space<vmem>>
    %dma_wait3A_1165 = tpu.memref_slice %arg2[%dma_wait3A_1162, %mul3A_2] : memref<100x16384xi32, #tpu.memory_space<hbm>> -> memref<1x512xi32, #tpu.memory_space<hbm>>
    %dma_wait3A_1166 = tpu.memref_squeeze %dma_wait3A_1165 : memref<1x512xi32, #tpu.memory_space<hbm>> -> memref<512xi32, #tpu.memory_space<hbm>>
    %dma_wait3A_1167 = arith.constant 14848 : i32
    %dma_wait3A_1168 = tpu.memref_slice %arg5[%dma_wait3A_1167] : memref<51200xi32, #tpu.memory_space<vmem>> -> memref<512xi32, #tpu.memory_space<vmem>>
    %dma_wait3A_1169 = tpu.memref_slice %arg2[%dma_wait3A_1162, %mul3A_2] : memref<100x16384xi32, #tpu.memory_space<hbm>> -> memref<1x512xi32, #tpu.memory_space<hbm>>
    %dma_wait3A_1170 = tpu.memref_squeeze %dma_wait3A_1169 : memref<1x512xi32, #tpu.memory_space<hbm>> -> memref<512xi32, #tpu.memory_space<hbm>>
    tpu.wait_dma2 semaphore(%arg8 : memref<!tpu.dma_semaphore, #tpu.memory_space<semaphore_mem>>) src(%dma_wait3A_1170 : memref<512xi32, #tpu.memory_space<hbm>>) dst(%dma_wait3A_1168 : memref<512xi32, #tpu.memory_space<vmem>>)
    %dma_wait3A_1171 = arith.constant 30 : i32
    %dma_wait3A_1172 = arith.constant 15360 : i32
    %dma_wait3A_1173 = tpu.memref_slice %arg5[%dma_wait3A_1172] : memref<51200xi32, #tpu.memory_space<vmem>> -> memref<512xi32, #tpu.memory_space<vmem>>
    %dma_wait3A_1174 = tpu.memref_slice %arg2[%dma_wait3A_1171, %mul3A_2] : memref<100x16384xi32, #tpu.memory_space<hbm>> -> memref<1x512xi32, #tpu.memory_space<hbm>>
    %dma_wait3A_1175 = tpu.memref_squeeze %dma_wait3A_1174 : memref<1x512xi32, #tpu.memory_space<hbm>> -> memref<512xi32, #tpu.memory_space<hbm>>
    %dma_wait3A_1176 = arith.constant 15360 : i32
    %dma_wait3A_1177 = tpu.memref_slice %arg5[%dma_wait3A_1176] : memref<51200xi32, #tpu.memory_space<vmem>> -> memref<512xi32, #tpu.memory_space<vmem>>
    %dma_wait3A_1178 = tpu.memref_slice %arg2[%dma_wait3A_1171, %mul3A_2] : memref<100x16384xi32, #tpu.memory_space<hbm>> -> memref<1x512xi32, #tpu.memory_space<hbm>>
    %dma_wait3A_1179 = tpu.memref_squeeze %dma_wait3A_1178 : memref<1x512xi32, #tpu.memory_space<hbm>> -> memref<512xi32, #tpu.memory_space<hbm>>
    tpu.wait_dma2 semaphore(%arg8 : memref<!tpu.dma_semaphore, #tpu.memory_space<semaphore_mem>>) src(%dma_wait3A_1179 : memref<512xi32, #tpu.memory_space<hbm>>) dst(%dma_wait3A_1177 : memref<512xi32, #tpu.memory_space<vmem>>)
    %dma_wait3A_1180 = arith.constant 31 : i32
    %dma_wait3A_1181 = arith.constant 15872 : i32
    %dma_wait3A_1182 = tpu.memref_slice %arg5[%dma_wait3A_1181] : memref<51200xi32, #tpu.memory_space<vmem>> -> memref<512xi32, #tpu.memory_space<vmem>>
    %dma_wait3A_1183 = tpu.memref_slice %arg2[%dma_wait3A_1180, %mul3A_2] : memref<100x16384xi32, #tpu.memory_space<hbm>> -> memref<1x512xi32, #tpu.memory_space<hbm>>
    %dma_wait3A_1184 = tpu.memref_squeeze %dma_wait3A_1183 : memref<1x512xi32, #tpu.memory_space<hbm>> -> memref<512xi32, #tpu.memory_space<hbm>>
    %dma_wait3A_1185 = arith.constant 15872 : i32
    %dma_wait3A_1186 = tpu.memref_slice %arg5[%dma_wait3A_1185] : memref<51200xi32, #tpu.memory_space<vmem>> -> memref<512xi32, #tpu.memory_space<vmem>>
    %dma_wait3A_1187 = tpu.memref_slice %arg2[%dma_wait3A_1180, %mul3A_2] : memref<100x16384xi32, #tpu.memory_space<hbm>> -> memref<1x512xi32, #tpu.memory_space<hbm>>
    %dma_wait3A_1188 = tpu.memref_squeeze %dma_wait3A_1187 : memref<1x512xi32, #tpu.memory_space<hbm>> -> memref<512xi32, #tpu.memory_space<hbm>>
    tpu.wait_dma2 semaphore(%arg8 : memref<!tpu.dma_semaphore, #tpu.memory_space<semaphore_mem>>) src(%dma_wait3A_1188 : memref<512xi32, #tpu.memory_space<hbm>>) dst(%dma_wait3A_1186 : memref<512xi32, #tpu.memory_space<vmem>>)
    %dma_wait3A_1189 = arith.constant 32 : i32
    %dma_wait3A_1190 = arith.constant 16384 : i32
    %dma_wait3A_1191 = tpu.memref_slice %arg5[%dma_wait3A_1190] : memref<51200xi32, #tpu.memory_space<vmem>> -> memref<512xi32, #tpu.memory_space<vmem>>
    %dma_wait3A_1192 = tpu.memref_slice %arg2[%dma_wait3A_1189, %mul3A_2] : memref<100x16384xi32, #tpu.memory_space<hbm>> -> memref<1x512xi32, #tpu.memory_space<hbm>>
    %dma_wait3A_1193 = tpu.memref_squeeze %dma_wait3A_1192 : memref<1x512xi32, #tpu.memory_space<hbm>> -> memref<512xi32, #tpu.memory_space<hbm>>
    %dma_wait3A_1194 = arith.constant 16384 : i32
    %dma_wait3A_1195 = tpu.memref_slice %arg5[%dma_wait3A_1194] : memref<51200xi32, #tpu.memory_space<vmem>> -> memref<512xi32, #tpu.memory_space<vmem>>
    %dma_wait3A_1196 = tpu.memref_slice %arg2[%dma_wait3A_1189, %mul3A_2] : memref<100x16384xi32, #tpu.memory_space<hbm>> -> memref<1x512xi32, #tpu.memory_space<hbm>>
    %dma_wait3A_1197 = tpu.memref_squeeze %dma_wait3A_1196 : memref<1x512xi32, #tpu.memory_space<hbm>> -> memref<512xi32, #tpu.memory_space<hbm>>
    tpu.wait_dma2 semaphore(%arg8 : memref<!tpu.dma_semaphore, #tpu.memory_space<semaphore_mem>>) src(%dma_wait3A_1197 : memref<512xi32, #tpu.memory_space<hbm>>) dst(%dma_wait3A_1195 : memref<512xi32, #tpu.memory_space<vmem>>)
    %dma_wait3A_1198 = arith.constant 33 : i32
    %dma_wait3A_1199 = arith.constant 16896 : i32
    %dma_wait3A_1200 = tpu.memref_slice %arg5[%dma_wait3A_1199] : memref<51200xi32, #tpu.memory_space<vmem>> -> memref<512xi32, #tpu.memory_space<vmem>>
    %dma_wait3A_1201 = tpu.memref_slice %arg2[%dma_wait3A_1198, %mul3A_2] : memref<100x16384xi32, #tpu.memory_space<hbm>> -> memref<1x512xi32, #tpu.memory_space<hbm>>
    %dma_wait3A_1202 = tpu.memref_squeeze %dma_wait3A_1201 : memref<1x512xi32, #tpu.memory_space<hbm>> -> memref<512xi32, #tpu.memory_space<hbm>>
    %dma_wait3A_1203 = arith.constant 16896 : i32
    %dma_wait3A_1204 = tpu.memref_slice %arg5[%dma_wait3A_1203] : memref<51200xi32, #tpu.memory_space<vmem>> -> memref<512xi32, #tpu.memory_space<vmem>>
    %dma_wait3A_1205 = tpu.memref_slice %arg2[%dma_wait3A_1198, %mul3A_2] : memref<100x16384xi32, #tpu.memory_space<hbm>> -> memref<1x512xi32, #tpu.memory_space<hbm>>
    %dma_wait3A_1206 = tpu.memref_squeeze %dma_wait3A_1205 : memref<1x512xi32, #tpu.memory_space<hbm>> -> memref<512xi32, #tpu.memory_space<hbm>>
    tpu.wait_dma2 semaphore(%arg8 : memref<!tpu.dma_semaphore, #tpu.memory_space<semaphore_mem>>) src(%dma_wait3A_1206 : memref<512xi32, #tpu.memory_space<hbm>>) dst(%dma_wait3A_1204 : memref<512xi32, #tpu.memory_space<vmem>>)
    %dma_wait3A_1207 = arith.constant 34 : i32
    %dma_wait3A_1208 = arith.constant 17408 : i32
    %dma_wait3A_1209 = tpu.memref_slice %arg5[%dma_wait3A_1208] : memref<51200xi32, #tpu.memory_space<vmem>> -> memref<512xi32, #tpu.memory_space<vmem>>
    %dma_wait3A_1210 = tpu.memref_slice %arg2[%dma_wait3A_1207, %mul3A_2] : memref<100x16384xi32, #tpu.memory_space<hbm>> -> memref<1x512xi32, #tpu.memory_space<hbm>>
    %dma_wait3A_1211 = tpu.memref_squeeze %dma_wait3A_1210 : memref<1x512xi32, #tpu.memory_space<hbm>> -> memref<512xi32, #tpu.memory_space<hbm>>
    %dma_wait3A_1212 = arith.constant 17408 : i32
    %dma_wait3A_1213 = tpu.memref_slice %arg5[%dma_wait3A_1212] : memref<51200xi32, #tpu.memory_space<vmem>> -> memref<512xi32, #tpu.memory_space<vmem>>
    %dma_wait3A_1214 = tpu.memref_slice %arg2[%dma_wait3A_1207, %mul3A_2] : memref<100x16384xi32, #tpu.memory_space<hbm>> -> memref<1x512xi32, #tpu.memory_space<hbm>>
    %dma_wait3A_1215 = tpu.memref_squeeze %dma_wait3A_1214 : memref<1x512xi32, #tpu.memory_space<hbm>> -> memref<512xi32, #tpu.memory_space<hbm>>
    tpu.wait_dma2 semaphore(%arg8 : memref<!tpu.dma_semaphore, #tpu.memory_space<semaphore_mem>>) src(%dma_wait3A_1215 : memref<512xi32, #tpu.memory_space<hbm>>) dst(%dma_wait3A_1213 : memref<512xi32, #tpu.memory_space<vmem>>)
    %dma_wait3A_1216 = arith.constant 35 : i32
    %dma_wait3A_1217 = arith.constant 17920 : i32
    %dma_wait3A_1218 = tpu.memref_slice %arg5[%dma_wait3A_1217] : memref<51200xi32, #tpu.memory_space<vmem>> -> memref<512xi32, #tpu.memory_space<vmem>>
    %dma_wait3A_1219 = tpu.memref_slice %arg2[%dma_wait3A_1216, %mul3A_2] : memref<100x16384xi32, #tpu.memory_space<hbm>> -> memref<1x512xi32, #tpu.memory_space<hbm>>
    %dma_wait3A_1220 = tpu.memref_squeeze %dma_wait3A_1219 : memref<1x512xi32, #tpu.memory_space<hbm>> -> memref<512xi32, #tpu.memory_space<hbm>>
    %dma_wait3A_1221 = arith.constant 17920 : i32
    %dma_wait3A_1222 = tpu.memref_slice %arg5[%dma_wait3A_1221] : memref<51200xi32, #tpu.memory_space<vmem>> -> memref<512xi32, #tpu.memory_space<vmem>>
    %dma_wait3A_1223 = tpu.memref_slice %arg2[%dma_wait3A_1216, %mul3A_2] : memref<100x16384xi32, #tpu.memory_space<hbm>> -> memref<1x512xi32, #tpu.memory_space<hbm>>
    %dma_wait3A_1224 = tpu.memref_squeeze %dma_wait3A_1223 : memref<1x512xi32, #tpu.memory_space<hbm>> -> memref<512xi32, #tpu.memory_space<hbm>>
    tpu.wait_dma2 semaphore(%arg8 : memref<!tpu.dma_semaphore, #tpu.memory_space<semaphore_mem>>) src(%dma_wait3A_1224 : memref<512xi32, #tpu.memory_space<hbm>>) dst(%dma_wait3A_1222 : memref<512xi32, #tpu.memory_space<vmem>>)
    %dma_wait3A_1225 = arith.constant 36 : i32
    %dma_wait3A_1226 = arith.constant 18432 : i32
    %dma_wait3A_1227 = tpu.memref_slice %arg5[%dma_wait3A_1226] : memref<51200xi32, #tpu.memory_space<vmem>> -> memref<512xi32, #tpu.memory_space<vmem>>
    %dma_wait3A_1228 = tpu.memref_slice %arg2[%dma_wait3A_1225, %mul3A_2] : memref<100x16384xi32, #tpu.memory_space<hbm>> -> memref<1x512xi32, #tpu.memory_space<hbm>>
    %dma_wait3A_1229 = tpu.memref_squeeze %dma_wait3A_1228 : memref<1x512xi32, #tpu.memory_space<hbm>> -> memref<512xi32, #tpu.memory_space<hbm>>
    %dma_wait3A_1230 = arith.constant 18432 : i32
    %dma_wait3A_1231 = tpu.memref_slice %arg5[%dma_wait3A_1230] : memref<51200xi32, #tpu.memory_space<vmem>> -> memref<512xi32, #tpu.memory_space<vmem>>
    %dma_wait3A_1232 = tpu.memref_slice %arg2[%dma_wait3A_1225, %mul3A_2] : memref<100x16384xi32, #tpu.memory_space<hbm>> -> memref<1x512xi32, #tpu.memory_space<hbm>>
    %dma_wait3A_1233 = tpu.memref_squeeze %dma_wait3A_1232 : memref<1x512xi32, #tpu.memory_space<hbm>> -> memref<512xi32, #tpu.memory_space<hbm>>
    tpu.wait_dma2 semaphore(%arg8 : memref<!tpu.dma_semaphore, #tpu.memory_space<semaphore_mem>>) src(%dma_wait3A_1233 : memref<512xi32, #tpu.memory_space<hbm>>) dst(%dma_wait3A_1231 : memref<512xi32, #tpu.memory_space<vmem>>)
    %dma_wait3A_1234 = arith.constant 37 : i32
    %dma_wait3A_1235 = arith.constant 18944 : i32
    %dma_wait3A_1236 = tpu.memref_slice %arg5[%dma_wait3A_1235] : memref<51200xi32, #tpu.memory_space<vmem>> -> memref<512xi32, #tpu.memory_space<vmem>>
    %dma_wait3A_1237 = tpu.memref_slice %arg2[%dma_wait3A_1234, %mul3A_2] : memref<100x16384xi32, #tpu.memory_space<hbm>> -> memref<1x512xi32, #tpu.memory_space<hbm>>
    %dma_wait3A_1238 = tpu.memref_squeeze %dma_wait3A_1237 : memref<1x512xi32, #tpu.memory_space<hbm>> -> memref<512xi32, #tpu.memory_space<hbm>>
    %dma_wait3A_1239 = arith.constant 18944 : i32
    %dma_wait3A_1240 = tpu.memref_slice %arg5[%dma_wait3A_1239] : memref<51200xi32, #tpu.memory_space<vmem>> -> memref<512xi32, #tpu.memory_space<vmem>>
    %dma_wait3A_1241 = tpu.memref_slice %arg2[%dma_wait3A_1234, %mul3A_2] : memref<100x16384xi32, #tpu.memory_space<hbm>> -> memref<1x512xi32, #tpu.memory_space<hbm>>
    %dma_wait3A_1242 = tpu.memref_squeeze %dma_wait3A_1241 : memref<1x512xi32, #tpu.memory_space<hbm>> -> memref<512xi32, #tpu.memory_space<hbm>>
    tpu.wait_dma2 semaphore(%arg8 : memref<!tpu.dma_semaphore, #tpu.memory_space<semaphore_mem>>) src(%dma_wait3A_1242 : memref<512xi32, #tpu.memory_space<hbm>>) dst(%dma_wait3A_1240 : memref<512xi32, #tpu.memory_space<vmem>>)
    %dma_wait3A_1243 = arith.constant 38 : i32
    %dma_wait3A_1244 = arith.constant 19456 : i32
    %dma_wait3A_1245 = tpu.memref_slice %arg5[%dma_wait3A_1244] : memref<51200xi32, #tpu.memory_space<vmem>> -> memref<512xi32, #tpu.memory_space<vmem>>
    %dma_wait3A_1246 = tpu.memref_slice %arg2[%dma_wait3A_1243, %mul3A_2] : memref<100x16384xi32, #tpu.memory_space<hbm>> -> memref<1x512xi32, #tpu.memory_space<hbm>>
    %dma_wait3A_1247 = tpu.memref_squeeze %dma_wait3A_1246 : memref<1x512xi32, #tpu.memory_space<hbm>> -> memref<512xi32, #tpu.memory_space<hbm>>
    %dma_wait3A_1248 = arith.constant 19456 : i32
    %dma_wait3A_1249 = tpu.memref_slice %arg5[%dma_wait3A_1248] : memref<51200xi32, #tpu.memory_space<vmem>> -> memref<512xi32, #tpu.memory_space<vmem>>
    %dma_wait3A_1250 = tpu.memref_slice %arg2[%dma_wait3A_1243, %mul3A_2] : memref<100x16384xi32, #tpu.memory_space<hbm>> -> memref<1x512xi32, #tpu.memory_space<hbm>>
    %dma_wait3A_1251 = tpu.memref_squeeze %dma_wait3A_1250 : memref<1x512xi32, #tpu.memory_space<hbm>> -> memref<512xi32, #tpu.memory_space<hbm>>
    tpu.wait_dma2 semaphore(%arg8 : memref<!tpu.dma_semaphore, #tpu.memory_space<semaphore_mem>>) src(%dma_wait3A_1251 : memref<512xi32, #tpu.memory_space<hbm>>) dst(%dma_wait3A_1249 : memref<512xi32, #tpu.memory_space<vmem>>)
    %dma_wait3A_1252 = arith.constant 39 : i32
    %dma_wait3A_1253 = arith.constant 19968 : i32
    %dma_wait3A_1254 = tpu.memref_slice %arg5[%dma_wait3A_1253] : memref<51200xi32, #tpu.memory_space<vmem>> -> memref<512xi32, #tpu.memory_space<vmem>>
    %dma_wait3A_1255 = tpu.memref_slice %arg2[%dma_wait3A_1252, %mul3A_2] : memref<100x16384xi32, #tpu.memory_space<hbm>> -> memref<1x512xi32, #tpu.memory_space<hbm>>
    %dma_wait3A_1256 = tpu.memref_squeeze %dma_wait3A_1255 : memref<1x512xi32, #tpu.memory_space<hbm>> -> memref<512xi32, #tpu.memory_space<hbm>>
    %dma_wait3A_1257 = arith.constant 19968 : i32
    %dma_wait3A_1258 = tpu.memref_slice %arg5[%dma_wait3A_1257] : memref<51200xi32, #tpu.memory_space<vmem>> -> memref<512xi32, #tpu.memory_space<vmem>>
    %dma_wait3A_1259 = tpu.memref_slice %arg2[%dma_wait3A_1252, %mul3A_2] : memref<100x16384xi32, #tpu.memory_space<hbm>> -> memref<1x512xi32, #tpu.memory_space<hbm>>
    %dma_wait3A_1260 = tpu.memref_squeeze %dma_wait3A_1259 : memref<1x512xi32, #tpu.memory_space<hbm>> -> memref<512xi32, #tpu.memory_space<hbm>>
    tpu.wait_dma2 semaphore(%arg8 : memref<!tpu.dma_semaphore, #tpu.memory_space<semaphore_mem>>) src(%dma_wait3A_1260 : memref<512xi32, #tpu.memory_space<hbm>>) dst(%dma_wait3A_1258 : memref<512xi32, #tpu.memory_space<vmem>>)
    %dma_wait3A_1261 = arith.constant 40 : i32
    %dma_wait3A_1262 = arith.constant 20480 : i32
    %dma_wait3A_1263 = tpu.memref_slice %arg5[%dma_wait3A_1262] : memref<51200xi32, #tpu.memory_space<vmem>> -> memref<512xi32, #tpu.memory_space<vmem>>
    %dma_wait3A_1264 = tpu.memref_slice %arg2[%dma_wait3A_1261, %mul3A_2] : memref<100x16384xi32, #tpu.memory_space<hbm>> -> memref<1x512xi32, #tpu.memory_space<hbm>>
    %dma_wait3A_1265 = tpu.memref_squeeze %dma_wait3A_1264 : memref<1x512xi32, #tpu.memory_space<hbm>> -> memref<512xi32, #tpu.memory_space<hbm>>
    %dma_wait3A_1266 = arith.constant 20480 : i32
    %dma_wait3A_1267 = tpu.memref_slice %arg5[%dma_wait3A_1266] : memref<51200xi32, #tpu.memory_space<vmem>> -> memref<512xi32, #tpu.memory_space<vmem>>
    %dma_wait3A_1268 = tpu.memref_slice %arg2[%dma_wait3A_1261, %mul3A_2] : memref<100x16384xi32, #tpu.memory_space<hbm>> -> memref<1x512xi32, #tpu.memory_space<hbm>>
    %dma_wait3A_1269 = tpu.memref_squeeze %dma_wait3A_1268 : memref<1x512xi32, #tpu.memory_space<hbm>> -> memref<512xi32, #tpu.memory_space<hbm>>
    tpu.wait_dma2 semaphore(%arg8 : memref<!tpu.dma_semaphore, #tpu.memory_space<semaphore_mem>>) src(%dma_wait3A_1269 : memref<512xi32, #tpu.memory_space<hbm>>) dst(%dma_wait3A_1267 : memref<512xi32, #tpu.memory_space<vmem>>)
    %dma_wait3A_1270 = arith.constant 41 : i32
    %dma_wait3A_1271 = arith.constant 20992 : i32
    %dma_wait3A_1272 = tpu.memref_slice %arg5[%dma_wait3A_1271] : memref<51200xi32, #tpu.memory_space<vmem>> -> memref<512xi32, #tpu.memory_space<vmem>>
    %dma_wait3A_1273 = tpu.memref_slice %arg2[%dma_wait3A_1270, %mul3A_2] : memref<100x16384xi32, #tpu.memory_space<hbm>> -> memref<1x512xi32, #tpu.memory_space<hbm>>
    %dma_wait3A_1274 = tpu.memref_squeeze %dma_wait3A_1273 : memref<1x512xi32, #tpu.memory_space<hbm>> -> memref<512xi32, #tpu.memory_space<hbm>>
    %dma_wait3A_1275 = arith.constant 20992 : i32
    %dma_wait3A_1276 = tpu.memref_slice %arg5[%dma_wait3A_1275] : memref<51200xi32, #tpu.memory_space<vmem>> -> memref<512xi32, #tpu.memory_space<vmem>>
    %dma_wait3A_1277 = tpu.memref_slice %arg2[%dma_wait3A_1270, %mul3A_2] : memref<100x16384xi32, #tpu.memory_space<hbm>> -> memref<1x512xi32, #tpu.memory_space<hbm>>
    %dma_wait3A_1278 = tpu.memref_squeeze %dma_wait3A_1277 : memref<1x512xi32, #tpu.memory_space<hbm>> -> memref<512xi32, #tpu.memory_space<hbm>>
    tpu.wait_dma2 semaphore(%arg8 : memref<!tpu.dma_semaphore, #tpu.memory_space<semaphore_mem>>) src(%dma_wait3A_1278 : memref<512xi32, #tpu.memory_space<hbm>>) dst(%dma_wait3A_1276 : memref<512xi32, #tpu.memory_space<vmem>>)
    %dma_wait3A_1279 = arith.constant 42 : i32
    %dma_wait3A_1280 = arith.constant 21504 : i32
    %dma_wait3A_1281 = tpu.memref_slice %arg5[%dma_wait3A_1280] : memref<51200xi32, #tpu.memory_space<vmem>> -> memref<512xi32, #tpu.memory_space<vmem>>
    %dma_wait3A_1282 = tpu.memref_slice %arg2[%dma_wait3A_1279, %mul3A_2] : memref<100x16384xi32, #tpu.memory_space<hbm>> -> memref<1x512xi32, #tpu.memory_space<hbm>>
    %dma_wait3A_1283 = tpu.memref_squeeze %dma_wait3A_1282 : memref<1x512xi32, #tpu.memory_space<hbm>> -> memref<512xi32, #tpu.memory_space<hbm>>
    %dma_wait3A_1284 = arith.constant 21504 : i32
    %dma_wait3A_1285 = tpu.memref_slice %arg5[%dma_wait3A_1284] : memref<51200xi32, #tpu.memory_space<vmem>> -> memref<512xi32, #tpu.memory_space<vmem>>
    %dma_wait3A_1286 = tpu.memref_slice %arg2[%dma_wait3A_1279, %mul3A_2] : memref<100x16384xi32, #tpu.memory_space<hbm>> -> memref<1x512xi32, #tpu.memory_space<hbm>>
    %dma_wait3A_1287 = tpu.memref_squeeze %dma_wait3A_1286 : memref<1x512xi32, #tpu.memory_space<hbm>> -> memref<512xi32, #tpu.memory_space<hbm>>
    tpu.wait_dma2 semaphore(%arg8 : memref<!tpu.dma_semaphore, #tpu.memory_space<semaphore_mem>>) src(%dma_wait3A_1287 : memref<512xi32, #tpu.memory_space<hbm>>) dst(%dma_wait3A_1285 : memref<512xi32, #tpu.memory_space<vmem>>)
    %dma_wait3A_1288 = arith.constant 43 : i32
    %dma_wait3A_1289 = arith.constant 22016 : i32
    %dma_wait3A_1290 = tpu.memref_slice %arg5[%dma_wait3A_1289] : memref<51200xi32, #tpu.memory_space<vmem>> -> memref<512xi32, #tpu.memory_space<vmem>>
    %dma_wait3A_1291 = tpu.memref_slice %arg2[%dma_wait3A_1288, %mul3A_2] : memref<100x16384xi32, #tpu.memory_space<hbm>> -> memref<1x512xi32, #tpu.memory_space<hbm>>
    %dma_wait3A_1292 = tpu.memref_squeeze %dma_wait3A_1291 : memref<1x512xi32, #tpu.memory_space<hbm>> -> memref<512xi32, #tpu.memory_space<hbm>>
    %dma_wait3A_1293 = arith.constant 22016 : i32
    %dma_wait3A_1294 = tpu.memref_slice %arg5[%dma_wait3A_1293] : memref<51200xi32, #tpu.memory_space<vmem>> -> memref<512xi32, #tpu.memory_space<vmem>>
    %dma_wait3A_1295 = tpu.memref_slice %arg2[%dma_wait3A_1288, %mul3A_2] : memref<100x16384xi32, #tpu.memory_space<hbm>> -> memref<1x512xi32, #tpu.memory_space<hbm>>
    %dma_wait3A_1296 = tpu.memref_squeeze %dma_wait3A_1295 : memref<1x512xi32, #tpu.memory_space<hbm>> -> memref<512xi32, #tpu.memory_space<hbm>>
    tpu.wait_dma2 semaphore(%arg8 : memref<!tpu.dma_semaphore, #tpu.memory_space<semaphore_mem>>) src(%dma_wait3A_1296 : memref<512xi32, #tpu.memory_space<hbm>>) dst(%dma_wait3A_1294 : memref<512xi32, #tpu.memory_space<vmem>>)
    %dma_wait3A_1297 = arith.constant 44 : i32
    %dma_wait3A_1298 = arith.constant 22528 : i32
    %dma_wait3A_1299 = tpu.memref_slice %arg5[%dma_wait3A_1298] : memref<51200xi32, #tpu.memory_space<vmem>> -> memref<512xi32, #tpu.memory_space<vmem>>
    %dma_wait3A_1300 = tpu.memref_slice %arg2[%dma_wait3A_1297, %mul3A_2] : memref<100x16384xi32, #tpu.memory_space<hbm>> -> memref<1x512xi32, #tpu.memory_space<hbm>>
    %dma_wait3A_1301 = tpu.memref_squeeze %dma_wait3A_1300 : memref<1x512xi32, #tpu.memory_space<hbm>> -> memref<512xi32, #tpu.memory_space<hbm>>
    %dma_wait3A_1302 = arith.constant 22528 : i32
    %dma_wait3A_1303 = tpu.memref_slice %arg5[%dma_wait3A_1302] : memref<51200xi32, #tpu.memory_space<vmem>> -> memref<512xi32, #tpu.memory_space<vmem>>
    %dma_wait3A_1304 = tpu.memref_slice %arg2[%dma_wait3A_1297, %mul3A_2] : memref<100x16384xi32, #tpu.memory_space<hbm>> -> memref<1x512xi32, #tpu.memory_space<hbm>>
    %dma_wait3A_1305 = tpu.memref_squeeze %dma_wait3A_1304 : memref<1x512xi32, #tpu.memory_space<hbm>> -> memref<512xi32, #tpu.memory_space<hbm>>
    tpu.wait_dma2 semaphore(%arg8 : memref<!tpu.dma_semaphore, #tpu.memory_space<semaphore_mem>>) src(%dma_wait3A_1305 : memref<512xi32, #tpu.memory_space<hbm>>) dst(%dma_wait3A_1303 : memref<512xi32, #tpu.memory_space<vmem>>)
    %dma_wait3A_1306 = arith.constant 45 : i32
    %dma_wait3A_1307 = arith.constant 23040 : i32
    %dma_wait3A_1308 = tpu.memref_slice %arg5[%dma_wait3A_1307] : memref<51200xi32, #tpu.memory_space<vmem>> -> memref<512xi32, #tpu.memory_space<vmem>>
    %dma_wait3A_1309 = tpu.memref_slice %arg2[%dma_wait3A_1306, %mul3A_2] : memref<100x16384xi32, #tpu.memory_space<hbm>> -> memref<1x512xi32, #tpu.memory_space<hbm>>
    %dma_wait3A_1310 = tpu.memref_squeeze %dma_wait3A_1309 : memref<1x512xi32, #tpu.memory_space<hbm>> -> memref<512xi32, #tpu.memory_space<hbm>>
    %dma_wait3A_1311 = arith.constant 23040 : i32
    %dma_wait3A_1312 = tpu.memref_slice %arg5[%dma_wait3A_1311] : memref<51200xi32, #tpu.memory_space<vmem>> -> memref<512xi32, #tpu.memory_space<vmem>>
    %dma_wait3A_1313 = tpu.memref_slice %arg2[%dma_wait3A_1306, %mul3A_2] : memref<100x16384xi32, #tpu.memory_space<hbm>> -> memref<1x512xi32, #tpu.memory_space<hbm>>
    %dma_wait3A_1314 = tpu.memref_squeeze %dma_wait3A_1313 : memref<1x512xi32, #tpu.memory_space<hbm>> -> memref<512xi32, #tpu.memory_space<hbm>>
    tpu.wait_dma2 semaphore(%arg8 : memref<!tpu.dma_semaphore, #tpu.memory_space<semaphore_mem>>) src(%dma_wait3A_1314 : memref<512xi32, #tpu.memory_space<hbm>>) dst(%dma_wait3A_1312 : memref<512xi32, #tpu.memory_space<vmem>>)
    %dma_wait3A_1315 = arith.constant 46 : i32
    %dma_wait3A_1316 = arith.constant 23552 : i32
    %dma_wait3A_1317 = tpu.memref_slice %arg5[%dma_wait3A_1316] : memref<51200xi32, #tpu.memory_space<vmem>> -> memref<512xi32, #tpu.memory_space<vmem>>
    %dma_wait3A_1318 = tpu.memref_slice %arg2[%dma_wait3A_1315, %mul3A_2] : memref<100x16384xi32, #tpu.memory_space<hbm>> -> memref<1x512xi32, #tpu.memory_space<hbm>>
    %dma_wait3A_1319 = tpu.memref_squeeze %dma_wait3A_1318 : memref<1x512xi32, #tpu.memory_space<hbm>> -> memref<512xi32, #tpu.memory_space<hbm>>
    %dma_wait3A_1320 = arith.constant 23552 : i32
    %dma_wait3A_1321 = tpu.memref_slice %arg5[%dma_wait3A_1320] : memref<51200xi32, #tpu.memory_space<vmem>> -> memref<512xi32, #tpu.memory_space<vmem>>
    %dma_wait3A_1322 = tpu.memref_slice %arg2[%dma_wait3A_1315, %mul3A_2] : memref<100x16384xi32, #tpu.memory_space<hbm>> -> memref<1x512xi32, #tpu.memory_space<hbm>>
    %dma_wait3A_1323 = tpu.memref_squeeze %dma_wait3A_1322 : memref<1x512xi32, #tpu.memory_space<hbm>> -> memref<512xi32, #tpu.memory_space<hbm>>
    tpu.wait_dma2 semaphore(%arg8 : memref<!tpu.dma_semaphore, #tpu.memory_space<semaphore_mem>>) src(%dma_wait3A_1323 : memref<512xi32, #tpu.memory_space<hbm>>) dst(%dma_wait3A_1321 : memref<512xi32, #tpu.memory_space<vmem>>)
    %dma_wait3A_1324 = arith.constant 47 : i32
    %dma_wait3A_1325 = arith.constant 24064 : i32
    %dma_wait3A_1326 = tpu.memref_slice %arg5[%dma_wait3A_1325] : memref<51200xi32, #tpu.memory_space<vmem>> -> memref<512xi32, #tpu.memory_space<vmem>>
    %dma_wait3A_1327 = tpu.memref_slice %arg2[%dma_wait3A_1324, %mul3A_2] : memref<100x16384xi32, #tpu.memory_space<hbm>> -> memref<1x512xi32, #tpu.memory_space<hbm>>
    %dma_wait3A_1328 = tpu.memref_squeeze %dma_wait3A_1327 : memref<1x512xi32, #tpu.memory_space<hbm>> -> memref<512xi32, #tpu.memory_space<hbm>>
    %dma_wait3A_1329 = arith.constant 24064 : i32
    %dma_wait3A_1330 = tpu.memref_slice %arg5[%dma_wait3A_1329] : memref<51200xi32, #tpu.memory_space<vmem>> -> memref<512xi32, #tpu.memory_space<vmem>>
    %dma_wait3A_1331 = tpu.memref_slice %arg2[%dma_wait3A_1324, %mul3A_2] : memref<100x16384xi32, #tpu.memory_space<hbm>> -> memref<1x512xi32, #tpu.memory_space<hbm>>
    %dma_wait3A_1332 = tpu.memref_squeeze %dma_wait3A_1331 : memref<1x512xi32, #tpu.memory_space<hbm>> -> memref<512xi32, #tpu.memory_space<hbm>>
    tpu.wait_dma2 semaphore(%arg8 : memref<!tpu.dma_semaphore, #tpu.memory_space<semaphore_mem>>) src(%dma_wait3A_1332 : memref<512xi32, #tpu.memory_space<hbm>>) dst(%dma_wait3A_1330 : memref<512xi32, #tpu.memory_space<vmem>>)
    %dma_wait3A_1333 = arith.constant 48 : i32
    %dma_wait3A_1334 = arith.constant 24576 : i32
    %dma_wait3A_1335 = tpu.memref_slice %arg5[%dma_wait3A_1334] : memref<51200xi32, #tpu.memory_space<vmem>> -> memref<512xi32, #tpu.memory_space<vmem>>
    %dma_wait3A_1336 = tpu.memref_slice %arg2[%dma_wait3A_1333, %mul3A_2] : memref<100x16384xi32, #tpu.memory_space<hbm>> -> memref<1x512xi32, #tpu.memory_space<hbm>>
    %dma_wait3A_1337 = tpu.memref_squeeze %dma_wait3A_1336 : memref<1x512xi32, #tpu.memory_space<hbm>> -> memref<512xi32, #tpu.memory_space<hbm>>
    %dma_wait3A_1338 = arith.constant 24576 : i32
    %dma_wait3A_1339 = tpu.memref_slice %arg5[%dma_wait3A_1338] : memref<51200xi32, #tpu.memory_space<vmem>> -> memref<512xi32, #tpu.memory_space<vmem>>
    %dma_wait3A_1340 = tpu.memref_slice %arg2[%dma_wait3A_1333, %mul3A_2] : memref<100x16384xi32, #tpu.memory_space<hbm>> -> memref<1x512xi32, #tpu.memory_space<hbm>>
    %dma_wait3A_1341 = tpu.memref_squeeze %dma_wait3A_1340 : memref<1x512xi32, #tpu.memory_space<hbm>> -> memref<512xi32, #tpu.memory_space<hbm>>
    tpu.wait_dma2 semaphore(%arg8 : memref<!tpu.dma_semaphore, #tpu.memory_space<semaphore_mem>>) src(%dma_wait3A_1341 : memref<512xi32, #tpu.memory_space<hbm>>) dst(%dma_wait3A_1339 : memref<512xi32, #tpu.memory_space<vmem>>)
    %dma_wait3A_1342 = arith.constant 49 : i32
    %dma_wait3A_1343 = arith.constant 25088 : i32
    %dma_wait3A_1344 = tpu.memref_slice %arg5[%dma_wait3A_1343] : memref<51200xi32, #tpu.memory_space<vmem>> -> memref<512xi32, #tpu.memory_space<vmem>>
    %dma_wait3A_1345 = tpu.memref_slice %arg2[%dma_wait3A_1342, %mul3A_2] : memref<100x16384xi32, #tpu.memory_space<hbm>> -> memref<1x512xi32, #tpu.memory_space<hbm>>
    %dma_wait3A_1346 = tpu.memref_squeeze %dma_wait3A_1345 : memref<1x512xi32, #tpu.memory_space<hbm>> -> memref<512xi32, #tpu.memory_space<hbm>>
    %dma_wait3A_1347 = arith.constant 25088 : i32
    %dma_wait3A_1348 = tpu.memref_slice %arg5[%dma_wait3A_1347] : memref<51200xi32, #tpu.memory_space<vmem>> -> memref<512xi32, #tpu.memory_space<vmem>>
    %dma_wait3A_1349 = tpu.memref_slice %arg2[%dma_wait3A_1342, %mul3A_2] : memref<100x16384xi32, #tpu.memory_space<hbm>> -> memref<1x512xi32, #tpu.memory_space<hbm>>
    %dma_wait3A_1350 = tpu.memref_squeeze %dma_wait3A_1349 : memref<1x512xi32, #tpu.memory_space<hbm>> -> memref<512xi32, #tpu.memory_space<hbm>>
    tpu.wait_dma2 semaphore(%arg8 : memref<!tpu.dma_semaphore, #tpu.memory_space<semaphore_mem>>) src(%dma_wait3A_1350 : memref<512xi32, #tpu.memory_space<hbm>>) dst(%dma_wait3A_1348 : memref<512xi32, #tpu.memory_space<vmem>>)
    %dma_wait3A_1351 = arith.constant 50 : i32
    %dma_wait3A_1352 = arith.constant 25600 : i32
    %dma_wait3A_1353 = tpu.memref_slice %arg5[%dma_wait3A_1352] : memref<51200xi32, #tpu.memory_space<vmem>> -> memref<512xi32, #tpu.memory_space<vmem>>
    %dma_wait3A_1354 = tpu.memref_slice %arg2[%dma_wait3A_1351, %mul3A_2] : memref<100x16384xi32, #tpu.memory_space<hbm>> -> memref<1x512xi32, #tpu.memory_space<hbm>>
    %dma_wait3A_1355 = tpu.memref_squeeze %dma_wait3A_1354 : memref<1x512xi32, #tpu.memory_space<hbm>> -> memref<512xi32, #tpu.memory_space<hbm>>
    %dma_wait3A_1356 = arith.constant 25600 : i32
    %dma_wait3A_1357 = tpu.memref_slice %arg5[%dma_wait3A_1356] : memref<51200xi32, #tpu.memory_space<vmem>> -> memref<512xi32, #tpu.memory_space<vmem>>
    %dma_wait3A_1358 = tpu.memref_slice %arg2[%dma_wait3A_1351, %mul3A_2] : memref<100x16384xi32, #tpu.memory_space<hbm>> -> memref<1x512xi32, #tpu.memory_space<hbm>>
    %dma_wait3A_1359 = tpu.memref_squeeze %dma_wait3A_1358 : memref<1x512xi32, #tpu.memory_space<hbm>> -> memref<512xi32, #tpu.memory_space<hbm>>
    tpu.wait_dma2 semaphore(%arg8 : memref<!tpu.dma_semaphore, #tpu.memory_space<semaphore_mem>>) src(%dma_wait3A_1359 : memref<512xi32, #tpu.memory_space<hbm>>) dst(%dma_wait3A_1357 : memref<512xi32, #tpu.memory_space<vmem>>)
    %dma_wait3A_1360 = arith.constant 51 : i32
    %dma_wait3A_1361 = arith.constant 26112 : i32
    %dma_wait3A_1362 = tpu.memref_slice %arg5[%dma_wait3A_1361] : memref<51200xi32, #tpu.memory_space<vmem>> -> memref<512xi32, #tpu.memory_space<vmem>>
    %dma_wait3A_1363 = tpu.memref_slice %arg2[%dma_wait3A_1360, %mul3A_2] : memref<100x16384xi32, #tpu.memory_space<hbm>> -> memref<1x512xi32, #tpu.memory_space<hbm>>
    %dma_wait3A_1364 = tpu.memref_squeeze %dma_wait3A_1363 : memref<1x512xi32, #tpu.memory_space<hbm>> -> memref<512xi32, #tpu.memory_space<hbm>>
    %dma_wait3A_1365 = arith.constant 26112 : i32
    %dma_wait3A_1366 = tpu.memref_slice %arg5[%dma_wait3A_1365] : memref<51200xi32, #tpu.memory_space<vmem>> -> memref<512xi32, #tpu.memory_space<vmem>>
    %dma_wait3A_1367 = tpu.memref_slice %arg2[%dma_wait3A_1360, %mul3A_2] : memref<100x16384xi32, #tpu.memory_space<hbm>> -> memref<1x512xi32, #tpu.memory_space<hbm>>
    %dma_wait3A_1368 = tpu.memref_squeeze %dma_wait3A_1367 : memref<1x512xi32, #tpu.memory_space<hbm>> -> memref<512xi32, #tpu.memory_space<hbm>>
    tpu.wait_dma2 semaphore(%arg8 : memref<!tpu.dma_semaphore, #tpu.memory_space<semaphore_mem>>) src(%dma_wait3A_1368 : memref<512xi32, #tpu.memory_space<hbm>>) dst(%dma_wait3A_1366 : memref<512xi32, #tpu.memory_space<vmem>>)
    %dma_wait3A_1369 = arith.constant 52 : i32
    %dma_wait3A_1370 = arith.constant 26624 : i32
    %dma_wait3A_1371 = tpu.memref_slice %arg5[%dma_wait3A_1370] : memref<51200xi32, #tpu.memory_space<vmem>> -> memref<512xi32, #tpu.memory_space<vmem>>
    %dma_wait3A_1372 = tpu.memref_slice %arg2[%dma_wait3A_1369, %mul3A_2] : memref<100x16384xi32, #tpu.memory_space<hbm>> -> memref<1x512xi32, #tpu.memory_space<hbm>>
    %dma_wait3A_1373 = tpu.memref_squeeze %dma_wait3A_1372 : memref<1x512xi32, #tpu.memory_space<hbm>> -> memref<512xi32, #tpu.memory_space<hbm>>
    %dma_wait3A_1374 = arith.constant 26624 : i32
    %dma_wait3A_1375 = tpu.memref_slice %arg5[%dma_wait3A_1374] : memref<51200xi32, #tpu.memory_space<vmem>> -> memref<512xi32, #tpu.memory_space<vmem>>
    %dma_wait3A_1376 = tpu.memref_slice %arg2[%dma_wait3A_1369, %mul3A_2] : memref<100x16384xi32, #tpu.memory_space<hbm>> -> memref<1x512xi32, #tpu.memory_space<hbm>>
    %dma_wait3A_1377 = tpu.memref_squeeze %dma_wait3A_1376 : memref<1x512xi32, #tpu.memory_space<hbm>> -> memref<512xi32, #tpu.memory_space<hbm>>
    tpu.wait_dma2 semaphore(%arg8 : memref<!tpu.dma_semaphore, #tpu.memory_space<semaphore_mem>>) src(%dma_wait3A_1377 : memref<512xi32, #tpu.memory_space<hbm>>) dst(%dma_wait3A_1375 : memref<512xi32, #tpu.memory_space<vmem>>)
    %dma_wait3A_1378 = arith.constant 53 : i32
    %dma_wait3A_1379 = arith.constant 27136 : i32
    %dma_wait3A_1380 = tpu.memref_slice %arg5[%dma_wait3A_1379] : memref<51200xi32, #tpu.memory_space<vmem>> -> memref<512xi32, #tpu.memory_space<vmem>>
    %dma_wait3A_1381 = tpu.memref_slice %arg2[%dma_wait3A_1378, %mul3A_2] : memref<100x16384xi32, #tpu.memory_space<hbm>> -> memref<1x512xi32, #tpu.memory_space<hbm>>
    %dma_wait3A_1382 = tpu.memref_squeeze %dma_wait3A_1381 : memref<1x512xi32, #tpu.memory_space<hbm>> -> memref<512xi32, #tpu.memory_space<hbm>>
    %dma_wait3A_1383 = arith.constant 27136 : i32
    %dma_wait3A_1384 = tpu.memref_slice %arg5[%dma_wait3A_1383] : memref<51200xi32, #tpu.memory_space<vmem>> -> memref<512xi32, #tpu.memory_space<vmem>>
    %dma_wait3A_1385 = tpu.memref_slice %arg2[%dma_wait3A_1378, %mul3A_2] : memref<100x16384xi32, #tpu.memory_space<hbm>> -> memref<1x512xi32, #tpu.memory_space<hbm>>
    %dma_wait3A_1386 = tpu.memref_squeeze %dma_wait3A_1385 : memref<1x512xi32, #tpu.memory_space<hbm>> -> memref<512xi32, #tpu.memory_space<hbm>>
    tpu.wait_dma2 semaphore(%arg8 : memref<!tpu.dma_semaphore, #tpu.memory_space<semaphore_mem>>) src(%dma_wait3A_1386 : memref<512xi32, #tpu.memory_space<hbm>>) dst(%dma_wait3A_1384 : memref<512xi32, #tpu.memory_space<vmem>>)
    %dma_wait3A_1387 = arith.constant 54 : i32
    %dma_wait3A_1388 = arith.constant 27648 : i32
    %dma_wait3A_1389 = tpu.memref_slice %arg5[%dma_wait3A_1388] : memref<51200xi32, #tpu.memory_space<vmem>> -> memref<512xi32, #tpu.memory_space<vmem>>
    %dma_wait3A_1390 = tpu.memref_slice %arg2[%dma_wait3A_1387, %mul3A_2] : memref<100x16384xi32, #tpu.memory_space<hbm>> -> memref<1x512xi32, #tpu.memory_space<hbm>>
    %dma_wait3A_1391 = tpu.memref_squeeze %dma_wait3A_1390 : memref<1x512xi32, #tpu.memory_space<hbm>> -> memref<512xi32, #tpu.memory_space<hbm>>
    %dma_wait3A_1392 = arith.constant 27648 : i32
    %dma_wait3A_1393 = tpu.memref_slice %arg5[%dma_wait3A_1392] : memref<51200xi32, #tpu.memory_space<vmem>> -> memref<512xi32, #tpu.memory_space<vmem>>
    %dma_wait3A_1394 = tpu.memref_slice %arg2[%dma_wait3A_1387, %mul3A_2] : memref<100x16384xi32, #tpu.memory_space<hbm>> -> memref<1x512xi32, #tpu.memory_space<hbm>>
    %dma_wait3A_1395 = tpu.memref_squeeze %dma_wait3A_1394 : memref<1x512xi32, #tpu.memory_space<hbm>> -> memref<512xi32, #tpu.memory_space<hbm>>
    tpu.wait_dma2 semaphore(%arg8 : memref<!tpu.dma_semaphore, #tpu.memory_space<semaphore_mem>>) src(%dma_wait3A_1395 : memref<512xi32, #tpu.memory_space<hbm>>) dst(%dma_wait3A_1393 : memref<512xi32, #tpu.memory_space<vmem>>)
    %dma_wait3A_1396 = arith.constant 55 : i32
    %dma_wait3A_1397 = arith.constant 28160 : i32
    %dma_wait3A_1398 = tpu.memref_slice %arg5[%dma_wait3A_1397] : memref<51200xi32, #tpu.memory_space<vmem>> -> memref<512xi32, #tpu.memory_space<vmem>>
    %dma_wait3A_1399 = tpu.memref_slice %arg2[%dma_wait3A_1396, %mul3A_2] : memref<100x16384xi32, #tpu.memory_space<hbm>> -> memref<1x512xi32, #tpu.memory_space<hbm>>
    %dma_wait3A_1400 = tpu.memref_squeeze %dma_wait3A_1399 : memref<1x512xi32, #tpu.memory_space<hbm>> -> memref<512xi32, #tpu.memory_space<hbm>>
    %dma_wait3A_1401 = arith.constant 28160 : i32
    %dma_wait3A_1402 = tpu.memref_slice %arg5[%dma_wait3A_1401] : memref<51200xi32, #tpu.memory_space<vmem>> -> memref<512xi32, #tpu.memory_space<vmem>>
    %dma_wait3A_1403 = tpu.memref_slice %arg2[%dma_wait3A_1396, %mul3A_2] : memref<100x16384xi32, #tpu.memory_space<hbm>> -> memref<1x512xi32, #tpu.memory_space<hbm>>
    %dma_wait3A_1404 = tpu.memref_squeeze %dma_wait3A_1403 : memref<1x512xi32, #tpu.memory_space<hbm>> -> memref<512xi32, #tpu.memory_space<hbm>>
    tpu.wait_dma2 semaphore(%arg8 : memref<!tpu.dma_semaphore, #tpu.memory_space<semaphore_mem>>) src(%dma_wait3A_1404 : memref<512xi32, #tpu.memory_space<hbm>>) dst(%dma_wait3A_1402 : memref<512xi32, #tpu.memory_space<vmem>>)
    %dma_wait3A_1405 = arith.constant 56 : i32
    %dma_wait3A_1406 = arith.constant 28672 : i32
    %dma_wait3A_1407 = tpu.memref_slice %arg5[%dma_wait3A_1406] : memref<51200xi32, #tpu.memory_space<vmem>> -> memref<512xi32, #tpu.memory_space<vmem>>
    %dma_wait3A_1408 = tpu.memref_slice %arg2[%dma_wait3A_1405, %mul3A_2] : memref<100x16384xi32, #tpu.memory_space<hbm>> -> memref<1x512xi32, #tpu.memory_space<hbm>>
    %dma_wait3A_1409 = tpu.memref_squeeze %dma_wait3A_1408 : memref<1x512xi32, #tpu.memory_space<hbm>> -> memref<512xi32, #tpu.memory_space<hbm>>
    %dma_wait3A_1410 = arith.constant 28672 : i32
    %dma_wait3A_1411 = tpu.memref_slice %arg5[%dma_wait3A_1410] : memref<51200xi32, #tpu.memory_space<vmem>> -> memref<512xi32, #tpu.memory_space<vmem>>
    %dma_wait3A_1412 = tpu.memref_slice %arg2[%dma_wait3A_1405, %mul3A_2] : memref<100x16384xi32, #tpu.memory_space<hbm>> -> memref<1x512xi32, #tpu.memory_space<hbm>>
    %dma_wait3A_1413 = tpu.memref_squeeze %dma_wait3A_1412 : memref<1x512xi32, #tpu.memory_space<hbm>> -> memref<512xi32, #tpu.memory_space<hbm>>
    tpu.wait_dma2 semaphore(%arg8 : memref<!tpu.dma_semaphore, #tpu.memory_space<semaphore_mem>>) src(%dma_wait3A_1413 : memref<512xi32, #tpu.memory_space<hbm>>) dst(%dma_wait3A_1411 : memref<512xi32, #tpu.memory_space<vmem>>)
    %dma_wait3A_1414 = arith.constant 57 : i32
    %dma_wait3A_1415 = arith.constant 29184 : i32
    %dma_wait3A_1416 = tpu.memref_slice %arg5[%dma_wait3A_1415] : memref<51200xi32, #tpu.memory_space<vmem>> -> memref<512xi32, #tpu.memory_space<vmem>>
    %dma_wait3A_1417 = tpu.memref_slice %arg2[%dma_wait3A_1414, %mul3A_2] : memref<100x16384xi32, #tpu.memory_space<hbm>> -> memref<1x512xi32, #tpu.memory_space<hbm>>
    %dma_wait3A_1418 = tpu.memref_squeeze %dma_wait3A_1417 : memref<1x512xi32, #tpu.memory_space<hbm>> -> memref<512xi32, #tpu.memory_space<hbm>>
    %dma_wait3A_1419 = arith.constant 29184 : i32
    %dma_wait3A_1420 = tpu.memref_slice %arg5[%dma_wait3A_1419] : memref<51200xi32, #tpu.memory_space<vmem>> -> memref<512xi32, #tpu.memory_space<vmem>>
    %dma_wait3A_1421 = tpu.memref_slice %arg2[%dma_wait3A_1414, %mul3A_2] : memref<100x16384xi32, #tpu.memory_space<hbm>> -> memref<1x512xi32, #tpu.memory_space<hbm>>
    %dma_wait3A_1422 = tpu.memref_squeeze %dma_wait3A_1421 : memref<1x512xi32, #tpu.memory_space<hbm>> -> memref<512xi32, #tpu.memory_space<hbm>>
    tpu.wait_dma2 semaphore(%arg8 : memref<!tpu.dma_semaphore, #tpu.memory_space<semaphore_mem>>) src(%dma_wait3A_1422 : memref<512xi32, #tpu.memory_space<hbm>>) dst(%dma_wait3A_1420 : memref<512xi32, #tpu.memory_space<vmem>>)
    %dma_wait3A_1423 = arith.constant 58 : i32
    %dma_wait3A_1424 = arith.constant 29696 : i32
    %dma_wait3A_1425 = tpu.memref_slice %arg5[%dma_wait3A_1424] : memref<51200xi32, #tpu.memory_space<vmem>> -> memref<512xi32, #tpu.memory_space<vmem>>
    %dma_wait3A_1426 = tpu.memref_slice %arg2[%dma_wait3A_1423, %mul3A_2] : memref<100x16384xi32, #tpu.memory_space<hbm>> -> memref<1x512xi32, #tpu.memory_space<hbm>>
    %dma_wait3A_1427 = tpu.memref_squeeze %dma_wait3A_1426 : memref<1x512xi32, #tpu.memory_space<hbm>> -> memref<512xi32, #tpu.memory_space<hbm>>
    %dma_wait3A_1428 = arith.constant 29696 : i32
    %dma_wait3A_1429 = tpu.memref_slice %arg5[%dma_wait3A_1428] : memref<51200xi32, #tpu.memory_space<vmem>> -> memref<512xi32, #tpu.memory_space<vmem>>
    %dma_wait3A_1430 = tpu.memref_slice %arg2[%dma_wait3A_1423, %mul3A_2] : memref<100x16384xi32, #tpu.memory_space<hbm>> -> memref<1x512xi32, #tpu.memory_space<hbm>>
    %dma_wait3A_1431 = tpu.memref_squeeze %dma_wait3A_1430 : memref<1x512xi32, #tpu.memory_space<hbm>> -> memref<512xi32, #tpu.memory_space<hbm>>
    tpu.wait_dma2 semaphore(%arg8 : memref<!tpu.dma_semaphore, #tpu.memory_space<semaphore_mem>>) src(%dma_wait3A_1431 : memref<512xi32, #tpu.memory_space<hbm>>) dst(%dma_wait3A_1429 : memref<512xi32, #tpu.memory_space<vmem>>)
    %dma_wait3A_1432 = arith.constant 59 : i32
    %dma_wait3A_1433 = arith.constant 30208 : i32
    %dma_wait3A_1434 = tpu.memref_slice %arg5[%dma_wait3A_1433] : memref<51200xi32, #tpu.memory_space<vmem>> -> memref<512xi32, #tpu.memory_space<vmem>>
    %dma_wait3A_1435 = tpu.memref_slice %arg2[%dma_wait3A_1432, %mul3A_2] : memref<100x16384xi32, #tpu.memory_space<hbm>> -> memref<1x512xi32, #tpu.memory_space<hbm>>
    %dma_wait3A_1436 = tpu.memref_squeeze %dma_wait3A_1435 : memref<1x512xi32, #tpu.memory_space<hbm>> -> memref<512xi32, #tpu.memory_space<hbm>>
    %dma_wait3A_1437 = arith.constant 30208 : i32
    %dma_wait3A_1438 = tpu.memref_slice %arg5[%dma_wait3A_1437] : memref<51200xi32, #tpu.memory_space<vmem>> -> memref<512xi32, #tpu.memory_space<vmem>>
    %dma_wait3A_1439 = tpu.memref_slice %arg2[%dma_wait3A_1432, %mul3A_2] : memref<100x16384xi32, #tpu.memory_space<hbm>> -> memref<1x512xi32, #tpu.memory_space<hbm>>
    %dma_wait3A_1440 = tpu.memref_squeeze %dma_wait3A_1439 : memref<1x512xi32, #tpu.memory_space<hbm>> -> memref<512xi32, #tpu.memory_space<hbm>>
    tpu.wait_dma2 semaphore(%arg8 : memref<!tpu.dma_semaphore, #tpu.memory_space<semaphore_mem>>) src(%dma_wait3A_1440 : memref<512xi32, #tpu.memory_space<hbm>>) dst(%dma_wait3A_1438 : memref<512xi32, #tpu.memory_space<vmem>>)
    %dma_wait3A_1441 = arith.constant 60 : i32
    %dma_wait3A_1442 = arith.constant 30720 : i32
    %dma_wait3A_1443 = tpu.memref_slice %arg5[%dma_wait3A_1442] : memref<51200xi32, #tpu.memory_space<vmem>> -> memref<512xi32, #tpu.memory_space<vmem>>
    %dma_wait3A_1444 = tpu.memref_slice %arg2[%dma_wait3A_1441, %mul3A_2] : memref<100x16384xi32, #tpu.memory_space<hbm>> -> memref<1x512xi32, #tpu.memory_space<hbm>>
    %dma_wait3A_1445 = tpu.memref_squeeze %dma_wait3A_1444 : memref<1x512xi32, #tpu.memory_space<hbm>> -> memref<512xi32, #tpu.memory_space<hbm>>
    %dma_wait3A_1446 = arith.constant 30720 : i32
    %dma_wait3A_1447 = tpu.memref_slice %arg5[%dma_wait3A_1446] : memref<51200xi32, #tpu.memory_space<vmem>> -> memref<512xi32, #tpu.memory_space<vmem>>
    %dma_wait3A_1448 = tpu.memref_slice %arg2[%dma_wait3A_1441, %mul3A_2] : memref<100x16384xi32, #tpu.memory_space<hbm>> -> memref<1x512xi32, #tpu.memory_space<hbm>>
    %dma_wait3A_1449 = tpu.memref_squeeze %dma_wait3A_1448 : memref<1x512xi32, #tpu.memory_space<hbm>> -> memref<512xi32, #tpu.memory_space<hbm>>
    tpu.wait_dma2 semaphore(%arg8 : memref<!tpu.dma_semaphore, #tpu.memory_space<semaphore_mem>>) src(%dma_wait3A_1449 : memref<512xi32, #tpu.memory_space<hbm>>) dst(%dma_wait3A_1447 : memref<512xi32, #tpu.memory_space<vmem>>)
    %dma_wait3A_1450 = arith.constant 61 : i32
    %dma_wait3A_1451 = arith.constant 31232 : i32
    %dma_wait3A_1452 = tpu.memref_slice %arg5[%dma_wait3A_1451] : memref<51200xi32, #tpu.memory_space<vmem>> -> memref<512xi32, #tpu.memory_space<vmem>>
    %dma_wait3A_1453 = tpu.memref_slice %arg2[%dma_wait3A_1450, %mul3A_2] : memref<100x16384xi32, #tpu.memory_space<hbm>> -> memref<1x512xi32, #tpu.memory_space<hbm>>
    %dma_wait3A_1454 = tpu.memref_squeeze %dma_wait3A_1453 : memref<1x512xi32, #tpu.memory_space<hbm>> -> memref<512xi32, #tpu.memory_space<hbm>>
    %dma_wait3A_1455 = arith.constant 31232 : i32
    %dma_wait3A_1456 = tpu.memref_slice %arg5[%dma_wait3A_1455] : memref<51200xi32, #tpu.memory_space<vmem>> -> memref<512xi32, #tpu.memory_space<vmem>>
    %dma_wait3A_1457 = tpu.memref_slice %arg2[%dma_wait3A_1450, %mul3A_2] : memref<100x16384xi32, #tpu.memory_space<hbm>> -> memref<1x512xi32, #tpu.memory_space<hbm>>
    %dma_wait3A_1458 = tpu.memref_squeeze %dma_wait3A_1457 : memref<1x512xi32, #tpu.memory_space<hbm>> -> memref<512xi32, #tpu.memory_space<hbm>>
    tpu.wait_dma2 semaphore(%arg8 : memref<!tpu.dma_semaphore, #tpu.memory_space<semaphore_mem>>) src(%dma_wait3A_1458 : memref<512xi32, #tpu.memory_space<hbm>>) dst(%dma_wait3A_1456 : memref<512xi32, #tpu.memory_space<vmem>>)
    %dma_wait3A_1459 = arith.constant 62 : i32
    %dma_wait3A_1460 = arith.constant 31744 : i32
    %dma_wait3A_1461 = tpu.memref_slice %arg5[%dma_wait3A_1460] : memref<51200xi32, #tpu.memory_space<vmem>> -> memref<512xi32, #tpu.memory_space<vmem>>
    %dma_wait3A_1462 = tpu.memref_slice %arg2[%dma_wait3A_1459, %mul3A_2] : memref<100x16384xi32, #tpu.memory_space<hbm>> -> memref<1x512xi32, #tpu.memory_space<hbm>>
    %dma_wait3A_1463 = tpu.memref_squeeze %dma_wait3A_1462 : memref<1x512xi32, #tpu.memory_space<hbm>> -> memref<512xi32, #tpu.memory_space<hbm>>
    %dma_wait3A_1464 = arith.constant 31744 : i32
    %dma_wait3A_1465 = tpu.memref_slice %arg5[%dma_wait3A_1464] : memref<51200xi32, #tpu.memory_space<vmem>> -> memref<512xi32, #tpu.memory_space<vmem>>
    %dma_wait3A_1466 = tpu.memref_slice %arg2[%dma_wait3A_1459, %mul3A_2] : memref<100x16384xi32, #tpu.memory_space<hbm>> -> memref<1x512xi32, #tpu.memory_space<hbm>>
    %dma_wait3A_1467 = tpu.memref_squeeze %dma_wait3A_1466 : memref<1x512xi32, #tpu.memory_space<hbm>> -> memref<512xi32, #tpu.memory_space<hbm>>
    tpu.wait_dma2 semaphore(%arg8 : memref<!tpu.dma_semaphore, #tpu.memory_space<semaphore_mem>>) src(%dma_wait3A_1467 : memref<512xi32, #tpu.memory_space<hbm>>) dst(%dma_wait3A_1465 : memref<512xi32, #tpu.memory_space<vmem>>)
    %dma_wait3A_1468 = arith.constant 63 : i32
    %dma_wait3A_1469 = arith.constant 32256 : i32
    %dma_wait3A_1470 = tpu.memref_slice %arg5[%dma_wait3A_1469] : memref<51200xi32, #tpu.memory_space<vmem>> -> memref<512xi32, #tpu.memory_space<vmem>>
    %dma_wait3A_1471 = tpu.memref_slice %arg2[%dma_wait3A_1468, %mul3A_2] : memref<100x16384xi32, #tpu.memory_space<hbm>> -> memref<1x512xi32, #tpu.memory_space<hbm>>
    %dma_wait3A_1472 = tpu.memref_squeeze %dma_wait3A_1471 : memref<1x512xi32, #tpu.memory_space<hbm>> -> memref<512xi32, #tpu.memory_space<hbm>>
    %dma_wait3A_1473 = arith.constant 32256 : i32
    %dma_wait3A_1474 = tpu.memref_slice %arg5[%dma_wait3A_1473] : memref<51200xi32, #tpu.memory_space<vmem>> -> memref<512xi32, #tpu.memory_space<vmem>>
    %dma_wait3A_1475 = tpu.memref_slice %arg2[%dma_wait3A_1468, %mul3A_2] : memref<100x16384xi32, #tpu.memory_space<hbm>> -> memref<1x512xi32, #tpu.memory_space<hbm>>
    %dma_wait3A_1476 = tpu.memref_squeeze %dma_wait3A_1475 : memref<1x512xi32, #tpu.memory_space<hbm>> -> memref<512xi32, #tpu.memory_space<hbm>>
    tpu.wait_dma2 semaphore(%arg8 : memref<!tpu.dma_semaphore, #tpu.memory_space<semaphore_mem>>) src(%dma_wait3A_1476 : memref<512xi32, #tpu.memory_space<hbm>>) dst(%dma_wait3A_1474 : memref<512xi32, #tpu.memory_space<vmem>>)
    %dma_wait3A_1477 = arith.constant 64 : i32
    %dma_wait3A_1478 = arith.constant 32768 : i32
    %dma_wait3A_1479 = tpu.memref_slice %arg5[%dma_wait3A_1478] : memref<51200xi32, #tpu.memory_space<vmem>> -> memref<512xi32, #tpu.memory_space<vmem>>
    %dma_wait3A_1480 = tpu.memref_slice %arg2[%dma_wait3A_1477, %mul3A_2] : memref<100x16384xi32, #tpu.memory_space<hbm>> -> memref<1x512xi32, #tpu.memory_space<hbm>>
    %dma_wait3A_1481 = tpu.memref_squeeze %dma_wait3A_1480 : memref<1x512xi32, #tpu.memory_space<hbm>> -> memref<512xi32, #tpu.memory_space<hbm>>
    %dma_wait3A_1482 = arith.constant 32768 : i32
    %dma_wait3A_1483 = tpu.memref_slice %arg5[%dma_wait3A_1482] : memref<51200xi32, #tpu.memory_space<vmem>> -> memref<512xi32, #tpu.memory_space<vmem>>
    %dma_wait3A_1484 = tpu.memref_slice %arg2[%dma_wait3A_1477, %mul3A_2] : memref<100x16384xi32, #tpu.memory_space<hbm>> -> memref<1x512xi32, #tpu.memory_space<hbm>>
    %dma_wait3A_1485 = tpu.memref_squeeze %dma_wait3A_1484 : memref<1x512xi32, #tpu.memory_space<hbm>> -> memref<512xi32, #tpu.memory_space<hbm>>
    tpu.wait_dma2 semaphore(%arg8 : memref<!tpu.dma_semaphore, #tpu.memory_space<semaphore_mem>>) src(%dma_wait3A_1485 : memref<512xi32, #tpu.memory_space<hbm>>) dst(%dma_wait3A_1483 : memref<512xi32, #tpu.memory_space<vmem>>)
    %dma_wait3A_1486 = arith.constant 65 : i32
    %dma_wait3A_1487 = arith.constant 33280 : i32
    %dma_wait3A_1488 = tpu.memref_slice %arg5[%dma_wait3A_1487] : memref<51200xi32, #tpu.memory_space<vmem>> -> memref<512xi32, #tpu.memory_space<vmem>>
    %dma_wait3A_1489 = tpu.memref_slice %arg2[%dma_wait3A_1486, %mul3A_2] : memref<100x16384xi32, #tpu.memory_space<hbm>> -> memref<1x512xi32, #tpu.memory_space<hbm>>
    %dma_wait3A_1490 = tpu.memref_squeeze %dma_wait3A_1489 : memref<1x512xi32, #tpu.memory_space<hbm>> -> memref<512xi32, #tpu.memory_space<hbm>>
    %dma_wait3A_1491 = arith.constant 33280 : i32
    %dma_wait3A_1492 = tpu.memref_slice %arg5[%dma_wait3A_1491] : memref<51200xi32, #tpu.memory_space<vmem>> -> memref<512xi32, #tpu.memory_space<vmem>>
    %dma_wait3A_1493 = tpu.memref_slice %arg2[%dma_wait3A_1486, %mul3A_2] : memref<100x16384xi32, #tpu.memory_space<hbm>> -> memref<1x512xi32, #tpu.memory_space<hbm>>
    %dma_wait3A_1494 = tpu.memref_squeeze %dma_wait3A_1493 : memref<1x512xi32, #tpu.memory_space<hbm>> -> memref<512xi32, #tpu.memory_space<hbm>>
    tpu.wait_dma2 semaphore(%arg8 : memref<!tpu.dma_semaphore, #tpu.memory_space<semaphore_mem>>) src(%dma_wait3A_1494 : memref<512xi32, #tpu.memory_space<hbm>>) dst(%dma_wait3A_1492 : memref<512xi32, #tpu.memory_space<vmem>>)
    %dma_wait3A_1495 = arith.constant 66 : i32
    %dma_wait3A_1496 = arith.constant 33792 : i32
    %dma_wait3A_1497 = tpu.memref_slice %arg5[%dma_wait3A_1496] : memref<51200xi32, #tpu.memory_space<vmem>> -> memref<512xi32, #tpu.memory_space<vmem>>
    %dma_wait3A_1498 = tpu.memref_slice %arg2[%dma_wait3A_1495, %mul3A_2] : memref<100x16384xi32, #tpu.memory_space<hbm>> -> memref<1x512xi32, #tpu.memory_space<hbm>>
    %dma_wait3A_1499 = tpu.memref_squeeze %dma_wait3A_1498 : memref<1x512xi32, #tpu.memory_space<hbm>> -> memref<512xi32, #tpu.memory_space<hbm>>
    %dma_wait3A_1500 = arith.constant 33792 : i32
    %dma_wait3A_1501 = tpu.memref_slice %arg5[%dma_wait3A_1500] : memref<51200xi32, #tpu.memory_space<vmem>> -> memref<512xi32, #tpu.memory_space<vmem>>
    %dma_wait3A_1502 = tpu.memref_slice %arg2[%dma_wait3A_1495, %mul3A_2] : memref<100x16384xi32, #tpu.memory_space<hbm>> -> memref<1x512xi32, #tpu.memory_space<hbm>>
    %dma_wait3A_1503 = tpu.memref_squeeze %dma_wait3A_1502 : memref<1x512xi32, #tpu.memory_space<hbm>> -> memref<512xi32, #tpu.memory_space<hbm>>
    tpu.wait_dma2 semaphore(%arg8 : memref<!tpu.dma_semaphore, #tpu.memory_space<semaphore_mem>>) src(%dma_wait3A_1503 : memref<512xi32, #tpu.memory_space<hbm>>) dst(%dma_wait3A_1501 : memref<512xi32, #tpu.memory_space<vmem>>)
    %dma_wait3A_1504 = arith.constant 67 : i32
    %dma_wait3A_1505 = arith.constant 34304 : i32
    %dma_wait3A_1506 = tpu.memref_slice %arg5[%dma_wait3A_1505] : memref<51200xi32, #tpu.memory_space<vmem>> -> memref<512xi32, #tpu.memory_space<vmem>>
    %dma_wait3A_1507 = tpu.memref_slice %arg2[%dma_wait3A_1504, %mul3A_2] : memref<100x16384xi32, #tpu.memory_space<hbm>> -> memref<1x512xi32, #tpu.memory_space<hbm>>
    %dma_wait3A_1508 = tpu.memref_squeeze %dma_wait3A_1507 : memref<1x512xi32, #tpu.memory_space<hbm>> -> memref<512xi32, #tpu.memory_space<hbm>>
    %dma_wait3A_1509 = arith.constant 34304 : i32
    %dma_wait3A_1510 = tpu.memref_slice %arg5[%dma_wait3A_1509] : memref<51200xi32, #tpu.memory_space<vmem>> -> memref<512xi32, #tpu.memory_space<vmem>>
    %dma_wait3A_1511 = tpu.memref_slice %arg2[%dma_wait3A_1504, %mul3A_2] : memref<100x16384xi32, #tpu.memory_space<hbm>> -> memref<1x512xi32, #tpu.memory_space<hbm>>
    %dma_wait3A_1512 = tpu.memref_squeeze %dma_wait3A_1511 : memref<1x512xi32, #tpu.memory_space<hbm>> -> memref<512xi32, #tpu.memory_space<hbm>>
    tpu.wait_dma2 semaphore(%arg8 : memref<!tpu.dma_semaphore, #tpu.memory_space<semaphore_mem>>) src(%dma_wait3A_1512 : memref<512xi32, #tpu.memory_space<hbm>>) dst(%dma_wait3A_1510 : memref<512xi32, #tpu.memory_space<vmem>>)
    %dma_wait3A_1513 = arith.constant 68 : i32
    %dma_wait3A_1514 = arith.constant 34816 : i32
    %dma_wait3A_1515 = tpu.memref_slice %arg5[%dma_wait3A_1514] : memref<51200xi32, #tpu.memory_space<vmem>> -> memref<512xi32, #tpu.memory_space<vmem>>
    %dma_wait3A_1516 = tpu.memref_slice %arg2[%dma_wait3A_1513, %mul3A_2] : memref<100x16384xi32, #tpu.memory_space<hbm>> -> memref<1x512xi32, #tpu.memory_space<hbm>>
    %dma_wait3A_1517 = tpu.memref_squeeze %dma_wait3A_1516 : memref<1x512xi32, #tpu.memory_space<hbm>> -> memref<512xi32, #tpu.memory_space<hbm>>
    %dma_wait3A_1518 = arith.constant 34816 : i32
    %dma_wait3A_1519 = tpu.memref_slice %arg5[%dma_wait3A_1518] : memref<51200xi32, #tpu.memory_space<vmem>> -> memref<512xi32, #tpu.memory_space<vmem>>
    %dma_wait3A_1520 = tpu.memref_slice %arg2[%dma_wait3A_1513, %mul3A_2] : memref<100x16384xi32, #tpu.memory_space<hbm>> -> memref<1x512xi32, #tpu.memory_space<hbm>>
    %dma_wait3A_1521 = tpu.memref_squeeze %dma_wait3A_1520 : memref<1x512xi32, #tpu.memory_space<hbm>> -> memref<512xi32, #tpu.memory_space<hbm>>
    tpu.wait_dma2 semaphore(%arg8 : memref<!tpu.dma_semaphore, #tpu.memory_space<semaphore_mem>>) src(%dma_wait3A_1521 : memref<512xi32, #tpu.memory_space<hbm>>) dst(%dma_wait3A_1519 : memref<512xi32, #tpu.memory_space<vmem>>)
    %dma_wait3A_1522 = arith.constant 69 : i32
    %dma_wait3A_1523 = arith.constant 35328 : i32
    %dma_wait3A_1524 = tpu.memref_slice %arg5[%dma_wait3A_1523] : memref<51200xi32, #tpu.memory_space<vmem>> -> memref<512xi32, #tpu.memory_space<vmem>>
    %dma_wait3A_1525 = tpu.memref_slice %arg2[%dma_wait3A_1522, %mul3A_2] : memref<100x16384xi32, #tpu.memory_space<hbm>> -> memref<1x512xi32, #tpu.memory_space<hbm>>
    %dma_wait3A_1526 = tpu.memref_squeeze %dma_wait3A_1525 : memref<1x512xi32, #tpu.memory_space<hbm>> -> memref<512xi32, #tpu.memory_space<hbm>>
    %dma_wait3A_1527 = arith.constant 35328 : i32
    %dma_wait3A_1528 = tpu.memref_slice %arg5[%dma_wait3A_1527] : memref<51200xi32, #tpu.memory_space<vmem>> -> memref<512xi32, #tpu.memory_space<vmem>>
    %dma_wait3A_1529 = tpu.memref_slice %arg2[%dma_wait3A_1522, %mul3A_2] : memref<100x16384xi32, #tpu.memory_space<hbm>> -> memref<1x512xi32, #tpu.memory_space<hbm>>
    %dma_wait3A_1530 = tpu.memref_squeeze %dma_wait3A_1529 : memref<1x512xi32, #tpu.memory_space<hbm>> -> memref<512xi32, #tpu.memory_space<hbm>>
    tpu.wait_dma2 semaphore(%arg8 : memref<!tpu.dma_semaphore, #tpu.memory_space<semaphore_mem>>) src(%dma_wait3A_1530 : memref<512xi32, #tpu.memory_space<hbm>>) dst(%dma_wait3A_1528 : memref<512xi32, #tpu.memory_space<vmem>>)
    %dma_wait3A_1531 = arith.constant 70 : i32
    %dma_wait3A_1532 = arith.constant 35840 : i32
    %dma_wait3A_1533 = tpu.memref_slice %arg5[%dma_wait3A_1532] : memref<51200xi32, #tpu.memory_space<vmem>> -> memref<512xi32, #tpu.memory_space<vmem>>
    %dma_wait3A_1534 = tpu.memref_slice %arg2[%dma_wait3A_1531, %mul3A_2] : memref<100x16384xi32, #tpu.memory_space<hbm>> -> memref<1x512xi32, #tpu.memory_space<hbm>>
    %dma_wait3A_1535 = tpu.memref_squeeze %dma_wait3A_1534 : memref<1x512xi32, #tpu.memory_space<hbm>> -> memref<512xi32, #tpu.memory_space<hbm>>
    %dma_wait3A_1536 = arith.constant 35840 : i32
    %dma_wait3A_1537 = tpu.memref_slice %arg5[%dma_wait3A_1536] : memref<51200xi32, #tpu.memory_space<vmem>> -> memref<512xi32, #tpu.memory_space<vmem>>
    %dma_wait3A_1538 = tpu.memref_slice %arg2[%dma_wait3A_1531, %mul3A_2] : memref<100x16384xi32, #tpu.memory_space<hbm>> -> memref<1x512xi32, #tpu.memory_space<hbm>>
    %dma_wait3A_1539 = tpu.memref_squeeze %dma_wait3A_1538 : memref<1x512xi32, #tpu.memory_space<hbm>> -> memref<512xi32, #tpu.memory_space<hbm>>
    tpu.wait_dma2 semaphore(%arg8 : memref<!tpu.dma_semaphore, #tpu.memory_space<semaphore_mem>>) src(%dma_wait3A_1539 : memref<512xi32, #tpu.memory_space<hbm>>) dst(%dma_wait3A_1537 : memref<512xi32, #tpu.memory_space<vmem>>)
    %dma_wait3A_1540 = arith.constant 71 : i32
    %dma_wait3A_1541 = arith.constant 36352 : i32
    %dma_wait3A_1542 = tpu.memref_slice %arg5[%dma_wait3A_1541] : memref<51200xi32, #tpu.memory_space<vmem>> -> memref<512xi32, #tpu.memory_space<vmem>>
    %dma_wait3A_1543 = tpu.memref_slice %arg2[%dma_wait3A_1540, %mul3A_2] : memref<100x16384xi32, #tpu.memory_space<hbm>> -> memref<1x512xi32, #tpu.memory_space<hbm>>
    %dma_wait3A_1544 = tpu.memref_squeeze %dma_wait3A_1543 : memref<1x512xi32, #tpu.memory_space<hbm>> -> memref<512xi32, #tpu.memory_space<hbm>>
    %dma_wait3A_1545 = arith.constant 36352 : i32
    %dma_wait3A_1546 = tpu.memref_slice %arg5[%dma_wait3A_1545] : memref<51200xi32, #tpu.memory_space<vmem>> -> memref<512xi32, #tpu.memory_space<vmem>>
    %dma_wait3A_1547 = tpu.memref_slice %arg2[%dma_wait3A_1540, %mul3A_2] : memref<100x16384xi32, #tpu.memory_space<hbm>> -> memref<1x512xi32, #tpu.memory_space<hbm>>
    %dma_wait3A_1548 = tpu.memref_squeeze %dma_wait3A_1547 : memref<1x512xi32, #tpu.memory_space<hbm>> -> memref<512xi32, #tpu.memory_space<hbm>>
    tpu.wait_dma2 semaphore(%arg8 : memref<!tpu.dma_semaphore, #tpu.memory_space<semaphore_mem>>) src(%dma_wait3A_1548 : memref<512xi32, #tpu.memory_space<hbm>>) dst(%dma_wait3A_1546 : memref<512xi32, #tpu.memory_space<vmem>>)
    %dma_wait3A_1549 = arith.constant 72 : i32
    %dma_wait3A_1550 = arith.constant 36864 : i32
    %dma_wait3A_1551 = tpu.memref_slice %arg5[%dma_wait3A_1550] : memref<51200xi32, #tpu.memory_space<vmem>> -> memref<512xi32, #tpu.memory_space<vmem>>
    %dma_wait3A_1552 = tpu.memref_slice %arg2[%dma_wait3A_1549, %mul3A_2] : memref<100x16384xi32, #tpu.memory_space<hbm>> -> memref<1x512xi32, #tpu.memory_space<hbm>>
    %dma_wait3A_1553 = tpu.memref_squeeze %dma_wait3A_1552 : memref<1x512xi32, #tpu.memory_space<hbm>> -> memref<512xi32, #tpu.memory_space<hbm>>
    %dma_wait3A_1554 = arith.constant 36864 : i32
    %dma_wait3A_1555 = tpu.memref_slice %arg5[%dma_wait3A_1554] : memref<51200xi32, #tpu.memory_space<vmem>> -> memref<512xi32, #tpu.memory_space<vmem>>
    %dma_wait3A_1556 = tpu.memref_slice %arg2[%dma_wait3A_1549, %mul3A_2] : memref<100x16384xi32, #tpu.memory_space<hbm>> -> memref<1x512xi32, #tpu.memory_space<hbm>>
    %dma_wait3A_1557 = tpu.memref_squeeze %dma_wait3A_1556 : memref<1x512xi32, #tpu.memory_space<hbm>> -> memref<512xi32, #tpu.memory_space<hbm>>
    tpu.wait_dma2 semaphore(%arg8 : memref<!tpu.dma_semaphore, #tpu.memory_space<semaphore_mem>>) src(%dma_wait3A_1557 : memref<512xi32, #tpu.memory_space<hbm>>) dst(%dma_wait3A_1555 : memref<512xi32, #tpu.memory_space<vmem>>)
    %dma_wait3A_1558 = arith.constant 73 : i32
    %dma_wait3A_1559 = arith.constant 37376 : i32
    %dma_wait3A_1560 = tpu.memref_slice %arg5[%dma_wait3A_1559] : memref<51200xi32, #tpu.memory_space<vmem>> -> memref<512xi32, #tpu.memory_space<vmem>>
    %dma_wait3A_1561 = tpu.memref_slice %arg2[%dma_wait3A_1558, %mul3A_2] : memref<100x16384xi32, #tpu.memory_space<hbm>> -> memref<1x512xi32, #tpu.memory_space<hbm>>
    %dma_wait3A_1562 = tpu.memref_squeeze %dma_wait3A_1561 : memref<1x512xi32, #tpu.memory_space<hbm>> -> memref<512xi32, #tpu.memory_space<hbm>>
    %dma_wait3A_1563 = arith.constant 37376 : i32
    %dma_wait3A_1564 = tpu.memref_slice %arg5[%dma_wait3A_1563] : memref<51200xi32, #tpu.memory_space<vmem>> -> memref<512xi32, #tpu.memory_space<vmem>>
    %dma_wait3A_1565 = tpu.memref_slice %arg2[%dma_wait3A_1558, %mul3A_2] : memref<100x16384xi32, #tpu.memory_space<hbm>> -> memref<1x512xi32, #tpu.memory_space<hbm>>
    %dma_wait3A_1566 = tpu.memref_squeeze %dma_wait3A_1565 : memref<1x512xi32, #tpu.memory_space<hbm>> -> memref<512xi32, #tpu.memory_space<hbm>>
    tpu.wait_dma2 semaphore(%arg8 : memref<!tpu.dma_semaphore, #tpu.memory_space<semaphore_mem>>) src(%dma_wait3A_1566 : memref<512xi32, #tpu.memory_space<hbm>>) dst(%dma_wait3A_1564 : memref<512xi32, #tpu.memory_space<vmem>>)
    %dma_wait3A_1567 = arith.constant 74 : i32
    %dma_wait3A_1568 = arith.constant 37888 : i32
    %dma_wait3A_1569 = tpu.memref_slice %arg5[%dma_wait3A_1568] : memref<51200xi32, #tpu.memory_space<vmem>> -> memref<512xi32, #tpu.memory_space<vmem>>
    %dma_wait3A_1570 = tpu.memref_slice %arg2[%dma_wait3A_1567, %mul3A_2] : memref<100x16384xi32, #tpu.memory_space<hbm>> -> memref<1x512xi32, #tpu.memory_space<hbm>>
    %dma_wait3A_1571 = tpu.memref_squeeze %dma_wait3A_1570 : memref<1x512xi32, #tpu.memory_space<hbm>> -> memref<512xi32, #tpu.memory_space<hbm>>
    %dma_wait3A_1572 = arith.constant 37888 : i32
    %dma_wait3A_1573 = tpu.memref_slice %arg5[%dma_wait3A_1572] : memref<51200xi32, #tpu.memory_space<vmem>> -> memref<512xi32, #tpu.memory_space<vmem>>
    %dma_wait3A_1574 = tpu.memref_slice %arg2[%dma_wait3A_1567, %mul3A_2] : memref<100x16384xi32, #tpu.memory_space<hbm>> -> memref<1x512xi32, #tpu.memory_space<hbm>>
    %dma_wait3A_1575 = tpu.memref_squeeze %dma_wait3A_1574 : memref<1x512xi32, #tpu.memory_space<hbm>> -> memref<512xi32, #tpu.memory_space<hbm>>
    tpu.wait_dma2 semaphore(%arg8 : memref<!tpu.dma_semaphore, #tpu.memory_space<semaphore_mem>>) src(%dma_wait3A_1575 : memref<512xi32, #tpu.memory_space<hbm>>) dst(%dma_wait3A_1573 : memref<512xi32, #tpu.memory_space<vmem>>)
    %dma_wait3A_1576 = arith.constant 75 : i32
    %dma_wait3A_1577 = arith.constant 38400 : i32
    %dma_wait3A_1578 = tpu.memref_slice %arg5[%dma_wait3A_1577] : memref<51200xi32, #tpu.memory_space<vmem>> -> memref<512xi32, #tpu.memory_space<vmem>>
    %dma_wait3A_1579 = tpu.memref_slice %arg2[%dma_wait3A_1576, %mul3A_2] : memref<100x16384xi32, #tpu.memory_space<hbm>> -> memref<1x512xi32, #tpu.memory_space<hbm>>
    %dma_wait3A_1580 = tpu.memref_squeeze %dma_wait3A_1579 : memref<1x512xi32, #tpu.memory_space<hbm>> -> memref<512xi32, #tpu.memory_space<hbm>>
    %dma_wait3A_1581 = arith.constant 38400 : i32
    %dma_wait3A_1582 = tpu.memref_slice %arg5[%dma_wait3A_1581] : memref<51200xi32, #tpu.memory_space<vmem>> -> memref<512xi32, #tpu.memory_space<vmem>>
    %dma_wait3A_1583 = tpu.memref_slice %arg2[%dma_wait3A_1576, %mul3A_2] : memref<100x16384xi32, #tpu.memory_space<hbm>> -> memref<1x512xi32, #tpu.memory_space<hbm>>
    %dma_wait3A_1584 = tpu.memref_squeeze %dma_wait3A_1583 : memref<1x512xi32, #tpu.memory_space<hbm>> -> memref<512xi32, #tpu.memory_space<hbm>>
    tpu.wait_dma2 semaphore(%arg8 : memref<!tpu.dma_semaphore, #tpu.memory_space<semaphore_mem>>) src(%dma_wait3A_1584 : memref<512xi32, #tpu.memory_space<hbm>>) dst(%dma_wait3A_1582 : memref<512xi32, #tpu.memory_space<vmem>>)
    %dma_wait3A_1585 = arith.constant 76 : i32
    %dma_wait3A_1586 = arith.constant 38912 : i32
    %dma_wait3A_1587 = tpu.memref_slice %arg5[%dma_wait3A_1586] : memref<51200xi32, #tpu.memory_space<vmem>> -> memref<512xi32, #tpu.memory_space<vmem>>
    %dma_wait3A_1588 = tpu.memref_slice %arg2[%dma_wait3A_1585, %mul3A_2] : memref<100x16384xi32, #tpu.memory_space<hbm>> -> memref<1x512xi32, #tpu.memory_space<hbm>>
    %dma_wait3A_1589 = tpu.memref_squeeze %dma_wait3A_1588 : memref<1x512xi32, #tpu.memory_space<hbm>> -> memref<512xi32, #tpu.memory_space<hbm>>
    %dma_wait3A_1590 = arith.constant 38912 : i32
    %dma_wait3A_1591 = tpu.memref_slice %arg5[%dma_wait3A_1590] : memref<51200xi32, #tpu.memory_space<vmem>> -> memref<512xi32, #tpu.memory_space<vmem>>
    %dma_wait3A_1592 = tpu.memref_slice %arg2[%dma_wait3A_1585, %mul3A_2] : memref<100x16384xi32, #tpu.memory_space<hbm>> -> memref<1x512xi32, #tpu.memory_space<hbm>>
    %dma_wait3A_1593 = tpu.memref_squeeze %dma_wait3A_1592 : memref<1x512xi32, #tpu.memory_space<hbm>> -> memref<512xi32, #tpu.memory_space<hbm>>
    tpu.wait_dma2 semaphore(%arg8 : memref<!tpu.dma_semaphore, #tpu.memory_space<semaphore_mem>>) src(%dma_wait3A_1593 : memref<512xi32, #tpu.memory_space<hbm>>) dst(%dma_wait3A_1591 : memref<512xi32, #tpu.memory_space<vmem>>)
    %dma_wait3A_1594 = arith.constant 77 : i32
    %dma_wait3A_1595 = arith.constant 39424 : i32
    %dma_wait3A_1596 = tpu.memref_slice %arg5[%dma_wait3A_1595] : memref<51200xi32, #tpu.memory_space<vmem>> -> memref<512xi32, #tpu.memory_space<vmem>>
    %dma_wait3A_1597 = tpu.memref_slice %arg2[%dma_wait3A_1594, %mul3A_2] : memref<100x16384xi32, #tpu.memory_space<hbm>> -> memref<1x512xi32, #tpu.memory_space<hbm>>
    %dma_wait3A_1598 = tpu.memref_squeeze %dma_wait3A_1597 : memref<1x512xi32, #tpu.memory_space<hbm>> -> memref<512xi32, #tpu.memory_space<hbm>>
    %dma_wait3A_1599 = arith.constant 39424 : i32
    %dma_wait3A_1600 = tpu.memref_slice %arg5[%dma_wait3A_1599] : memref<51200xi32, #tpu.memory_space<vmem>> -> memref<512xi32, #tpu.memory_space<vmem>>
    %dma_wait3A_1601 = tpu.memref_slice %arg2[%dma_wait3A_1594, %mul3A_2] : memref<100x16384xi32, #tpu.memory_space<hbm>> -> memref<1x512xi32, #tpu.memory_space<hbm>>
    %dma_wait3A_1602 = tpu.memref_squeeze %dma_wait3A_1601 : memref<1x512xi32, #tpu.memory_space<hbm>> -> memref<512xi32, #tpu.memory_space<hbm>>
    tpu.wait_dma2 semaphore(%arg8 : memref<!tpu.dma_semaphore, #tpu.memory_space<semaphore_mem>>) src(%dma_wait3A_1602 : memref<512xi32, #tpu.memory_space<hbm>>) dst(%dma_wait3A_1600 : memref<512xi32, #tpu.memory_space<vmem>>)
    %dma_wait3A_1603 = arith.constant 78 : i32
    %dma_wait3A_1604 = arith.constant 39936 : i32
    %dma_wait3A_1605 = tpu.memref_slice %arg5[%dma_wait3A_1604] : memref<51200xi32, #tpu.memory_space<vmem>> -> memref<512xi32, #tpu.memory_space<vmem>>
    %dma_wait3A_1606 = tpu.memref_slice %arg2[%dma_wait3A_1603, %mul3A_2] : memref<100x16384xi32, #tpu.memory_space<hbm>> -> memref<1x512xi32, #tpu.memory_space<hbm>>
    %dma_wait3A_1607 = tpu.memref_squeeze %dma_wait3A_1606 : memref<1x512xi32, #tpu.memory_space<hbm>> -> memref<512xi32, #tpu.memory_space<hbm>>
    %dma_wait3A_1608 = arith.constant 39936 : i32
    %dma_wait3A_1609 = tpu.memref_slice %arg5[%dma_wait3A_1608] : memref<51200xi32, #tpu.memory_space<vmem>> -> memref<512xi32, #tpu.memory_space<vmem>>
    %dma_wait3A_1610 = tpu.memref_slice %arg2[%dma_wait3A_1603, %mul3A_2] : memref<100x16384xi32, #tpu.memory_space<hbm>> -> memref<1x512xi32, #tpu.memory_space<hbm>>
    %dma_wait3A_1611 = tpu.memref_squeeze %dma_wait3A_1610 : memref<1x512xi32, #tpu.memory_space<hbm>> -> memref<512xi32, #tpu.memory_space<hbm>>
    tpu.wait_dma2 semaphore(%arg8 : memref<!tpu.dma_semaphore, #tpu.memory_space<semaphore_mem>>) src(%dma_wait3A_1611 : memref<512xi32, #tpu.memory_space<hbm>>) dst(%dma_wait3A_1609 : memref<512xi32, #tpu.memory_space<vmem>>)
    %dma_wait3A_1612 = arith.constant 79 : i32
    %dma_wait3A_1613 = arith.constant 40448 : i32
    %dma_wait3A_1614 = tpu.memref_slice %arg5[%dma_wait3A_1613] : memref<51200xi32, #tpu.memory_space<vmem>> -> memref<512xi32, #tpu.memory_space<vmem>>
    %dma_wait3A_1615 = tpu.memref_slice %arg2[%dma_wait3A_1612, %mul3A_2] : memref<100x16384xi32, #tpu.memory_space<hbm>> -> memref<1x512xi32, #tpu.memory_space<hbm>>
    %dma_wait3A_1616 = tpu.memref_squeeze %dma_wait3A_1615 : memref<1x512xi32, #tpu.memory_space<hbm>> -> memref<512xi32, #tpu.memory_space<hbm>>
    %dma_wait3A_1617 = arith.constant 40448 : i32
    %dma_wait3A_1618 = tpu.memref_slice %arg5[%dma_wait3A_1617] : memref<51200xi32, #tpu.memory_space<vmem>> -> memref<512xi32, #tpu.memory_space<vmem>>
    %dma_wait3A_1619 = tpu.memref_slice %arg2[%dma_wait3A_1612, %mul3A_2] : memref<100x16384xi32, #tpu.memory_space<hbm>> -> memref<1x512xi32, #tpu.memory_space<hbm>>
    %dma_wait3A_1620 = tpu.memref_squeeze %dma_wait3A_1619 : memref<1x512xi32, #tpu.memory_space<hbm>> -> memref<512xi32, #tpu.memory_space<hbm>>
    tpu.wait_dma2 semaphore(%arg8 : memref<!tpu.dma_semaphore, #tpu.memory_space<semaphore_mem>>) src(%dma_wait3A_1620 : memref<512xi32, #tpu.memory_space<hbm>>) dst(%dma_wait3A_1618 : memref<512xi32, #tpu.memory_space<vmem>>)
    %dma_wait3A_1621 = arith.constant 80 : i32
    %dma_wait3A_1622 = arith.constant 40960 : i32
    %dma_wait3A_1623 = tpu.memref_slice %arg5[%dma_wait3A_1622] : memref<51200xi32, #tpu.memory_space<vmem>> -> memref<512xi32, #tpu.memory_space<vmem>>
    %dma_wait3A_1624 = tpu.memref_slice %arg2[%dma_wait3A_1621, %mul3A_2] : memref<100x16384xi32, #tpu.memory_space<hbm>> -> memref<1x512xi32, #tpu.memory_space<hbm>>
    %dma_wait3A_1625 = tpu.memref_squeeze %dma_wait3A_1624 : memref<1x512xi32, #tpu.memory_space<hbm>> -> memref<512xi32, #tpu.memory_space<hbm>>
    %dma_wait3A_1626 = arith.constant 40960 : i32
    %dma_wait3A_1627 = tpu.memref_slice %arg5[%dma_wait3A_1626] : memref<51200xi32, #tpu.memory_space<vmem>> -> memref<512xi32, #tpu.memory_space<vmem>>
    %dma_wait3A_1628 = tpu.memref_slice %arg2[%dma_wait3A_1621, %mul3A_2] : memref<100x16384xi32, #tpu.memory_space<hbm>> -> memref<1x512xi32, #tpu.memory_space<hbm>>
    %dma_wait3A_1629 = tpu.memref_squeeze %dma_wait3A_1628 : memref<1x512xi32, #tpu.memory_space<hbm>> -> memref<512xi32, #tpu.memory_space<hbm>>
    tpu.wait_dma2 semaphore(%arg8 : memref<!tpu.dma_semaphore, #tpu.memory_space<semaphore_mem>>) src(%dma_wait3A_1629 : memref<512xi32, #tpu.memory_space<hbm>>) dst(%dma_wait3A_1627 : memref<512xi32, #tpu.memory_space<vmem>>)
    %dma_wait3A_1630 = arith.constant 81 : i32
    %dma_wait3A_1631 = arith.constant 41472 : i32
    %dma_wait3A_1632 = tpu.memref_slice %arg5[%dma_wait3A_1631] : memref<51200xi32, #tpu.memory_space<vmem>> -> memref<512xi32, #tpu.memory_space<vmem>>
    %dma_wait3A_1633 = tpu.memref_slice %arg2[%dma_wait3A_1630, %mul3A_2] : memref<100x16384xi32, #tpu.memory_space<hbm>> -> memref<1x512xi32, #tpu.memory_space<hbm>>
    %dma_wait3A_1634 = tpu.memref_squeeze %dma_wait3A_1633 : memref<1x512xi32, #tpu.memory_space<hbm>> -> memref<512xi32, #tpu.memory_space<hbm>>
    %dma_wait3A_1635 = arith.constant 41472 : i32
    %dma_wait3A_1636 = tpu.memref_slice %arg5[%dma_wait3A_1635] : memref<51200xi32, #tpu.memory_space<vmem>> -> memref<512xi32, #tpu.memory_space<vmem>>
    %dma_wait3A_1637 = tpu.memref_slice %arg2[%dma_wait3A_1630, %mul3A_2] : memref<100x16384xi32, #tpu.memory_space<hbm>> -> memref<1x512xi32, #tpu.memory_space<hbm>>
    %dma_wait3A_1638 = tpu.memref_squeeze %dma_wait3A_1637 : memref<1x512xi32, #tpu.memory_space<hbm>> -> memref<512xi32, #tpu.memory_space<hbm>>
    tpu.wait_dma2 semaphore(%arg8 : memref<!tpu.dma_semaphore, #tpu.memory_space<semaphore_mem>>) src(%dma_wait3A_1638 : memref<512xi32, #tpu.memory_space<hbm>>) dst(%dma_wait3A_1636 : memref<512xi32, #tpu.memory_space<vmem>>)
    %dma_wait3A_1639 = arith.constant 82 : i32
    %dma_wait3A_1640 = arith.constant 41984 : i32
    %dma_wait3A_1641 = tpu.memref_slice %arg5[%dma_wait3A_1640] : memref<51200xi32, #tpu.memory_space<vmem>> -> memref<512xi32, #tpu.memory_space<vmem>>
    %dma_wait3A_1642 = tpu.memref_slice %arg2[%dma_wait3A_1639, %mul3A_2] : memref<100x16384xi32, #tpu.memory_space<hbm>> -> memref<1x512xi32, #tpu.memory_space<hbm>>
    %dma_wait3A_1643 = tpu.memref_squeeze %dma_wait3A_1642 : memref<1x512xi32, #tpu.memory_space<hbm>> -> memref<512xi32, #tpu.memory_space<hbm>>
    %dma_wait3A_1644 = arith.constant 41984 : i32
    %dma_wait3A_1645 = tpu.memref_slice %arg5[%dma_wait3A_1644] : memref<51200xi32, #tpu.memory_space<vmem>> -> memref<512xi32, #tpu.memory_space<vmem>>
    %dma_wait3A_1646 = tpu.memref_slice %arg2[%dma_wait3A_1639, %mul3A_2] : memref<100x16384xi32, #tpu.memory_space<hbm>> -> memref<1x512xi32, #tpu.memory_space<hbm>>
    %dma_wait3A_1647 = tpu.memref_squeeze %dma_wait3A_1646 : memref<1x512xi32, #tpu.memory_space<hbm>> -> memref<512xi32, #tpu.memory_space<hbm>>
    tpu.wait_dma2 semaphore(%arg8 : memref<!tpu.dma_semaphore, #tpu.memory_space<semaphore_mem>>) src(%dma_wait3A_1647 : memref<512xi32, #tpu.memory_space<hbm>>) dst(%dma_wait3A_1645 : memref<512xi32, #tpu.memory_space<vmem>>)
    %dma_wait3A_1648 = arith.constant 83 : i32
    %dma_wait3A_1649 = arith.constant 42496 : i32
    %dma_wait3A_1650 = tpu.memref_slice %arg5[%dma_wait3A_1649] : memref<51200xi32, #tpu.memory_space<vmem>> -> memref<512xi32, #tpu.memory_space<vmem>>
    %dma_wait3A_1651 = tpu.memref_slice %arg2[%dma_wait3A_1648, %mul3A_2] : memref<100x16384xi32, #tpu.memory_space<hbm>> -> memref<1x512xi32, #tpu.memory_space<hbm>>
    %dma_wait3A_1652 = tpu.memref_squeeze %dma_wait3A_1651 : memref<1x512xi32, #tpu.memory_space<hbm>> -> memref<512xi32, #tpu.memory_space<hbm>>
    %dma_wait3A_1653 = arith.constant 42496 : i32
    %dma_wait3A_1654 = tpu.memref_slice %arg5[%dma_wait3A_1653] : memref<51200xi32, #tpu.memory_space<vmem>> -> memref<512xi32, #tpu.memory_space<vmem>>
    %dma_wait3A_1655 = tpu.memref_slice %arg2[%dma_wait3A_1648, %mul3A_2] : memref<100x16384xi32, #tpu.memory_space<hbm>> -> memref<1x512xi32, #tpu.memory_space<hbm>>
    %dma_wait3A_1656 = tpu.memref_squeeze %dma_wait3A_1655 : memref<1x512xi32, #tpu.memory_space<hbm>> -> memref<512xi32, #tpu.memory_space<hbm>>
    tpu.wait_dma2 semaphore(%arg8 : memref<!tpu.dma_semaphore, #tpu.memory_space<semaphore_mem>>) src(%dma_wait3A_1656 : memref<512xi32, #tpu.memory_space<hbm>>) dst(%dma_wait3A_1654 : memref<512xi32, #tpu.memory_space<vmem>>)
    %dma_wait3A_1657 = arith.constant 84 : i32
    %dma_wait3A_1658 = arith.constant 43008 : i32
    %dma_wait3A_1659 = tpu.memref_slice %arg5[%dma_wait3A_1658] : memref<51200xi32, #tpu.memory_space<vmem>> -> memref<512xi32, #tpu.memory_space<vmem>>
    %dma_wait3A_1660 = tpu.memref_slice %arg2[%dma_wait3A_1657, %mul3A_2] : memref<100x16384xi32, #tpu.memory_space<hbm>> -> memref<1x512xi32, #tpu.memory_space<hbm>>
    %dma_wait3A_1661 = tpu.memref_squeeze %dma_wait3A_1660 : memref<1x512xi32, #tpu.memory_space<hbm>> -> memref<512xi32, #tpu.memory_space<hbm>>
    %dma_wait3A_1662 = arith.constant 43008 : i32
    %dma_wait3A_1663 = tpu.memref_slice %arg5[%dma_wait3A_1662] : memref<51200xi32, #tpu.memory_space<vmem>> -> memref<512xi32, #tpu.memory_space<vmem>>
    %dma_wait3A_1664 = tpu.memref_slice %arg2[%dma_wait3A_1657, %mul3A_2] : memref<100x16384xi32, #tpu.memory_space<hbm>> -> memref<1x512xi32, #tpu.memory_space<hbm>>
    %dma_wait3A_1665 = tpu.memref_squeeze %dma_wait3A_1664 : memref<1x512xi32, #tpu.memory_space<hbm>> -> memref<512xi32, #tpu.memory_space<hbm>>
    tpu.wait_dma2 semaphore(%arg8 : memref<!tpu.dma_semaphore, #tpu.memory_space<semaphore_mem>>) src(%dma_wait3A_1665 : memref<512xi32, #tpu.memory_space<hbm>>) dst(%dma_wait3A_1663 : memref<512xi32, #tpu.memory_space<vmem>>)
    %dma_wait3A_1666 = arith.constant 85 : i32
    %dma_wait3A_1667 = arith.constant 43520 : i32
    %dma_wait3A_1668 = tpu.memref_slice %arg5[%dma_wait3A_1667] : memref<51200xi32, #tpu.memory_space<vmem>> -> memref<512xi32, #tpu.memory_space<vmem>>
    %dma_wait3A_1669 = tpu.memref_slice %arg2[%dma_wait3A_1666, %mul3A_2] : memref<100x16384xi32, #tpu.memory_space<hbm>> -> memref<1x512xi32, #tpu.memory_space<hbm>>
    %dma_wait3A_1670 = tpu.memref_squeeze %dma_wait3A_1669 : memref<1x512xi32, #tpu.memory_space<hbm>> -> memref<512xi32, #tpu.memory_space<hbm>>
    %dma_wait3A_1671 = arith.constant 43520 : i32
    %dma_wait3A_1672 = tpu.memref_slice %arg5[%dma_wait3A_1671] : memref<51200xi32, #tpu.memory_space<vmem>> -> memref<512xi32, #tpu.memory_space<vmem>>
    %dma_wait3A_1673 = tpu.memref_slice %arg2[%dma_wait3A_1666, %mul3A_2] : memref<100x16384xi32, #tpu.memory_space<hbm>> -> memref<1x512xi32, #tpu.memory_space<hbm>>
    %dma_wait3A_1674 = tpu.memref_squeeze %dma_wait3A_1673 : memref<1x512xi32, #tpu.memory_space<hbm>> -> memref<512xi32, #tpu.memory_space<hbm>>
    tpu.wait_dma2 semaphore(%arg8 : memref<!tpu.dma_semaphore, #tpu.memory_space<semaphore_mem>>) src(%dma_wait3A_1674 : memref<512xi32, #tpu.memory_space<hbm>>) dst(%dma_wait3A_1672 : memref<512xi32, #tpu.memory_space<vmem>>)
    %dma_wait3A_1675 = arith.constant 86 : i32
    %dma_wait3A_1676 = arith.constant 44032 : i32
    %dma_wait3A_1677 = tpu.memref_slice %arg5[%dma_wait3A_1676] : memref<51200xi32, #tpu.memory_space<vmem>> -> memref<512xi32, #tpu.memory_space<vmem>>
    %dma_wait3A_1678 = tpu.memref_slice %arg2[%dma_wait3A_1675, %mul3A_2] : memref<100x16384xi32, #tpu.memory_space<hbm>> -> memref<1x512xi32, #tpu.memory_space<hbm>>
    %dma_wait3A_1679 = tpu.memref_squeeze %dma_wait3A_1678 : memref<1x512xi32, #tpu.memory_space<hbm>> -> memref<512xi32, #tpu.memory_space<hbm>>
    %dma_wait3A_1680 = arith.constant 44032 : i32
    %dma_wait3A_1681 = tpu.memref_slice %arg5[%dma_wait3A_1680] : memref<51200xi32, #tpu.memory_space<vmem>> -> memref<512xi32, #tpu.memory_space<vmem>>
    %dma_wait3A_1682 = tpu.memref_slice %arg2[%dma_wait3A_1675, %mul3A_2] : memref<100x16384xi32, #tpu.memory_space<hbm>> -> memref<1x512xi32, #tpu.memory_space<hbm>>
    %dma_wait3A_1683 = tpu.memref_squeeze %dma_wait3A_1682 : memref<1x512xi32, #tpu.memory_space<hbm>> -> memref<512xi32, #tpu.memory_space<hbm>>
    tpu.wait_dma2 semaphore(%arg8 : memref<!tpu.dma_semaphore, #tpu.memory_space<semaphore_mem>>) src(%dma_wait3A_1683 : memref<512xi32, #tpu.memory_space<hbm>>) dst(%dma_wait3A_1681 : memref<512xi32, #tpu.memory_space<vmem>>)
    %dma_wait3A_1684 = arith.constant 87 : i32
    %dma_wait3A_1685 = arith.constant 44544 : i32
    %dma_wait3A_1686 = tpu.memref_slice %arg5[%dma_wait3A_1685] : memref<51200xi32, #tpu.memory_space<vmem>> -> memref<512xi32, #tpu.memory_space<vmem>>
    %dma_wait3A_1687 = tpu.memref_slice %arg2[%dma_wait3A_1684, %mul3A_2] : memref<100x16384xi32, #tpu.memory_space<hbm>> -> memref<1x512xi32, #tpu.memory_space<hbm>>
    %dma_wait3A_1688 = tpu.memref_squeeze %dma_wait3A_1687 : memref<1x512xi32, #tpu.memory_space<hbm>> -> memref<512xi32, #tpu.memory_space<hbm>>
    %dma_wait3A_1689 = arith.constant 44544 : i32
    %dma_wait3A_1690 = tpu.memref_slice %arg5[%dma_wait3A_1689] : memref<51200xi32, #tpu.memory_space<vmem>> -> memref<512xi32, #tpu.memory_space<vmem>>
    %dma_wait3A_1691 = tpu.memref_slice %arg2[%dma_wait3A_1684, %mul3A_2] : memref<100x16384xi32, #tpu.memory_space<hbm>> -> memref<1x512xi32, #tpu.memory_space<hbm>>
    %dma_wait3A_1692 = tpu.memref_squeeze %dma_wait3A_1691 : memref<1x512xi32, #tpu.memory_space<hbm>> -> memref<512xi32, #tpu.memory_space<hbm>>
    tpu.wait_dma2 semaphore(%arg8 : memref<!tpu.dma_semaphore, #tpu.memory_space<semaphore_mem>>) src(%dma_wait3A_1692 : memref<512xi32, #tpu.memory_space<hbm>>) dst(%dma_wait3A_1690 : memref<512xi32, #tpu.memory_space<vmem>>)
    %dma_wait3A_1693 = arith.constant 88 : i32
    %dma_wait3A_1694 = arith.constant 45056 : i32
    %dma_wait3A_1695 = tpu.memref_slice %arg5[%dma_wait3A_1694] : memref<51200xi32, #tpu.memory_space<vmem>> -> memref<512xi32, #tpu.memory_space<vmem>>
    %dma_wait3A_1696 = tpu.memref_slice %arg2[%dma_wait3A_1693, %mul3A_2] : memref<100x16384xi32, #tpu.memory_space<hbm>> -> memref<1x512xi32, #tpu.memory_space<hbm>>
    %dma_wait3A_1697 = tpu.memref_squeeze %dma_wait3A_1696 : memref<1x512xi32, #tpu.memory_space<hbm>> -> memref<512xi32, #tpu.memory_space<hbm>>
    %dma_wait3A_1698 = arith.constant 45056 : i32
    %dma_wait3A_1699 = tpu.memref_slice %arg5[%dma_wait3A_1698] : memref<51200xi32, #tpu.memory_space<vmem>> -> memref<512xi32, #tpu.memory_space<vmem>>
    %dma_wait3A_1700 = tpu.memref_slice %arg2[%dma_wait3A_1693, %mul3A_2] : memref<100x16384xi32, #tpu.memory_space<hbm>> -> memref<1x512xi32, #tpu.memory_space<hbm>>
    %dma_wait3A_1701 = tpu.memref_squeeze %dma_wait3A_1700 : memref<1x512xi32, #tpu.memory_space<hbm>> -> memref<512xi32, #tpu.memory_space<hbm>>
    tpu.wait_dma2 semaphore(%arg8 : memref<!tpu.dma_semaphore, #tpu.memory_space<semaphore_mem>>) src(%dma_wait3A_1701 : memref<512xi32, #tpu.memory_space<hbm>>) dst(%dma_wait3A_1699 : memref<512xi32, #tpu.memory_space<vmem>>)
    %dma_wait3A_1702 = arith.constant 89 : i32
    %dma_wait3A_1703 = arith.constant 45568 : i32
    %dma_wait3A_1704 = tpu.memref_slice %arg5[%dma_wait3A_1703] : memref<51200xi32, #tpu.memory_space<vmem>> -> memref<512xi32, #tpu.memory_space<vmem>>
    %dma_wait3A_1705 = tpu.memref_slice %arg2[%dma_wait3A_1702, %mul3A_2] : memref<100x16384xi32, #tpu.memory_space<hbm>> -> memref<1x512xi32, #tpu.memory_space<hbm>>
    %dma_wait3A_1706 = tpu.memref_squeeze %dma_wait3A_1705 : memref<1x512xi32, #tpu.memory_space<hbm>> -> memref<512xi32, #tpu.memory_space<hbm>>
    %dma_wait3A_1707 = arith.constant 45568 : i32
    %dma_wait3A_1708 = tpu.memref_slice %arg5[%dma_wait3A_1707] : memref<51200xi32, #tpu.memory_space<vmem>> -> memref<512xi32, #tpu.memory_space<vmem>>
    %dma_wait3A_1709 = tpu.memref_slice %arg2[%dma_wait3A_1702, %mul3A_2] : memref<100x16384xi32, #tpu.memory_space<hbm>> -> memref<1x512xi32, #tpu.memory_space<hbm>>
    %dma_wait3A_1710 = tpu.memref_squeeze %dma_wait3A_1709 : memref<1x512xi32, #tpu.memory_space<hbm>> -> memref<512xi32, #tpu.memory_space<hbm>>
    tpu.wait_dma2 semaphore(%arg8 : memref<!tpu.dma_semaphore, #tpu.memory_space<semaphore_mem>>) src(%dma_wait3A_1710 : memref<512xi32, #tpu.memory_space<hbm>>) dst(%dma_wait3A_1708 : memref<512xi32, #tpu.memory_space<vmem>>)
    %dma_wait3A_1711 = arith.constant 90 : i32
    %dma_wait3A_1712 = arith.constant 46080 : i32
    %dma_wait3A_1713 = tpu.memref_slice %arg5[%dma_wait3A_1712] : memref<51200xi32, #tpu.memory_space<vmem>> -> memref<512xi32, #tpu.memory_space<vmem>>
    %dma_wait3A_1714 = tpu.memref_slice %arg2[%dma_wait3A_1711, %mul3A_2] : memref<100x16384xi32, #tpu.memory_space<hbm>> -> memref<1x512xi32, #tpu.memory_space<hbm>>
    %dma_wait3A_1715 = tpu.memref_squeeze %dma_wait3A_1714 : memref<1x512xi32, #tpu.memory_space<hbm>> -> memref<512xi32, #tpu.memory_space<hbm>>
    %dma_wait3A_1716 = arith.constant 46080 : i32
    %dma_wait3A_1717 = tpu.memref_slice %arg5[%dma_wait3A_1716] : memref<51200xi32, #tpu.memory_space<vmem>> -> memref<512xi32, #tpu.memory_space<vmem>>
    %dma_wait3A_1718 = tpu.memref_slice %arg2[%dma_wait3A_1711, %mul3A_2] : memref<100x16384xi32, #tpu.memory_space<hbm>> -> memref<1x512xi32, #tpu.memory_space<hbm>>
    %dma_wait3A_1719 = tpu.memref_squeeze %dma_wait3A_1718 : memref<1x512xi32, #tpu.memory_space<hbm>> -> memref<512xi32, #tpu.memory_space<hbm>>
    tpu.wait_dma2 semaphore(%arg8 : memref<!tpu.dma_semaphore, #tpu.memory_space<semaphore_mem>>) src(%dma_wait3A_1719 : memref<512xi32, #tpu.memory_space<hbm>>) dst(%dma_wait3A_1717 : memref<512xi32, #tpu.memory_space<vmem>>)
    %dma_wait3A_1720 = arith.constant 91 : i32
    %dma_wait3A_1721 = arith.constant 46592 : i32
    %dma_wait3A_1722 = tpu.memref_slice %arg5[%dma_wait3A_1721] : memref<51200xi32, #tpu.memory_space<vmem>> -> memref<512xi32, #tpu.memory_space<vmem>>
    %dma_wait3A_1723 = tpu.memref_slice %arg2[%dma_wait3A_1720, %mul3A_2] : memref<100x16384xi32, #tpu.memory_space<hbm>> -> memref<1x512xi32, #tpu.memory_space<hbm>>
    %dma_wait3A_1724 = tpu.memref_squeeze %dma_wait3A_1723 : memref<1x512xi32, #tpu.memory_space<hbm>> -> memref<512xi32, #tpu.memory_space<hbm>>
    %dma_wait3A_1725 = arith.constant 46592 : i32
    %dma_wait3A_1726 = tpu.memref_slice %arg5[%dma_wait3A_1725] : memref<51200xi32, #tpu.memory_space<vmem>> -> memref<512xi32, #tpu.memory_space<vmem>>
    %dma_wait3A_1727 = tpu.memref_slice %arg2[%dma_wait3A_1720, %mul3A_2] : memref<100x16384xi32, #tpu.memory_space<hbm>> -> memref<1x512xi32, #tpu.memory_space<hbm>>
    %dma_wait3A_1728 = tpu.memref_squeeze %dma_wait3A_1727 : memref<1x512xi32, #tpu.memory_space<hbm>> -> memref<512xi32, #tpu.memory_space<hbm>>
    tpu.wait_dma2 semaphore(%arg8 : memref<!tpu.dma_semaphore, #tpu.memory_space<semaphore_mem>>) src(%dma_wait3A_1728 : memref<512xi32, #tpu.memory_space<hbm>>) dst(%dma_wait3A_1726 : memref<512xi32, #tpu.memory_space<vmem>>)
    %dma_wait3A_1729 = arith.constant 92 : i32
    %dma_wait3A_1730 = arith.constant 47104 : i32
    %dma_wait3A_1731 = tpu.memref_slice %arg5[%dma_wait3A_1730] : memref<51200xi32, #tpu.memory_space<vmem>> -> memref<512xi32, #tpu.memory_space<vmem>>
    %dma_wait3A_1732 = tpu.memref_slice %arg2[%dma_wait3A_1729, %mul3A_2] : memref<100x16384xi32, #tpu.memory_space<hbm>> -> memref<1x512xi32, #tpu.memory_space<hbm>>
    %dma_wait3A_1733 = tpu.memref_squeeze %dma_wait3A_1732 : memref<1x512xi32, #tpu.memory_space<hbm>> -> memref<512xi32, #tpu.memory_space<hbm>>
    %dma_wait3A_1734 = arith.constant 47104 : i32
    %dma_wait3A_1735 = tpu.memref_slice %arg5[%dma_wait3A_1734] : memref<51200xi32, #tpu.memory_space<vmem>> -> memref<512xi32, #tpu.memory_space<vmem>>
    %dma_wait3A_1736 = tpu.memref_slice %arg2[%dma_wait3A_1729, %mul3A_2] : memref<100x16384xi32, #tpu.memory_space<hbm>> -> memref<1x512xi32, #tpu.memory_space<hbm>>
    %dma_wait3A_1737 = tpu.memref_squeeze %dma_wait3A_1736 : memref<1x512xi32, #tpu.memory_space<hbm>> -> memref<512xi32, #tpu.memory_space<hbm>>
    tpu.wait_dma2 semaphore(%arg8 : memref<!tpu.dma_semaphore, #tpu.memory_space<semaphore_mem>>) src(%dma_wait3A_1737 : memref<512xi32, #tpu.memory_space<hbm>>) dst(%dma_wait3A_1735 : memref<512xi32, #tpu.memory_space<vmem>>)
    %dma_wait3A_1738 = arith.constant 93 : i32
    %dma_wait3A_1739 = arith.constant 47616 : i32
    %dma_wait3A_1740 = tpu.memref_slice %arg5[%dma_wait3A_1739] : memref<51200xi32, #tpu.memory_space<vmem>> -> memref<512xi32, #tpu.memory_space<vmem>>
    %dma_wait3A_1741 = tpu.memref_slice %arg2[%dma_wait3A_1738, %mul3A_2] : memref<100x16384xi32, #tpu.memory_space<hbm>> -> memref<1x512xi32, #tpu.memory_space<hbm>>
    %dma_wait3A_1742 = tpu.memref_squeeze %dma_wait3A_1741 : memref<1x512xi32, #tpu.memory_space<hbm>> -> memref<512xi32, #tpu.memory_space<hbm>>
    %dma_wait3A_1743 = arith.constant 47616 : i32
    %dma_wait3A_1744 = tpu.memref_slice %arg5[%dma_wait3A_1743] : memref<51200xi32, #tpu.memory_space<vmem>> -> memref<512xi32, #tpu.memory_space<vmem>>
    %dma_wait3A_1745 = tpu.memref_slice %arg2[%dma_wait3A_1738, %mul3A_2] : memref<100x16384xi32, #tpu.memory_space<hbm>> -> memref<1x512xi32, #tpu.memory_space<hbm>>
    %dma_wait3A_1746 = tpu.memref_squeeze %dma_wait3A_1745 : memref<1x512xi32, #tpu.memory_space<hbm>> -> memref<512xi32, #tpu.memory_space<hbm>>
    tpu.wait_dma2 semaphore(%arg8 : memref<!tpu.dma_semaphore, #tpu.memory_space<semaphore_mem>>) src(%dma_wait3A_1746 : memref<512xi32, #tpu.memory_space<hbm>>) dst(%dma_wait3A_1744 : memref<512xi32, #tpu.memory_space<vmem>>)
    %dma_wait3A_1747 = arith.constant 94 : i32
    %dma_wait3A_1748 = arith.constant 48128 : i32
    %dma_wait3A_1749 = tpu.memref_slice %arg5[%dma_wait3A_1748] : memref<51200xi32, #tpu.memory_space<vmem>> -> memref<512xi32, #tpu.memory_space<vmem>>
    %dma_wait3A_1750 = tpu.memref_slice %arg2[%dma_wait3A_1747, %mul3A_2] : memref<100x16384xi32, #tpu.memory_space<hbm>> -> memref<1x512xi32, #tpu.memory_space<hbm>>
    %dma_wait3A_1751 = tpu.memref_squeeze %dma_wait3A_1750 : memref<1x512xi32, #tpu.memory_space<hbm>> -> memref<512xi32, #tpu.memory_space<hbm>>
    %dma_wait3A_1752 = arith.constant 48128 : i32
    %dma_wait3A_1753 = tpu.memref_slice %arg5[%dma_wait3A_1752] : memref<51200xi32, #tpu.memory_space<vmem>> -> memref<512xi32, #tpu.memory_space<vmem>>
    %dma_wait3A_1754 = tpu.memref_slice %arg2[%dma_wait3A_1747, %mul3A_2] : memref<100x16384xi32, #tpu.memory_space<hbm>> -> memref<1x512xi32, #tpu.memory_space<hbm>>
    %dma_wait3A_1755 = tpu.memref_squeeze %dma_wait3A_1754 : memref<1x512xi32, #tpu.memory_space<hbm>> -> memref<512xi32, #tpu.memory_space<hbm>>
    tpu.wait_dma2 semaphore(%arg8 : memref<!tpu.dma_semaphore, #tpu.memory_space<semaphore_mem>>) src(%dma_wait3A_1755 : memref<512xi32, #tpu.memory_space<hbm>>) dst(%dma_wait3A_1753 : memref<512xi32, #tpu.memory_space<vmem>>)
    %dma_wait3A_1756 = arith.constant 95 : i32
    %dma_wait3A_1757 = arith.constant 48640 : i32
    %dma_wait3A_1758 = tpu.memref_slice %arg5[%dma_wait3A_1757] : memref<51200xi32, #tpu.memory_space<vmem>> -> memref<512xi32, #tpu.memory_space<vmem>>
    %dma_wait3A_1759 = tpu.memref_slice %arg2[%dma_wait3A_1756, %mul3A_2] : memref<100x16384xi32, #tpu.memory_space<hbm>> -> memref<1x512xi32, #tpu.memory_space<hbm>>
    %dma_wait3A_1760 = tpu.memref_squeeze %dma_wait3A_1759 : memref<1x512xi32, #tpu.memory_space<hbm>> -> memref<512xi32, #tpu.memory_space<hbm>>
    %dma_wait3A_1761 = arith.constant 48640 : i32
    %dma_wait3A_1762 = tpu.memref_slice %arg5[%dma_wait3A_1761] : memref<51200xi32, #tpu.memory_space<vmem>> -> memref<512xi32, #tpu.memory_space<vmem>>
    %dma_wait3A_1763 = tpu.memref_slice %arg2[%dma_wait3A_1756, %mul3A_2] : memref<100x16384xi32, #tpu.memory_space<hbm>> -> memref<1x512xi32, #tpu.memory_space<hbm>>
    %dma_wait3A_1764 = tpu.memref_squeeze %dma_wait3A_1763 : memref<1x512xi32, #tpu.memory_space<hbm>> -> memref<512xi32, #tpu.memory_space<hbm>>
    tpu.wait_dma2 semaphore(%arg8 : memref<!tpu.dma_semaphore, #tpu.memory_space<semaphore_mem>>) src(%dma_wait3A_1764 : memref<512xi32, #tpu.memory_space<hbm>>) dst(%dma_wait3A_1762 : memref<512xi32, #tpu.memory_space<vmem>>)
    %dma_wait3A_1765 = arith.constant 96 : i32
    %dma_wait3A_1766 = arith.constant 49152 : i32
    %dma_wait3A_1767 = tpu.memref_slice %arg5[%dma_wait3A_1766] : memref<51200xi32, #tpu.memory_space<vmem>> -> memref<512xi32, #tpu.memory_space<vmem>>
    %dma_wait3A_1768 = tpu.memref_slice %arg2[%dma_wait3A_1765, %mul3A_2] : memref<100x16384xi32, #tpu.memory_space<hbm>> -> memref<1x512xi32, #tpu.memory_space<hbm>>
    %dma_wait3A_1769 = tpu.memref_squeeze %dma_wait3A_1768 : memref<1x512xi32, #tpu.memory_space<hbm>> -> memref<512xi32, #tpu.memory_space<hbm>>
    %dma_wait3A_1770 = arith.constant 49152 : i32
    %dma_wait3A_1771 = tpu.memref_slice %arg5[%dma_wait3A_1770] : memref<51200xi32, #tpu.memory_space<vmem>> -> memref<512xi32, #tpu.memory_space<vmem>>
    %dma_wait3A_1772 = tpu.memref_slice %arg2[%dma_wait3A_1765, %mul3A_2] : memref<100x16384xi32, #tpu.memory_space<hbm>> -> memref<1x512xi32, #tpu.memory_space<hbm>>
    %dma_wait3A_1773 = tpu.memref_squeeze %dma_wait3A_1772 : memref<1x512xi32, #tpu.memory_space<hbm>> -> memref<512xi32, #tpu.memory_space<hbm>>
    tpu.wait_dma2 semaphore(%arg8 : memref<!tpu.dma_semaphore, #tpu.memory_space<semaphore_mem>>) src(%dma_wait3A_1773 : memref<512xi32, #tpu.memory_space<hbm>>) dst(%dma_wait3A_1771 : memref<512xi32, #tpu.memory_space<vmem>>)
    %dma_wait3A_1774 = arith.constant 97 : i32
    %dma_wait3A_1775 = arith.constant 49664 : i32
    %dma_wait3A_1776 = tpu.memref_slice %arg5[%dma_wait3A_1775] : memref<51200xi32, #tpu.memory_space<vmem>> -> memref<512xi32, #tpu.memory_space<vmem>>
    %dma_wait3A_1777 = tpu.memref_slice %arg2[%dma_wait3A_1774, %mul3A_2] : memref<100x16384xi32, #tpu.memory_space<hbm>> -> memref<1x512xi32, #tpu.memory_space<hbm>>
    %dma_wait3A_1778 = tpu.memref_squeeze %dma_wait3A_1777 : memref<1x512xi32, #tpu.memory_space<hbm>> -> memref<512xi32, #tpu.memory_space<hbm>>
    %dma_wait3A_1779 = arith.constant 49664 : i32
    %dma_wait3A_1780 = tpu.memref_slice %arg5[%dma_wait3A_1779] : memref<51200xi32, #tpu.memory_space<vmem>> -> memref<512xi32, #tpu.memory_space<vmem>>
    %dma_wait3A_1781 = tpu.memref_slice %arg2[%dma_wait3A_1774, %mul3A_2] : memref<100x16384xi32, #tpu.memory_space<hbm>> -> memref<1x512xi32, #tpu.memory_space<hbm>>
    %dma_wait3A_1782 = tpu.memref_squeeze %dma_wait3A_1781 : memref<1x512xi32, #tpu.memory_space<hbm>> -> memref<512xi32, #tpu.memory_space<hbm>>
    tpu.wait_dma2 semaphore(%arg8 : memref<!tpu.dma_semaphore, #tpu.memory_space<semaphore_mem>>) src(%dma_wait3A_1782 : memref<512xi32, #tpu.memory_space<hbm>>) dst(%dma_wait3A_1780 : memref<512xi32, #tpu.memory_space<vmem>>)
    %dma_wait3A_1783 = arith.constant 98 : i32
    %dma_wait3A_1784 = arith.constant 50176 : i32
    %dma_wait3A_1785 = tpu.memref_slice %arg5[%dma_wait3A_1784] : memref<51200xi32, #tpu.memory_space<vmem>> -> memref<512xi32, #tpu.memory_space<vmem>>
    %dma_wait3A_1786 = tpu.memref_slice %arg2[%dma_wait3A_1783, %mul3A_2] : memref<100x16384xi32, #tpu.memory_space<hbm>> -> memref<1x512xi32, #tpu.memory_space<hbm>>
    %dma_wait3A_1787 = tpu.memref_squeeze %dma_wait3A_1786 : memref<1x512xi32, #tpu.memory_space<hbm>> -> memref<512xi32, #tpu.memory_space<hbm>>
    %dma_wait3A_1788 = arith.constant 50176 : i32
    %dma_wait3A_1789 = tpu.memref_slice %arg5[%dma_wait3A_1788] : memref<51200xi32, #tpu.memory_space<vmem>> -> memref<512xi32, #tpu.memory_space<vmem>>
    %dma_wait3A_1790 = tpu.memref_slice %arg2[%dma_wait3A_1783, %mul3A_2] : memref<100x16384xi32, #tpu.memory_space<hbm>> -> memref<1x512xi32, #tpu.memory_space<hbm>>
    %dma_wait3A_1791 = tpu.memref_squeeze %dma_wait3A_1790 : memref<1x512xi32, #tpu.memory_space<hbm>> -> memref<512xi32, #tpu.memory_space<hbm>>
    tpu.wait_dma2 semaphore(%arg8 : memref<!tpu.dma_semaphore, #tpu.memory_space<semaphore_mem>>) src(%dma_wait3A_1791 : memref<512xi32, #tpu.memory_space<hbm>>) dst(%dma_wait3A_1789 : memref<512xi32, #tpu.memory_space<vmem>>)
    %dma_wait3A_1792 = arith.constant 99 : i32
    %dma_wait3A_1793 = arith.constant 50688 : i32
    %dma_wait3A_1794 = tpu.memref_slice %arg5[%dma_wait3A_1793] : memref<51200xi32, #tpu.memory_space<vmem>> -> memref<512xi32, #tpu.memory_space<vmem>>
    %dma_wait3A_1795 = tpu.memref_slice %arg2[%dma_wait3A_1792, %mul3A_2] : memref<100x16384xi32, #tpu.memory_space<hbm>> -> memref<1x512xi32, #tpu.memory_space<hbm>>
    %dma_wait3A_1796 = tpu.memref_squeeze %dma_wait3A_1795 : memref<1x512xi32, #tpu.memory_space<hbm>> -> memref<512xi32, #tpu.memory_space<hbm>>
    %dma_wait3A_1797 = arith.constant 50688 : i32
    %dma_wait3A_1798 = tpu.memref_slice %arg5[%dma_wait3A_1797] : memref<51200xi32, #tpu.memory_space<vmem>> -> memref<512xi32, #tpu.memory_space<vmem>>
    %dma_wait3A_1799 = tpu.memref_slice %arg2[%dma_wait3A_1792, %mul3A_2] : memref<100x16384xi32, #tpu.memory_space<hbm>> -> memref<1x512xi32, #tpu.memory_space<hbm>>
    %dma_wait3A_1800 = tpu.memref_squeeze %dma_wait3A_1799 : memref<1x512xi32, #tpu.memory_space<hbm>> -> memref<512xi32, #tpu.memory_space<hbm>>
    tpu.wait_dma2 semaphore(%arg8 : memref<!tpu.dma_semaphore, #tpu.memory_space<semaphore_mem>>) src(%dma_wait3A_1800 : memref<512xi32, #tpu.memory_space<hbm>>) dst(%dma_wait3A_1798 : memref<512xi32, #tpu.memory_space<vmem>>)
    %dma_start3A_1801 = arith.constant 0 : i32
    %dma_start3A_1802 = tpu.memref_slice %arg6[%dma_start3A_1801] : memref<51200xf32, #tpu.memory_space<vmem>> -> memref<12800xf32, #tpu.memory_space<vmem>>
    %dma_start3A_1803 = arith.constant 0 : i32
    %dma_start3A_1804 = tpu.memref_slice %arg5[%dma_start3A_1803] : memref<51200xi32, #tpu.memory_space<vmem>> -> memref<12800xi32, #tpu.memory_space<vmem>>
    %dma_start3A_1805 = arith.constant 0 : i32
    %dma_start3A_1806 = tpu.memref_slice %arg3[%dma_start3A_1805] : memref<1000448xf32, #tpu.memory_space<hbm>> -> memref<1000448xf32, #tpu.memory_space<hbm>>
    tpu.enqueue_indirect_dma source(%dma_start3A_1806 : memref<1000448xf32, #tpu.memory_space<hbm>>) target(%dma_start3A_1802 : memref<12800xf32, #tpu.memory_space<vmem>>) offsets(%dma_start3A_1804 : memref<12800xi32, #tpu.memory_space<vmem>>) semaphore(%arg9 : memref<!tpu.dma_semaphore, #tpu.memory_space<semaphore_mem>>)
    %dma_start3A_1807 = arith.constant 12800 : i32
    %dma_start3A_1808 = tpu.memref_slice %arg6[%dma_start3A_1807] : memref<51200xf32, #tpu.memory_space<vmem>> -> memref<12800xf32, #tpu.memory_space<vmem>>
    %dma_start3A_1809 = arith.constant 12800 : i32
    %dma_start3A_1810 = tpu.memref_slice %arg5[%dma_start3A_1809] : memref<51200xi32, #tpu.memory_space<vmem>> -> memref<12800xi32, #tpu.memory_space<vmem>>
    %dma_start3A_1811 = arith.constant 0 : i32
    %dma_start3A_1812 = tpu.memref_slice %arg3[%dma_start3A_1811] : memref<1000448xf32, #tpu.memory_space<hbm>> -> memref<1000448xf32, #tpu.memory_space<hbm>>
    tpu.enqueue_indirect_dma source(%dma_start3A_1812 : memref<1000448xf32, #tpu.memory_space<hbm>>) target(%dma_start3A_1808 : memref<12800xf32, #tpu.memory_space<vmem>>) offsets(%dma_start3A_1810 : memref<12800xi32, #tpu.memory_space<vmem>>) semaphore(%arg9 : memref<!tpu.dma_semaphore, #tpu.memory_space<semaphore_mem>>)
    %dma_start3A_1813 = arith.constant 25600 : i32
    %dma_start3A_1814 = tpu.memref_slice %arg6[%dma_start3A_1813] : memref<51200xf32, #tpu.memory_space<vmem>> -> memref<12800xf32, #tpu.memory_space<vmem>>
    %dma_start3A_1815 = arith.constant 25600 : i32
    %dma_start3A_1816 = tpu.memref_slice %arg5[%dma_start3A_1815] : memref<51200xi32, #tpu.memory_space<vmem>> -> memref<12800xi32, #tpu.memory_space<vmem>>
    %dma_start3A_1817 = arith.constant 0 : i32
    %dma_start3A_1818 = tpu.memref_slice %arg3[%dma_start3A_1817] : memref<1000448xf32, #tpu.memory_space<hbm>> -> memref<1000448xf32, #tpu.memory_space<hbm>>
    tpu.enqueue_indirect_dma source(%dma_start3A_1818 : memref<1000448xf32, #tpu.memory_space<hbm>>) target(%dma_start3A_1814 : memref<12800xf32, #tpu.memory_space<vmem>>) offsets(%dma_start3A_1816 : memref<12800xi32, #tpu.memory_space<vmem>>) semaphore(%arg9 : memref<!tpu.dma_semaphore, #tpu.memory_space<semaphore_mem>>)
    %dma_start3A_1819 = arith.constant 38400 : i32
    %dma_start3A_1820 = tpu.memref_slice %arg6[%dma_start3A_1819] : memref<51200xf32, #tpu.memory_space<vmem>> -> memref<12800xf32, #tpu.memory_space<vmem>>
    %dma_start3A_1821 = arith.constant 38400 : i32
    %dma_start3A_1822 = tpu.memref_slice %arg5[%dma_start3A_1821] : memref<51200xi32, #tpu.memory_space<vmem>> -> memref<12800xi32, #tpu.memory_space<vmem>>
    %dma_start3A_1823 = arith.constant 0 : i32
    %dma_start3A_1824 = tpu.memref_slice %arg3[%dma_start3A_1823] : memref<1000448xf32, #tpu.memory_space<hbm>> -> memref<1000448xf32, #tpu.memory_space<hbm>>
    tpu.enqueue_indirect_dma source(%dma_start3A_1824 : memref<1000448xf32, #tpu.memory_space<hbm>>) target(%dma_start3A_1820 : memref<12800xf32, #tpu.memory_space<vmem>>) offsets(%dma_start3A_1822 : memref<12800xi32, #tpu.memory_space<vmem>>) semaphore(%arg9 : memref<!tpu.dma_semaphore, #tpu.memory_space<semaphore_mem>>)
    %dma_wait3A_1825 = arith.constant 0 : i32
    %dma_wait3A_1826 = tpu.memref_slice %arg6[%dma_wait3A_1825] : memref<51200xf32, #tpu.memory_space<vmem>> -> memref<12800xf32, #tpu.memory_space<vmem>>
    %dma_wait3A_1827 = arith.constant 0 : i32
    %dma_wait3A_1828 = tpu.memref_slice %arg5[%dma_wait3A_1827] : memref<51200xi32, #tpu.memory_space<vmem>> -> memref<12800xi32, #tpu.memory_space<vmem>>
    %dma_wait3A_1829 = arith.constant 0 : i32
    %dma_wait3A_1830 = tpu.memref_slice %arg3[%dma_wait3A_1829] : memref<1000448xf32, #tpu.memory_space<hbm>> -> memref<1000448xf32, #tpu.memory_space<hbm>>
    tpu.wait_indirect_dma semaphore(%arg9 : memref<!tpu.dma_semaphore, #tpu.memory_space<semaphore_mem>>) src(%dma_wait3A_1830 : memref<1000448xf32, #tpu.memory_space<hbm>>) dst(%dma_wait3A_1826 : memref<12800xf32, #tpu.memory_space<vmem>>)
    %scan3A = arith.constant 0 : i32
    %scan3A_1831 = arith.constant 32 : i32
    %scan3A_1832 = arith.addi %scan3A, %scan3A_1831 : i32
    %scan3A_1833 = arith.constant 1 : i32
    scf.for %scan3A_1868 = %scan3A to %scan3A_1832 step %scan3A_1833  : i32 {
      %mul3A_1869 = arith.constant 16 : i32
      %mul3A_1870 = arith.muli %scan3A_1868, %mul3A_1869 : i32
      %broadcast_in_dim3A = arith.constant 0.000000e+00 : f32
      %broadcast_in_dim3A_1871 = vector.broadcast %broadcast_in_dim3A : f32 to vector<16xf32>
      %broadcast_in_dim3A_1872 = arith.constant 0.000000e+00 : f32
      %broadcast_in_dim3A_1873 = vector.broadcast %broadcast_in_dim3A_1872 : f32 to vector<16xf32>
      %broadcast_in_dim3A_1874 = arith.constant 0.000000e+00 : f32
      %broadcast_in_dim3A_1875 = vector.broadcast %broadcast_in_dim3A_1874 : f32 to vector<16xf32>
      %broadcast_in_dim3A_1876 = arith.constant 0.000000e+00 : f32
      %broadcast_in_dim3A_1877 = vector.broadcast %broadcast_in_dim3A_1876 : f32 to vector<16xf32>
      %add3A_1878 = arith.constant 0 : i32
      %add3A_1879 = arith.addi %add3A_1878, %mul3A_1870 : i32
      %get3A = arith.index_cast %add3A_1879 : i32 to index
      %get3A_1880 = tpu.vector_load %arg6[%get3A] {strides = array<i32>} : memref<51200xf32, #tpu.memory_space<vmem>>, vector<16xf32>,
      %add3A_1881 = arith.addf %broadcast_in_dim3A_1871, %get3A_1880 : vector<16xf32>
      %add3A_1882 = arith.constant 512 : i32
      %add3A_1883 = arith.addi %add3A_1882, %mul3A_1870 : i32
      %get3A_1884 = arith.index_cast %add3A_1883 : i32 to index
      %get3A_1885 = tpu.vector_load %arg6[%get3A_1884] {strides = array<i32>} : memref<51200xf32, #tpu.memory_space<vmem>>, vector<16xf32>,
      %add3A_1886 = arith.addf %broadcast_in_dim3A_1873, %get3A_1885 : vector<16xf32>
      %add3A_1887 = arith.constant 1024 : i32
      %add3A_1888 = arith.addi %add3A_1887, %mul3A_1870 : i32
      %get3A_1889 = arith.index_cast %add3A_1888 : i32 to index
      %get3A_1890 = tpu.vector_load %arg6[%get3A_1889] {strides = array<i32>} : memref<51200xf32, #tpu.memory_space<vmem>>, vector<16xf32>,
      %add3A_1891 = arith.addf %broadcast_in_dim3A_1875, %get3A_1890 : vector<16xf32>
      %add3A_1892 = arith.constant 1536 : i32
      %add3A_1893 = arith.addi %add3A_1892, %mul3A_1870 : i32
      %get3A_1894 = arith.index_cast %add3A_1893 : i32 to index
      %get3A_1895 = tpu.vector_load %arg6[%get3A_1894] {strides = array<i32>} : memref<51200xf32, #tpu.memory_space<vmem>>, vector<16xf32>,
      %add3A_1896 = arith.addf %broadcast_in_dim3A_1877, %get3A_1895 : vector<16xf32>
      %add3A_1897 = arith.constant 2048 : i32
      %add3A_1898 = arith.addi %add3A_1897, %mul3A_1870 : i32
      %get3A_1899 = arith.index_cast %add3A_1898 : i32 to index
      %get3A_1900 = tpu.vector_load %arg6[%get3A_1899] {strides = array<i32>} : memref<51200xf32, #tpu.memory_space<vmem>>, vector<16xf32>,
      %add3A_1901 = arith.addf %add3A_1881, %get3A_1900 : vector<16xf32>
      %add3A_1902 = arith.constant 2560 : i32
      %add3A_1903 = arith.addi %add3A_1902, %mul3A_1870 : i32
      %get3A_1904 = arith.index_cast %add3A_1903 : i32 to index
      %get3A_1905 = tpu.vector_load %arg6[%get3A_1904] {strides = array<i32>} : memref<51200xf32, #tpu.memory_space<vmem>>, vector<16xf32>,
      %add3A_1906 = arith.addf %add3A_1886, %get3A_1905 : vector<16xf32>
      %add3A_1907 = arith.constant 3072 : i32
      %add3A_1908 = arith.addi %add3A_1907, %mul3A_1870 : i32
      %get3A_1909 = arith.index_cast %add3A_1908 : i32 to index
      %get3A_1910 = tpu.vector_load %arg6[%get3A_1909] {strides = array<i32>} : memref<51200xf32, #tpu.memory_space<vmem>>, vector<16xf32>,
      %add3A_1911 = arith.addf %add3A_1891, %get3A_1910 : vector<16xf32>
      %add3A_1912 = arith.constant 3584 : i32
      %add3A_1913 = arith.addi %add3A_1912, %mul3A_1870 : i32
      %get3A_1914 = arith.index_cast %add3A_1913 : i32 to index
      %get3A_1915 = tpu.vector_load %arg6[%get3A_1914] {strides = array<i32>} : memref<51200xf32, #tpu.memory_space<vmem>>, vector<16xf32>,
      %add3A_1916 = arith.addf %add3A_1896, %get3A_1915 : vector<16xf32>
      %add3A_1917 = arith.constant 4096 : i32
      %add3A_1918 = arith.addi %add3A_1917, %mul3A_1870 : i32
      %get3A_1919 = arith.index_cast %add3A_1918 : i32 to index
      %get3A_1920 = tpu.vector_load %arg6[%get3A_1919] {strides = array<i32>} : memref<51200xf32, #tpu.memory_space<vmem>>, vector<16xf32>,
      %add3A_1921 = arith.addf %add3A_1901, %get3A_1920 : vector<16xf32>
      %add3A_1922 = arith.constant 4608 : i32
      %add3A_1923 = arith.addi %add3A_1922, %mul3A_1870 : i32
      %get3A_1924 = arith.index_cast %add3A_1923 : i32 to index
      %get3A_1925 = tpu.vector_load %arg6[%get3A_1924] {strides = array<i32>} : memref<51200xf32, #tpu.memory_space<vmem>>, vector<16xf32>,
      %add3A_1926 = arith.addf %add3A_1906, %get3A_1925 : vector<16xf32>
      %add3A_1927 = arith.constant 5120 : i32
      %add3A_1928 = arith.addi %add3A_1927, %mul3A_1870 : i32
      %get3A_1929 = arith.index_cast %add3A_1928 : i32 to index
      %get3A_1930 = tpu.vector_load %arg6[%get3A_1929] {strides = array<i32>} : memref<51200xf32, #tpu.memory_space<vmem>>, vector<16xf32>,
      %add3A_1931 = arith.addf %add3A_1911, %get3A_1930 : vector<16xf32>
      %add3A_1932 = arith.constant 5632 : i32
      %add3A_1933 = arith.addi %add3A_1932, %mul3A_1870 : i32
      %get3A_1934 = arith.index_cast %add3A_1933 : i32 to index
      %get3A_1935 = tpu.vector_load %arg6[%get3A_1934] {strides = array<i32>} : memref<51200xf32, #tpu.memory_space<vmem>>, vector<16xf32>,
      %add3A_1936 = arith.addf %add3A_1916, %get3A_1935 : vector<16xf32>
      %add3A_1937 = arith.constant 6144 : i32
      %add3A_1938 = arith.addi %add3A_1937, %mul3A_1870 : i32
      %get3A_1939 = arith.index_cast %add3A_1938 : i32 to index
      %get3A_1940 = tpu.vector_load %arg6[%get3A_1939] {strides = array<i32>} : memref<51200xf32, #tpu.memory_space<vmem>>, vector<16xf32>,
      %add3A_1941 = arith.addf %add3A_1921, %get3A_1940 : vector<16xf32>
      %add3A_1942 = arith.constant 6656 : i32
      %add3A_1943 = arith.addi %add3A_1942, %mul3A_1870 : i32
      %get3A_1944 = arith.index_cast %add3A_1943 : i32 to index
      %get3A_1945 = tpu.vector_load %arg6[%get3A_1944] {strides = array<i32>} : memref<51200xf32, #tpu.memory_space<vmem>>, vector<16xf32>,
      %add3A_1946 = arith.addf %add3A_1926, %get3A_1945 : vector<16xf32>
      %add3A_1947 = arith.constant 7168 : i32
      %add3A_1948 = arith.addi %add3A_1947, %mul3A_1870 : i32
      %get3A_1949 = arith.index_cast %add3A_1948 : i32 to index
      %get3A_1950 = tpu.vector_load %arg6[%get3A_1949] {strides = array<i32>} : memref<51200xf32, #tpu.memory_space<vmem>>, vector<16xf32>,
      %add3A_1951 = arith.addf %add3A_1931, %get3A_1950 : vector<16xf32>
      %add3A_1952 = arith.constant 7680 : i32
      %add3A_1953 = arith.addi %add3A_1952, %mul3A_1870 : i32
      %get3A_1954 = arith.index_cast %add3A_1953 : i32 to index
      %get3A_1955 = tpu.vector_load %arg6[%get3A_1954] {strides = array<i32>} : memref<51200xf32, #tpu.memory_space<vmem>>, vector<16xf32>,
      %add3A_1956 = arith.addf %add3A_1936, %get3A_1955 : vector<16xf32>
      %add3A_1957 = arith.constant 8192 : i32
      %add3A_1958 = arith.addi %add3A_1957, %mul3A_1870 : i32
      %get3A_1959 = arith.index_cast %add3A_1958 : i32 to index
      %get3A_1960 = tpu.vector_load %arg6[%get3A_1959] {strides = array<i32>} : memref<51200xf32, #tpu.memory_space<vmem>>, vector<16xf32>,
      %add3A_1961 = arith.addf %add3A_1941, %get3A_1960 : vector<16xf32>
      %add3A_1962 = arith.constant 8704 : i32
      %add3A_1963 = arith.addi %add3A_1962, %mul3A_1870 : i32
      %get3A_1964 = arith.index_cast %add3A_1963 : i32 to index
      %get3A_1965 = tpu.vector_load %arg6[%get3A_1964] {strides = array<i32>} : memref<51200xf32, #tpu.memory_space<vmem>>, vector<16xf32>,
      %add3A_1966 = arith.addf %add3A_1946, %get3A_1965 : vector<16xf32>
      %add3A_1967 = arith.constant 9216 : i32
      %add3A_1968 = arith.addi %add3A_1967, %mul3A_1870 : i32
      %get3A_1969 = arith.index_cast %add3A_1968 : i32 to index
      %get3A_1970 = tpu.vector_load %arg6[%get3A_1969] {strides = array<i32>} : memref<51200xf32, #tpu.memory_space<vmem>>, vector<16xf32>,
      %add3A_1971 = arith.addf %add3A_1951, %get3A_1970 : vector<16xf32>
      %add3A_1972 = arith.constant 9728 : i32
      %add3A_1973 = arith.addi %add3A_1972, %mul3A_1870 : i32
      %get3A_1974 = arith.index_cast %add3A_1973 : i32 to index
      %get3A_1975 = tpu.vector_load %arg6[%get3A_1974] {strides = array<i32>} : memref<51200xf32, #tpu.memory_space<vmem>>, vector<16xf32>,
      %add3A_1976 = arith.addf %add3A_1956, %get3A_1975 : vector<16xf32>
      %add3A_1977 = arith.constant 10240 : i32
      %add3A_1978 = arith.addi %add3A_1977, %mul3A_1870 : i32
      %get3A_1979 = arith.index_cast %add3A_1978 : i32 to index
      %get3A_1980 = tpu.vector_load %arg6[%get3A_1979] {strides = array<i32>} : memref<51200xf32, #tpu.memory_space<vmem>>, vector<16xf32>,
      %add3A_1981 = arith.addf %add3A_1961, %get3A_1980 : vector<16xf32>
      %add3A_1982 = arith.constant 10752 : i32
      %add3A_1983 = arith.addi %add3A_1982, %mul3A_1870 : i32
      %get3A_1984 = arith.index_cast %add3A_1983 : i32 to index
      %get3A_1985 = tpu.vector_load %arg6[%get3A_1984] {strides = array<i32>} : memref<51200xf32, #tpu.memory_space<vmem>>, vector<16xf32>,
      %add3A_1986 = arith.addf %add3A_1966, %get3A_1985 : vector<16xf32>
      %add3A_1987 = arith.constant 11264 : i32
      %add3A_1988 = arith.addi %add3A_1987, %mul3A_1870 : i32
      %get3A_1989 = arith.index_cast %add3A_1988 : i32 to index
      %get3A_1990 = tpu.vector_load %arg6[%get3A_1989] {strides = array<i32>} : memref<51200xf32, #tpu.memory_space<vmem>>, vector<16xf32>,
      %add3A_1991 = arith.addf %add3A_1971, %get3A_1990 : vector<16xf32>
      %add3A_1992 = arith.constant 11776 : i32
      %add3A_1993 = arith.addi %add3A_1992, %mul3A_1870 : i32
      %get3A_1994 = arith.index_cast %add3A_1993 : i32 to index
      %get3A_1995 = tpu.vector_load %arg6[%get3A_1994] {strides = array<i32>} : memref<51200xf32, #tpu.memory_space<vmem>>, vector<16xf32>,
      %add3A_1996 = arith.addf %add3A_1976, %get3A_1995 : vector<16xf32>
      %add3A_1997 = arith.constant 12288 : i32
      %add3A_1998 = arith.addi %add3A_1997, %mul3A_1870 : i32
      %get3A_1999 = arith.index_cast %add3A_1998 : i32 to index
      %get3A_2000 = tpu.vector_load %arg6[%get3A_1999] {strides = array<i32>} : memref<51200xf32, #tpu.memory_space<vmem>>, vector<16xf32>,
      %add3A_2001 = arith.addf %add3A_1981, %get3A_2000 : vector<16xf32>
      %add3A_2002 = arith.addf %add3A_2001, %add3A_1986 : vector<16xf32>
      %add3A_2003 = arith.addf %add3A_1991, %add3A_1996 : vector<16xf32>
      %add3A_2004 = arith.addf %add3A_2002, %add3A_2003 : vector<16xf32>
      %swap3A = arith.index_cast %mul3A_1870 : i32 to index
      %swap3A_2005 = tpu.vector_load %arg7[%swap3A] {strides = array<i32>} : memref<512xf32, #tpu.memory_space<vmem>>, vector<16xf32>,
      tpu.vector_store %arg7[%swap3A], %add3A_2004 {strides = array<i32>} : memref<512xf32, #tpu.memory_space<vmem>>, vector<16xf32>,
    }
    %scan3A_1834 = arith.constant 32 : i32
    %dma_wait3A_1835 = arith.constant 12800 : i32
    %dma_wait3A_1836 = tpu.memref_slice %arg6[%dma_wait3A_1835] : memref<51200xf32, #tpu.memory_space<vmem>> -> memref<12800xf32, #tpu.memory_space<vmem>>
    %dma_wait3A_1837 = arith.constant 12800 : i32
    %dma_wait3A_1838 = tpu.memref_slice %arg5[%dma_wait3A_1837] : memref<51200xi32, #tpu.memory_space<vmem>> -> memref<12800xi32, #tpu.memory_space<vmem>>
    %dma_wait3A_1839 = arith.constant 0 : i32
    %dma_wait3A_1840 = tpu.memref_slice %arg3[%dma_wait3A_1839] : memref<1000448xf32, #tpu.memory_space<hbm>> -> memref<1000448xf32, #tpu.memory_space<hbm>>
    tpu.wait_indirect_dma semaphore(%arg9 : memref<!tpu.dma_semaphore, #tpu.memory_space<semaphore_mem>>) src(%dma_wait3A_1840 : memref<1000448xf32, #tpu.memory_space<hbm>>) dst(%dma_wait3A_1836 : memref<12800xf32, #tpu.memory_space<vmem>>)
    %scan3A_1841 = arith.constant 0 : i32
    %scan3A_1842 = arith.constant 32 : i32
    %scan3A_1843 = arith.addi %scan3A_1841, %scan3A_1842 : i32
    %scan3A_1844 = arith.constant 1 : i32
    scf.for %scan3A_1868 = %scan3A_1841 to %scan3A_1843 step %scan3A_1844  : i32 {
      %mul3A_1869 = arith.constant 16 : i32
      %mul3A_1870 = arith.muli %scan3A_1868, %mul3A_1869 : i32
      %broadcast_in_dim3A = arith.constant 0.000000e+00 : f32
      %broadcast_in_dim3A_1871 = vector.broadcast %broadcast_in_dim3A : f32 to vector<16xf32>
      %broadcast_in_dim3A_1872 = arith.constant 0.000000e+00 : f32
      %broadcast_in_dim3A_1873 = vector.broadcast %broadcast_in_dim3A_1872 : f32 to vector<16xf32>
      %broadcast_in_dim3A_1874 = arith.constant 0.000000e+00 : f32
      %broadcast_in_dim3A_1875 = vector.broadcast %broadcast_in_dim3A_1874 : f32 to vector<16xf32>
      %broadcast_in_dim3A_1876 = arith.constant 0.000000e+00 : f32
      %broadcast_in_dim3A_1877 = vector.broadcast %broadcast_in_dim3A_1876 : f32 to vector<16xf32>
      %add3A_1878 = arith.constant 12800 : i32
      %add3A_1879 = arith.addi %add3A_1878, %mul3A_1870 : i32
      %get3A = arith.index_cast %add3A_1879 : i32 to index
      %get3A_1880 = tpu.vector_load %arg6[%get3A] {strides = array<i32>} : memref<51200xf32, #tpu.memory_space<vmem>>, vector<16xf32>,
      %add3A_1881 = arith.addf %broadcast_in_dim3A_1873, %get3A_1880 : vector<16xf32>
      %add3A_1882 = arith.constant 13312 : i32
      %add3A_1883 = arith.addi %add3A_1882, %mul3A_1870 : i32
      %get3A_1884 = arith.index_cast %add3A_1883 : i32 to index
      %get3A_1885 = tpu.vector_load %arg6[%get3A_1884] {strides = array<i32>} : memref<51200xf32, #tpu.memory_space<vmem>>, vector<16xf32>,
      %add3A_1886 = arith.addf %broadcast_in_dim3A_1875, %get3A_1885 : vector<16xf32>
      %add3A_1887 = arith.constant 13824 : i32
      %add3A_1888 = arith.addi %add3A_1887, %mul3A_1870 : i32
      %get3A_1889 = arith.index_cast %add3A_1888 : i32 to index
      %get3A_1890 = tpu.vector_load %arg6[%get3A_1889] {strides = array<i32>} : memref<51200xf32, #tpu.memory_space<vmem>>, vector<16xf32>,
      %add3A_1891 = arith.addf %broadcast_in_dim3A_1877, %get3A_1890 : vector<16xf32>
      %add3A_1892 = arith.constant 14336 : i32
      %add3A_1893 = arith.addi %add3A_1892, %mul3A_1870 : i32
      %get3A_1894 = arith.index_cast %add3A_1893 : i32 to index
      %get3A_1895 = tpu.vector_load %arg6[%get3A_1894] {strides = array<i32>} : memref<51200xf32, #tpu.memory_space<vmem>>, vector<16xf32>,
      %add3A_1896 = arith.addf %broadcast_in_dim3A_1871, %get3A_1895 : vector<16xf32>
      %add3A_1897 = arith.constant 14848 : i32
      %add3A_1898 = arith.addi %add3A_1897, %mul3A_1870 : i32
      %get3A_1899 = arith.index_cast %add3A_1898 : i32 to index
      %get3A_1900 = tpu.vector_load %arg6[%get3A_1899] {strides = array<i32>} : memref<51200xf32, #tpu.memory_space<vmem>>, vector<16xf32>,
      %add3A_1901 = arith.addf %add3A_1881, %get3A_1900 : vector<16xf32>
      %add3A_1902 = arith.constant 15360 : i32
      %add3A_1903 = arith.addi %add3A_1902, %mul3A_1870 : i32
      %get3A_1904 = arith.index_cast %add3A_1903 : i32 to index
      %get3A_1905 = tpu.vector_load %arg6[%get3A_1904] {strides = array<i32>} : memref<51200xf32, #tpu.memory_space<vmem>>, vector<16xf32>,
      %add3A_1906 = arith.addf %add3A_1886, %get3A_1905 : vector<16xf32>
      %add3A_1907 = arith.constant 15872 : i32
      %add3A_1908 = arith.addi %add3A_1907, %mul3A_1870 : i32
      %get3A_1909 = arith.index_cast %add3A_1908 : i32 to index
      %get3A_1910 = tpu.vector_load %arg6[%get3A_1909] {strides = array<i32>} : memref<51200xf32, #tpu.memory_space<vmem>>, vector<16xf32>,
      %add3A_1911 = arith.addf %add3A_1891, %get3A_1910 : vector<16xf32>
      %add3A_1912 = arith.constant 16384 : i32
      %add3A_1913 = arith.addi %add3A_1912, %mul3A_1870 : i32
      %get3A_1914 = arith.index_cast %add3A_1913 : i32 to index
      %get3A_1915 = tpu.vector_load %arg6[%get3A_1914] {strides = array<i32>} : memref<51200xf32, #tpu.memory_space<vmem>>, vector<16xf32>,
      %add3A_1916 = arith.addf %add3A_1896, %get3A_1915 : vector<16xf32>
      %add3A_1917 = arith.constant 16896 : i32
      %add3A_1918 = arith.addi %add3A_1917, %mul3A_1870 : i32
      %get3A_1919 = arith.index_cast %add3A_1918 : i32 to index
      %get3A_1920 = tpu.vector_load %arg6[%get3A_1919] {strides = array<i32>} : memref<51200xf32, #tpu.memory_space<vmem>>, vector<16xf32>,
      %add3A_1921 = arith.addf %add3A_1901, %get3A_1920 : vector<16xf32>
      %add3A_1922 = arith.constant 17408 : i32
      %add3A_1923 = arith.addi %add3A_1922, %mul3A_1870 : i32
      %get3A_1924 = arith.index_cast %add3A_1923 : i32 to index
      %get3A_1925 = tpu.vector_load %arg6[%get3A_1924] {strides = array<i32>} : memref<51200xf32, #tpu.memory_space<vmem>>, vector<16xf32>,
      %add3A_1926 = arith.addf %add3A_1906, %get3A_1925 : vector<16xf32>
      %add3A_1927 = arith.constant 17920 : i32
      %add3A_1928 = arith.addi %add3A_1927, %mul3A_1870 : i32
      %get3A_1929 = arith.index_cast %add3A_1928 : i32 to index
      %get3A_1930 = tpu.vector_load %arg6[%get3A_1929] {strides = array<i32>} : memref<51200xf32, #tpu.memory_space<vmem>>, vector<16xf32>,
      %add3A_1931 = arith.addf %add3A_1911, %get3A_1930 : vector<16xf32>
      %add3A_1932 = arith.constant 18432 : i32
      %add3A_1933 = arith.addi %add3A_1932, %mul3A_1870 : i32
      %get3A_1934 = arith.index_cast %add3A_1933 : i32 to index
      %get3A_1935 = tpu.vector_load %arg6[%get3A_1934] {strides = array<i32>} : memref<51200xf32, #tpu.memory_space<vmem>>, vector<16xf32>,
      %add3A_1936 = arith.addf %add3A_1916, %get3A_1935 : vector<16xf32>
      %add3A_1937 = arith.constant 18944 : i32
      %add3A_1938 = arith.addi %add3A_1937, %mul3A_1870 : i32
      %get3A_1939 = arith.index_cast %add3A_1938 : i32 to index
      %get3A_1940 = tpu.vector_load %arg6[%get3A_1939] {strides = array<i32>} : memref<51200xf32, #tpu.memory_space<vmem>>, vector<16xf32>,
      %add3A_1941 = arith.addf %add3A_1921, %get3A_1940 : vector<16xf32>
      %add3A_1942 = arith.constant 19456 : i32
      %add3A_1943 = arith.addi %add3A_1942, %mul3A_1870 : i32
      %get3A_1944 = arith.index_cast %add3A_1943 : i32 to index
      %get3A_1945 = tpu.vector_load %arg6[%get3A_1944] {strides = array<i32>} : memref<51200xf32, #tpu.memory_space<vmem>>, vector<16xf32>,
      %add3A_1946 = arith.addf %add3A_1926, %get3A_1945 : vector<16xf32>
      %add3A_1947 = arith.constant 19968 : i32
      %add3A_1948 = arith.addi %add3A_1947, %mul3A_1870 : i32
      %get3A_1949 = arith.index_cast %add3A_1948 : i32 to index
      %get3A_1950 = tpu.vector_load %arg6[%get3A_1949] {strides = array<i32>} : memref<51200xf32, #tpu.memory_space<vmem>>, vector<16xf32>,
      %add3A_1951 = arith.addf %add3A_1931, %get3A_1950 : vector<16xf32>
      %add3A_1952 = arith.constant 20480 : i32
      %add3A_1953 = arith.addi %add3A_1952, %mul3A_1870 : i32
      %get3A_1954 = arith.index_cast %add3A_1953 : i32 to index
      %get3A_1955 = tpu.vector_load %arg6[%get3A_1954] {strides = array<i32>} : memref<51200xf32, #tpu.memory_space<vmem>>, vector<16xf32>,
      %add3A_1956 = arith.addf %add3A_1936, %get3A_1955 : vector<16xf32>
      %add3A_1957 = arith.constant 20992 : i32
      %add3A_1958 = arith.addi %add3A_1957, %mul3A_1870 : i32
      %get3A_1959 = arith.index_cast %add3A_1958 : i32 to index
      %get3A_1960 = tpu.vector_load %arg6[%get3A_1959] {strides = array<i32>} : memref<51200xf32, #tpu.memory_space<vmem>>, vector<16xf32>,
      %add3A_1961 = arith.addf %add3A_1941, %get3A_1960 : vector<16xf32>
      %add3A_1962 = arith.constant 21504 : i32
      %add3A_1963 = arith.addi %add3A_1962, %mul3A_1870 : i32
      %get3A_1964 = arith.index_cast %add3A_1963 : i32 to index
      %get3A_1965 = tpu.vector_load %arg6[%get3A_1964] {strides = array<i32>} : memref<51200xf32, #tpu.memory_space<vmem>>, vector<16xf32>,
      %add3A_1966 = arith.addf %add3A_1946, %get3A_1965 : vector<16xf32>
      %add3A_1967 = arith.constant 22016 : i32
      %add3A_1968 = arith.addi %add3A_1967, %mul3A_1870 : i32
      %get3A_1969 = arith.index_cast %add3A_1968 : i32 to index
      %get3A_1970 = tpu.vector_load %arg6[%get3A_1969] {strides = array<i32>} : memref<51200xf32, #tpu.memory_space<vmem>>, vector<16xf32>,
      %add3A_1971 = arith.addf %add3A_1951, %get3A_1970 : vector<16xf32>
      %add3A_1972 = arith.constant 22528 : i32
      %add3A_1973 = arith.addi %add3A_1972, %mul3A_1870 : i32
      %get3A_1974 = arith.index_cast %add3A_1973 : i32 to index
      %get3A_1975 = tpu.vector_load %arg6[%get3A_1974] {strides = array<i32>} : memref<51200xf32, #tpu.memory_space<vmem>>, vector<16xf32>,
      %add3A_1976 = arith.addf %add3A_1956, %get3A_1975 : vector<16xf32>
      %add3A_1977 = arith.constant 23040 : i32
      %add3A_1978 = arith.addi %add3A_1977, %mul3A_1870 : i32
      %get3A_1979 = arith.index_cast %add3A_1978 : i32 to index
      %get3A_1980 = tpu.vector_load %arg6[%get3A_1979] {strides = array<i32>} : memref<51200xf32, #tpu.memory_space<vmem>>, vector<16xf32>,
      %add3A_1981 = arith.addf %add3A_1961, %get3A_1980 : vector<16xf32>
      %add3A_1982 = arith.constant 23552 : i32
      %add3A_1983 = arith.addi %add3A_1982, %mul3A_1870 : i32
      %get3A_1984 = arith.index_cast %add3A_1983 : i32 to index
      %get3A_1985 = tpu.vector_load %arg6[%get3A_1984] {strides = array<i32>} : memref<51200xf32, #tpu.memory_space<vmem>>, vector<16xf32>,
      %add3A_1986 = arith.addf %add3A_1966, %get3A_1985 : vector<16xf32>
      %add3A_1987 = arith.constant 24064 : i32
      %add3A_1988 = arith.addi %add3A_1987, %mul3A_1870 : i32
      %get3A_1989 = arith.index_cast %add3A_1988 : i32 to index
      %get3A_1990 = tpu.vector_load %arg6[%get3A_1989] {strides = array<i32>} : memref<51200xf32, #tpu.memory_space<vmem>>, vector<16xf32>,
      %add3A_1991 = arith.addf %add3A_1971, %get3A_1990 : vector<16xf32>
      %add3A_1992 = arith.constant 24576 : i32
      %add3A_1993 = arith.addi %add3A_1992, %mul3A_1870 : i32
      %get3A_1994 = arith.index_cast %add3A_1993 : i32 to index
      %get3A_1995 = tpu.vector_load %arg6[%get3A_1994] {strides = array<i32>} : memref<51200xf32, #tpu.memory_space<vmem>>, vector<16xf32>,
      %add3A_1996 = arith.addf %add3A_1976, %get3A_1995 : vector<16xf32>
      %add3A_1997 = arith.constant 25088 : i32
      %add3A_1998 = arith.addi %add3A_1997, %mul3A_1870 : i32
      %get3A_1999 = arith.index_cast %add3A_1998 : i32 to index
      %get3A_2000 = tpu.vector_load %arg6[%get3A_1999] {strides = array<i32>} : memref<51200xf32, #tpu.memory_space<vmem>>, vector<16xf32>,
      %add3A_2001 = arith.addf %add3A_1981, %get3A_2000 : vector<16xf32>
      %add3A_2002 = arith.addf %add3A_1996, %add3A_2001 : vector<16xf32>
      %add3A_2003 = arith.addf %add3A_1986, %add3A_1991 : vector<16xf32>
      %add3A_2004 = arith.addf %add3A_2002, %add3A_2003 : vector<16xf32>
      %get3A_2005 = arith.index_cast %mul3A_1870 : i32 to index
      %get3A_2006 = tpu.vector_load %arg7[%get3A_2005] {strides = array<i32>} : memref<512xf32, #tpu.memory_space<vmem>>, vector<16xf32>,
      %add3A_2007 = arith.addf %get3A_2006, %add3A_2004 : vector<16xf32>
      %swap3A = arith.index_cast %mul3A_1870 : i32 to index
      %swap3A_2008 = tpu.vector_load %arg7[%swap3A] {strides = array<i32>} : memref<512xf32, #tpu.memory_space<vmem>>, vector<16xf32>,
      tpu.vector_store %arg7[%swap3A], %add3A_2007 {strides = array<i32>} : memref<512xf32, #tpu.memory_space<vmem>>, vector<16xf32>,
    }
    %scan3A_1845 = arith.constant 32 : i32
    %dma_wait3A_1846 = arith.constant 25600 : i32
    %dma_wait3A_1847 = tpu.memref_slice %arg6[%dma_wait3A_1846] : memref<51200xf32, #tpu.memory_space<vmem>> -> memref<12800xf32, #tpu.memory_space<vmem>>
    %dma_wait3A_1848 = arith.constant 25600 : i32
    %dma_wait3A_1849 = tpu.memref_slice %arg5[%dma_wait3A_1848] : memref<51200xi32, #tpu.memory_space<vmem>> -> memref<12800xi32, #tpu.memory_space<vmem>>
    %dma_wait3A_1850 = arith.constant 0 : i32
    %dma_wait3A_1851 = tpu.memref_slice %arg3[%dma_wait3A_1850] : memref<1000448xf32, #tpu.memory_space<hbm>> -> memref<1000448xf32, #tpu.memory_space<hbm>>
    tpu.wait_indirect_dma semaphore(%arg9 : memref<!tpu.dma_semaphore, #tpu.memory_space<semaphore_mem>>) src(%dma_wait3A_1851 : memref<1000448xf32, #tpu.memory_space<hbm>>) dst(%dma_wait3A_1847 : memref<12800xf32, #tpu.memory_space<vmem>>)
    %scan3A_1852 = arith.constant 0 : i32
    %scan3A_1853 = arith.constant 32 : i32
    %scan3A_1854 = arith.addi %scan3A_1852, %scan3A_1853 : i32
    %scan3A_1855 = arith.constant 1 : i32
    scf.for %scan3A_1868 = %scan3A_1852 to %scan3A_1854 step %scan3A_1855  : i32 {
      %mul3A_1869 = arith.constant 16 : i32
      %mul3A_1870 = arith.muli %scan3A_1868, %mul3A_1869 : i32
      %broadcast_in_dim3A = arith.constant 0.000000e+00 : f32
      %broadcast_in_dim3A_1871 = vector.broadcast %broadcast_in_dim3A : f32 to vector<16xf32>
      %broadcast_in_dim3A_1872 = arith.constant 0.000000e+00 : f32
      %broadcast_in_dim3A_1873 = vector.broadcast %broadcast_in_dim3A_1872 : f32 to vector<16xf32>
      %broadcast_in_dim3A_1874 = arith.constant 0.000000e+00 : f32
      %broadcast_in_dim3A_1875 = vector.broadcast %broadcast_in_dim3A_1874 : f32 to vector<16xf32>
      %broadcast_in_dim3A_1876 = arith.constant 0.000000e+00 : f32
      %broadcast_in_dim3A_1877 = vector.broadcast %broadcast_in_dim3A_1876 : f32 to vector<16xf32>
      %add3A_1878 = arith.constant 25600 : i32
      %add3A_1879 = arith.addi %add3A_1878, %mul3A_1870 : i32
      %get3A = arith.index_cast %add3A_1879 : i32 to index
      %get3A_1880 = tpu.vector_load %arg6[%get3A] {strides = array<i32>} : memref<51200xf32, #tpu.memory_space<vmem>>, vector<16xf32>,
      %add3A_1881 = arith.addf %broadcast_in_dim3A_1875, %get3A_1880 : vector<16xf32>
      %add3A_1882 = arith.constant 26112 : i32
      %add3A_1883 = arith.addi %add3A_1882, %mul3A_1870 : i32
      %get3A_1884 = arith.index_cast %add3A_1883 : i32 to index
      %get3A_1885 = tpu.vector_load %arg6[%get3A_1884] {strides = array<i32>} : memref<51200xf32, #tpu.memory_space<vmem>>, vector<16xf32>,
      %add3A_1886 = arith.addf %broadcast_in_dim3A_1877, %get3A_1885 : vector<16xf32>
      %add3A_1887 = arith.constant 26624 : i32
      %add3A_1888 = arith.addi %add3A_1887, %mul3A_1870 : i32
      %get3A_1889 = arith.index_cast %add3A_1888 : i32 to index
      %get3A_1890 = tpu.vector_load %arg6[%get3A_1889] {strides = array<i32>} : memref<51200xf32, #tpu.memory_space<vmem>>, vector<16xf32>,
      %add3A_1891 = arith.addf %broadcast_in_dim3A_1871, %get3A_1890 : vector<16xf32>
      %add3A_1892 = arith.constant 27136 : i32
      %add3A_1893 = arith.addi %add3A_1892, %mul3A_1870 : i32
      %get3A_1894 = arith.index_cast %add3A_1893 : i32 to index
      %get3A_1895 = tpu.vector_load %arg6[%get3A_1894] {strides = array<i32>} : memref<51200xf32, #tpu.memory_space<vmem>>, vector<16xf32>,
      %add3A_1896 = arith.addf %broadcast_in_dim3A_1873, %get3A_1895 : vector<16xf32>
      %add3A_1897 = arith.constant 27648 : i32
      %add3A_1898 = arith.addi %add3A_1897, %mul3A_1870 : i32
      %get3A_1899 = arith.index_cast %add3A_1898 : i32 to index
      %get3A_1900 = tpu.vector_load %arg6[%get3A_1899] {strides = array<i32>} : memref<51200xf32, #tpu.memory_space<vmem>>, vector<16xf32>,
      %add3A_1901 = arith.addf %add3A_1881, %get3A_1900 : vector<16xf32>
      %add3A_1902 = arith.constant 28160 : i32
      %add3A_1903 = arith.addi %add3A_1902, %mul3A_1870 : i32
      %get3A_1904 = arith.index_cast %add3A_1903 : i32 to index
      %get3A_1905 = tpu.vector_load %arg6[%get3A_1904] {strides = array<i32>} : memref<51200xf32, #tpu.memory_space<vmem>>, vector<16xf32>,
      %add3A_1906 = arith.addf %add3A_1886, %get3A_1905 : vector<16xf32>
      %add3A_1907 = arith.constant 28672 : i32
      %add3A_1908 = arith.addi %add3A_1907, %mul3A_1870 : i32
      %get3A_1909 = arith.index_cast %add3A_1908 : i32 to index
      %get3A_1910 = tpu.vector_load %arg6[%get3A_1909] {strides = array<i32>} : memref<51200xf32, #tpu.memory_space<vmem>>, vector<16xf32>,
      %add3A_1911 = arith.addf %add3A_1891, %get3A_1910 : vector<16xf32>
      %add3A_1912 = arith.constant 29184 : i32
      %add3A_1913 = arith.addi %add3A_1912, %mul3A_1870 : i32
      %get3A_1914 = arith.index_cast %add3A_1913 : i32 to index
      %get3A_1915 = tpu.vector_load %arg6[%get3A_1914] {strides = array<i32>} : memref<51200xf32, #tpu.memory_space<vmem>>, vector<16xf32>,
      %add3A_1916 = arith.addf %add3A_1896, %get3A_1915 : vector<16xf32>
      %add3A_1917 = arith.constant 29696 : i32
      %add3A_1918 = arith.addi %add3A_1917, %mul3A_1870 : i32
      %get3A_1919 = arith.index_cast %add3A_1918 : i32 to index
      %get3A_1920 = tpu.vector_load %arg6[%get3A_1919] {strides = array<i32>} : memref<51200xf32, #tpu.memory_space<vmem>>, vector<16xf32>,
      %add3A_1921 = arith.addf %add3A_1901, %get3A_1920 : vector<16xf32>
      %add3A_1922 = arith.constant 30208 : i32
      %add3A_1923 = arith.addi %add3A_1922, %mul3A_1870 : i32
      %get3A_1924 = arith.index_cast %add3A_1923 : i32 to index
      %get3A_1925 = tpu.vector_load %arg6[%get3A_1924] {strides = array<i32>} : memref<51200xf32, #tpu.memory_space<vmem>>, vector<16xf32>,
      %add3A_1926 = arith.addf %add3A_1906, %get3A_1925 : vector<16xf32>
      %add3A_1927 = arith.constant 30720 : i32
      %add3A_1928 = arith.addi %add3A_1927, %mul3A_1870 : i32
      %get3A_1929 = arith.index_cast %add3A_1928 : i32 to index
      %get3A_1930 = tpu.vector_load %arg6[%get3A_1929] {strides = array<i32>} : memref<51200xf32, #tpu.memory_space<vmem>>, vector<16xf32>,
      %add3A_1931 = arith.addf %add3A_1911, %get3A_1930 : vector<16xf32>
      %add3A_1932 = arith.constant 31232 : i32
      %add3A_1933 = arith.addi %add3A_1932, %mul3A_1870 : i32
      %get3A_1934 = arith.index_cast %add3A_1933 : i32 to index
      %get3A_1935 = tpu.vector_load %arg6[%get3A_1934] {strides = array<i32>} : memref<51200xf32, #tpu.memory_space<vmem>>, vector<16xf32>,
      %add3A_1936 = arith.addf %add3A_1916, %get3A_1935 : vector<16xf32>
      %add3A_1937 = arith.constant 31744 : i32
      %add3A_1938 = arith.addi %add3A_1937, %mul3A_1870 : i32
      %get3A_1939 = arith.index_cast %add3A_1938 : i32 to index
      %get3A_1940 = tpu.vector_load %arg6[%get3A_1939] {strides = array<i32>} : memref<51200xf32, #tpu.memory_space<vmem>>, vector<16xf32>,
      %add3A_1941 = arith.addf %add3A_1921, %get3A_1940 : vector<16xf32>
      %add3A_1942 = arith.constant 32256 : i32
      %add3A_1943 = arith.addi %add3A_1942, %mul3A_1870 : i32
      %get3A_1944 = arith.index_cast %add3A_1943 : i32 to index
      %get3A_1945 = tpu.vector_load %arg6[%get3A_1944] {strides = array<i32>} : memref<51200xf32, #tpu.memory_space<vmem>>, vector<16xf32>,
      %add3A_1946 = arith.addf %add3A_1926, %get3A_1945 : vector<16xf32>
      %add3A_1947 = arith.constant 32768 : i32
      %add3A_1948 = arith.addi %add3A_1947, %mul3A_1870 : i32
      %get3A_1949 = arith.index_cast %add3A_1948 : i32 to index
      %get3A_1950 = tpu.vector_load %arg6[%get3A_1949] {strides = array<i32>} : memref<51200xf32, #tpu.memory_space<vmem>>, vector<16xf32>,
      %add3A_1951 = arith.addf %add3A_1931, %get3A_1950 : vector<16xf32>
      %add3A_1952 = arith.constant 33280 : i32
      %add3A_1953 = arith.addi %add3A_1952, %mul3A_1870 : i32
      %get3A_1954 = arith.index_cast %add3A_1953 : i32 to index
      %get3A_1955 = tpu.vector_load %arg6[%get3A_1954] {strides = array<i32>} : memref<51200xf32, #tpu.memory_space<vmem>>, vector<16xf32>,
      %add3A_1956 = arith.addf %add3A_1936, %get3A_1955 : vector<16xf32>
      %add3A_1957 = arith.constant 33792 : i32
      %add3A_1958 = arith.addi %add3A_1957, %mul3A_1870 : i32
      %get3A_1959 = arith.index_cast %add3A_1958 : i32 to index
      %get3A_1960 = tpu.vector_load %arg6[%get3A_1959] {strides = array<i32>} : memref<51200xf32, #tpu.memory_space<vmem>>, vector<16xf32>,
      %add3A_1961 = arith.addf %add3A_1941, %get3A_1960 : vector<16xf32>
      %add3A_1962 = arith.constant 34304 : i32
      %add3A_1963 = arith.addi %add3A_1962, %mul3A_1870 : i32
      %get3A_1964 = arith.index_cast %add3A_1963 : i32 to index
      %get3A_1965 = tpu.vector_load %arg6[%get3A_1964] {strides = array<i32>} : memref<51200xf32, #tpu.memory_space<vmem>>, vector<16xf32>,
      %add3A_1966 = arith.addf %add3A_1946, %get3A_1965 : vector<16xf32>
      %add3A_1967 = arith.constant 34816 : i32
      %add3A_1968 = arith.addi %add3A_1967, %mul3A_1870 : i32
      %get3A_1969 = arith.index_cast %add3A_1968 : i32 to index
      %get3A_1970 = tpu.vector_load %arg6[%get3A_1969] {strides = array<i32>} : memref<51200xf32, #tpu.memory_space<vmem>>, vector<16xf32>,
      %add3A_1971 = arith.addf %add3A_1951, %get3A_1970 : vector<16xf32>
      %add3A_1972 = arith.constant 35328 : i32
      %add3A_1973 = arith.addi %add3A_1972, %mul3A_1870 : i32
      %get3A_1974 = arith.index_cast %add3A_1973 : i32 to index
      %get3A_1975 = tpu.vector_load %arg6[%get3A_1974] {strides = array<i32>} : memref<51200xf32, #tpu.memory_space<vmem>>, vector<16xf32>,
      %add3A_1976 = arith.addf %add3A_1956, %get3A_1975 : vector<16xf32>
      %add3A_1977 = arith.constant 35840 : i32
      %add3A_1978 = arith.addi %add3A_1977, %mul3A_1870 : i32
      %get3A_1979 = arith.index_cast %add3A_1978 : i32 to index
      %get3A_1980 = tpu.vector_load %arg6[%get3A_1979] {strides = array<i32>} : memref<51200xf32, #tpu.memory_space<vmem>>, vector<16xf32>,
      %add3A_1981 = arith.addf %add3A_1961, %get3A_1980 : vector<16xf32>
      %add3A_1982 = arith.constant 36352 : i32
      %add3A_1983 = arith.addi %add3A_1982, %mul3A_1870 : i32
      %get3A_1984 = arith.index_cast %add3A_1983 : i32 to index
      %get3A_1985 = tpu.vector_load %arg6[%get3A_1984] {strides = array<i32>} : memref<51200xf32, #tpu.memory_space<vmem>>, vector<16xf32>,
      %add3A_1986 = arith.addf %add3A_1966, %get3A_1985 : vector<16xf32>
      %add3A_1987 = arith.constant 36864 : i32
      %add3A_1988 = arith.addi %add3A_1987, %mul3A_1870 : i32
      %get3A_1989 = arith.index_cast %add3A_1988 : i32 to index
      %get3A_1990 = tpu.vector_load %arg6[%get3A_1989] {strides = array<i32>} : memref<51200xf32, #tpu.memory_space<vmem>>, vector<16xf32>,
      %add3A_1991 = arith.addf %add3A_1971, %get3A_1990 : vector<16xf32>
      %add3A_1992 = arith.constant 37376 : i32
      %add3A_1993 = arith.addi %add3A_1992, %mul3A_1870 : i32
      %get3A_1994 = arith.index_cast %add3A_1993 : i32 to index
      %get3A_1995 = tpu.vector_load %arg6[%get3A_1994] {strides = array<i32>} : memref<51200xf32, #tpu.memory_space<vmem>>, vector<16xf32>,
      %add3A_1996 = arith.addf %add3A_1976, %get3A_1995 : vector<16xf32>
      %add3A_1997 = arith.constant 37888 : i32
      %add3A_1998 = arith.addi %add3A_1997, %mul3A_1870 : i32
      %get3A_1999 = arith.index_cast %add3A_1998 : i32 to index
      %get3A_2000 = tpu.vector_load %arg6[%get3A_1999] {strides = array<i32>} : memref<51200xf32, #tpu.memory_space<vmem>>, vector<16xf32>,
      %add3A_2001 = arith.addf %add3A_1981, %get3A_2000 : vector<16xf32>
      %add3A_2002 = arith.addf %add3A_1991, %add3A_1996 : vector<16xf32>
      %add3A_2003 = arith.addf %add3A_2001, %add3A_1986 : vector<16xf32>
      %add3A_2004 = arith.addf %add3A_2002, %add3A_2003 : vector<16xf32>
      %get3A_2005 = arith.index_cast %mul3A_1870 : i32 to index
      %get3A_2006 = tpu.vector_load %arg7[%get3A_2005] {strides = array<i32>} : memref<512xf32, #tpu.memory_space<vmem>>, vector<16xf32>,
      %add3A_2007 = arith.addf %get3A_2006, %add3A_2004 : vector<16xf32>
      %swap3A = arith.index_cast %mul3A_1870 : i32 to index
      %swap3A_2008 = tpu.vector_load %arg7[%swap3A] {strides = array<i32>} : memref<512xf32, #tpu.memory_space<vmem>>, vector<16xf32>,
      tpu.vector_store %arg7[%swap3A], %add3A_2007 {strides = array<i32>} : memref<512xf32, #tpu.memory_space<vmem>>, vector<16xf32>,
    }
    %scan3A_1856 = arith.constant 32 : i32
    %dma_wait3A_1857 = arith.constant 38400 : i32
    %dma_wait3A_1858 = tpu.memref_slice %arg6[%dma_wait3A_1857] : memref<51200xf32, #tpu.memory_space<vmem>> -> memref<12800xf32, #tpu.memory_space<vmem>>
    %dma_wait3A_1859 = arith.constant 38400 : i32
    %dma_wait3A_1860 = tpu.memref_slice %arg5[%dma_wait3A_1859] : memref<51200xi32, #tpu.memory_space<vmem>> -> memref<12800xi32, #tpu.memory_space<vmem>>
    %dma_wait3A_1861 = arith.constant 0 : i32
    %dma_wait3A_1862 = tpu.memref_slice %arg3[%dma_wait3A_1861] : memref<1000448xf32, #tpu.memory_space<hbm>> -> memref<1000448xf32, #tpu.memory_space<hbm>>
    tpu.wait_indirect_dma semaphore(%arg9 : memref<!tpu.dma_semaphore, #tpu.memory_space<semaphore_mem>>) src(%dma_wait3A_1862 : memref<1000448xf32, #tpu.memory_space<hbm>>) dst(%dma_wait3A_1858 : memref<12800xf32, #tpu.memory_space<vmem>>)
    %scan3A_1863 = arith.constant 0 : i32
    %scan3A_1864 = arith.constant 32 : i32
    %scan3A_1865 = arith.addi %scan3A_1863, %scan3A_1864 : i32
    %scan3A_1866 = arith.constant 1 : i32
    scf.for %scan3A_1868 = %scan3A_1863 to %scan3A_1865 step %scan3A_1866  : i32 {
      %mul3A_1869 = arith.constant 16 : i32
      %mul3A_1870 = arith.muli %scan3A_1868, %mul3A_1869 : i32
      %broadcast_in_dim3A = arith.constant 0.000000e+00 : f32
      %broadcast_in_dim3A_1871 = vector.broadcast %broadcast_in_dim3A : f32 to vector<16xf32>
      %broadcast_in_dim3A_1872 = arith.constant 0.000000e+00 : f32
      %broadcast_in_dim3A_1873 = vector.broadcast %broadcast_in_dim3A_1872 : f32 to vector<16xf32>
      %broadcast_in_dim3A_1874 = arith.constant 0.000000e+00 : f32
      %broadcast_in_dim3A_1875 = vector.broadcast %broadcast_in_dim3A_1874 : f32 to vector<16xf32>
      %broadcast_in_dim3A_1876 = arith.constant 0.000000e+00 : f32
      %broadcast_in_dim3A_1877 = vector.broadcast %broadcast_in_dim3A_1876 : f32 to vector<16xf32>
      %add3A_1878 = arith.constant 38400 : i32
      %add3A_1879 = arith.addi %add3A_1878, %mul3A_1870 : i32
      %get3A = arith.index_cast %add3A_1879 : i32 to index
      %get3A_1880 = tpu.vector_load %arg6[%get3A] {strides = array<i32>} : memref<51200xf32, #tpu.memory_space<vmem>>, vector<16xf32>,
      %add3A_1881 = arith.addf %broadcast_in_dim3A_1877, %get3A_1880 : vector<16xf32>
      %add3A_1882 = arith.constant 38912 : i32
      %add3A_1883 = arith.addi %add3A_1882, %mul3A_1870 : i32
      %get3A_1884 = arith.index_cast %add3A_1883 : i32 to index
      %get3A_1885 = tpu.vector_load %arg6[%get3A_1884] {strides = array<i32>} : memref<51200xf32, #tpu.memory_space<vmem>>, vector<16xf32>,
      %add3A_1886 = arith.addf %broadcast_in_dim3A_1871, %get3A_1885 : vector<16xf32>
      %add3A_1887 = arith.constant 39424 : i32
      %add3A_1888 = arith.addi %add3A_1887, %mul3A_1870 : i32
      %get3A_1889 = arith.index_cast %add3A_1888 : i32 to index
      %get3A_1890 = tpu.vector_load %arg6[%get3A_1889] {strides = array<i32>} : memref<51200xf32, #tpu.memory_space<vmem>>, vector<16xf32>,
      %add3A_1891 = arith.addf %broadcast_in_dim3A_1873, %get3A_1890 : vector<16xf32>
      %add3A_1892 = arith.constant 39936 : i32
      %add3A_1893 = arith.addi %add3A_1892, %mul3A_1870 : i32
      %get3A_1894 = arith.index_cast %add3A_1893 : i32 to index
      %get3A_1895 = tpu.vector_load %arg6[%get3A_1894] {strides = array<i32>} : memref<51200xf32, #tpu.memory_space<vmem>>, vector<16xf32>,
      %add3A_1896 = arith.addf %broadcast_in_dim3A_1875, %get3A_1895 : vector<16xf32>
      %add3A_1897 = arith.constant 40448 : i32
      %add3A_1898 = arith.addi %add3A_1897, %mul3A_1870 : i32
      %get3A_1899 = arith.index_cast %add3A_1898 : i32 to index
      %get3A_1900 = tpu.vector_load %arg6[%get3A_1899] {strides = array<i32>} : memref<51200xf32, #tpu.memory_space<vmem>>, vector<16xf32>,
      %add3A_1901 = arith.addf %add3A_1881, %get3A_1900 : vector<16xf32>
      %add3A_1902 = arith.constant 40960 : i32
      %add3A_1903 = arith.addi %add3A_1902, %mul3A_1870 : i32
      %get3A_1904 = arith.index_cast %add3A_1903 : i32 to index
      %get3A_1905 = tpu.vector_load %arg6[%get3A_1904] {strides = array<i32>} : memref<51200xf32, #tpu.memory_space<vmem>>, vector<16xf32>,
      %add3A_1906 = arith.addf %add3A_1886, %get3A_1905 : vector<16xf32>
      %add3A_1907 = arith.constant 41472 : i32
      %add3A_1908 = arith.addi %add3A_1907, %mul3A_1870 : i32
      %get3A_1909 = arith.index_cast %add3A_1908 : i32 to index
      %get3A_1910 = tpu.vector_load %arg6[%get3A_1909] {strides = array<i32>} : memref<51200xf32, #tpu.memory_space<vmem>>, vector<16xf32>,
      %add3A_1911 = arith.addf %add3A_1891, %get3A_1910 : vector<16xf32>
      %add3A_1912 = arith.constant 41984 : i32
      %add3A_1913 = arith.addi %add3A_1912, %mul3A_1870 : i32
      %get3A_1914 = arith.index_cast %add3A_1913 : i32 to index
      %get3A_1915 = tpu.vector_load %arg6[%get3A_1914] {strides = array<i32>} : memref<51200xf32, #tpu.memory_space<vmem>>, vector<16xf32>,
      %add3A_1916 = arith.addf %add3A_1896, %get3A_1915 : vector<16xf32>
      %add3A_1917 = arith.constant 42496 : i32
      %add3A_1918 = arith.addi %add3A_1917, %mul3A_1870 : i32
      %get3A_1919 = arith.index_cast %add3A_1918 : i32 to index
      %get3A_1920 = tpu.vector_load %arg6[%get3A_1919] {strides = array<i32>} : memref<51200xf32, #tpu.memory_space<vmem>>, vector<16xf32>,
      %add3A_1921 = arith.addf %add3A_1901, %get3A_1920 : vector<16xf32>
      %add3A_1922 = arith.constant 43008 : i32
      %add3A_1923 = arith.addi %add3A_1922, %mul3A_1870 : i32
      %get3A_1924 = arith.index_cast %add3A_1923 : i32 to index
      %get3A_1925 = tpu.vector_load %arg6[%get3A_1924] {strides = array<i32>} : memref<51200xf32, #tpu.memory_space<vmem>>, vector<16xf32>,
      %add3A_1926 = arith.addf %add3A_1906, %get3A_1925 : vector<16xf32>
      %add3A_1927 = arith.constant 43520 : i32
      %add3A_1928 = arith.addi %add3A_1927, %mul3A_1870 : i32
      %get3A_1929 = arith.index_cast %add3A_1928 : i32 to index
      %get3A_1930 = tpu.vector_load %arg6[%get3A_1929] {strides = array<i32>} : memref<51200xf32, #tpu.memory_space<vmem>>, vector<16xf32>,
      %add3A_1931 = arith.addf %add3A_1911, %get3A_1930 : vector<16xf32>
      %add3A_1932 = arith.constant 44032 : i32
      %add3A_1933 = arith.addi %add3A_1932, %mul3A_1870 : i32
      %get3A_1934 = arith.index_cast %add3A_1933 : i32 to index
      %get3A_1935 = tpu.vector_load %arg6[%get3A_1934] {strides = array<i32>} : memref<51200xf32, #tpu.memory_space<vmem>>, vector<16xf32>,
      %add3A_1936 = arith.addf %add3A_1916, %get3A_1935 : vector<16xf32>
      %add3A_1937 = arith.constant 44544 : i32
      %add3A_1938 = arith.addi %add3A_1937, %mul3A_1870 : i32
      %get3A_1939 = arith.index_cast %add3A_1938 : i32 to index
      %get3A_1940 = tpu.vector_load %arg6[%get3A_1939] {strides = array<i32>} : memref<51200xf32, #tpu.memory_space<vmem>>, vector<16xf32>,
      %add3A_1941 = arith.addf %add3A_1921, %get3A_1940 : vector<16xf32>
      %add3A_1942 = arith.constant 45056 : i32
      %add3A_1943 = arith.addi %add3A_1942, %mul3A_1870 : i32
      %get3A_1944 = arith.index_cast %add3A_1943 : i32 to index
      %get3A_1945 = tpu.vector_load %arg6[%get3A_1944] {strides = array<i32>} : memref<51200xf32, #tpu.memory_space<vmem>>, vector<16xf32>,
      %add3A_1946 = arith.addf %add3A_1926, %get3A_1945 : vector<16xf32>
      %add3A_1947 = arith.constant 45568 : i32
      %add3A_1948 = arith.addi %add3A_1947, %mul3A_1870 : i32
      %get3A_1949 = arith.index_cast %add3A_1948 : i32 to index
      %get3A_1950 = tpu.vector_load %arg6[%get3A_1949] {strides = array<i32>} : memref<51200xf32, #tpu.memory_space<vmem>>, vector<16xf32>,
      %add3A_1951 = arith.addf %add3A_1931, %get3A_1950 : vector<16xf32>
      %add3A_1952 = arith.constant 46080 : i32
      %add3A_1953 = arith.addi %add3A_1952, %mul3A_1870 : i32
      %get3A_1954 = arith.index_cast %add3A_1953 : i32 to index
      %get3A_1955 = tpu.vector_load %arg6[%get3A_1954] {strides = array<i32>} : memref<51200xf32, #tpu.memory_space<vmem>>, vector<16xf32>,
      %add3A_1956 = arith.addf %add3A_1936, %get3A_1955 : vector<16xf32>
      %add3A_1957 = arith.constant 46592 : i32
      %add3A_1958 = arith.addi %add3A_1957, %mul3A_1870 : i32
      %get3A_1959 = arith.index_cast %add3A_1958 : i32 to index
      %get3A_1960 = tpu.vector_load %arg6[%get3A_1959] {strides = array<i32>} : memref<51200xf32, #tpu.memory_space<vmem>>, vector<16xf32>,
      %add3A_1961 = arith.addf %add3A_1941, %get3A_1960 : vector<16xf32>
      %add3A_1962 = arith.constant 47104 : i32
      %add3A_1963 = arith.addi %add3A_1962, %mul3A_1870 : i32
      %get3A_1964 = arith.index_cast %add3A_1963 : i32 to index
      %get3A_1965 = tpu.vector_load %arg6[%get3A_1964] {strides = array<i32>} : memref<51200xf32, #tpu.memory_space<vmem>>, vector<16xf32>,
      %add3A_1966 = arith.addf %add3A_1946, %get3A_1965 : vector<16xf32>
      %add3A_1967 = arith.constant 47616 : i32
      %add3A_1968 = arith.addi %add3A_1967, %mul3A_1870 : i32
      %get3A_1969 = arith.index_cast %add3A_1968 : i32 to index
      %get3A_1970 = tpu.vector_load %arg6[%get3A_1969] {strides = array<i32>} : memref<51200xf32, #tpu.memory_space<vmem>>, vector<16xf32>,
      %add3A_1971 = arith.addf %add3A_1951, %get3A_1970 : vector<16xf32>
      %add3A_1972 = arith.constant 48128 : i32
      %add3A_1973 = arith.addi %add3A_1972, %mul3A_1870 : i32
      %get3A_1974 = arith.index_cast %add3A_1973 : i32 to index
      %get3A_1975 = tpu.vector_load %arg6[%get3A_1974] {strides = array<i32>} : memref<51200xf32, #tpu.memory_space<vmem>>, vector<16xf32>,
      %add3A_1976 = arith.addf %add3A_1956, %get3A_1975 : vector<16xf32>
      %add3A_1977 = arith.constant 48640 : i32
      %add3A_1978 = arith.addi %add3A_1977, %mul3A_1870 : i32
      %get3A_1979 = arith.index_cast %add3A_1978 : i32 to index
      %get3A_1980 = tpu.vector_load %arg6[%get3A_1979] {strides = array<i32>} : memref<51200xf32, #tpu.memory_space<vmem>>, vector<16xf32>,
      %add3A_1981 = arith.addf %add3A_1961, %get3A_1980 : vector<16xf32>
      %add3A_1982 = arith.constant 49152 : i32
      %add3A_1983 = arith.addi %add3A_1982, %mul3A_1870 : i32
      %get3A_1984 = arith.index_cast %add3A_1983 : i32 to index
      %get3A_1985 = tpu.vector_load %arg6[%get3A_1984] {strides = array<i32>} : memref<51200xf32, #tpu.memory_space<vmem>>, vector<16xf32>,
      %add3A_1986 = arith.addf %add3A_1966, %get3A_1985 : vector<16xf32>
      %add3A_1987 = arith.constant 49664 : i32
      %add3A_1988 = arith.addi %add3A_1987, %mul3A_1870 : i32
      %get3A_1989 = arith.index_cast %add3A_1988 : i32 to index
      %get3A_1990 = tpu.vector_load %arg6[%get3A_1989] {strides = array<i32>} : memref<51200xf32, #tpu.memory_space<vmem>>, vector<16xf32>,
      %add3A_1991 = arith.addf %add3A_1971, %get3A_1990 : vector<16xf32>
      %add3A_1992 = arith.constant 50176 : i32
      %add3A_1993 = arith.addi %add3A_1992, %mul3A_1870 : i32
      %get3A_1994 = arith.index_cast %add3A_1993 : i32 to index
      %get3A_1995 = tpu.vector_load %arg6[%get3A_1994] {strides = array<i32>} : memref<51200xf32, #tpu.memory_space<vmem>>, vector<16xf32>,
      %add3A_1996 = arith.addf %add3A_1976, %get3A_1995 : vector<16xf32>
      %add3A_1997 = arith.constant 50688 : i32
      %add3A_1998 = arith.addi %add3A_1997, %mul3A_1870 : i32
      %get3A_1999 = arith.index_cast %add3A_1998 : i32 to index
      %get3A_2000 = tpu.vector_load %arg6[%get3A_1999] {strides = array<i32>} : memref<51200xf32, #tpu.memory_space<vmem>>, vector<16xf32>,
      %add3A_2001 = arith.addf %add3A_1981, %get3A_2000 : vector<16xf32>
      %add3A_2002 = arith.addf %add3A_1986, %add3A_1991 : vector<16xf32>
      %add3A_2003 = arith.addf %add3A_1996, %add3A_2001 : vector<16xf32>
      %add3A_2004 = arith.addf %add3A_2002, %add3A_2003 : vector<16xf32>
      %get3A_2005 = arith.index_cast %mul3A_1870 : i32 to index
      %get3A_2006 = tpu.vector_load %arg7[%get3A_2005] {strides = array<i32>} : memref<512xf32, #tpu.memory_space<vmem>>, vector<16xf32>,
      %add3A_2007 = arith.addf %get3A_2006, %add3A_2004 : vector<16xf32>
      %swap3A = arith.index_cast %mul3A_1870 : i32 to index
      %swap3A_2008 = tpu.vector_load %arg7[%swap3A] {strides = array<i32>} : memref<512xf32, #tpu.memory_space<vmem>>, vector<16xf32>,
      tpu.vector_store %arg7[%swap3A], %add3A_2007 {strides = array<i32>} : memref<512xf32, #tpu.memory_space<vmem>>, vector<16xf32>,
    }
    %scan3A_1867 = arith.constant 32 : i32
    "tpu.region"() ({
      %run_scoped3A = tpu.sem_alloc : memref<!tpu.dma_semaphore, #tpu.memory_space<semaphore_mem>>
      %dma_start3A_1868 = tpu.memref_slice %arg4[%mul3A_2] : memref<16384xf32, #tpu.memory_space<hbm>> -> memref<512xf32, #tpu.memory_space<hbm>>
      %dma_start3A_1869 = tpu.memref_slice %arg4[%mul3A_2] : memref<16384xf32, #tpu.memory_space<hbm>> -> memref<512xf32, #tpu.memory_space<hbm>>
      tpu.enqueue_dma source(%arg7 : memref<512xf32, #tpu.memory_space<vmem>>) target(%dma_start3A_1869 : memref<512xf32, #tpu.memory_space<hbm>>) target_semaphore(%run_scoped3A : memref<!tpu.dma_semaphore, #tpu.memory_space<semaphore_mem>>)
      %dma_wait3A_1870 = tpu.memref_slice %arg4[%mul3A_2] : memref<16384xf32, #tpu.memory_space<hbm>> -> memref<512xf32, #tpu.memory_space<hbm>>
      %dma_wait3A_1871 = tpu.memref_slice %arg4[%mul3A_2] : memref<16384xf32, #tpu.memory_space<hbm>> -> memref<512xf32, #tpu.memory_space<hbm>>
      tpu.wait_dma2 semaphore(%run_scoped3A : memref<!tpu.dma_semaphore, #tpu.memory_space<semaphore_mem>>) src(%arg7 : memref<512xf32, #tpu.memory_space<vmem>>) dst(%dma_wait3A_1871 : memref<512xf32, #tpu.memory_space<hbm>>)
      tpu.yield
    }) : () -> ()
    return
  }
}

</mosaic_0001>

<sc_bundles>
// kernel: kernel.3.cloned.1.call-start
scs
__scs_entry_jumppad:
0x0: {  	(pc) =	sbr.rel $0x88, $3  }
0x1: {  	(tag) =	ssettag $0x0;
	lr =	simm.s32 $0x1  }
0x2: {  	[smem:$0x3F9F] =	sst lr;
	_ =	strace $0xD0000000  }
0x3: {  	_ = 	snop  }
0x4: {  	_ = 	snop  }
0x5: {  	_ = 	snop  }
0x6: {  	_ = 	snop  }
0x7: {  	_ = 	snop  }
__scs_overlays_trampoline_lowered:
0x8: {  	[smem:$0x3FAE] =	sst s0  }
0x9: {  	[smem:$0x3FAF] =	sst s1  }
0xa: {  	[smem:$0x3FB0] =	sst s2  }
0xb: {  	[smem:$0x3FB1] =	sst s3  }
0xc: {  	[smem:$0x3FB2] =	sst s4  }
0xd: {  	[smem:$0x3FB3] =	sst s5  }
0xe: {  	[smem:$0x3FB4] =	sst s6  }
0xf: {  	[smem:$0x3FB5] =	sst s7  }
0x10: {  	[smem:$0x3FB6] =	sst s8  }
0x11: {  	[smem:$0x3FB7] =	sst s9;
	s0 =	simm.s32 @!p0 $0x0  }
0x12: {  	s1 =	sld [smem:$0x3F9D];
	s0 =	simm.s32 @p0 $0x1  }
0x13: {  	[smem:$0x3FB8] =	sst s0;
	s0 =	simm.s32 @!p1 $0x0  }
0x14: {  	s2 =	sld [smem:$0x3F9C];
	s0 =	simm.s32 @p1 $0x1  }
0x15: {  	[smem:$0x3FB9] =	sst s0;
	s0 =	simm.s32 @!p2 $0x0  }
0x16: {  	s3 =	sld [smem:$0x3FDB];
	s0 =	simm.s32 @p2 $0x1  }
0x17: {  	s4 =	simm.s32 $0x1BF5;
	[smem:$0x3FBB] =	sst s0  }
0x18: {  	s0 =	sld [smem:$0x3F9E];
	_ =	swait.ge [sflag:s4], $0x0  }
0x19: {  	s7 =	sld [smem:$0x3F9F]  }
0x1a: {  	s8 =	sadd.s32 $0xFFFFE003, lr  }
0x1b: {  	s9 =	sadd.s32 $0xFFFFFEF7, lr;
	s5 =	simm.s32 $0xFFFFFFFF;
	p2 =	slt.u32 s8, $0xFFFFF086  }
0x1c: {  	p1 =	slt.u32 s9, $0xF7A;
	s5 =	simm.s32 @!p2 $0x0  }
0x1d: {  	s5 =	simm.s32 @p1 $0x1;
	p0 =	seq.s32 s7, s2  }
0x1e: {  	s7 =	smul.u32 @!p0 $0xF7A, s2;
	p2 =	seq.s32 @!p0 s5, $0x0  }
0x1f: {  	s9 =	smul.u32 $0xF7A, s1;
	s8 =	simm.s32 @!p0 $0x1BF5;
	p2 =	por !p2, p0  }
0x20: {  	[sflag:s8] =	ssyncset.s32 @!p0 $0xFFFFF086;
	s6 =	sadd.s32 @!p0 s3, s7;
	s7 =	simm.s32 @!p0 $0x108  }
0x21: {  	s3 =	sadd.s32 s3, s9;
	s6 =	sadd.s32 @!p0 $0x88, s6;
	s7 =	simm.s32 @p2 $0x1082  }
0x22: {  	[simem:s7], [sflag:s8] =	dma.local @!p0 [hbm:s6], $0xF7A  }
0x23: {  	s9 =	sor.u32 $0xD0000000, s2;
	s6 =	simm.s32 $0x108;
	_ =	swait.ge @!p0 [sflag:s8], $0x0  }
0x24: {  	s3 =	sadd.s32 $0x88, s3;
	s6 =	simm.s32 @!p1 $0x1082;
	[sflag:s4] =	ssyncset.s32 $0xFFFFF086  }
0x25: {  	[simem:s6], [sflag:s4] =	dma.local [hbm:s3], $0xF7A  }
0x26: {  	[smem:$0x3F9F] =	sst s1;
	(tag) =	ssettag s2;
	_ =	strace s9  }
0x27: {  	s1 =	sld [smem:$0x3FAF]  }
0x28: {  	s2 =	sld [smem:$0x3FB0]  }
0x29: {  	s4 =	sld [smem:$0x3FB2]  }
0x2a: {  	p0 =	seq.s32 s5, $0x0;
	s5 =	sld [smem:$0x3FB3]  }
0x2b: {  	s6 =	sld [smem:$0x3FB4]  }
0x2c: {  	s7 =	sld [smem:$0x3FB5]  }
0x2d: {  	s3 =	simm.s32 $0x108;
	s8 =	sld [smem:$0x3FB6]  }
0x2e: {  	s3 =	simm.s32 @!p0 $0x1082;
	s9 =	sld [smem:$0x3FB7]  }
0x2f: {  	lr =	sadd.s32 s0, s3;
	s0 =	sld [smem:$0x3FAE]  }
0x30: {  	s3 =	sld [smem:$0x3FB1]  }
0x31: {  	[smem:$0x3FBA] =	sst s10  }
0x32: {  	s10 =	sld [smem:$0x3FB8];
	_ =	sdelay $0x3  }
0x33: {  	p0 =	seq.s32 s10, $0x1;
	s10 =	sld [smem:$0x3FBA];
	_ =	sdelay $0x3  }
0x34: {  	[smem:$0x3FBA] =	sst s10  }
0x35: {  	s10 =	sld [smem:$0x3FB9];
	_ =	sdelay $0x3  }
0x36: {  	p1 =	seq.s32 s10, $0x1;
	s10 =	sld [smem:$0x3FBA];
	_ =	sdelay $0x3  }
0x37: {  	[smem:$0x3FBA] =	sst s10  }
0x38: {  	s10 =	sld [smem:$0x3FBB]  }
0x39: {  	_ = 	snop;
	(pc) =	sbr.ind lr, $3  }
0x3a: {  	_ = 	snop  }
0x3b: {  	_ = 	snop  }
0x3c: {  	p2 =	seq.s32 s10, $0x1;
	s10 =	sld [smem:$0x3FBA]  }
0x3d: {  	_ =	shalt  }
0x3e: {  	_ =	shalt  }
0x3f: {  	_ =	shalt  }
0x40: {  	_ =	shalt  }
0x41: {  	_ =	shalt  }
0x42: {  	_ =	shalt  }
0x43: {  	_ =	shalt  }
0x44: {  	_ =	shalt  }
0x45: {  	_ =	shalt  }
0x46: {  	_ =	shalt  }
0x47: {  	_ =	shalt  }
0x48: {  	_ =	shalt  }
0x49: {  	_ =	shalt  }
0x4a: {  	_ =	shalt  }
0x4b: {  	_ =	shalt  }
0x4c: {  	_ =	shalt  }
0x4d: {  	_ =	shalt  }
0x4e: {  	_ =	shalt  }
0x4f: {  	_ =	shalt  }
0x50: {  	_ =	shalt  }
0x51: {  	_ =	shalt  }
0x52: {  	_ =	shalt  }
0x53: {  	_ =	shalt  }
0x54: {  	_ =	shalt  }
0x55: {  	_ =	shalt  }
0x56: {  	_ =	shalt  }
0x57: {  	_ =	shalt  }
0x58: {  	_ =	shalt  }
0x59: {  	_ =	shalt  }
0x5a: {  	_ =	shalt  }
0x5b: {  	_ =	shalt  }
0x5c: {  	_ =	shalt  }
0x5d: {  	_ =	shalt  }
0x5e: {  	_ =	shalt  }
0x5f: {  	_ =	shalt  }
0x60: {  	_ =	shalt  }
0x61: {  	_ =	shalt  }
0x62: {  	_ =	shalt  }
0x63: {  	_ =	shalt  }
0x64: {  	_ =	shalt  }
0x65: {  	_ =	shalt  }
0x66: {  	_ =	shalt  }
0x67: {  	_ =	shalt  }
0x68: {  	_ =	shalt  }
0x69: {  	_ =	shalt  }
0x6a: {  	_ =	shalt  }
0x6b: {  	_ =	shalt  }
0x6c: {  	_ =	shalt  }
0x6d: {  	_ =	shalt  }
0x6e: {  	_ =	shalt  }
0x6f: {  	_ =	shalt  }
0x70: {  	_ =	shalt  }
0x71: {  	_ =	shalt  }
0x72: {  	_ =	shalt  }
0x73: {  	_ =	shalt  }
0x74: {  	_ =	shalt  }
0x75: {  	_ =	shalt  }
0x76: {  	_ =	shalt  }
0x77: {  	_ =	shalt  }
0x78: {  	_ =	shalt  }
0x79: {  	_ =	shalt  }
0x7a: {  	_ =	shalt  }
0x7b: {  	_ =	shalt  }
0x7c: {  	_ =	shalt  }
0x7d: {  	_ =	shalt  }
0x7e: {  	_ =	shalt  }
0x7f: {  	_ =	shalt  }
0x80: {  	_ =	shalt  }
0x81: {  	_ =	shalt  }
0x82: {  	_ =	shalt  }
0x83: {  	_ =	shalt  }
0x84: {  	_ =	shalt  }
0x85: {  	_ =	shalt  }
0x86: {  	_ =	shalt  }
0x87: {  	_ =	shalt  }
.Lfunc_end0:
.L_simem_size_0:
called_computation_lowered:
.L_overlay_start_0:
0x88: {  	s2 =	sld [smem:$0x3FD9]  }
0x89: {  	s3 =	sld [smem:$0x3FFE];
	_ =	sdelay $0x1  }
0x8a: {  	s1 =	srdreg.scid  }
0x8b: {  	s0 =	sand.u32 $0x1, s1  }
0x8c: {  	s17 =	sshll.u32 s0, $0xA;
	s2 =	sadd.s32 s3, s2  }
0x8d: {  	s2 =	sadd.s32 s2, s17  }
0x8e: {  	[smem:$0x3FC6] =	sst s2  }
0x8f: {  	_ = 	snop  }
0x90: {  	s2 =	sld [smem:$0x3FC9]  }
0x91: {  	s18 =	sld [smem:$0x3FD0];
	(tm) =	ssettm $0x1  }
0x92: {  	s4 =	sld [smem:$0x3FFB];
	_ =	sdelay $0x3  }
0x93: {  	_ =	strace s4  }
0x94: {  	s4 =	sld [smem:$0x3FFC];
	_ =	sdelay $0x3  }
0x95: {  	_ =	strace s4  }
0x96: {  	s4 =	sld [smem:$0x3FFD];
	_ =	sdelay $0x3  }
0x97: {  	_ =	strace s4  }
0x98: {  	_ =	strace $0x8FFFFFFF  }
0x99: {  	s19 =	sld [smem:$0x3FDB];
	_ =	sdelay $0x1  }
0x9a: {  	s5 =	simm.s32 $_scs_section_size  }
0x9b: {  	s6 =	simm.s32 $_size__tile_overlayer_lowered;
	s7 =	simm.s32 $_tile_overlayer_lowered  }
0x9c: {  	s22 =	simm.s32 $0x1BFF;
	s21 =	sshll.u32 s7, $0x1;
	s4 =	sadd.s32 s5, s19  }
0x9d: {  	s8 =	simm.s32 $0x0;
	s20 =	sshll.u32 s6, $0x1;
	s6 =	sadd.s32 s21, s4  }
0x9e: {  	[timem:s8], [sflag:s22] =	dma.local [hbm:s6], s20  }
0x9f: {  	_ =	swait.ge [sflag:s22], s20  }
0xa0: {  	s5 =	ssub.s32 $0x0, s20;
	[sflag:s22] =	ssyncset.done $0x0  }
0xa1: {  	[sflag:s22] =	ssyncadd.s32 s5;
	_ =	sdelay $0x1  }
0xa2: {  	s23 =	simm.s32 $0x1B8B  }
0xa3: {  	_ =	swait.ge [sflag:s23], $0x1  }
0xa4: {  	[sflag:s23] =	ssyncset.done $0x0  }
0xa5: {  	s25 =	simm.s32 $0x1B8E;
	s24 =	sld [smem:$0x3FFE];
	[sflag:s23] =	ssyncadd.s32 $0xFFFFFFFF  }
0xa6: {  	s26 =	simm.s32 $execute0_lowered;
	[smem:$0x3FD2] =	sst s25  }
0xa7: {  	s6 =	sshll.u32 s26, $0x1;
	_ =	strace $0x80000046;
	[dreg:$0x1] =	wrdreg $0xFFFFFFFF  }
0xa8: {  	s28 =	simm.s32 $_size_execute0_lowered;
	s4 =	sadd.s32 s4, s6;
	[dreg:$0x0] =	wrdreg $0x0  }
0xa9: {  	s6 =	sshll.u32 s28, $0x1;
	[dreg:$0x2] =	wrdreg s4  }
0xaa: {  	[dreg:$0x3] =	wrdreg s6  }
0xab: {  	[dreg:$0x4] =	wrdreg $0xC0  }
0xac: {  	_ =	task [dreg:s8], $0x5FFFF  }
0xad: {  	[dreg:$0x1] =	wrdreg $0xFFFFFFFF  }
0xae: {  	[dreg:$0x0] =	wrdreg $0x60  }
0xaf: {  	[dreg:$0x2] =	wrdreg s2  }
0xb0: {  	[dreg:$0x3] =	wrdreg s24  }
0xb1: {  	[dreg:$0x4] =	wrdreg s18  }
0xb2: {  	[dreg:$0x5] =	wrdreg $0x9  }
0xb3: {  	_ =	task.clear_ibuf [dreg:s8], $0x6FFFF;
	_ =	strace $0x90000046  }
0xb4: {  	s29 =	simm.s32 $0x9;
	_ =	strace $0x80000048  }
0xb5: {  	_ =	swait.ge [sflag:s29], $0x1  }
0xb6: {  	[sflag:s29] =	ssyncadd.s32 $0xFFFFFFFF  }
0xb7: {  	_ =	strace $0x90000048  }
0xb8: {  	_ =	sfence  }
0xb9: {  	s30 =	sld [smem:$0x0];
	_ =	sdelay $0x2  }
0xba: {  	s31 =	sshll.u32 s1, $0xD;
	s1 =	sshrl.u32 s1, $0x2  }
0xbb: {  	s3 =	sand.u32 $0x4000, s31;
	s1 =	sadd.s32 s1, s30  }
0xbc: {  	s0 =	sor.u32 s3, s0;
	s1 =	sshll.u32 s1, $0x11  }
0xbd: {  	s0 =	sor.u32 s1, s0  }
0xbe: {  	s0 =	sadd.s32 $0x8F2B, s0  }
0xbf: {  	[sflag:s0] =	ssyncadd.remote.s32 $0x1  }
0xc0: {  	_ =	sfence.sel $0xFFFF  }
0xc1: {  	[dreg:$0x0] =	wrdreg $0xFFFFFFFF;
	(pc) =	sbr.abs _section_cstart, $3  }
0xc2: {  	[dreg:$0x1] =	wrdreg $0xFFFFFFFF  }
0xc3: {  	_ =	task.clear_ibuf [dreg:s8], $0x2FFFF;
	_ =	strace $0x9FFFFFFF  }
0xc4: {  	(tm) =	ssettm $0x7FFFFFFF  }
0xc5: {  	_ =	shalt  }
tec
execute0_lowered:
.L_overlay_start_1:
0x0: {  	(tag) =	ssettag $0x1  }
0x1: {  	s0 =	rddreg [dreg:$0x0];
	s3 =	srdreg.scid  }
0x2: {  	s1 =	rddreg [dreg:$0x1];
	s6 =	stileid.u32;
	s3 =	sand.u32 $0x1, s3  }
0x3: {  	s6 =	sshll.u32 s6, $0xA;
	s4 =	ssub.s32 $0x2, s3;
	s3 =	sshll.u32 s3, $0x9  }
0x4: {  	s5 =	rddreg [dreg:$0x2];
	s7 =	sshrl.u32 s4, $0x1;
	s6 =	sor.u32 s3, s6  }
0x5: {  	s2 =	simm.s32 $0x0;
	s8 =	ssub.s32 s4, s7;
	s4 =	sadd.s32 s0, s6  }
0x6: {  	[smem:$0x7FF] =	sst s2;
	s0 =	sadd.s32 $0x10, s4  }
0x7: {  	_ =	strace $0x80000047;
	s9 =	sadd.s32 $0x20, s4;
	[dreg:$0x4] =	wrdreg s0  }
0x8: {  	s10 =	sadd.s32 $0x30, s4;
	[dreg:$0x5] =	wrdreg s9  }
0x9: {  	s11 =	sadd.s32 $0x40, s4;
	[dreg:$0x6] =	wrdreg s10  }
0xa: {  	s12 =	sadd.s32 $0x50, s4;
	[dreg:$0x7] =	wrdreg s11  }
0xb: {  	s13 =	sadd.s32 $0x60, s4;
	[dreg:$0x8] =	wrdreg s12  }
0xc: {  	s14 =	sadd.s32 $0x70, s4;
	[dreg:$0x9] =	wrdreg s13  }
0xd: {  	s15 =	sadd.s32 $0x4000, s4;
	[dreg:$0xa] =	wrdreg s14  }
0xe: {  	s16 =	sadd.s32 $0x4010, s4;
	[dreg:$0xb] =	wrdreg s15  }
0xf: {  	s17 =	sadd.s32 $0x4020, s4;
	[dreg:$0xc] =	wrdreg s16  }
0x10: {  	s18 =	sadd.s32 $0x4030, s4;
	[dreg:$0xd] =	wrdreg s17  }
0x11: {  	s19 =	sadd.s32 $0x4040, s4;
	[dreg:$0xe] =	wrdreg s18  }
0x12: {  	s20 =	sadd.s32 $0x4050, s4;
	[dreg:$0xf] =	wrdreg s19  }
0x13: {  	s21 =	sadd.s32 $0x4060, s4;
	[dreg:$0x10] =	wrdreg s20  }
0x14: {  	s22 =	sadd.s32 $0x4070, s4;
	[dreg:$0x11] =	wrdreg s21  }
0x15: {  	s23 =	sadd.s32 $0x8000, s4;
	[dreg:$0x12] =	wrdreg s22  }
0x16: {  	s24 =	sadd.s32 $0x8010, s4;
	[dreg:$0x13] =	wrdreg s23  }
0x17: {  	s26 =	sadd.s32 $0x8020, s4;
	[dreg:$0x14] =	wrdreg s24  }
0x18: {  	s25 =	sshrl.u32 s6, $0x3;
	s6 =	smax.u32 s8, $0x1;
	[dreg:$0x15] =	wrdreg s26  }
0x19: {  	s7 =	sadd.s32 $0x8040, s4;
	[dreg:$0x18] =	wrdreg s6  }
0x1a: {  	s8 =	sadd.s32 $0x8050, s4;
	[dreg:$0x19] =	wrdreg s7  }
0x1b: {  	s3 =	sadd.s32 $0x400, s1;
	s1 =	sadd.s32 $0x14000, s4;
	[dreg:$0x1a] =	wrdreg s8  }
0x1c: {  	s0 =	sadd.s32 s5, s25;
	[smem:$0x7D0] =	sst s1  }
0x1d: {  	s5 =	sadd.s32 $0x8030, s4;
	[dreg:$0x16] =	wrdreg s0  }
0x1e: {  	s9 =	sadd.s32 $0x8060, s4;
	[dreg:$0x17] =	wrdreg s5  }
0x1f: {  	s10 =	sadd.s32 $0x8070, s4;
	[dreg:$0x1b] =	wrdreg s9  }
0x20: {  	s11 =	sadd.s32 $0xC000, s4;
	[dreg:$0x1c] =	wrdreg s10  }
0x21: {  	s12 =	sadd.s32 $0xC010, s4;
	[dreg:$0x1d] =	wrdreg s11  }
0x22: {  	s13 =	sadd.s32 $0xC020, s4;
	[dreg:$0x1e] =	wrdreg s12  }
0x23: {  	s14 =	sadd.s32 $0xC030, s4;
	[dreg:$0x1f] =	wrdreg s13  }
0x24: {  	s15 =	sadd.s32 $0xC040, s4;
	[smem:$0x7C3] =	sst s14  }
0x25: {  	s16 =	sadd.s32 $0xC050, s4;
	[smem:$0x7C4] =	sst s15  }
0x26: {  	s17 =	sadd.s32 $0xC060, s4;
	[smem:$0x7C5] =	sst s16  }
0x27: {  	s18 =	sadd.s32 $0xC070, s4;
	[smem:$0x7C6] =	sst s17  }
0x28: {  	s19 =	sadd.s32 $0x10000, s4;
	[smem:$0x7C7] =	sst s18  }
0x29: {  	s20 =	sadd.s32 $0x10010, s4;
	[smem:$0x7C8] =	sst s19  }
0x2a: {  	s21 =	sadd.s32 $0x10020, s4;
	[smem:$0x7C9] =	sst s20  }
0x2b: {  	s22 =	sadd.s32 $0x10030, s4;
	[smem:$0x7CA] =	sst s21  }
0x2c: {  	s23 =	sadd.s32 $0x10040, s4;
	[smem:$0x7CB] =	sst s22  }
0x2d: {  	s24 =	sadd.s32 $0x10050, s4;
	[smem:$0x7CC] =	sst s23  }
0x2e: {  	s25 =	sadd.s32 $0x10060, s4;
	[smem:$0x7CD] =	sst s24  }
0x2f: {  	s26 =	sadd.s32 $0x10070, s4;
	[smem:$0x7CE] =	sst s25  }
0x30: {  	s6 =	sadd.s32 $0x14020, s4;
	[smem:$0x7CF] =	sst s26  }
0x31: {  	s7 =	sadd.s32 $0x14030, s4;
	[smem:$0x7D2] =	sst s6  }
0x32: {  	s8 =	sadd.s32 $0x14040, s4;
	[smem:$0x7D3] =	sst s7  }
0x33: {  	s1 =	sadd.s32 $0x1C070, s4;
	[smem:$0x7D4] =	sst s8  }
0x34: {  	s5 =	sadd.s32 $0x14010, s4;
	[smem:$0x7E7] =	sst s1  }
0x35: {  	s9 =	sadd.s32 $0x14050, s4;
	[smem:$0x7D1] =	sst s5  }
0x36: {  	s10 =	sadd.s32 $0x14060, s4;
	[smem:$0x7D5] =	sst s9  }
0x37: {  	s11 =	sadd.s32 $0x14070, s4;
	[smem:$0x7D6] =	sst s10  }
0x38: {  	s12 =	sadd.s32 $0x18000, s4;
	[smem:$0x7D7] =	sst s11  }
0x39: {  	s13 =	sadd.s32 $0x18010, s4;
	[smem:$0x7D8] =	sst s12  }
0x3a: {  	s14 =	sadd.s32 $0x18020, s4;
	[smem:$0x7D9] =	sst s13  }
0x3b: {  	s15 =	sadd.s32 $0x18030, s4;
	[smem:$0x7DA] =	sst s14  }
0x3c: {  	s16 =	sadd.s32 $0x18040, s4;
	[smem:$0x7DB] =	sst s15  }
0x3d: {  	s17 =	sadd.s32 $0x18050, s4;
	[smem:$0x7DC] =	sst s16  }
0x3e: {  	s18 =	sadd.s32 $0x18060, s4;
	[smem:$0x7DD] =	sst s17  }
0x3f: {  	s19 =	sadd.s32 $0x18070, s4;
	[smem:$0x7DE] =	sst s18  }
0x40: {  	s20 =	sadd.s32 $0x1C000, s4;
	[smem:$0x7DF] =	sst s19  }
0x41: {  	s21 =	sadd.s32 $0x1C010, s4;
	[smem:$0x7E0] =	sst s20  }
0x42: {  	s22 =	sadd.s32 $0x1C020, s4;
	[smem:$0x7E1] =	sst s21  }
0x43: {  	s23 =	sadd.s32 $0x1C030, s4;
	[smem:$0x7E2] =	sst s22  }
0x44: {  	s24 =	sadd.s32 $0x1C040, s4;
	[smem:$0x7E3] =	sst s23  }
0x45: {  	s25 =	sadd.s32 $0x1C050, s4;
	[smem:$0x7E4] =	sst s24  }
0x46: {  	s26 =	sadd.s32 $0x1C060, s4;
	[smem:$0x7E5] =	sst s25  }
0x47: {  	s6 =	sadd.s32 $0x20010, s4;
	[smem:$0x7E6] =	sst s26  }
0x48: {  	s7 =	sadd.s32 $0x20020, s4;
	[smem:$0x7E9] =	sst s6  }
0x49: {  	s8 =	sadd.s32 $0x20030, s4;
	[smem:$0x7EA] =	sst s7  }
0x4a: {  	s5 =	sadd.s32 $0x20000, s4;
	[smem:$0x7EB] =	sst s8  }
0x4b: {  	s9 =	sadd.s32 $0x20040, s4;
	[smem:$0x7E8] =	sst s5  }
0x4c: {  	s10 =	sadd.s32 $0x20050, s4;
	[smem:$0x7EC] =	sst s9  }
0x4d: {  	s11 =	sadd.s32 $0x20060, s4;
	[smem:$0x7ED] =	sst s10  }
0x4e: {  	s12 =	sadd.s32 $0x20070, s4;
	[smem:$0x7EE] =	sst s11  }
0x4f: {  	s13 =	sadd.s32 $0x24000, s4;
	[smem:$0x7EF] =	sst s12  }
0x50: {  	s14 =	sadd.s32 $0x24010, s4;
	[smem:$0x7F0] =	sst s13  }
0x51: {  	s15 =	sadd.s32 $0x24020, s4;
	[smem:$0x7F1] =	sst s14  }
0x52: {  	s16 =	sadd.s32 $0x24030, s4;
	[smem:$0x7F2] =	sst s15  }
0x53: {  	s17 =	sadd.s32 $0x24040, s4;
	[smem:$0x7F3] =	sst s16  }
0x54: {  	s18 =	sadd.s32 $0x24050, s4;
	[smem:$0x7F4] =	sst s17  }
0x55: {  	s19 =	sadd.s32 $0x24060, s4;
	[smem:$0x7F5] =	sst s18  }
0x56: {  	s20 =	sadd.s32 $0x24070, s4;
	[smem:$0x7F6] =	sst s19  }
0x57: {  	s21 =	sadd.s32 $0x28000, s4;
	[smem:$0x7F7] =	sst s20  }
0x58: {  	s22 =	sadd.s32 $0x28010, s4;
	[smem:$0x7F8] =	sst s21  }
0x59: {  	s28 =	simm.s32 $0x1;
	s23 =	sadd.s32 $0x28020, s4;
	[smem:$0x7F9] =	sst s22  }
0x5a: {  	s29 =	simm.s32 $0x2;
	s24 =	sadd.s32 $0x28030, s4;
	[smem:$0x7FA] =	sst s23  }
0x5b: {  	s30 =	simm.s32 $0x19000;
	s25 =	sadd.s32 $0x28040, s4;
	[smem:$0x7FB] =	sst s24  }
0x5c: {  	s31 =	simm.s32 $0x3;
	s26 =	sadd.s32 $0x28050, s4;
	[smem:$0x7FC] =	sst s25  }
0x5d: {  	s0 =	simm.s32 $0x0;
	s8 =	sadd.s32 $0x28060, s4;
	[smem:$0x7FD] =	sst s26  }
0x5e: {  	s9 =	sadd.s32 $0x28070, s4;
	s10 =	sadd.s32 $0x2C000, s4;
	s11 =	sadd.s32 $0x2C010, s4  }
0x5f: {  	s12 =	sadd.s32 $0x2C020, s4;
	s13 =	sadd.s32 $0x2C030, s4;
	s14 =	sadd.s32 $0x2C040, s4  }
0x60: {  	s15 =	sadd.s32 $0x2C050, s4;
	s16 =	sadd.s32 $0x2C060, s4;
	s17 =	sadd.s32 $0x2C070, s4  }
0x61: {  	s18 =	sadd.s32 $0x30000, s4;
	s19 =	sadd.s32 $0x30010, s4;
	s20 =	sadd.s32 $0x30020, s4  }
0x62: {  	s21 =	sadd.s32 $0x30030, s4;
	s22 =	simm.s32 $0x80;
	s23 =	simm.s32 $0x400  }
0x63: {  	s24 =	simm.s32 $0x3200;
	s25 =	simm.s32 $0x6400;
	s26 =	simm.s32 $0x9600  }
.LBB2_1:
0x64: {  	[tilespmem:s2], [sflag:$0x1] =	stream.strided.gather [hbm4b:s4+s22], $0x200, s23, s22, $0x38;
	[tilespmem:$0x19200] =	vst v63  }
0x65: {  	s1 =	rddreg [dreg:$0x4];
	s5 =	simm.s32 $0x200  }
0x66: {  	[tilespmem:s5], [sflag:$0x1] =	stream.strided.gather [hbm4b:s1+s22], $0x200, s23, s22, $0x38;
	[tilespmem:$0x19200] =	vst v63  }
0x67: {  	s5 =	rddreg [dreg:$0x5]  }
0x68: {  	[tilespmem:s23], [sflag:$0x1] =	stream.strided.gather [hbm4b:s5+s22], $0x200, s23, s22, $0x38;
	[tilespmem:$0x19200] =	vst v63  }
0x69: {  	s6 =	rddreg [dreg:$0x6];
	s7 =	simm.s32 $0x600  }
0x6a: {  	[tilespmem:s7], [sflag:$0x1] =	stream.strided.gather [hbm4b:s6+s22], $0x200, s23, s22, $0x38;
	[tilespmem:$0x19200] =	vst v63  }
0x6b: {  	s6 =	rddreg [dreg:$0x7];
	s7 =	simm.s32 $0x800  }
0x6c: {  	[tilespmem:s7], [sflag:$0x1] =	stream.strided.gather [hbm4b:s6+s22], $0x200, s23, s22, $0x38;
	[tilespmem:$0x19200] =	vst v63  }
0x6d: {  	s6 =	rddreg [dreg:$0x8];
	s7 =	simm.s32 $0xA00  }
0x6e: {  	[tilespmem:s7], [sflag:$0x1] =	stream.strided.gather [hbm4b:s6+s22], $0x200, s23, s22, $0x38;
	[tilespmem:$0x19200] =	vst v63  }
0x6f: {  	s6 =	rddreg [dreg:$0x9];
	s7 =	simm.s32 $0xC00  }
0x70: {  	[tilespmem:s7], [sflag:$0x1] =	stream.strided.gather [hbm4b:s6+s22], $0x200, s23, s22, $0x38;
	[tilespmem:$0x19200] =	vst v63  }
0x71: {  	s6 =	rddreg [dreg:$0xa];
	s7 =	simm.s32 $0xE00  }
0x72: {  	[tilespmem:s7], [sflag:$0x1] =	stream.strided.gather [hbm4b:s6+s22], $0x200, s23, s22, $0x38;
	[tilespmem:$0x19200] =	vst v63  }
0x73: {  	s6 =	rddreg [dreg:$0xb];
	s7 =	simm.s32 $0x1000  }
0x74: {  	[tilespmem:s7], [sflag:$0x1] =	stream.strided.gather [hbm4b:s6+s22], $0x200, s23, s22, $0x38;
	[tilespmem:$0x19200] =	vst v63  }
0x75: {  	s6 =	rddreg [dreg:$0xc];
	s7 =	simm.s32 $0x1200  }
0x76: {  	[tilespmem:s7], [sflag:$0x1] =	stream.strided.gather [hbm4b:s6+s22], $0x200, s23, s22, $0x38;
	[tilespmem:$0x19200] =	vst v63  }
0x77: {  	s6 =	rddreg [dreg:$0xd];
	s7 =	simm.s32 $0x1400  }
0x78: {  	[tilespmem:s7], [sflag:$0x1] =	stream.strided.gather [hbm4b:s6+s22], $0x200, s23, s22, $0x38;
	[tilespmem:$0x19200] =	vst v63  }
0x79: {  	s6 =	rddreg [dreg:$0xe];
	s7 =	simm.s32 $0x1600  }
0x7a: {  	[tilespmem:s7], [sflag:$0x1] =	stream.strided.gather [hbm4b:s6+s22], $0x200, s23, s22, $0x38;
	[tilespmem:$0x19200] =	vst v63  }
0x7b: {  	s6 =	rddreg [dreg:$0xf];
	s7 =	simm.s32 $0x1800  }
0x7c: {  	[tilespmem:s7], [sflag:$0x1] =	stream.strided.gather [hbm4b:s6+s22], $0x200, s23, s22, $0x38;
	[tilespmem:$0x19200] =	vst v63  }
0x7d: {  	s6 =	rddreg [dreg:$0x10];
	s7 =	simm.s32 $0x1A00  }
0x7e: {  	[tilespmem:s7], [sflag:$0x1] =	stream.strided.gather [hbm4b:s6+s22], $0x200, s23, s22, $0x38;
	[tilespmem:$0x19200] =	vst v63  }
0x7f: {  	s6 =	rddreg [dreg:$0x11];
	s7 =	simm.s32 $0x1C00  }
0x80: {  	[tilespmem:s7], [sflag:$0x1] =	stream.strided.gather [hbm4b:s6+s22], $0x200, s23, s22, $0x38;
	[tilespmem:$0x19200] =	vst v63  }
0x81: {  	s6 =	rddreg [dreg:$0x12];
	s7 =	simm.s32 $0x1E00  }
0x82: {  	[tilespmem:s7], [sflag:$0x1] =	stream.strided.gather [hbm4b:s6+s22], $0x200, s23, s22, $0x38;
	[tilespmem:$0x19200] =	vst v63  }
0x83: {  	s6 =	rddreg [dreg:$0x13];
	s7 =	simm.s32 $0x2000  }
0x84: {  	[tilespmem:s7], [sflag:$0x1] =	stream.strided.gather [hbm4b:s6+s22], $0x200, s23, s22, $0x38;
	[tilespmem:$0x19200] =	vst v63  }
0x85: {  	s6 =	rddreg [dreg:$0x14];
	s7 =	simm.s32 $0x2200  }
0x86: {  	[tilespmem:s7], [sflag:$0x1] =	stream.strided.gather [hbm4b:s6+s22], $0x200, s23, s22, $0x38;
	[tilespmem:$0x19200] =	vst v63  }
0x87: {  	s6 =	rddreg [dreg:$0x15];
	s7 =	simm.s32 $0x2400  }
0x88: {  	[tilespmem:s7], [sflag:$0x1] =	stream.strided.gather [hbm4b:s6+s22], $0x200, s23, s22, $0x38;
	[tilespmem:$0x19200] =	vst v63  }
0x89: {  	s6 =	rddreg [dreg:$0x17];
	s7 =	simm.s32 $0x2600  }
0x8a: {  	[tilespmem:s7], [sflag:$0x1] =	stream.strided.gather [hbm4b:s6+s22], $0x200, s23, s22, $0x38;
	[tilespmem:$0x19200] =	vst v63  }
0x8b: {  	s6 =	rddreg [dreg:$0x19];
	s7 =	simm.s32 $0x2800  }
0x8c: {  	[tilespmem:s7], [sflag:$0x1] =	stream.strided.gather [hbm4b:s6+s22], $0x200, s23, s22, $0x38;
	[tilespmem:$0x19200] =	vst v63  }
0x8d: {  	s6 =	rddreg [dreg:$0x1a];
	s7 =	simm.s32 $0x2A00  }
0x8e: {  	[tilespmem:s7], [sflag:$0x1] =	stream.strided.gather [hbm4b:s6+s22], $0x200, s23, s22, $0x38;
	[tilespmem:$0x19200] =	vst v63  }
0x8f: {  	s6 =	rddreg [dreg:$0x1b];
	s7 =	simm.s32 $0x2C00  }
0x90: {  	[tilespmem:s7], [sflag:$0x1] =	stream.strided.gather [hbm4b:s6+s22], $0x200, s23, s22, $0x38;
	[tilespmem:$0x19200] =	vst v63  }
0x91: {  	s6 =	rddreg [dreg:$0x1c];
	s7 =	simm.s32 $0x2E00  }
0x92: {  	[tilespmem:s7], [sflag:$0x1] =	stream.strided.gather [hbm4b:s6+s22], $0x200, s23, s22, $0x38;
	[tilespmem:$0x19200] =	vst v63  }
0x93: {  	s6 =	rddreg [dreg:$0x1d];
	s7 =	simm.s32 $0x3000  }
0x94: {  	[tilespmem:s7], [sflag:$0x1] =	stream.strided.gather [hbm4b:s6+s22], $0x200, s23, s22, $0x38;
	[tilespmem:$0x19200] =	vst v63  }
0x95: {  	s5 =	rddreg [dreg:$0x1e]  }
0x96: {  	[tilespmem:s24], [sflag:$0x1] =	stream.strided.gather [hbm4b:s5+s22], $0x200, s23, s22, $0x38;
	[tilespmem:$0x19200] =	vst v63  }
0x97: {  	s6 =	rddreg [dreg:$0x1f];
	s7 =	simm.s32 $0x3400  }
0x98: {  	[tilespmem:s7], [sflag:$0x1] =	stream.strided.gather [hbm4b:s6+s22], $0x200, s23, s22, $0x38;
	[tilespmem:$0x19200] =	vst v63  }
0x99: {  	s6 =	sld [smem:$0x7C3];
	_ =	sdelay $0x1  }
0x9a: {  	s7 =	simm.s32 $0x3600  }
0x9b: {  	[tilespmem:s7], [sflag:$0x1] =	stream.strided.gather [hbm4b:s6+s22], $0x200, s23, s22, $0x38;
	[tilespmem:$0x19200] =	vst v63  }
0x9c: {  	s6 =	sld [smem:$0x7C4];
	_ =	sdelay $0x1  }
0x9d: {  	s7 =	simm.s32 $0x3800  }
0x9e: {  	[tilespmem:s7], [sflag:$0x1] =	stream.strided.gather [hbm4b:s6+s22], $0x200, s23, s22, $0x38;
	[tilespmem:$0x19200] =	vst v63  }
0x9f: {  	s6 =	sld [smem:$0x7C5];
	_ =	sdelay $0x1  }
0xa0: {  	s7 =	simm.s32 $0x3A00  }
0xa1: {  	[tilespmem:s7], [sflag:$0x1] =	stream.strided.gather [hbm4b:s6+s22], $0x200, s23, s22, $0x38;
	[tilespmem:$0x19200] =	vst v63  }
0xa2: {  	s6 =	sld [smem:$0x7C6];
	_ =	sdelay $0x1  }
0xa3: {  	s7 =	simm.s32 $0x3C00  }
0xa4: {  	[tilespmem:s7], [sflag:$0x1] =	stream.strided.gather [hbm4b:s6+s22], $0x200, s23, s22, $0x38;
	[tilespmem:$0x19200] =	vst v63  }
0xa5: {  	s6 =	sld [smem:$0x7C7];
	_ =	sdelay $0x1  }
0xa6: {  	s7 =	simm.s32 $0x3E00  }
0xa7: {  	[tilespmem:s7], [sflag:$0x1] =	stream.strided.gather [hbm4b:s6+s22], $0x200, s23, s22, $0x38;
	[tilespmem:$0x19200] =	vst v63  }
0xa8: {  	s6 =	sld [smem:$0x7C8];
	_ =	sdelay $0x1  }
0xa9: {  	s7 =	simm.s32 $0x4000  }
0xaa: {  	[tilespmem:s7], [sflag:$0x1] =	stream.strided.gather [hbm4b:s6+s22], $0x200, s23, s22, $0x38;
	[tilespmem:$0x19200] =	vst v63  }
0xab: {  	s6 =	sld [smem:$0x7C9];
	_ =	sdelay $0x1  }
0xac: {  	s7 =	simm.s32 $0x4200  }
0xad: {  	[tilespmem:s7], [sflag:$0x1] =	stream.strided.gather [hbm4b:s6+s22], $0x200, s23, s22, $0x38;
	[tilespmem:$0x19200] =	vst v63  }
0xae: {  	s6 =	sld [smem:$0x7CA];
	_ =	sdelay $0x1  }
0xaf: {  	s7 =	simm.s32 $0x4400  }
0xb0: {  	[tilespmem:s7], [sflag:$0x1] =	stream.strided.gather [hbm4b:s6+s22], $0x200, s23, s22, $0x38;
	[tilespmem:$0x19200] =	vst v63  }
0xb1: {  	s6 =	sld [smem:$0x7CB];
	_ =	sdelay $0x1  }
0xb2: {  	s7 =	simm.s32 $0x4600  }
0xb3: {  	[tilespmem:s7], [sflag:$0x1] =	stream.strided.gather [hbm4b:s6+s22], $0x200, s23, s22, $0x38;
	[tilespmem:$0x19200] =	vst v63  }
0xb4: {  	s6 =	sld [smem:$0x7CC];
	_ =	sdelay $0x1  }
0xb5: {  	s7 =	simm.s32 $0x4800  }
0xb6: {  	[tilespmem:s7], [sflag:$0x1] =	stream.strided.gather [hbm4b:s6+s22], $0x200, s23, s22, $0x38;
	[tilespmem:$0x19200] =	vst v63  }
0xb7: {  	s6 =	sld [smem:$0x7CD];
	_ =	sdelay $0x1  }
0xb8: {  	s7 =	simm.s32 $0x4A00  }
0xb9: {  	[tilespmem:s7], [sflag:$0x1] =	stream.strided.gather [hbm4b:s6+s22], $0x200, s23, s22, $0x38;
	[tilespmem:$0x19200] =	vst v63  }
0xba: {  	s6 =	sld [smem:$0x7CE];
	_ =	sdelay $0x1  }
0xbb: {  	s7 =	simm.s32 $0x4C00  }
0xbc: {  	[tilespmem:s7], [sflag:$0x1] =	stream.strided.gather [hbm4b:s6+s22], $0x200, s23, s22, $0x38;
	[tilespmem:$0x19200] =	vst v63  }
0xbd: {  	s6 =	sld [smem:$0x7CF];
	_ =	sdelay $0x1  }
0xbe: {  	s7 =	simm.s32 $0x4E00  }
0xbf: {  	[tilespmem:s7], [sflag:$0x1] =	stream.strided.gather [hbm4b:s6+s22], $0x200, s23, s22, $0x38;
	[tilespmem:$0x19200] =	vst v63  }
0xc0: {  	s6 =	sld [smem:$0x7D0];
	_ =	sdelay $0x1  }
0xc1: {  	s7 =	simm.s32 $0x5000  }
0xc2: {  	[tilespmem:s7], [sflag:$0x1] =	stream.strided.gather [hbm4b:s6+s22], $0x200, s23, s22, $0x38;
	[tilespmem:$0x19200] =	vst v63  }
0xc3: {  	s6 =	sld [smem:$0x7D1];
	_ =	sdelay $0x1  }
0xc4: {  	s7 =	simm.s32 $0x5200  }
0xc5: {  	[tilespmem:s7], [sflag:$0x1] =	stream.strided.gather [hbm4b:s6+s22], $0x200, s23, s22, $0x38;
	[tilespmem:$0x19200] =	vst v63  }
0xc6: {  	s6 =	sld [smem:$0x7D2];
	_ =	sdelay $0x1  }
0xc7: {  	s7 =	simm.s32 $0x5400  }
0xc8: {  	[tilespmem:s7], [sflag:$0x1] =	stream.strided.gather [hbm4b:s6+s22], $0x200, s23, s22, $0x38;
	[tilespmem:$0x19200] =	vst v63  }
0xc9: {  	s6 =	sld [smem:$0x7D3];
	_ =	sdelay $0x1  }
0xca: {  	s7 =	simm.s32 $0x5600  }
0xcb: {  	[tilespmem:s7], [sflag:$0x1] =	stream.strided.gather [hbm4b:s6+s22], $0x200, s23, s22, $0x38;
	[tilespmem:$0x19200] =	vst v63  }
0xcc: {  	s6 =	sld [smem:$0x7D4];
	_ =	sdelay $0x1  }
0xcd: {  	s7 =	simm.s32 $0x5800  }
0xce: {  	[tilespmem:s7], [sflag:$0x1] =	stream.strided.gather [hbm4b:s6+s22], $0x200, s23, s22, $0x38;
	[tilespmem:$0x19200] =	vst v63  }
0xcf: {  	s6 =	sld [smem:$0x7D5];
	_ =	sdelay $0x1  }
0xd0: {  	s7 =	simm.s32 $0x5A00  }
0xd1: {  	[tilespmem:s7], [sflag:$0x1] =	stream.strided.gather [hbm4b:s6+s22], $0x200, s23, s22, $0x38;
	[tilespmem:$0x19200] =	vst v63  }
0xd2: {  	s6 =	sld [smem:$0x7D6];
	_ =	sdelay $0x1  }
0xd3: {  	s7 =	simm.s32 $0x5C00  }
0xd4: {  	[tilespmem:s7], [sflag:$0x1] =	stream.strided.gather [hbm4b:s6+s22], $0x200, s23, s22, $0x38;
	[tilespmem:$0x19200] =	vst v63  }
0xd5: {  	s6 =	sld [smem:$0x7D7];
	_ =	sdelay $0x1  }
0xd6: {  	s7 =	simm.s32 $0x5E00  }
0xd7: {  	[tilespmem:s7], [sflag:$0x1] =	stream.strided.gather [hbm4b:s6+s22], $0x200, s23, s22, $0x38;
	[tilespmem:$0x19200] =	vst v63  }
0xd8: {  	s6 =	sld [smem:$0x7D8];
	_ =	sdelay $0x1  }
0xd9: {  	s7 =	simm.s32 $0x6000  }
0xda: {  	[tilespmem:s7], [sflag:$0x1] =	stream.strided.gather [hbm4b:s6+s22], $0x200, s23, s22, $0x38;
	[tilespmem:$0x19200] =	vst v63  }
0xdb: {  	s6 =	sld [smem:$0x7D9];
	_ =	sdelay $0x1  }
0xdc: {  	s5 =	sld [smem:$0x7DA];
	s7 =	simm.s32 $0x6200  }
0xdd: {  	[tilespmem:s7], [sflag:$0x1] =	stream.strided.gather [hbm4b:s6+s22], $0x200, s23, s22, $0x38;
	[tilespmem:$0x19200] =	vst v63  }
0xde: {  	s6 =	sld [smem:$0x7DB]  }
0xdf: {  	[tilespmem:s25], [sflag:$0x1] =	stream.strided.gather [hbm4b:s5+s22], $0x200, s23, s22, $0x38;
	[tilespmem:$0x19200] =	vst v63  }
0xe0: {  	s7 =	simm.s32 $0x6600  }
0xe1: {  	[tilespmem:s7], [sflag:$0x1] =	stream.strided.gather [hbm4b:s6+s22], $0x200, s23, s22, $0x38;
	[tilespmem:$0x19200] =	vst v63  }
0xe2: {  	s6 =	sld [smem:$0x7DC];
	_ =	sdelay $0x1  }
0xe3: {  	s7 =	simm.s32 $0x6800  }
0xe4: {  	[tilespmem:s7], [sflag:$0x1] =	stream.strided.gather [hbm4b:s6+s22], $0x200, s23, s22, $0x38;
	[tilespmem:$0x19200] =	vst v63  }
0xe5: {  	s6 =	sld [smem:$0x7DD];
	_ =	sdelay $0x1  }
0xe6: {  	s7 =	simm.s32 $0x6A00  }
0xe7: {  	[tilespmem:s7], [sflag:$0x1] =	stream.strided.gather [hbm4b:s6+s22], $0x200, s23, s22, $0x38;
	[tilespmem:$0x19200] =	vst v63  }
0xe8: {  	s6 =	sld [smem:$0x7DE];
	_ =	sdelay $0x1  }
0xe9: {  	s7 =	simm.s32 $0x6C00  }
0xea: {  	[tilespmem:s7], [sflag:$0x1] =	stream.strided.gather [hbm4b:s6+s22], $0x200, s23, s22, $0x38;
	[tilespmem:$0x19200] =	vst v63  }
0xeb: {  	s6 =	sld [smem:$0x7DF];
	_ =	sdelay $0x1  }
0xec: {  	s7 =	simm.s32 $0x6E00  }
0xed: {  	[tilespmem:s7], [sflag:$0x1] =	stream.strided.gather [hbm4b:s6+s22], $0x200, s23, s22, $0x38;
	[tilespmem:$0x19200] =	vst v63  }
0xee: {  	s6 =	sld [smem:$0x7E0];
	_ =	sdelay $0x1  }
0xef: {  	s7 =	simm.s32 $0x7000  }
0xf0: {  	[tilespmem:s7], [sflag:$0x1] =	stream.strided.gather [hbm4b:s6+s22], $0x200, s23, s22, $0x38;
	[tilespmem:$0x19200] =	vst v63  }
0xf1: {  	s6 =	sld [smem:$0x7E1];
	_ =	sdelay $0x1  }
0xf2: {  	s7 =	simm.s32 $0x7200  }
0xf3: {  	[tilespmem:s7], [sflag:$0x1] =	stream.strided.gather [hbm4b:s6+s22], $0x200, s23, s22, $0x38;
	[tilespmem:$0x19200] =	vst v63  }
0xf4: {  	s6 =	sld [smem:$0x7E2];
	_ =	sdelay $0x1  }
0xf5: {  	s7 =	simm.s32 $0x7400  }
0xf6: {  	[tilespmem:s7], [sflag:$0x1] =	stream.strided.gather [hbm4b:s6+s22], $0x200, s23, s22, $0x38;
	[tilespmem:$0x19200] =	vst v63  }
0xf7: {  	s6 =	sld [smem:$0x7E3];
	_ =	sdelay $0x1  }
0xf8: {  	s7 =	simm.s32 $0x7600  }
0xf9: {  	[tilespmem:s7], [sflag:$0x1] =	stream.strided.gather [hbm4b:s6+s22], $0x200, s23, s22, $0x38;
	[tilespmem:$0x19200] =	vst v63  }
0xfa: {  	s6 =	sld [smem:$0x7E4];
	_ =	sdelay $0x1  }
0xfb: {  	s7 =	simm.s32 $0x7800  }
0xfc: {  	[tilespmem:s7], [sflag:$0x1] =	stream.strided.gather [hbm4b:s6+s22], $0x200, s23, s22, $0x38;
	[tilespmem:$0x19200] =	vst v63  }
0xfd: {  	s6 =	sld [smem:$0x7E5];
	_ =	sdelay $0x1  }
0xfe: {  	s7 =	simm.s32 $0x7A00  }
0xff: {  	[tilespmem:s7], [sflag:$0x1] =	stream.strided.gather [hbm4b:s6+s22], $0x200, s23, s22, $0x38;
	[tilespmem:$0x19200] =	vst v63  }
0x100: {  	s6 =	sld [smem:$0x7E6];
	_ =	sdelay $0x1  }
0x101: {  	s7 =	simm.s32 $0x7C00  }
0x102: {  	[tilespmem:s7], [sflag:$0x1] =	stream.strided.gather [hbm4b:s6+s22], $0x200, s23, s22, $0x38;
	[tilespmem:$0x19200] =	vst v63  }
0x103: {  	s6 =	sld [smem:$0x7E7];
	_ =	sdelay $0x1  }
0x104: {  	s7 =	simm.s32 $0x7E00  }
0x105: {  	[tilespmem:s7], [sflag:$0x1] =	stream.strided.gather [hbm4b:s6+s22], $0x200, s23, s22, $0x38;
	[tilespmem:$0x19200] =	vst v63  }
0x106: {  	s6 =	sld [smem:$0x7E8];
	_ =	sdelay $0x1  }
0x107: {  	s7 =	simm.s32 $0x8000  }
0x108: {  	[tilespmem:s7], [sflag:$0x1] =	stream.strided.gather [hbm4b:s6+s22], $0x200, s23, s22, $0x38;
	[tilespmem:$0x19200] =	vst v63  }
0x109: {  	s6 =	sld [smem:$0x7E9];
	_ =	sdelay $0x1  }
0x10a: {  	s7 =	simm.s32 $0x8200  }
0x10b: {  	[tilespmem:s7], [sflag:$0x1] =	stream.strided.gather [hbm4b:s6+s22], $0x200, s23, s22, $0x38;
	[tilespmem:$0x19200] =	vst v63  }
0x10c: {  	s6 =	sld [smem:$0x7EA];
	_ =	sdelay $0x1  }
0x10d: {  	s7 =	simm.s32 $0x8400  }
0x10e: {  	[tilespmem:s7], [sflag:$0x1] =	stream.strided.gather [hbm4b:s6+s22], $0x200, s23, s22, $0x38;
	[tilespmem:$0x19200] =	vst v63  }
0x10f: {  	s6 =	sld [smem:$0x7EB];
	_ =	sdelay $0x1  }
0x110: {  	s7 =	simm.s32 $0x8600  }
0x111: {  	[tilespmem:s7], [sflag:$0x1] =	stream.strided.gather [hbm4b:s6+s22], $0x200, s23, s22, $0x38;
	[tilespmem:$0x19200] =	vst v63  }
0x112: {  	s6 =	sld [smem:$0x7EC];
	_ =	sdelay $0x1  }
0x113: {  	s7 =	simm.s32 $0x8800  }
0x114: {  	[tilespmem:s7], [sflag:$0x1] =	stream.strided.gather [hbm4b:s6+s22], $0x200, s23, s22, $0x38;
	[tilespmem:$0x19200] =	vst v63  }
0x115: {  	s6 =	sld [smem:$0x7ED];
	_ =	sdelay $0x1  }
0x116: {  	s7 =	simm.s32 $0x8A00  }
0x117: {  	[tilespmem:s7], [sflag:$0x1] =	stream.strided.gather [hbm4b:s6+s22], $0x200, s23, s22, $0x38;
	[tilespmem:$0x19200] =	vst v63  }
0x118: {  	s6 =	sld [smem:$0x7EE];
	_ =	sdelay $0x1  }
0x119: {  	s7 =	simm.s32 $0x8C00  }
0x11a: {  	[tilespmem:s7], [sflag:$0x1] =	stream.strided.gather [hbm4b:s6+s22], $0x200, s23, s22, $0x38;
	[tilespmem:$0x19200] =	vst v63  }
0x11b: {  	s6 =	sld [smem:$0x7EF];
	_ =	sdelay $0x1  }
0x11c: {  	s7 =	simm.s32 $0x8E00  }
0x11d: {  	[tilespmem:s7], [sflag:$0x1] =	stream.strided.gather [hbm4b:s6+s22], $0x200, s23, s22, $0x38;
	[tilespmem:$0x19200] =	vst v63  }
0x11e: {  	s6 =	sld [smem:$0x7F0];
	_ =	sdelay $0x1  }
0x11f: {  	s7 =	simm.s32 $0x9000  }
0x120: {  	[tilespmem:s7], [sflag:$0x1] =	stream.strided.gather [hbm4b:s6+s22], $0x200, s23, s22, $0x38;
	[tilespmem:$0x19200] =	vst v63  }
0x121: {  	s6 =	sld [smem:$0x7F1];
	_ =	sdelay $0x1  }
0x122: {  	s7 =	simm.s32 $0x9200  }
0x123: {  	[tilespmem:s7], [sflag:$0x1] =	stream.strided.gather [hbm4b:s6+s22], $0x200, s23, s22, $0x38;
	[tilespmem:$0x19200] =	vst v63  }
0x124: {  	s6 =	sld [smem:$0x7F2];
	_ =	sdelay $0x1  }
0x125: {  	s5 =	sld [smem:$0x7F3];
	s7 =	simm.s32 $0x9400  }
0x126: {  	[tilespmem:s7], [sflag:$0x1] =	stream.strided.gather [hbm4b:s6+s22], $0x200, s23, s22, $0x38;
	[tilespmem:$0x19200] =	vst v63  }
0x127: {  	s6 =	sld [smem:$0x7F4]  }
0x128: {  	[tilespmem:s26], [sflag:$0x1] =	stream.strided.gather [hbm4b:s5+s22], $0x200, s23, s22, $0x38;
	[tilespmem:$0x19200] =	vst v63  }
0x129: {  	s7 =	simm.s32 $0x9800  }
0x12a: {  	[tilespmem:s7], [sflag:$0x1] =	stream.strided.gather [hbm4b:s6+s22], $0x200, s23, s22, $0x38;
	[tilespmem:$0x19200] =	vst v63  }
0x12b: {  	s6 =	sld [smem:$0x7F5];
	_ =	sdelay $0x1  }
0x12c: {  	s7 =	simm.s32 $0x9A00  }
0x12d: {  	[tilespmem:s7], [sflag:$0x1] =	stream.strided.gather [hbm4b:s6+s22], $0x200, s23, s22, $0x38;
	[tilespmem:$0x19200] =	vst v63  }
0x12e: {  	s6 =	sld [smem:$0x7F6];
	_ =	sdelay $0x1  }
0x12f: {  	s7 =	simm.s32 $0x9C00  }
0x130: {  	[tilespmem:s7], [sflag:$0x1] =	stream.strided.gather [hbm4b:s6+s22], $0x200, s23, s22, $0x38;
	[tilespmem:$0x19200] =	vst v63  }
0x131: {  	s6 =	sld [smem:$0x7F7];
	_ =	sdelay $0x1  }
0x132: {  	s7 =	simm.s32 $0x9E00  }
0x133: {  	[tilespmem:s7], [sflag:$0x1] =	stream.strided.gather [hbm4b:s6+s22], $0x200, s23, s22, $0x38;
	[tilespmem:$0x19200] =	vst v63  }
0x134: {  	s6 =	sld [smem:$0x7F8];
	_ =	sdelay $0x1  }
0x135: {  	s7 =	simm.s32 $0xA000  }
0x136: {  	[tilespmem:s7], [sflag:$0x1] =	stream.strided.gather [hbm4b:s6+s22], $0x200, s23, s22, $0x38;
	[tilespmem:$0x19200] =	vst v63  }
0x137: {  	s6 =	sld [smem:$0x7F9];
	_ =	sdelay $0x1  }
0x138: {  	s7 =	simm.s32 $0xA200  }
0x139: {  	[tilespmem:s7], [sflag:$0x1] =	stream.strided.gather [hbm4b:s6+s22], $0x200, s23, s22, $0x38;
	[tilespmem:$0x19200] =	vst v63  }
0x13a: {  	s6 =	sld [smem:$0x7FA];
	_ =	sdelay $0x1  }
0x13b: {  	s7 =	simm.s32 $0xA400  }
0x13c: {  	[tilespmem:s7], [sflag:$0x1] =	stream.strided.gather [hbm4b:s6+s22], $0x200, s23, s22, $0x38;
	[tilespmem:$0x19200] =	vst v63  }
0x13d: {  	s6 =	sld [smem:$0x7FB];
	_ =	sdelay $0x1  }
0x13e: {  	s7 =	simm.s32 $0xA600  }
0x13f: {  	[tilespmem:s7], [sflag:$0x1] =	stream.strided.gather [hbm4b:s6+s22], $0x200, s23, s22, $0x38;
	[tilespmem:$0x19200] =	vst v63  }
0x140: {  	s6 =	sld [smem:$0x7FC];
	_ =	sdelay $0x1  }
0x141: {  	s7 =	simm.s32 $0xA800  }
0x142: {  	[tilespmem:s7], [sflag:$0x1] =	stream.strided.gather [hbm4b:s6+s22], $0x200, s23, s22, $0x38;
	[tilespmem:$0x19200] =	vst v63  }
0x143: {  	s6 =	sld [smem:$0x7FD];
	_ =	sdelay $0x1  }
0x144: {  	s7 =	simm.s32 $0xAA00  }
0x145: {  	[tilespmem:s7], [sflag:$0x1] =	stream.strided.gather [hbm4b:s6+s22], $0x200, s23, s22, $0x38;
	[tilespmem:$0x19200] =	vst v63  }
0x146: {  	s5 =	simm.s32 $0xAC00  }
0x147: {  	[tilespmem:s5], [sflag:$0x1] =	stream.strided.gather [hbm4b:s8+s22], $0x200, s23, s22, $0x38;
	[tilespmem:$0x19200] =	vst v63  }
0x148: {  	s6 =	simm.s32 $0xAE00  }
0x149: {  	[tilespmem:s6], [sflag:$0x1] =	stream.strided.gather [hbm4b:s9+s22], $0x200, s23, s22, $0x38;
	[tilespmem:$0x19200] =	vst v63  }
0x14a: {  	s7 =	simm.s32 $0xB000  }
0x14b: {  	[tilespmem:s7], [sflag:$0x1] =	stream.strided.gather [hbm4b:s10+s22], $0x200, s23, s22, $0x38;
	[tilespmem:$0x19200] =	vst v63  }
0x14c: {  	s5 =	simm.s32 $0xB200  }
0x14d: {  	[tilespmem:s5], [sflag:$0x1] =	stream.strided.gather [hbm4b:s11+s22], $0x200, s23, s22, $0x38;
	[tilespmem:$0x19200] =	vst v63  }
0x14e: {  	s6 =	simm.s32 $0xB400  }
0x14f: {  	[tilespmem:s6], [sflag:$0x1] =	stream.strided.gather [hbm4b:s12+s22], $0x200, s23, s22, $0x38;
	[tilespmem:$0x19200] =	vst v63  }
0x150: {  	s7 =	simm.s32 $0xB600  }
0x151: {  	[tilespmem:s7], [sflag:$0x1] =	stream.strided.gather [hbm4b:s13+s22], $0x200, s23, s22, $0x38;
	[tilespmem:$0x19200] =	vst v63  }
0x152: {  	s5 =	simm.s32 $0xB800  }
0x153: {  	[tilespmem:s5], [sflag:$0x1] =	stream.strided.gather [hbm4b:s14+s22], $0x200, s23, s22, $0x38;
	[tilespmem:$0x19200] =	vst v63  }
0x154: {  	s6 =	simm.s32 $0xBA00  }
0x155: {  	[tilespmem:s6], [sflag:$0x1] =	stream.strided.gather [hbm4b:s15+s22], $0x200, s23, s22, $0x38;
	[tilespmem:$0x19200] =	vst v63  }
0x156: {  	s7 =	simm.s32 $0xBC00  }
0x157: {  	[tilespmem:s7], [sflag:$0x1] =	stream.strided.gather [hbm4b:s16+s22], $0x200, s23, s22, $0x38;
	[tilespmem:$0x19200] =	vst v63  }
0x158: {  	s5 =	simm.s32 $0xBE00  }
0x159: {  	[tilespmem:s5], [sflag:$0x1] =	stream.strided.gather [hbm4b:s17+s22], $0x200, s23, s22, $0x38;
	[tilespmem:$0x19200] =	vst v63  }
0x15a: {  	s6 =	simm.s32 $0xC000  }
0x15b: {  	[tilespmem:s6], [sflag:$0x1] =	stream.strided.gather [hbm4b:s18+s22], $0x200, s23, s22, $0x38;
	[tilespmem:$0x19200] =	vst v63  }
0x15c: {  	s7 =	simm.s32 $0xC200  }
0x15d: {  	[tilespmem:s7], [sflag:$0x1] =	stream.strided.gather [hbm4b:s19+s22], $0x200, s23, s22, $0x38;
	[tilespmem:$0x19200] =	vst v63  }
0x15e: {  	s5 =	simm.s32 $0xC400  }
0x15f: {  	[tilespmem:s5], [sflag:$0x1] =	stream.strided.gather [hbm4b:s20+s22], $0x200, s23, s22, $0x38;
	[tilespmem:$0x19200] =	vst v63  }
0x160: {  	s6 =	simm.s32 $0xC600  }
0x161: {  	[tilespmem:s6], [sflag:$0x1] =	stream.strided.gather [hbm4b:s21+s22], $0x200, s23, s22, $0x38;
	[tilespmem:$0x19200] =	vst v63  }
0x162: {  	_ =	swait.ge [sflag:s28], $0x200  }
0x163: {  	[sflag:s28] =	ssyncset.done $0x0  }
0x164: {  	[sflag:s28] =	ssyncadd.s32 $0xFFFFFE00  }
0x165: {  	_ =	swait.ge [sflag:s28], $0x200  }
0x166: {  	[sflag:s28] =	ssyncset.done $0x0  }
0x167: {  	[sflag:s28] =	ssyncadd.s32 $0xFFFFFE00  }
0x168: {  	_ =	swait.ge [sflag:s28], $0x200  }
0x169: {  	[sflag:s28] =	ssyncset.done $0x0  }
0x16a: {  	[sflag:s28] =	ssyncadd.s32 $0xFFFFFE00  }
0x16b: {  	_ =	swait.ge [sflag:s28], $0x200  }
0x16c: {  	[sflag:s28] =	ssyncset.done $0x0  }
0x16d: {  	[sflag:s28] =	ssyncadd.s32 $0xFFFFFE00  }
0x16e: {  	_ =	swait.ge [sflag:s28], $0x200  }
0x16f: {  	[sflag:s28] =	ssyncset.done $0x0  }
0x170: {  	[sflag:s28] =	ssyncadd.s32 $0xFFFFFE00  }
0x171: {  	_ =	swait.ge [sflag:s28], $0x200  }
0x172: {  	[sflag:s28] =	ssyncset.done $0x0  }
0x173: {  	[sflag:s28] =	ssyncadd.s32 $0xFFFFFE00  }
0x174: {  	_ =	swait.ge [sflag:s28], $0x200  }
0x175: {  	[sflag:s28] =	ssyncset.done $0x0  }
0x176: {  	[sflag:s28] =	ssyncadd.s32 $0xFFFFFE00  }
0x177: {  	_ =	swait.ge [sflag:s28], $0x200  }
0x178: {  	[sflag:s28] =	ssyncset.done $0x0  }
0x179: {  	[sflag:s28] =	ssyncadd.s32 $0xFFFFFE00  }
0x17a: {  	_ =	swait.ge [sflag:s28], $0x200  }
0x17b: {  	[sflag:s28] =	ssyncset.done $0x0  }
0x17c: {  	[sflag:s28] =	ssyncadd.s32 $0xFFFFFE00  }
0x17d: {  	_ =	swait.ge [sflag:s28], $0x200  }
0x17e: {  	[sflag:s28] =	ssyncset.done $0x0  }
0x17f: {  	[sflag:s28] =	ssyncadd.s32 $0xFFFFFE00  }
0x180: {  	_ =	swait.ge [sflag:s28], $0x200  }
0x181: {  	[sflag:s28] =	ssyncset.done $0x0  }
0x182: {  	[sflag:s28] =	ssyncadd.s32 $0xFFFFFE00  }
0x183: {  	_ =	swait.ge [sflag:s28], $0x200  }
0x184: {  	[sflag:s28] =	ssyncset.done $0x0  }
0x185: {  	[sflag:s28] =	ssyncadd.s32 $0xFFFFFE00  }
0x186: {  	_ =	swait.ge [sflag:s28], $0x200  }
0x187: {  	[sflag:s28] =	ssyncset.done $0x0  }
0x188: {  	[sflag:s28] =	ssyncadd.s32 $0xFFFFFE00  }
0x189: {  	_ =	swait.ge [sflag:s28], $0x200  }
0x18a: {  	[sflag:s28] =	ssyncset.done $0x0  }
0x18b: {  	[sflag:s28] =	ssyncadd.s32 $0xFFFFFE00  }
0x18c: {  	_ =	swait.ge [sflag:s28], $0x200  }
0x18d: {  	[sflag:s28] =	ssyncset.done $0x0  }
0x18e: {  	[sflag:s28] =	ssyncadd.s32 $0xFFFFFE00  }
0x18f: {  	_ =	swait.ge [sflag:s28], $0x200  }
0x190: {  	[sflag:s28] =	ssyncset.done $0x0  }
0x191: {  	[sflag:s28] =	ssyncadd.s32 $0xFFFFFE00  }
0x192: {  	_ =	swait.ge [sflag:s28], $0x200  }
0x193: {  	[sflag:s28] =	ssyncset.done $0x0  }
0x194: {  	[sflag:s28] =	ssyncadd.s32 $0xFFFFFE00  }
0x195: {  	_ =	swait.ge [sflag:s28], $0x200  }
0x196: {  	[sflag:s28] =	ssyncset.done $0x0  }
0x197: {  	[sflag:s28] =	ssyncadd.s32 $0xFFFFFE00  }
0x198: {  	_ =	swait.ge [sflag:s28], $0x200  }
0x199: {  	[sflag:s28] =	ssyncset.done $0x0  }
0x19a: {  	[sflag:s28] =	ssyncadd.s32 $0xFFFFFE00  }
0x19b: {  	_ =	swait.ge [sflag:s28], $0x200  }
0x19c: {  	[sflag:s28] =	ssyncset.done $0x0  }
0x19d: {  	[sflag:s28] =	ssyncadd.s32 $0xFFFFFE00  }
0x19e: {  	_ =	swait.ge [sflag:s28], $0x200  }
0x19f: {  	[sflag:s28] =	ssyncset.done $0x0  }
0x1a0: {  	[sflag:s28] =	ssyncadd.s32 $0xFFFFFE00  }
0x1a1: {  	_ =	swait.ge [sflag:s28], $0x200  }
0x1a2: {  	[sflag:s28] =	ssyncset.done $0x0  }
0x1a3: {  	[sflag:s28] =	ssyncadd.s32 $0xFFFFFE00  }
0x1a4: {  	_ =	swait.ge [sflag:s28], $0x200  }
0x1a5: {  	[sflag:s28] =	ssyncset.done $0x0  }
0x1a6: {  	[sflag:s28] =	ssyncadd.s32 $0xFFFFFE00  }
0x1a7: {  	_ =	swait.ge [sflag:s28], $0x200  }
0x1a8: {  	[sflag:s28] =	ssyncset.done $0x0  }
0x1a9: {  	[sflag:s28] =	ssyncadd.s32 $0xFFFFFE00  }
0x1aa: {  	_ =	swait.ge [sflag:s28], $0x200  }
0x1ab: {  	[sflag:s28] =	ssyncset.done $0x0  }
0x1ac: {  	[sflag:s28] =	ssyncadd.s32 $0xFFFFFE00  }
0x1ad: {  	_ =	swait.ge [sflag:s28], $0x200  }
0x1ae: {  	[sflag:s28] =	ssyncset.done $0x0  }
0x1af: {  	[sflag:s28] =	ssyncadd.s32 $0xFFFFFE00  }
0x1b0: {  	_ =	swait.ge [sflag:s28], $0x200  }
0x1b1: {  	[sflag:s28] =	ssyncset.done $0x0  }
0x1b2: {  	[sflag:s28] =	ssyncadd.s32 $0xFFFFFE00  }
0x1b3: {  	_ =	swait.ge [sflag:s28], $0x200  }
0x1b4: {  	[sflag:s28] =	ssyncset.done $0x0  }
0x1b5: {  	[sflag:s28] =	ssyncadd.s32 $0xFFFFFE00  }
0x1b6: {  	_ =	swait.ge [sflag:s28], $0x200  }
0x1b7: {  	[sflag:s28] =	ssyncset.done $0x0  }
0x1b8: {  	[sflag:s28] =	ssyncadd.s32 $0xFFFFFE00  }
0x1b9: {  	_ =	swait.ge [sflag:s28], $0x200  }
0x1ba: {  	[sflag:s28] =	ssyncset.done $0x0  }
0x1bb: {  	[sflag:s28] =	ssyncadd.s32 $0xFFFFFE00  }
0x1bc: {  	_ =	swait.ge [sflag:s28], $0x200  }
0x1bd: {  	[sflag:s28] =	ssyncset.done $0x0  }
0x1be: {  	[sflag:s28] =	ssyncadd.s32 $0xFFFFFE00  }
0x1bf: {  	_ =	swait.ge [sflag:s28], $0x200  }
0x1c0: {  	[sflag:s28] =	ssyncset.done $0x0  }
0x1c1: {  	[sflag:s28] =	ssyncadd.s32 $0xFFFFFE00  }
0x1c2: {  	_ =	swait.ge [sflag:s28], $0x200  }
0x1c3: {  	[sflag:s28] =	ssyncset.done $0x0  }
0x1c4: {  	[sflag:s28] =	ssyncadd.s32 $0xFFFFFE00  }
0x1c5: {  	_ =	swait.ge [sflag:s28], $0x200  }
0x1c6: {  	[sflag:s28] =	ssyncset.done $0x0  }
0x1c7: {  	[sflag:s28] =	ssyncadd.s32 $0xFFFFFE00  }
0x1c8: {  	_ =	swait.ge [sflag:s28], $0x200  }
0x1c9: {  	[sflag:s28] =	ssyncset.done $0x0  }
0x1ca: {  	[sflag:s28] =	ssyncadd.s32 $0xFFFFFE00  }
0x1cb: {  	_ =	swait.ge [sflag:s28], $0x200  }
0x1cc: {  	[sflag:s28] =	ssyncset.done $0x0  }
0x1cd: {  	[sflag:s28] =	ssyncadd.s32 $0xFFFFFE00  }
0x1ce: {  	_ =	swait.ge [sflag:s28], $0x200  }
0x1cf: {  	[sflag:s28] =	ssyncset.done $0x0  }
0x1d0: {  	[sflag:s28] =	ssyncadd.s32 $0xFFFFFE00  }
0x1d1: {  	_ =	swait.ge [sflag:s28], $0x200  }
0x1d2: {  	[sflag:s28] =	ssyncset.done $0x0  }
0x1d3: {  	[sflag:s28] =	ssyncadd.s32 $0xFFFFFE00  }
0x1d4: {  	_ =	swait.ge [sflag:s28], $0x200  }
0x1d5: {  	[sflag:s28] =	ssyncset.done $0x0  }
0x1d6: {  	[sflag:s28] =	ssyncadd.s32 $0xFFFFFE00  }
0x1d7: {  	_ =	swait.ge [sflag:s28], $0x200  }
0x1d8: {  	[sflag:s28] =	ssyncset.done $0x0  }
0x1d9: {  	[sflag:s28] =	ssyncadd.s32 $0xFFFFFE00  }
0x1da: {  	_ =	swait.ge [sflag:s28], $0x200  }
0x1db: {  	[sflag:s28] =	ssyncset.done $0x0  }
0x1dc: {  	[sflag:s28] =	ssyncadd.s32 $0xFFFFFE00  }
0x1dd: {  	_ =	swait.ge [sflag:s28], $0x200  }
0x1de: {  	[sflag:s28] =	ssyncset.done $0x0  }
0x1df: {  	[sflag:s28] =	ssyncadd.s32 $0xFFFFFE00  }
0x1e0: {  	_ =	swait.ge [sflag:s28], $0x200  }
0x1e1: {  	[sflag:s28] =	ssyncset.done $0x0  }
0x1e2: {  	[sflag:s28] =	ssyncadd.s32 $0xFFFFFE00  }
0x1e3: {  	_ =	swait.ge [sflag:s28], $0x200  }
0x1e4: {  	[sflag:s28] =	ssyncset.done $0x0  }
0x1e5: {  	[sflag:s28] =	ssyncadd.s32 $0xFFFFFE00  }
0x1e6: {  	_ =	swait.ge [sflag:s28], $0x200  }
0x1e7: {  	[sflag:s28] =	ssyncset.done $0x0  }
0x1e8: {  	[sflag:s28] =	ssyncadd.s32 $0xFFFFFE00  }
0x1e9: {  	_ =	swait.ge [sflag:s28], $0x200  }
0x1ea: {  	[sflag:s28] =	ssyncset.done $0x0  }
0x1eb: {  	[sflag:s28] =	ssyncadd.s32 $0xFFFFFE00  }
0x1ec: {  	_ =	swait.ge [sflag:s28], $0x200  }
0x1ed: {  	[sflag:s28] =	ssyncset.done $0x0  }
0x1ee: {  	[sflag:s28] =	ssyncadd.s32 $0xFFFFFE00  }
0x1ef: {  	_ =	swait.ge [sflag:s28], $0x200  }
0x1f0: {  	[sflag:s28] =	ssyncset.done $0x0  }
0x1f1: {  	[sflag:s28] =	ssyncadd.s32 $0xFFFFFE00  }
0x1f2: {  	_ =	swait.ge [sflag:s28], $0x200  }
0x1f3: {  	[sflag:s28] =	ssyncset.done $0x0  }
0x1f4: {  	[sflag:s28] =	ssyncadd.s32 $0xFFFFFE00  }
0x1f5: {  	_ =	swait.ge [sflag:s28], $0x200  }
0x1f6: {  	[sflag:s28] =	ssyncset.done $0x0  }
0x1f7: {  	[sflag:s28] =	ssyncadd.s32 $0xFFFFFE00  }
0x1f8: {  	_ =	swait.ge [sflag:s28], $0x200  }
0x1f9: {  	[sflag:s28] =	ssyncset.done $0x0  }
0x1fa: {  	[sflag:s28] =	ssyncadd.s32 $0xFFFFFE00  }
0x1fb: {  	_ =	swait.ge [sflag:s28], $0x200  }
0x1fc: {  	[sflag:s28] =	ssyncset.done $0x0  }
0x1fd: {  	[sflag:s28] =	ssyncadd.s32 $0xFFFFFE00  }
0x1fe: {  	_ =	swait.ge [sflag:s28], $0x200  }
0x1ff: {  	[sflag:s28] =	ssyncset.done $0x0  }
0x200: {  	[sflag:s28] =	ssyncadd.s32 $0xFFFFFE00  }
0x201: {  	_ =	swait.ge [sflag:s28], $0x200  }
0x202: {  	[sflag:s28] =	ssyncset.done $0x0  }
0x203: {  	[sflag:s28] =	ssyncadd.s32 $0xFFFFFE00  }
0x204: {  	_ =	swait.ge [sflag:s28], $0x200  }
0x205: {  	[sflag:s28] =	ssyncset.done $0x0  }
0x206: {  	[sflag:s28] =	ssyncadd.s32 $0xFFFFFE00  }
0x207: {  	_ =	swait.ge [sflag:s28], $0x200  }
0x208: {  	[sflag:s28] =	ssyncset.done $0x0  }
0x209: {  	[sflag:s28] =	ssyncadd.s32 $0xFFFFFE00  }
0x20a: {  	_ =	swait.ge [sflag:s28], $0x200  }
0x20b: {  	[sflag:s28] =	ssyncset.done $0x0  }
0x20c: {  	[sflag:s28] =	ssyncadd.s32 $0xFFFFFE00  }
0x20d: {  	_ =	swait.ge [sflag:s28], $0x200  }
0x20e: {  	[sflag:s28] =	ssyncset.done $0x0  }
0x20f: {  	[sflag:s28] =	ssyncadd.s32 $0xFFFFFE00  }
0x210: {  	_ =	swait.ge [sflag:s28], $0x200  }
0x211: {  	[sflag:s28] =	ssyncset.done $0x0  }
0x212: {  	[sflag:s28] =	ssyncadd.s32 $0xFFFFFE00  }
0x213: {  	_ =	swait.ge [sflag:s28], $0x200  }
0x214: {  	[sflag:s28] =	ssyncset.done $0x0  }
0x215: {  	[sflag:s28] =	ssyncadd.s32 $0xFFFFFE00  }
0x216: {  	_ =	swait.ge [sflag:s28], $0x200  }
0x217: {  	[sflag:s28] =	ssyncset.done $0x0  }
0x218: {  	[sflag:s28] =	ssyncadd.s32 $0xFFFFFE00  }
0x219: {  	_ =	swait.ge [sflag:s28], $0x200  }
0x21a: {  	[sflag:s28] =	ssyncset.done $0x0  }
0x21b: {  	[sflag:s28] =	ssyncadd.s32 $0xFFFFFE00  }
0x21c: {  	_ =	swait.ge [sflag:s28], $0x200  }
0x21d: {  	[sflag:s28] =	ssyncset.done $0x0  }
0x21e: {  	[sflag:s28] =	ssyncadd.s32 $0xFFFFFE00  }
0x21f: {  	_ =	swait.ge [sflag:s28], $0x200  }
0x220: {  	[sflag:s28] =	ssyncset.done $0x0  }
0x221: {  	[sflag:s28] =	ssyncadd.s32 $0xFFFFFE00  }
0x222: {  	_ =	swait.ge [sflag:s28], $0x200  }
0x223: {  	[sflag:s28] =	ssyncset.done $0x0  }
0x224: {  	[sflag:s28] =	ssyncadd.s32 $0xFFFFFE00  }
0x225: {  	_ =	swait.ge [sflag:s28], $0x200  }
0x226: {  	[sflag:s28] =	ssyncset.done $0x0  }
0x227: {  	[sflag:s28] =	ssyncadd.s32 $0xFFFFFE00  }
0x228: {  	_ =	swait.ge [sflag:s28], $0x200  }
0x229: {  	[sflag:s28] =	ssyncset.done $0x0  }
0x22a: {  	[sflag:s28] =	ssyncadd.s32 $0xFFFFFE00  }
0x22b: {  	_ =	swait.ge [sflag:s28], $0x200  }
0x22c: {  	[sflag:s28] =	ssyncset.done $0x0  }
0x22d: {  	[sflag:s28] =	ssyncadd.s32 $0xFFFFFE00  }
0x22e: {  	_ =	swait.ge [sflag:s28], $0x200  }
0x22f: {  	[sflag:s28] =	ssyncset.done $0x0  }
0x230: {  	[sflag:s28] =	ssyncadd.s32 $0xFFFFFE00  }
0x231: {  	_ =	swait.ge [sflag:s28], $0x200  }
0x232: {  	[sflag:s28] =	ssyncset.done $0x0  }
0x233: {  	[sflag:s28] =	ssyncadd.s32 $0xFFFFFE00  }
0x234: {  	_ =	swait.ge [sflag:s28], $0x200  }
0x235: {  	[sflag:s28] =	ssyncset.done $0x0  }
0x236: {  	[sflag:s28] =	ssyncadd.s32 $0xFFFFFE00  }
0x237: {  	_ =	swait.ge [sflag:s28], $0x200  }
0x238: {  	[sflag:s28] =	ssyncset.done $0x0  }
0x239: {  	[sflag:s28] =	ssyncadd.s32 $0xFFFFFE00  }
0x23a: {  	_ =	swait.ge [sflag:s28], $0x200  }
0x23b: {  	[sflag:s28] =	ssyncset.done $0x0  }
0x23c: {  	[sflag:s28] =	ssyncadd.s32 $0xFFFFFE00  }
0x23d: {  	_ =	swait.ge [sflag:s28], $0x200  }
0x23e: {  	[sflag:s28] =	ssyncset.done $0x0  }
0x23f: {  	[sflag:s28] =	ssyncadd.s32 $0xFFFFFE00  }
0x240: {  	_ =	swait.ge [sflag:s28], $0x200  }
0x241: {  	[sflag:s28] =	ssyncset.done $0x0  }
0x242: {  	[sflag:s28] =	ssyncadd.s32 $0xFFFFFE00  }
0x243: {  	_ =	swait.ge [sflag:s28], $0x200  }
0x244: {  	[sflag:s28] =	ssyncset.done $0x0  }
0x245: {  	[sflag:s28] =	ssyncadd.s32 $0xFFFFFE00  }
0x246: {  	_ =	swait.ge [sflag:s28], $0x200  }
0x247: {  	[sflag:s28] =	ssyncset.done $0x0  }
0x248: {  	[sflag:s28] =	ssyncadd.s32 $0xFFFFFE00  }
0x249: {  	_ =	swait.ge [sflag:s28], $0x200  }
0x24a: {  	[sflag:s28] =	ssyncset.done $0x0  }
0x24b: {  	[sflag:s28] =	ssyncadd.s32 $0xFFFFFE00  }
0x24c: {  	_ =	swait.ge [sflag:s28], $0x200  }
0x24d: {  	[sflag:s28] =	ssyncset.done $0x0  }
0x24e: {  	[sflag:s28] =	ssyncadd.s32 $0xFFFFFE00  }
0x24f: {  	_ =	swait.ge [sflag:s28], $0x200  }
0x250: {  	[sflag:s28] =	ssyncset.done $0x0  }
0x251: {  	[sflag:s28] =	ssyncadd.s32 $0xFFFFFE00  }
0x252: {  	_ =	swait.ge [sflag:s28], $0x200  }
0x253: {  	[sflag:s28] =	ssyncset.done $0x0  }
0x254: {  	[sflag:s28] =	ssyncadd.s32 $0xFFFFFE00  }
0x255: {  	_ =	swait.ge [sflag:s28], $0x200  }
0x256: {  	[sflag:s28] =	ssyncset.done $0x0  }
0x257: {  	[sflag:s28] =	ssyncadd.s32 $0xFFFFFE00  }
0x258: {  	_ =	swait.ge [sflag:s28], $0x200  }
0x259: {  	[sflag:s28] =	ssyncset.done $0x0  }
0x25a: {  	[sflag:s28] =	ssyncadd.s32 $0xFFFFFE00  }
0x25b: {  	_ =	swait.ge [sflag:s28], $0x200  }
0x25c: {  	[sflag:s28] =	ssyncset.done $0x0  }
0x25d: {  	[sflag:s28] =	ssyncadd.s32 $0xFFFFFE00  }
0x25e: {  	_ =	swait.ge [sflag:s28], $0x200  }
0x25f: {  	[sflag:s28] =	ssyncset.done $0x0  }
0x260: {  	[sflag:s28] =	ssyncadd.s32 $0xFFFFFE00  }
0x261: {  	_ =	swait.ge [sflag:s28], $0x200  }
0x262: {  	[sflag:s28] =	ssyncset.done $0x0  }
0x263: {  	[sflag:s28] =	ssyncadd.s32 $0xFFFFFE00  }
0x264: {  	_ =	swait.ge [sflag:s28], $0x200  }
0x265: {  	[sflag:s28] =	ssyncset.done $0x0  }
0x266: {  	[sflag:s28] =	ssyncadd.s32 $0xFFFFFE00  }
0x267: {  	_ =	swait.ge [sflag:s28], $0x200  }
0x268: {  	[sflag:s28] =	ssyncset.done $0x0  }
0x269: {  	[sflag:s28] =	ssyncadd.s32 $0xFFFFFE00  }
0x26a: {  	_ =	swait.ge [sflag:s28], $0x200  }
0x26b: {  	[sflag:s28] =	ssyncset.done $0x0  }
0x26c: {  	[sflag:s28] =	ssyncadd.s32 $0xFFFFFE00  }
0x26d: {  	_ =	swait.ge [sflag:s28], $0x200  }
0x26e: {  	[sflag:s28] =	ssyncset.done $0x0  }
0x26f: {  	[sflag:s28] =	ssyncadd.s32 $0xFFFFFE00  }
0x270: {  	_ =	swait.ge [sflag:s28], $0x200  }
0x271: {  	[sflag:s28] =	ssyncset.done $0x0  }
0x272: {  	[sflag:s28] =	ssyncadd.s32 $0xFFFFFE00  }
0x273: {  	_ =	swait.ge [sflag:s28], $0x200  }
0x274: {  	[sflag:s28] =	ssyncset.done $0x0  }
0x275: {  	[sflag:s28] =	ssyncadd.s32 $0xFFFFFE00  }
0x276: {  	_ =	swait.ge [sflag:s28], $0x200  }
0x277: {  	[sflag:s28] =	ssyncset.done $0x0  }
0x278: {  	[sflag:s28] =	ssyncadd.s32 $0xFFFFFE00  }
0x279: {  	_ =	swait.ge [sflag:s28], $0x200  }
0x27a: {  	[sflag:s28] =	ssyncset.done $0x0  }
0x27b: {  	[sflag:s28] =	ssyncadd.s32 $0xFFFFFE00  }
0x27c: {  	_ =	swait.ge [sflag:s28], $0x200  }
0x27d: {  	[sflag:s28] =	ssyncset.done $0x0  }
0x27e: {  	[sflag:s28] =	ssyncadd.s32 $0xFFFFFE00  }
0x27f: {  	_ =	swait.ge [sflag:s28], $0x200  }
0x280: {  	[sflag:s28] =	ssyncset.done $0x0  }
0x281: {  	[sflag:s28] =	ssyncadd.s32 $0xFFFFFE00  }
0x282: {  	_ =	swait.ge [sflag:s28], $0x200  }
0x283: {  	[sflag:s28] =	ssyncset.done $0x0  }
0x284: {  	[sflag:s28] =	ssyncadd.s32 $0xFFFFFE00  }
0x285: {  	_ =	swait.ge [sflag:s28], $0x200  }
0x286: {  	[sflag:s28] =	ssyncset.done $0x0  }
0x287: {  	[sflag:s28] =	ssyncadd.s32 $0xFFFFFE00  }
0x288: {  	_ =	swait.ge [sflag:s28], $0x200  }
0x289: {  	[sflag:s28] =	ssyncset.done $0x0  }
0x28a: {  	[sflag:s28] =	ssyncadd.s32 $0xFFFFFE00  }
0x28b: {  	_ =	swait.ge [sflag:s28], $0x200  }
0x28c: {  	[sflag:s28] =	ssyncset.done $0x0  }
0x28d: {  	s1 =	simm.s32 $0xC800;
	[sflag:s28] =	ssyncadd.s32 $0xFFFFFE00  }
0x28e: {  	[tilespmem:s1], [sflag:$0x2] =	stream.indirect.gather [hbm4b:s3+s24], $0x1, s2, s24, $0xb8;
	[tilespmem:$0x19200] =	vst v63  }
0x28f: {  	s7 =	simm.s32 $0xFA00  }
0x290: {  	[tilespmem:s7], [sflag:$0x2] =	stream.indirect.gather [hbm4b:s3+s24], $0x1, s24, s24, $0xb8;
	[tilespmem:$0x19200] =	vst v63  }
0x291: {  	s6 =	simm.s32 $0x12C00  }
0x292: {  	[tilespmem:s6], [sflag:$0x2] =	stream.indirect.gather [hbm4b:s3+s24], $0x1, s25, s24, $0xb8;
	[tilespmem:$0x19200] =	vst v63  }
0x293: {  	s7 =	simm.s32 $0x15E00  }
0x294: {  	[tilespmem:s7], [sflag:$0x2] =	stream.indirect.gather [hbm4b:s3+s24], $0x1, s26, s24, $0xb8;
	[tilespmem:$0x19200] =	vst v63  }
0x295: {  	_ =	swait.ge [sflag:s29], $0x3200  }
0x296: {  	[sflag:s29] =	ssyncset.done $0x0  }
0x297: {  	s6 =	sand.u32 $0x1F0, s2;
	[sflag:s29] =	ssyncadd.s32 $0xFFFFCE00  }
0x298: {  	v0 =	vld [tilespmem:s6+$0xF200]  }
0x299: {  	v1 =	vld [tilespmem:s6+$0xF800]  }
0x29a: {  	v2 =	vld [tilespmem:s6+$0xEA00]  }
0x29b: {  	v3 =	vld [tilespmem:s6+$0xF000]  }
0x29c: {  	v4 =	vld [tilespmem:s6+$0xE200]  }
0x29d: {  	v5 =	vld [tilespmem:s6+$0xE800]  }
0x29e: {  	v6 =	vld [tilespmem:s6+$0xDA00]  }
0x29f: {  	v7 =	vld [tilespmem:s6+$0xE000]  }
0x2a0: {  	v8 =	vld [tilespmem:s6+$0xD200]  }
0x2a1: {  	v9 =	vld [tilespmem:s6+$0xD800]  }
0x2a2: {  	v10 =	vld [tilespmem:s6+$0xCA00]  }
0x2a3: {  	v11 =	vld [tilespmem:s6+$0xD000]  }
0x2a4: {  	v12 =	vld [tilespmem:s1+$0x0]  }
0x2a5: {  	v13 =	vld [tilespmem:s6+$0xCC00]  }
0x2a6: {  	v14 =	vld [tilespmem:s6+$0xCE00]  }
0x2a7: {  	v15 =	vld [tilespmem:s6+$0xD400]  }
0x2a8: {  	v16 =	vld [tilespmem:s6+$0xD600]  }
0x2a9: {  	v17 =	vld [tilespmem:s6+$0xDC00];
	v12 =	vadd.f32 $0.0e+00, v12  }
0x2aa: {  	v18 =	vld [tilespmem:s6+$0xDE00];
	v10 =	vadd.f32 $0.0e+00, v10;
	v13 =	vadd.f32 $0.0e+00, v13  }
0x2ab: {  	v14 =	vadd.f32 $0.0e+00, v14;
	v11 =	vadd.f32 v11, v12;
	v12 =	vld [tilespmem:s6+$0xE400]  }
0x2ac: {  	v8 =	vadd.f32 v8, v10;
	v10 =	vadd.f32 v15, v13;
	v13 =	vld [tilespmem:s6+$0xE600]  }
0x2ad: {  	v14 =	vadd.f32 v16, v14;
	v9 =	vadd.f32 v9, v11;
	v11 =	vld [tilespmem:s6+$0xEC00]  }
0x2ae: {  	v6 =	vadd.f32 v6, v8;
	v8 =	vadd.f32 v17, v10;
	v10 =	vld [tilespmem:s6+$0xEE00]  }
0x2af: {  	v14 =	vadd.f32 v18, v14;
	v7 =	vadd.f32 v7, v9;
	v9 =	vld [tilespmem:s6+$0xF400]  }
0x2b0: {  	v4 =	vadd.f32 v4, v6;
	v6 =	vadd.f32 v12, v8;
	v8 =	vld [tilespmem:s6+$0xF600]  }
0x2b1: {  	v12 =	vadd.f32 v13, v14;
	v5 =	vadd.f32 v5, v7  }
0x2b2: {  	v2 =	vadd.f32 v2, v4;
	v4 =	vadd.f32 v11, v6  }
0x2b3: {  	v6 =	vadd.f32 v10, v12;
	v3 =	vadd.f32 v3, v5  }
0x2b4: {  	v0 =	vadd.f32 v0, v2;
	v2 =	vadd.f32 v9, v4  }
0x2b5: {  	v4 =	vadd.f32 v8, v6;
	v1 =	vadd.f32 v1, v3;
	_ =	sdelay $0x1  }
0x2b6: {  	v0 =	vadd.f32 v1, v0;
	v1 =	vadd.f32 v4, v2;
	_ =	sdelay $0x1  }
0x2b7: {  	v0 =	vadd.f32 v0, v1  }
0x2b8: {  	s7 =	simm.s32 $0x10  }
0x2b9: {  	s5 =	sand.u32 $0x1F0, s7;
	[tilespmem:s30+$0x0] =	vst v0  }
0x2ba: {  	v1 =	vld [tilespmem:s5+$0xF200]  }
0x2bb: {  	v0 =	vld [tilespmem:s5+$0xF800]  }
0x2bc: {  	v3 =	vld [tilespmem:s5+$0xEA00]  }
0x2bd: {  	v2 =	vld [tilespmem:s5+$0xF000]  }
0x2be: {  	v5 =	vld [tilespmem:s5+$0xE200]  }
0x2bf: {  	v4 =	vld [tilespmem:s5+$0xE800]  }
0x2c0: {  	v7 =	vld [tilespmem:s5+$0xDA00]  }
0x2c1: {  	v6 =	vld [tilespmem:s5+$0xE000]  }
0x2c2: {  	v9 =	vld [tilespmem:s5+$0xD200]  }
0x2c3: {  	v8 =	vld [tilespmem:s5+$0xD800]  }
0x2c4: {  	v11 =	vld [tilespmem:s5+$0xCA00]  }
0x2c5: {  	s6 =	simm.s32 $0xC810;
	v10 =	vld [tilespmem:s5+$0xD000]  }
0x2c6: {  	s7 =	simm.s32 $0x20;
	s1 =	simm.s32 $0x19000;
	v12 =	vld [tilespmem:s6+$0x0]  }
.LBB2_2:
0x2c7: {  	p0 =	sne.s32 s7, $0x1F0;
	v13 =	vld [tilespmem:s5+$0xCC00]  }
0x2c8: {  	v14 =	vld [tilespmem:s5+$0xCE00]  }
0x2c9: {  	v15 =	vld [tilespmem:s5+$0xD400]  }
0x2ca: {  	v16 =	vld [tilespmem:s5+$0xD600]  }
0x2cb: {  	v12 =	vadd.f32 $0.0e+00, v12;
	v17 =	vld [tilespmem:s5+$0xDC00]  }
0x2cc: {  	v11 =	vadd.f32 $0.0e+00, v11;
	v13 =	vadd.f32 $0.0e+00, v13;
	v18 =	vld [tilespmem:s5+$0xDE00]  }
0x2cd: {  	v14 =	vadd.f32 $0.0e+00, v14;
	v10 =	vadd.f32 v10, v12;
	v12 =	vld [tilespmem:s5+$0xE400]  }
0x2ce: {  	v9 =	vadd.f32 v9, v11;
	v11 =	vadd.f32 v15, v13;
	v13 =	vld [tilespmem:s5+$0xE600]  }
0x2cf: {  	v14 =	vadd.f32 v16, v14;
	v8 =	vadd.f32 v8, v10;
	v10 =	vld [tilespmem:s5+$0xEC00]  }
0x2d0: {  	v7 =	vadd.f32 v7, v9;
	v9 =	vadd.f32 v17, v11;
	v11 =	vld [tilespmem:s5+$0xEE00]  }
0x2d1: {  	v14 =	vadd.f32 v18, v14;
	v6 =	vadd.f32 v6, v8;
	v8 =	vld [tilespmem:s5+$0xF400]  }
0x2d2: {  	v5 =	vadd.f32 v5, v7;
	v7 =	vadd.f32 v12, v9;
	v9 =	vld [tilespmem:s5+$0xF600]  }
0x2d3: {  	v12 =	vadd.f32 v13, v14;
	v4 =	vadd.f32 v4, v6  }
0x2d4: {  	v3 =	vadd.f32 v3, v5;
	v5 =	vadd.f32 v10, v7  }
0x2d5: {  	v6 =	vadd.f32 v11, v12;
	v2 =	vadd.f32 v2, v4  }
0x2d6: {  	v1 =	vadd.f32 v1, v3;
	v3 =	vadd.f32 v8, v5  }
0x2d7: {  	v4 =	vadd.f32 v9, v6;
	v0 =	vadd.f32 v0, v2;
	_ =	sdelay $0x1  }
0x2d8: {  	v0 =	vadd.f32 v0, v1;
	v1 =	vadd.f32 v4, v3;
	_ =	sdelay $0x1  }
0x2d9: {  	v0 =	vadd.f32 v0, v1  }
0x2da: {  	s1 =	sadd.s32 $0x10, s1  }
0x2db: {  	s5 =	sand.u32 $0x1F0, s7;
	[tilespmem:s1+$0x0] =	vst v0  }
0x2dc: {  	v1 =	vld [tilespmem:s5+$0xF200]  }
0x2dd: {  	v0 =	vld [tilespmem:s5+$0xF800]  }
0x2de: {  	v3 =	vld [tilespmem:s5+$0xEA00]  }
0x2df: {  	v2 =	vld [tilespmem:s5+$0xF000]  }
0x2e0: {  	v5 =	vld [tilespmem:s5+$0xE200]  }
0x2e1: {  	v4 =	vld [tilespmem:s5+$0xE800]  }
0x2e2: {  	v7 =	vld [tilespmem:s5+$0xDA00]  }
0x2e3: {  	v6 =	vld [tilespmem:s5+$0xE000]  }
.Ltmp0:
0x2e4: {  	v9 =	vld [tilespmem:s5+$0xD200];
	(pc) =	sbr.rel @p0 .LBB2_2-.Ltmp0, $4  }
0x2e5: {  	v8 =	vld [tilespmem:s5+$0xD800]  }
0x2e6: {  	v11 =	vld [tilespmem:s5+$0xCA00]  }
0x2e7: {  	s6 =	sadd.s32 $0x10, s6;
	v10 =	vld [tilespmem:s5+$0xD000]  }
0x2e8: {  	s7 =	sadd.s32 $0x10, s7;
	v12 =	vld [tilespmem:s6+$0x0]  }
0x2e9: {  	v13 =	vld [tilespmem:s5+$0xCC00]  }
0x2ea: {  	v14 =	vld [tilespmem:s5+$0xCE00]  }
0x2eb: {  	v15 =	vld [tilespmem:s5+$0xD400]  }
0x2ec: {  	v16 =	vld [tilespmem:s5+$0xD600]  }
0x2ed: {  	v17 =	vld [tilespmem:s5+$0xDC00];
	v12 =	vadd.f32 $0.0e+00, v12  }
0x2ee: {  	v18 =	vld [tilespmem:s5+$0xDE00];
	v11 =	vadd.f32 $0.0e+00, v11;
	v13 =	vadd.f32 $0.0e+00, v13  }
0x2ef: {  	v53 =	vld [tilespmem:s5+$0xE400];
	v14 =	vadd.f32 $0.0e+00, v14;
	v10 =	vadd.f32 v10, v12  }
0x2f0: {  	v54 =	vld [tilespmem:s5+$0xE600];
	v9 =	vadd.f32 v9, v11;
	v11 =	vadd.f32 v15, v13  }
0x2f1: {  	v14 =	vadd.f32 v16, v14;
	v8 =	vadd.f32 v8, v10;
	v10 =	vld [tilespmem:s5+$0xEC00]  }
0x2f2: {  	v7 =	vadd.f32 v7, v9;
	v9 =	vadd.f32 v17, v11;
	v11 =	vld [tilespmem:s5+$0xEE00]  }
0x2f3: {  	v14 =	vadd.f32 v18, v14;
	v6 =	vadd.f32 v6, v8;
	v8 =	vld [tilespmem:s5+$0xF400]  }
0x2f4: {  	v5 =	vadd.f32 v5, v7;
	v7 =	vadd.f32 v53, v9;
	v9 =	vld [tilespmem:s5+$0xF600]  }
0x2f5: {  	v55 =	vadd.f32 v54, v14;
	v4 =	vadd.f32 v4, v6  }
0x2f6: {  	v3 =	vadd.f32 v3, v5;
	v5 =	vadd.f32 v10, v7  }
0x2f7: {  	v6 =	vadd.f32 v11, v55;
	v2 =	vadd.f32 v2, v4  }
0x2f8: {  	v1 =	vadd.f32 v1, v3;
	v3 =	vadd.f32 v8, v5  }
0x2f9: {  	v4 =	vadd.f32 v9, v6;
	v0 =	vadd.f32 v0, v2;
	_ =	sdelay $0x1  }
0x2fa: {  	v0 =	vadd.f32 v0, v1;
	v1 =	vadd.f32 v4, v3;
	_ =	sdelay $0x1  }
0x2fb: {  	v0 =	vadd.f32 v0, v1  }
0x2fc: {  	s1 =	sadd.s32 $0x10, s1  }
0x2fd: {  	[tilespmem:s1+$0x0] =	vst v0  }
0x2fe: {  	_ =	swait.ge [sflag:s29], $0x3200  }
0x2ff: {  	s6 =	simm.s32 $0x0;
	[sflag:s29] =	ssyncset.done $0x0  }
0x300: {  	s1 =	sand.u32 $0x1F0, s6;
	[sflag:s29] =	ssyncadd.s32 $0xFFFFCE00  }
0x301: {  	v0 =	vld [tilespmem:s1+$0x12800]  }
0x302: {  	v1 =	vld [tilespmem:s1+$0x12A00]  }
0x303: {  	v2 =	vld [tilespmem:s1+$0x12000]  }
0x304: {  	v3 =	vld [tilespmem:s1+$0x12200]  }
0x305: {  	v4 =	vld [tilespmem:s1+$0x11800]  }
0x306: {  	v5 =	vld [tilespmem:s1+$0x11A00]  }
0x307: {  	v6 =	vld [tilespmem:s1+$0x11000]  }
0x308: {  	v7 =	vld [tilespmem:s1+$0x11200]  }
0x309: {  	v8 =	vld [tilespmem:s1+$0x10800]  }
0x30a: {  	v9 =	vld [tilespmem:s1+$0x10A00]  }
0x30b: {  	v10 =	vld [tilespmem:s1+$0x10000]  }
0x30c: {  	v11 =	vld [tilespmem:s1+$0x10200]  }
0x30d: {  	v56 =	vld [tilespmem:s1+$0xFA00]  }
0x30e: {  	v57 =	vld [tilespmem:s1+$0xFC00]  }
0x30f: {  	v58 =	vld [tilespmem:s1+$0xFE00]  }
0x310: {  	v59 =	vld [tilespmem:s1+$0x10400]  }
0x311: {  	v60 =	vld [tilespmem:s1+$0x10600]  }
0x312: {  	v61 =	vld [tilespmem:s1+$0x10C00];
	v12 =	vadd.f32 $0.0e+00, v56  }
0x313: {  	v62 =	vld [tilespmem:s1+$0x10E00];
	v13 =	vadd.f32 $0.0e+00, v57;
	v10 =	vadd.f32 $0.0e+00, v10  }
0x314: {  	v63 =	vld [tilespmem:s1+$0x11400];
	v14 =	vadd.f32 $0.0e+00, v58;
	v11 =	vadd.f32 v11, v12  }
0x315: {  	v13 =	vadd.f32 v59, v13;
	v8 =	vadd.f32 v8, v10;
	v10 =	vld [tilespmem:s1+$0x11600]  }
0x316: {  	v14 =	vadd.f32 v60, v14;
	v9 =	vadd.f32 v9, v11;
	v11 =	vld [tilespmem:s1+$0x11C00]  }
0x317: {  	v13 =	vadd.f32 v61, v13;
	v6 =	vadd.f32 v6, v8;
	v8 =	vld [tilespmem:s1+$0x11E00]  }
0x318: {  	v14 =	vadd.f32 v62, v14;
	v7 =	vadd.f32 v7, v9;
	v9 =	vld [tilespmem:s1+$0x12400]  }
0x319: {  	v12 =	vadd.f32 v63, v13;
	v4 =	vadd.f32 v4, v6;
	v6 =	vld [tilespmem:s1+$0x12600]  }
0x31a: {  	v10 =	vadd.f32 v10, v14;
	v5 =	vadd.f32 v5, v7  }
0x31b: {  	v2 =	vadd.f32 v2, v4;
	v7 =	vadd.f32 v11, v12  }
0x31c: {  	v4 =	vadd.f32 v8, v10;
	v3 =	vadd.f32 v3, v5  }
0x31d: {  	v0 =	vadd.f32 v0, v2;
	v5 =	vadd.f32 v9, v7  }
0x31e: {  	s1 =	simm.s32 $0x19000;
	v2 =	vadd.f32 v6, v4;
	v1 =	vadd.f32 v1, v3  }
0x31f: {  	v3 =	vld [tilespmem:s1+$0x0]  }
0x320: {  	v0 =	vadd.f32 v1, v0;
	v1 =	vadd.f32 v2, v5;
	_ =	sdelay $0x1  }
0x321: {  	v0 =	vadd.f32 v0, v1;
	_ =	sdelay $0x1  }
0x322: {  	v0 =	vadd.f32 v0, v3  }
0x323: {  	s7 =	simm.s32 $0x10  }
0x324: {  	s5 =	sand.u32 $0x1F0, s7;
	[tilespmem:s1+$0x0] =	vst v0  }
0x325: {  	v1 =	vld [tilespmem:s5+$0x12800]  }
0x326: {  	v0 =	vld [tilespmem:s5+$0x12A00]  }
0x327: {  	v3 =	vld [tilespmem:s5+$0x12000]  }
0x328: {  	v2 =	vld [tilespmem:s5+$0x12200]  }
0x329: {  	v5 =	vld [tilespmem:s5+$0x11800]  }
0x32a: {  	v4 =	vld [tilespmem:s5+$0x11A00]  }
0x32b: {  	v7 =	vld [tilespmem:s5+$0x11000]  }
0x32c: {  	v6 =	vld [tilespmem:s5+$0x11200]  }
0x32d: {  	v9 =	vld [tilespmem:s5+$0x10800]  }
0x32e: {  	v8 =	vld [tilespmem:s5+$0x10A00]  }
0x32f: {  	v11 =	vld [tilespmem:s5+$0x10000]  }
0x330: {  	s6 =	simm.s32 $0x20;
	v10 =	vld [tilespmem:s5+$0x10200]  }
.LBB2_4:
0x331: {  	p0 =	sne.s32 s6, $0x1F0;
	v12 =	vld [tilespmem:s5+$0xFA00]  }
0x332: {  	v13 =	vld [tilespmem:s5+$0xFC00]  }
0x333: {  	v14 =	vld [tilespmem:s5+$0xFE00]  }
0x334: {  	v15 =	vld [tilespmem:s5+$0x10400]  }
0x335: {  	v16 =	vld [tilespmem:s5+$0x10600]  }
0x336: {  	v12 =	vadd.f32 $0.0e+00, v12;
	v17 =	vld [tilespmem:s5+$0x10C00]  }
0x337: {  	v11 =	vadd.f32 $0.0e+00, v11;
	v13 =	vadd.f32 $0.0e+00, v13;
	v18 =	vld [tilespmem:s5+$0x10E00]  }
0x338: {  	v14 =	vadd.f32 $0.0e+00, v14;
	v10 =	vadd.f32 v10, v12;
	v12 =	vld [tilespmem:s5+$0x11400]  }
0x339: {  	v9 =	vadd.f32 v9, v11;
	v13 =	vadd.f32 v15, v13;
	v11 =	vld [tilespmem:s5+$0x11600]  }
0x33a: {  	v14 =	vadd.f32 v16, v14;
	v8 =	vadd.f32 v8, v10;
	v10 =	vld [tilespmem:s5+$0x11C00]  }
0x33b: {  	v7 =	vadd.f32 v7, v9;
	v13 =	vadd.f32 v17, v13;
	v9 =	vld [tilespmem:s5+$0x11E00]  }
0x33c: {  	v14 =	vadd.f32 v18, v14;
	v6 =	vadd.f32 v6, v8;
	v8 =	vld [tilespmem:s5+$0x12400]  }
0x33d: {  	v5 =	vadd.f32 v5, v7;
	v12 =	vadd.f32 v12, v13;
	v7 =	vld [tilespmem:s5+$0x12600]  }
0x33e: {  	v11 =	vadd.f32 v11, v14;
	v4 =	vadd.f32 v4, v6  }
0x33f: {  	v3 =	vadd.f32 v3, v5;
	v6 =	vadd.f32 v10, v12  }
0x340: {  	v5 =	vadd.f32 v9, v11;
	v2 =	vadd.f32 v2, v4  }
0x341: {  	v1 =	vadd.f32 v1, v3;
	v4 =	vadd.f32 v8, v6  }
0x342: {  	s1 =	sadd.s32 $0x10, s1;
	v3 =	vadd.f32 v7, v5;
	v0 =	vadd.f32 v0, v2  }
0x343: {  	v2 =	vld [tilespmem:s1+$0x0]  }
0x344: {  	v0 =	vadd.f32 v0, v1;
	v1 =	vadd.f32 v3, v4;
	_ =	sdelay $0x1  }
0x345: {  	v0 =	vadd.f32 v0, v1;
	_ =	sdelay $0x1  }
0x346: {  	v0 =	vadd.f32 v0, v2;
	_ =	sdelay $0x1  }
0x347: {  	s5 =	sand.u32 $0x1F0, s6;
	[tilespmem:s1+$0x0] =	vst v0  }
0x348: {  	v1 =	vld [tilespmem:s5+$0x12800]  }
0x349: {  	v0 =	vld [tilespmem:s5+$0x12A00]  }
0x34a: {  	v3 =	vld [tilespmem:s5+$0x12000]  }
0x34b: {  	v2 =	vld [tilespmem:s5+$0x12200]  }
0x34c: {  	v5 =	vld [tilespmem:s5+$0x11800]  }
0x34d: {  	v4 =	vld [tilespmem:s5+$0x11A00]  }
0x34e: {  	v7 =	vld [tilespmem:s5+$0x11000]  }
.Ltmp1:
0x34f: {  	v6 =	vld [tilespmem:s5+$0x11200];
	(pc) =	sbr.rel @p0 .LBB2_4-.Ltmp1, $4  }
0x350: {  	v9 =	vld [tilespmem:s5+$0x10800]  }
0x351: {  	v8 =	vld [tilespmem:s5+$0x10A00]  }
0x352: {  	v11 =	vld [tilespmem:s5+$0x10000]  }
0x353: {  	s6 =	sadd.s32 $0x10, s6;
	v10 =	vld [tilespmem:s5+$0x10200]  }
0x354: {  	v12 =	vld [tilespmem:s5+$0xFA00]  }
0x355: {  	v13 =	vld [tilespmem:s5+$0xFC00]  }
0x356: {  	v14 =	vld [tilespmem:s5+$0xFE00]  }
0x357: {  	v15 =	vld [tilespmem:s5+$0x10400]  }
0x358: {  	v16 =	vld [tilespmem:s5+$0x10600]  }
0x359: {  	v17 =	vld [tilespmem:s5+$0x10C00]  }
0x35a: {  	v18 =	vld [tilespmem:s5+$0x10E00];
	v11 =	vadd.f32 $0.0e+00, v11;
	v12 =	vadd.f32 $0.0e+00, v12  }
0x35b: {  	v13 =	vadd.f32 $0.0e+00, v13;
	v14 =	vadd.f32 $0.0e+00, v14  }
0x35c: {  	v9 =	vadd.f32 v9, v11;
	v11 =	vld [tilespmem:s5+$0x11600];
	v10 =	vadd.f32 v10, v12  }
0x35d: {  	v53 =	vld [tilespmem:s5+$0x11400];
	v13 =	vadd.f32 v15, v13;
	v14 =	vadd.f32 v16, v14  }
0x35e: {  	v7 =	vadd.f32 v7, v9;
	v9 =	vld [tilespmem:s5+$0x11E00];
	v8 =	vadd.f32 v8, v10  }
0x35f: {  	v10 =	vld [tilespmem:s5+$0x11C00];
	v13 =	vadd.f32 v17, v13;
	v14 =	vadd.f32 v18, v14  }
0x360: {  	v5 =	vadd.f32 v5, v7;
	v7 =	vld [tilespmem:s5+$0x12600];
	v6 =	vadd.f32 v6, v8  }
0x361: {  	v8 =	vld [tilespmem:s5+$0x12400];
	v11 =	vadd.f32 v11, v14  }
0x362: {  	v12 =	vadd.f32 v53, v13;
	v4 =	vadd.f32 v4, v6  }
0x363: {  	v3 =	vadd.f32 v3, v5;
	v5 =	vadd.f32 v9, v11  }
0x364: {  	v6 =	vadd.f32 v10, v12;
	v2 =	vadd.f32 v2, v4  }
0x365: {  	v1 =	vadd.f32 v1, v3;
	v3 =	vadd.f32 v7, v5  }
0x366: {  	s1 =	sadd.s32 $0x10, s1;
	v4 =	vadd.f32 v8, v6;
	v0 =	vadd.f32 v0, v2  }
0x367: {  	v2 =	vld [tilespmem:s1+$0x0]  }
0x368: {  	v0 =	vadd.f32 v0, v1;
	v1 =	vadd.f32 v3, v4;
	_ =	sdelay $0x1  }
0x369: {  	v0 =	vadd.f32 v0, v1;
	_ =	sdelay $0x1  }
0x36a: {  	v0 =	vadd.f32 v0, v2;
	_ =	sdelay $0x1  }
0x36b: {  	[tilespmem:s1+$0x0] =	vst v0  }
0x36c: {  	_ =	swait.ge [sflag:s29], $0x3200  }
0x36d: {  	s6 =	simm.s32 $0x0;
	[sflag:s29] =	ssyncset.done $0x0  }
0x36e: {  	s1 =	sand.u32 $0x1F0, s6;
	[sflag:s29] =	ssyncadd.s32 $0xFFFFCE00  }
0x36f: {  	v0 =	vld [tilespmem:s1+$0x15800]  }
0x370: {  	v1 =	vld [tilespmem:s1+$0x15A00]  }
0x371: {  	v2 =	vld [tilespmem:s1+$0x15000]  }
0x372: {  	v3 =	vld [tilespmem:s1+$0x15200]  }
0x373: {  	v4 =	vld [tilespmem:s1+$0x14800]  }
0x374: {  	v5 =	vld [tilespmem:s1+$0x14A00]  }
0x375: {  	v6 =	vld [tilespmem:s1+$0x14000]  }
0x376: {  	v7 =	vld [tilespmem:s1+$0x14200]  }
0x377: {  	v8 =	vld [tilespmem:s1+$0x13800]  }
0x378: {  	v9 =	vld [tilespmem:s1+$0x13A00]  }
0x379: {  	v10 =	vld [tilespmem:s1+$0x13000]  }
0x37a: {  	v11 =	vld [tilespmem:s1+$0x13200]  }
0x37b: {  	v54 =	vld [tilespmem:s1+$0x12C00]  }
0x37c: {  	v55 =	vld [tilespmem:s1+$0x12E00]  }
0x37d: {  	v56 =	vld [tilespmem:s1+$0x13400]  }
0x37e: {  	v57 =	vld [tilespmem:s1+$0x13600]  }
0x37f: {  	v58 =	vld [tilespmem:s1+$0x13C00]  }
0x380: {  	v59 =	vld [tilespmem:s1+$0x13E00];
	v12 =	vadd.f32 $0.0e+00, v54  }
0x381: {  	v60 =	vld [tilespmem:s1+$0x14400];
	v10 =	vadd.f32 $0.0e+00, v10;
	v11 =	vadd.f32 $0.0e+00, v11  }
0x382: {  	v61 =	vld [tilespmem:s1+$0x14600];
	v13 =	vadd.f32 $0.0e+00, v55;
	v12 =	vadd.f32 v56, v12  }
0x383: {  	v8 =	vadd.f32 v8, v10;
	v9 =	vadd.f32 v9, v11;
	v10 =	vld [tilespmem:s1+$0x14C00]  }
0x384: {  	v62 =	vld [tilespmem:s1+$0x14E00];
	v11 =	vadd.f32 v57, v13;
	v12 =	vadd.f32 v58, v12  }
0x385: {  	v6 =	vadd.f32 v6, v8;
	v7 =	vadd.f32 v7, v9;
	v8 =	vld [tilespmem:s1+$0x15400]  }
0x386: {  	v63 =	vld [tilespmem:s1+$0x15600];
	v9 =	vadd.f32 v59, v11;
	v11 =	vadd.f32 v60, v12  }
0x387: {  	v4 =	vadd.f32 v4, v6;
	v5 =	vadd.f32 v5, v7;
	v6 =	vld [tilespmem:s1+$0x15C00]  }
0x388: {  	v7 =	vadd.f32 v61, v9;
	v9 =	vadd.f32 v10, v11  }
0x389: {  	v2 =	vadd.f32 v2, v4;
	v3 =	vadd.f32 v3, v5  }
0x38a: {  	v4 =	vadd.f32 v62, v7;
	v5 =	vadd.f32 v8, v9  }
0x38b: {  	v0 =	vadd.f32 v0, v2;
	v1 =	vadd.f32 v1, v3  }
0x38c: {  	s1 =	simm.s32 $0x19000;
	v2 =	vadd.f32 v63, v4;
	v3 =	vadd.f32 v6, v5  }
0x38d: {  	v4 =	vld [tilespmem:s1+$0x0]  }
0x38e: {  	v0 =	vadd.f32 v1, v0;
	v1 =	vadd.f32 v3, v2;
	_ =	sdelay $0x1  }
0x38f: {  	v0 =	vadd.f32 v1, v0;
	_ =	sdelay $0x1  }
0x390: {  	v0 =	vadd.f32 v0, v4  }
0x391: {  	s7 =	simm.s32 $0x10  }
0x392: {  	s5 =	sand.u32 $0x1F0, s7;
	[tilespmem:s1+$0x0] =	vst v0  }
0x393: {  	v0 =	vld [tilespmem:s5+$0x15800]  }
0x394: {  	v1 =	vld [tilespmem:s5+$0x15A00]  }
0x395: {  	v2 =	vld [tilespmem:s5+$0x15000]  }
0x396: {  	v3 =	vld [tilespmem:s5+$0x15200]  }
0x397: {  	v4 =	vld [tilespmem:s5+$0x14800]  }
0x398: {  	v5 =	vld [tilespmem:s5+$0x14A00]  }
0x399: {  	v6 =	vld [tilespmem:s5+$0x14000]  }
0x39a: {  	v7 =	vld [tilespmem:s5+$0x14200]  }
0x39b: {  	v8 =	vld [tilespmem:s5+$0x13800]  }
0x39c: {  	v9 =	vld [tilespmem:s5+$0x13A00]  }
0x39d: {  	v10 =	vld [tilespmem:s5+$0x13000]  }
0x39e: {  	s6 =	simm.s32 $0x20;
	v11 =	vld [tilespmem:s5+$0x13200]  }
.LBB2_6:
0x39f: {  	p0 =	sne.s32 s6, $0x1F0;
	v12 =	vld [tilespmem:s5+$0x12C00]  }
0x3a0: {  	v13 =	vld [tilespmem:s5+$0x12E00]  }
0x3a1: {  	v14 =	vld [tilespmem:s5+$0x13400]  }
0x3a2: {  	v15 =	vld [tilespmem:s5+$0x13600]  }
0x3a3: {  	v16 =	vld [tilespmem:s5+$0x13C00]  }
0x3a4: {  	v12 =	vadd.f32 $0.0e+00, v12;
	v17 =	vld [tilespmem:s5+$0x13E00]  }
0x3a5: {  	v10 =	vadd.f32 $0.0e+00, v10;
	v11 =	vadd.f32 $0.0e+00, v11;
	v18 =	vld [tilespmem:s5+$0x14400]  }
0x3a6: {  	v13 =	vadd.f32 $0.0e+00, v13;
	v12 =	vadd.f32 v14, v12;
	v14 =	vld [tilespmem:s5+$0x14600]  }
0x3a7: {  	v8 =	vadd.f32 v8, v10;
	v9 =	vadd.f32 v9, v11;
	v10 =	vld [tilespmem:s5+$0x14C00]  }
0x3a8: {  	v11 =	vadd.f32 v15, v13;
	v12 =	vadd.f32 v16, v12;
	v13 =	vld [tilespmem:s5+$0x14E00]  }
0x3a9: {  	v6 =	vadd.f32 v6, v8;
	v7 =	vadd.f32 v7, v9;
	v8 =	vld [tilespmem:s5+$0x15400]  }
0x3aa: {  	v9 =	vadd.f32 v17, v11;
	v11 =	vadd.f32 v18, v12;
	v12 =	vld [tilespmem:s5+$0x15600]  }
0x3ab: {  	v4 =	vadd.f32 v4, v6;
	v5 =	vadd.f32 v5, v7;
	v6 =	vld [tilespmem:s5+$0x15C00]  }
0x3ac: {  	v7 =	vadd.f32 v14, v9;
	v9 =	vadd.f32 v10, v11  }
0x3ad: {  	v2 =	vadd.f32 v2, v4;
	v3 =	vadd.f32 v3, v5  }
0x3ae: {  	v4 =	vadd.f32 v13, v7;
	v5 =	vadd.f32 v8, v9  }
0x3af: {  	v0 =	vadd.f32 v0, v2;
	v1 =	vadd.f32 v1, v3  }
0x3b0: {  	s1 =	sadd.s32 $0x10, s1;
	v2 =	vadd.f32 v12, v4;
	v3 =	vadd.f32 v6, v5  }
0x3b1: {  	v4 =	vld [tilespmem:s1+$0x0]  }
0x3b2: {  	v0 =	vadd.f32 v1, v0;
	v1 =	vadd.f32 v3, v2;
	_ =	sdelay $0x1  }
0x3b3: {  	v0 =	vadd.f32 v1, v0;
	_ =	sdelay $0x1  }
0x3b4: {  	v0 =	vadd.f32 v0, v4;
	_ =	sdelay $0x1  }
0x3b5: {  	s5 =	sand.u32 $0x1F0, s6;
	[tilespmem:s1+$0x0] =	vst v0  }
0x3b6: {  	v0 =	vld [tilespmem:s5+$0x15800]  }
0x3b7: {  	v1 =	vld [tilespmem:s5+$0x15A00]  }
0x3b8: {  	v2 =	vld [tilespmem:s5+$0x15000]  }
0x3b9: {  	v3 =	vld [tilespmem:s5+$0x15200]  }
0x3ba: {  	v4 =	vld [tilespmem:s5+$0x14800]  }
0x3bb: {  	v5 =	vld [tilespmem:s5+$0x14A00]  }
0x3bc: {  	v6 =	vld [tilespmem:s5+$0x14000]  }
.Ltmp2:
0x3bd: {  	v7 =	vld [tilespmem:s5+$0x14200];
	(pc) =	sbr.rel @p0 .LBB2_6-.Ltmp2, $4  }
0x3be: {  	v8 =	vld [tilespmem:s5+$0x13800]  }
0x3bf: {  	v9 =	vld [tilespmem:s5+$0x13A00]  }
0x3c0: {  	v10 =	vld [tilespmem:s5+$0x13000]  }
0x3c1: {  	s6 =	sadd.s32 $0x10, s6;
	v11 =	vld [tilespmem:s5+$0x13200]  }
0x3c2: {  	v12 =	vld [tilespmem:s5+$0x12C00]  }
0x3c3: {  	v13 =	vld [tilespmem:s5+$0x12E00]  }
0x3c4: {  	v14 =	vld [tilespmem:s5+$0x13400]  }
0x3c5: {  	v15 =	vld [tilespmem:s5+$0x13600]  }
0x3c6: {  	v16 =	vld [tilespmem:s5+$0x13C00]  }
0x3c7: {  	v17 =	vld [tilespmem:s5+$0x13E00];
	v12 =	vadd.f32 $0.0e+00, v12  }
0x3c8: {  	v18 =	vld [tilespmem:s5+$0x14400];
	v10 =	vadd.f32 $0.0e+00, v10;
	v11 =	vadd.f32 $0.0e+00, v11  }
0x3c9: {  	v51 =	vld [tilespmem:s5+$0x14600];
	v13 =	vadd.f32 $0.0e+00, v13;
	v12 =	vadd.f32 v14, v12  }
0x3ca: {  	v8 =	vadd.f32 v8, v10;
	v10 =	vld [tilespmem:s5+$0x14C00];
	v9 =	vadd.f32 v9, v11  }
0x3cb: {  	v52 =	vld [tilespmem:s5+$0x14E00];
	v11 =	vadd.f32 v15, v13;
	v12 =	vadd.f32 v16, v12  }
0x3cc: {  	v6 =	vadd.f32 v6, v8;
	v8 =	vld [tilespmem:s5+$0x15400];
	v7 =	vadd.f32 v7, v9  }
0x3cd: {  	v53 =	vld [tilespmem:s5+$0x15600];
	v9 =	vadd.f32 v17, v11;
	v11 =	vadd.f32 v18, v12  }
0x3ce: {  	v4 =	vadd.f32 v4, v6;
	v6 =	vld [tilespmem:s5+$0x15C00];
	v5 =	vadd.f32 v5, v7  }
0x3cf: {  	v7 =	vadd.f32 v51, v9;
	v9 =	vadd.f32 v10, v11  }
0x3d0: {  	v2 =	vadd.f32 v2, v4;
	v3 =	vadd.f32 v3, v5  }
0x3d1: {  	v4 =	vadd.f32 v52, v7;
	v5 =	vadd.f32 v8, v9  }
0x3d2: {  	v0 =	vadd.f32 v0, v2;
	v1 =	vadd.f32 v1, v3  }
0x3d3: {  	s1 =	sadd.s32 $0x10, s1;
	v2 =	vadd.f32 v53, v4;
	v3 =	vadd.f32 v6, v5  }
0x3d4: {  	v4 =	vld [tilespmem:s1+$0x0]  }
0x3d5: {  	v0 =	vadd.f32 v1, v0;
	v1 =	vadd.f32 v3, v2;
	_ =	sdelay $0x1  }
0x3d6: {  	v0 =	vadd.f32 v1, v0;
	_ =	sdelay $0x1  }
0x3d7: {  	v0 =	vadd.f32 v0, v4;
	_ =	sdelay $0x1  }
0x3d8: {  	[tilespmem:s1+$0x0] =	vst v0  }
0x3d9: {  	_ =	swait.ge [sflag:s29], $0x3200  }
0x3da: {  	s6 =	simm.s32 $0x0;
	[sflag:s29] =	ssyncset.done $0x0  }
0x3db: {  	s1 =	sand.u32 $0x1F0, s6;
	[sflag:s29] =	ssyncadd.s32 $0xFFFFCE00  }
0x3dc: {  	v0 =	vld [tilespmem:s1+$0x18800]  }
0x3dd: {  	v1 =	vld [tilespmem:s1+$0x18A00]  }
0x3de: {  	v2 =	vld [tilespmem:s1+$0x18000]  }
0x3df: {  	v3 =	vld [tilespmem:s1+$0x18200]  }
0x3e0: {  	v4 =	vld [tilespmem:s1+$0x17800]  }
0x3e1: {  	v5 =	vld [tilespmem:s1+$0x17A00]  }
0x3e2: {  	v6 =	vld [tilespmem:s1+$0x17000]  }
0x3e3: {  	v7 =	vld [tilespmem:s1+$0x17200]  }
0x3e4: {  	v8 =	vld [tilespmem:s1+$0x16800]  }
0x3e5: {  	v9 =	vld [tilespmem:s1+$0x16A00]  }
0x3e6: {  	v10 =	vld [tilespmem:s1+$0x16000]  }
0x3e7: {  	v11 =	vld [tilespmem:s1+$0x16200]  }
0x3e8: {  	v54 =	vld [tilespmem:s1+$0x15E00]  }
0x3e9: {  	v55 =	vld [tilespmem:s1+$0x16400]  }
0x3ea: {  	v56 =	vld [tilespmem:s1+$0x16600]  }
0x3eb: {  	v57 =	vld [tilespmem:s1+$0x16C00]  }
0x3ec: {  	v58 =	vld [tilespmem:s1+$0x16E00]  }
0x3ed: {  	v59 =	vld [tilespmem:s1+$0x17400];
	v12 =	vadd.f32 $0.0e+00, v54  }
0x3ee: {  	v60 =	vld [tilespmem:s1+$0x17600];
	v10 =	vadd.f32 $0.0e+00, v10;
	v11 =	vadd.f32 $0.0e+00, v11  }
0x3ef: {  	v61 =	vld [tilespmem:s1+$0x17C00];
	v13 =	vadd.f32 $0.0e+00, v55;
	v12 =	vadd.f32 v56, v12  }
0x3f0: {  	v8 =	vadd.f32 v8, v10;
	v9 =	vadd.f32 v9, v11;
	v10 =	vld [tilespmem:s1+$0x17E00]  }
0x3f1: {  	v62 =	vld [tilespmem:s1+$0x18400];
	v11 =	vadd.f32 v57, v13;
	v12 =	vadd.f32 v58, v12  }
0x3f2: {  	v6 =	vadd.f32 v6, v8;
	v7 =	vadd.f32 v7, v9;
	v8 =	vld [tilespmem:s1+$0x18600]  }
0x3f3: {  	v63 =	vld [tilespmem:s1+$0x18C00];
	v9 =	vadd.f32 v59, v11;
	v11 =	vadd.f32 v60, v12  }
0x3f4: {  	v4 =	vadd.f32 v4, v6;
	v5 =	vadd.f32 v5, v7;
	v6 =	vld [tilespmem:s1+$0x18E00]  }
0x3f5: {  	v7 =	vadd.f32 v61, v9;
	v9 =	vadd.f32 v10, v11  }
0x3f6: {  	v2 =	vadd.f32 v2, v4;
	v3 =	vadd.f32 v3, v5  }
0x3f7: {  	v4 =	vadd.f32 v62, v7;
	v5 =	vadd.f32 v8, v9  }
0x3f8: {  	v0 =	vadd.f32 v0, v2;
	v1 =	vadd.f32 v1, v3  }
0x3f9: {  	s1 =	simm.s32 $0x19000;
	v2 =	vadd.f32 v63, v4;
	v3 =	vadd.f32 v6, v5  }
0x3fa: {  	v4 =	vld [tilespmem:s1+$0x0]  }
0x3fb: {  	v0 =	vadd.f32 v1, v0;
	v1 =	vadd.f32 v3, v2;
	_ =	sdelay $0x1  }
0x3fc: {  	v0 =	vadd.f32 v1, v0;
	_ =	sdelay $0x1  }
0x3fd: {  	v0 =	vadd.f32 v0, v4  }
0x3fe: {  	s7 =	simm.s32 $0x10  }
0x3ff: {  	s5 =	sand.u32 $0x1F0, s7;
	[tilespmem:s1+$0x0] =	vst v0  }
0x400: {  	v0 =	vld [tilespmem:s5+$0x18800]  }
0x401: {  	v1 =	vld [tilespmem:s5+$0x18A00]  }
0x402: {  	v2 =	vld [tilespmem:s5+$0x18000]  }
0x403: {  	v3 =	vld [tilespmem:s5+$0x18200]  }
0x404: {  	v4 =	vld [tilespmem:s5+$0x17800]  }
0x405: {  	v5 =	vld [tilespmem:s5+$0x17A00]  }
0x406: {  	v6 =	vld [tilespmem:s5+$0x17000]  }
0x407: {  	v7 =	vld [tilespmem:s5+$0x17200]  }
0x408: {  	v8 =	vld [tilespmem:s5+$0x16800]  }
0x409: {  	v9 =	vld [tilespmem:s5+$0x16A00]  }
0x40a: {  	v10 =	vld [tilespmem:s5+$0x16000]  }
0x40b: {  	s6 =	simm.s32 $0x20;
	v11 =	vld [tilespmem:s5+$0x16200]  }
.LBB2_8:
0x40c: {  	p0 =	sne.s32 s6, $0x1F0;
	v12 =	vld [tilespmem:s5+$0x15E00]  }
0x40d: {  	v13 =	vld [tilespmem:s5+$0x16400]  }
0x40e: {  	v14 =	vld [tilespmem:s5+$0x16600]  }
0x40f: {  	v15 =	vld [tilespmem:s5+$0x16C00]  }
0x410: {  	v16 =	vld [tilespmem:s5+$0x16E00]  }
0x411: {  	v12 =	vadd.f32 $0.0e+00, v12;
	v17 =	vld [tilespmem:s5+$0x17400]  }
0x412: {  	v10 =	vadd.f32 $0.0e+00, v10;
	v11 =	vadd.f32 $0.0e+00, v11;
	v18 =	vld [tilespmem:s5+$0x17600]  }
0x413: {  	v13 =	vadd.f32 $0.0e+00, v13;
	v12 =	vadd.f32 v14, v12;
	v14 =	vld [tilespmem:s5+$0x17C00]  }
0x414: {  	v8 =	vadd.f32 v8, v10;
	v9 =	vadd.f32 v9, v11;
	v10 =	vld [tilespmem:s5+$0x17E00]  }
0x415: {  	v11 =	vadd.f32 v15, v13;
	v12 =	vadd.f32 v16, v12;
	v13 =	vld [tilespmem:s5+$0x18400]  }
0x416: {  	v6 =	vadd.f32 v6, v8;
	v7 =	vadd.f32 v7, v9;
	v8 =	vld [tilespmem:s5+$0x18600]  }
0x417: {  	v9 =	vadd.f32 v17, v11;
	v11 =	vadd.f32 v18, v12;
	v12 =	vld [tilespmem:s5+$0x18C00]  }
0x418: {  	v4 =	vadd.f32 v4, v6;
	v5 =	vadd.f32 v5, v7;
	v6 =	vld [tilespmem:s5+$0x18E00]  }
0x419: {  	v7 =	vadd.f32 v14, v9;
	v9 =	vadd.f32 v10, v11  }
0x41a: {  	v2 =	vadd.f32 v2, v4;
	v3 =	vadd.f32 v3, v5  }
0x41b: {  	v4 =	vadd.f32 v13, v7;
	v5 =	vadd.f32 v8, v9  }
0x41c: {  	v0 =	vadd.f32 v0, v2;
	v1 =	vadd.f32 v1, v3  }
0x41d: {  	s1 =	sadd.s32 $0x10, s1;
	v2 =	vadd.f32 v12, v4;
	v3 =	vadd.f32 v6, v5  }
0x41e: {  	v4 =	vld [tilespmem:s1+$0x0]  }
0x41f: {  	v0 =	vadd.f32 v1, v0;
	v1 =	vadd.f32 v3, v2;
	_ =	sdelay $0x1  }
0x420: {  	v0 =	vadd.f32 v1, v0;
	_ =	sdelay $0x1  }
0x421: {  	v0 =	vadd.f32 v0, v4;
	_ =	sdelay $0x1  }
0x422: {  	s5 =	sand.u32 $0x1F0, s6;
	[tilespmem:s1+$0x0] =	vst v0  }
0x423: {  	v0 =	vld [tilespmem:s5+$0x18800]  }
0x424: {  	v1 =	vld [tilespmem:s5+$0x18A00]  }
0x425: {  	v2 =	vld [tilespmem:s5+$0x18000]  }
0x426: {  	v3 =	vld [tilespmem:s5+$0x18200]  }
0x427: {  	v4 =	vld [tilespmem:s5+$0x17800]  }
0x428: {  	v5 =	vld [tilespmem:s5+$0x17A00]  }
0x429: {  	v6 =	vld [tilespmem:s5+$0x17000]  }
.Ltmp3:
0x42a: {  	v7 =	vld [tilespmem:s5+$0x17200];
	(pc) =	sbr.rel @p0 .LBB2_8-.Ltmp3, $4  }
0x42b: {  	v8 =	vld [tilespmem:s5+$0x16800]  }
0x42c: {  	v9 =	vld [tilespmem:s5+$0x16A00]  }
0x42d: {  	v10 =	vld [tilespmem:s5+$0x16000]  }
0x42e: {  	s6 =	sadd.s32 $0x10, s6;
	v11 =	vld [tilespmem:s5+$0x16200]  }
0x42f: {  	v12 =	vld [tilespmem:s5+$0x15E00]  }
0x430: {  	v13 =	vld [tilespmem:s5+$0x16400]  }
0x431: {  	v14 =	vld [tilespmem:s5+$0x16600]  }
0x432: {  	v15 =	vld [tilespmem:s5+$0x16C00]  }
0x433: {  	v16 =	vld [tilespmem:s5+$0x16E00]  }
0x434: {  	v17 =	vld [tilespmem:s5+$0x17400];
	v12 =	vadd.f32 $0.0e+00, v12  }
0x435: {  	v18 =	vld [tilespmem:s5+$0x17600];
	v10 =	vadd.f32 $0.0e+00, v10;
	v11 =	vadd.f32 $0.0e+00, v11  }
0x436: {  	v47 =	vld [tilespmem:s5+$0x17C00];
	v13 =	vadd.f32 $0.0e+00, v13;
	v12 =	vadd.f32 v14, v12  }
0x437: {  	v48 =	vld [tilespmem:s5+$0x17E00];
	v8 =	vadd.f32 v8, v10;
	v9 =	vadd.f32 v9, v11  }
0x438: {  	v50 =	vld [tilespmem:s5+$0x18400];
	v49 =	vadd.f32 v15, v13;
	v12 =	vadd.f32 v16, v12  }
0x439: {  	v51 =	vld [tilespmem:s5+$0x18600];
	v6 =	vadd.f32 v6, v8;
	v7 =	vadd.f32 v7, v9  }
0x43a: {  	v54 =	vld [tilespmem:s5+$0x18C00];
	v52 =	vadd.f32 v17, v49;
	v53 =	vadd.f32 v18, v12  }
0x43b: {  	v55 =	vld [tilespmem:s5+$0x18E00];
	v4 =	vadd.f32 v4, v6;
	v5 =	vadd.f32 v5, v7  }
0x43c: {  	v56 =	vadd.f32 v47, v52;
	v57 =	vadd.f32 v48, v53  }
0x43d: {  	v2 =	vadd.f32 v2, v4;
	v3 =	vadd.f32 v3, v5  }
0x43e: {  	v58 =	vadd.f32 v50, v56;
	v59 =	vadd.f32 v51, v57  }
0x43f: {  	v0 =	vadd.f32 v0, v2;
	v1 =	vadd.f32 v1, v3  }
0x440: {  	s1 =	sadd.s32 $0x10, s1;
	v60 =	vadd.f32 v54, v58;
	v61 =	vadd.f32 v55, v59  }
0x441: {  	v62 =	vld [tilespmem:s1+$0x0]  }
0x442: {  	v0 =	vadd.f32 v1, v0;
	v63 =	vadd.f32 v61, v60;
	_ =	sdelay $0x1  }
0x443: {  	v0 =	vadd.f32 v63, v0;
	_ =	sdelay $0x1  }
0x444: {  	v0 =	vadd.f32 v0, v62;
	_ =	sdelay $0x1  }
0x445: {  	s6 =	rddreg [dreg:$0x16];
	[tilespmem:s1+$0x0] =	vst v0  }
0x446: {  	[hbm4b:s6+s2] =	stream.linear.scatter [tilespmem:s30], [sflag:$0x3], $0x200, $0x38;
	[tilespmem:$0x19200] =	vst v63  }
0x447: {  	_ =	swait.ge [sflag:s31], $0x200  }
0x448: {  	s0 =	sadd.s32 $0x1, s0;
	s7 =	rddreg [dreg:$0x18]  }
0x449: {  	p0 =	sne.s32 s0, s7  }
.Ltmp4:
0x44a: {  	_ = 	snop;
	(pc) =	sbr.rel @p0 .LBB2_1-.Ltmp4, $3  }
0x44b: {  	_ =	sdelay $0x1  }
0x44c: {  	[sflag:s31] =	ssyncset.done $0x0  }
0x44d: {  	[sflag:s31] =	ssyncadd.s32 $0xFFFFFE00  }
0x44e: {  	_ =	sfence.sel $0x180000  }
0x44f: {  	[bflag:$0x0] =	sbarrier.arrive $0xFFFF  }
0x450: {  	_ =	strace $0x90000047  }
0x451: {  	s0 =	stileid.u32;
	[bflag:$0x2] =	sbarrier.arrive $0xFFFF  }
0x452: {  	p0 =	sne.s32 s0, $0x0;
	s0 =	rddreg [dreg:$0x3]  }
0x453: {  	s0 =	sadd.s32 @!p0 $0x100000, s0  }
0x454: {  	[sflag:s0] =	ssyncadd.tile.s32 @!p0 $0x1;
	_ =	shalt  }
.Lfunc_end2:
_tile_overlayer_lowered:
.L_overlay_start_2:
0x455: {  	(tag) =	ssettag $0x2  }
0x456: {  	s0 =	rddreg [dreg:$0x0];
	s2 =	stileid.u32  }
0x457: {  	s1 =	rddreg [dreg:$0x1];
	p0 =	sne.s32 s2, $0x0  }
0x458: {  	s3 =	rddreg [dreg:$0x2];
	[bflag:$0x3] =	sbarrier.arrive $0xFFFF;
	s2 =	simm.s32 @!p0 $0x1C03  }
0x459: {  	[timem:s3], [sflag:s2] =	dma.local @!p0 [hbm:s0], s1  }
0x45a: {  	s0 =	simm.s32 @!p0 $0x3  }
0x45b: {  	_ =	swait.ge @!p0 [sflag:s0], s1  }
0x45c: {  	s1 =	ssub.s32 @!p0 $0x0, s1;
	[sflag:s0] =	ssyncset.done @!p0 $0x0  }
0x45d: {  	[sflag:s0] =	ssyncadd.s32 @!p0 s1  }
0x45e: {  	[bflag:$0x3] =	sbarrier.arrive $0xFFFF  }
0x45f: {  	_ =	shalt  }

</sc_bundles>
